<compile_context>
chip_gen: v7x
topology: tpu7x:2x2x1
jax: 0.10.2.dev20260603
libtpu: 0.0.44.dev20260713+nightly
codegen_flags: <defaults>
</compile_context>

<pallas_src>
import functools

import jax
import jax.numpy as jnp
import numpy as np
from jax import lax
from jax.experimental import pallas as pl
from jax.experimental.pallas import tpu as pltpu
from jax.experimental.pallas import tpu_sc as plsc

POOL = 7
NPTS = POOL * POOL
NPAD = 56
C = 256
LEVEL_W = (128, 64, 32, 16)
LEVEL_STRIDE = (136, 72, 40, 16)
LEVEL_OFF = (0, 17408, 22016, 23296)
TABLE_ROWS = 23552


def _mm_bias(x, wT, b, BN):
    N, K = x.shape

    def body(x_ref, w_ref, b_ref, o_ref):
        o_ref[...] = (jnp.dot(x_ref[...], w_ref[...],
                              preferred_element_type=jnp.float32)
                      + b_ref[...])

    return pl.pallas_call(
        body,
        grid=(N // BN,),
        in_specs=[pl.BlockSpec((BN, K), lambda i: (i, 0)),
                  pl.BlockSpec((K, C), lambda i: (0, 0)),
                  pl.BlockSpec((1, C), lambda i: (0, 0))],
        out_specs=pl.BlockSpec((BN, C), lambda i: (i, 0)),
        out_shape=jax.ShapeDtypeStruct((N, C), jnp.float32),
    )(x, wT, b.reshape(1, C))


def _build_tpad(P, L, h, Sp):
    w = h
    H, W = 2 * h, 2 * w
    S = W + 8
    P = P.reshape(h, Sp, C)

    def body(p_ref, l_ref, o_ref):
        t = pl.program_id(0)
        y = t - 1
        k = lax.div(y, 2)
        km = jnp.clip(k - 1, 0, h - 1)
        k0 = jnp.clip(k, 0, h - 1)
        kp = jnp.clip(k + 1, 0, h - 1)

        def prow(i):
            return p_ref[i, pl.ds(0, w), :]

        even = (y % 2) == 0
        u = jnp.where(even, 0.25 * prow(km) + 0.75 * prow(k0),
                      0.75 * prow(k0) + 0.25 * prow(kp))
        um = jnp.concatenate([u[:1], u[:-1]], 0)
        up = jnp.concatenate([u[1:], u[-1:]], 0)
        ue = 0.25 * um + 0.75 * u
        uo = 0.75 * u + 0.25 * up
        urow = jnp.stack([ue, uo], axis=1).reshape(W, C)
        ls = jnp.clip(y, 0, H - 1) * W
        trow = urow + l_ref[pl.ds(ls, W), :]
        row = jnp.concatenate([jnp.zeros((1, C), jnp.float32), trow,
                               jnp.zeros((7, C), jnp.float32)], 0)
        interior = jnp.logical_and(t >= 1, t <= H)
        o_ref[...] = jnp.where(interior, row, 0.0)[None]

    return pl.pallas_call(
        body,
        grid=(H + 3,),
        in_specs=[pl.BlockSpec(P.shape, lambda t: (0, 0, 0)),
                  pl.BlockSpec(L.shape, lambda t: (0, 0))],
        out_specs=pl.BlockSpec((1, S, C), lambda t: (t, 0, 0)),
        out_shape=jax.ShapeDtypeStruct(((H + 3), S, C), jnp.float32),
    )(P, L).reshape((H + 3) * S, C)


def _smooth_conv(tpad, Ws, b, H, S):
    N = H * S
    BN = N // 8
    wk = jnp.transpose(Ws, (2, 3, 1, 0)).reshape(9, C, C)

    def body(t_ref, w_ref, b_ref, o_ref):
        i0 = pl.program_id(0) * BN
        a = t_ref[pl.ds(i0, BN + 2 * S + 8), :]
        ashift = (a, a[1:], a[2:])
        acc = jnp.broadcast_to(b_ref[...], (BN, C))
        for k in range(9):
            dy, dx = k // 3, k % 3
            acc = acc + jnp.dot(ashift[dx][dy * S:dy * S + BN], w_ref[k],
                                preferred_element_type=jnp.float32)
        o_ref[...] = acc

    return pl.pallas_call(
        body,
        grid=(8,),
        in_specs=[pl.BlockSpec(tpad.shape, lambda i: (0, 0)),
                  pl.BlockSpec((9, C, C), lambda i: (0, 0, 0)),
                  pl.BlockSpec((1, C), lambda i: (0, 0))],
        out_specs=pl.BlockSpec((BN, C), lambda i: (i, 0)),
        out_shape=jax.ShapeDtypeStruct((N, C), jnp.float32),
    )(tpad, wk, b.reshape(1, C))


def _roi_meta(rois, im_info):
    R = rois.shape[0]
    h = rois[:, 4] - rois[:, 2] + 1.0
    w = rois[:, 3] - rois[:, 1] + 1.0
    lvl = jnp.floor(jnp.log(jnp.sqrt(h * w) / 224.0) / np.log(2.0) + 4.0)
    lvl = jnp.clip(lvl, 2.0, 5.0)
    li = lvl.astype(jnp.int32) - 2
    Wf = jnp.array(LEVEL_W, jnp.float32)[li]
    Wi = jnp.array(LEVEL_W, jnp.int32)[li]
    stride = jnp.array(LEVEL_STRIDE, jnp.int32)[li]
    off = jnp.array(LEVEL_OFF, jnp.int32)[li]
    scale = Wf / im_info[0, 0]
    x1 = rois[:, 1] * scale
    y1 = rois[:, 2] * scale
    x2 = rois[:, 3] * scale
    y2 = rois[:, 4] * scale
    bw = jnp.maximum(x2 - x1 + 1.0, 1.0) / POOL
    bh = jnp.maximum(y2 - y1 + 1.0, 1.0) / POOL
    jj = jnp.arange(POOL, dtype=jnp.float32) + 0.5
    xs = x1[:, None] + jj[None, :] * bw[:, None]
    ys = y1[:, None] + jj[None, :] * bh[:, None]
    x0f = jnp.floor(xs)
    y0f = jnp.floor(ys)
    lx = xs - x0f
    ly = ys - y0f
    wmax = Wi[:, None] - 1
    x0 = jnp.clip(x0f.astype(jnp.int32), 0, wmax)
    x1i = jnp.clip(x0 + 1, 0, wmax)
    y0 = jnp.clip(y0f.astype(jnp.int32), 0, wmax)
    y1i = jnp.clip(y0 + 1, 0, wmax)
    ry0 = off[:, None] + y0 * stride[:, None]
    ry1 = off[:, None] + y1i * stride[:, None]

    def mk(rowy, xcol):
        return (rowy[:, :, None] + xcol[:, None, :]).reshape(R, NPTS)

    def mw(a, b):
        return (a[:, :, None] * b[:, None, :]).reshape(R, NPTS)

    idx = jnp.stack([mk(ry0, x0), mk(ry0, x1i), mk(ry1, x0), mk(ry1, x1i)], 1)
    wts = jnp.stack([mw(1.0 - ly, 1.0 - lx), mw(1.0 - ly, lx),
                     mw(ly, 1.0 - lx), mw(ly, lx)], 1)
    pad_rows = jnp.broadcast_to(jnp.arange(R, dtype=jnp.int32)[:, None, None],
                                (R, 4, NPAD - NPTS))
    idx = jnp.concatenate([idx.astype(jnp.int32), pad_rows], axis=2)
    wts = jnp.pad(wts, ((0, 0), (0, 0), (0, NPAD - NPTS)))
    return idx, wts


def _sc_gather(table, idx):
    R = idx.shape[0]
    rpw = R // 32
    mesh = plsc.VectorSubcoreMesh(core_axis_name="c", subcore_axis_name="s")

    @functools.partial(
        pl.kernel, mesh=mesh,
        out_type=jax.ShapeDtypeStruct((R, 2, 2 * NPAD, C), jnp.float32),
        scratch_types=[
            pltpu.VMEM((rpw, 2, 2 * NPAD), jnp.int32),
            pltpu.VMEM((2, 2, 2 * NPAD, C), jnp.float32),
            pltpu.SemaphoreType.DMA,
            pltpu.SemaphoreType.DMA,
            pltpu.SemaphoreType.DMA,
            pltpu.SemaphoreType.DMA,
        ],
    )
    def k(table_hbm, idx_hbm, out_hbm, idx_v, rows_v, gsem0, gsem1, ssem0, ssem1):
        wid = lax.axis_index("s") * 2 + lax.axis_index("c")
        base = wid * rpw
        pltpu.sync_copy(idx_hbm.at[pl.ds(base, rpw)], idx_v)
        gsem = (gsem0, gsem1)
        ssem = (ssem0, ssem1)
        pend_g = [None, None]
        pend_s = [None, None]

        def fire(i):
            s = i % 2
            pend_g[s] = [
                pltpu.async_copy(table_hbm.at[idx_v.at[i, j]],
                                 rows_v.at[s, j], gsem[s])
                for j in range(2)
            ]

        fire(0)
        for i in range(rpw):
            s = i % 2
            if i + 1 < rpw:
                if pend_s[1 - s] is not None:
                    pend_s[1 - s].wait()
                fire(i + 1)
            for hh in pend_g[s]:
                hh.wait()
            pend_s[s] = pltpu.async_copy(rows_v.at[s], out_hbm.at[base + i],
                                         ssem[s])
        pend_s[0].wait()
        pend_s[1].wait()

    return k(table, idx)


def _combine_body(w_ref, g_ref, o_ref):
    acc = (g_ref[:, 0] * w_ref[:, 0] + g_ref[:, 1] * w_ref[:, 1]
           + g_ref[:, 2] * w_ref[:, 2] + g_ref[:, 3] * w_ref[:, 3])
    o_ref[...] = acc[:, :NPTS, :]


def _tc_combine(g, wts):
    R = g.shape[0]
    BR = 8
    return pl.pallas_call(
        _combine_body,
        grid=(R // BR,),
        in_specs=[pl.BlockSpec((BR, 4, NPAD, 1), lambda i: (i, 0, 0, 0)),
                  pl.BlockSpec((BR, 4, NPAD, C), lambda i: (i, 0, 0, 0))],
        out_specs=pl.BlockSpec((BR, NPTS, C), lambda i: (i, 0, 0)),
        out_shape=jax.ShapeDtypeStruct((R, NPTS, C), jnp.float32),
    )(wts[..., None], g)


def kernel(c2, c3, c4, c5, rois, im_info, Wt, bt, Wl1, bl1, Wl2, bl2, Wl3, bl3,
           Ws1, bs1, Ws2, bs2, Ws3, bs3):
    c5s = c5.reshape(2048, 256).T
    c4s = c4.reshape(1024, 1024).T
    c3s = c3.reshape(512, 4096).T
    c2s = c2.reshape(256, 16384).T

    P5 = _mm_bias(c5s, Wt.reshape(C, 2048).T, bt, 256)
    L4 = _mm_bias(c4s, Wl1.reshape(C, 1024).T, bl1, 1024)
    L3 = _mm_bias(c3s, Wl2.reshape(C, 512).T, bl2, 2048)
    L2 = _mm_bias(c2s, Wl3.reshape(C, C).T, bl3, 2048)

    T4 = _build_tpad(P5, L4, 16, 16)
    G4 = _smooth_conv(T4, Ws1, bs1, 32, 40)
    T3 = _build_tpad(G4, L3, 32, 40)
    G3 = _smooth_conv(T3, Ws2, bs2, 64, 72)
    T2 = _build_tpad(G3, L2, 64, 72)
    G2 = _smooth_conv(T2, Ws3, bs3, 128, 136)

    table = jnp.concatenate([G2, G3, G4, P5], 0)

    R = rois.shape[0]
    idx, wts = _roi_meta(rois, im_info)
    g = _sc_gather(table, idx.reshape(R, 2, 2 * NPAD))
    out = _tc_combine(g.reshape(R, 4, NPAD, C), wts)
    return jnp.transpose(out.reshape(R, POOL, POOL, C), (0, 3, 1, 2))

# --- scband reference (transcript-rebuilt; emitter-appended) ---
"""Pipeline reference for scband-fpn-68427418960370 (READ-ONLY COPY).

The authoritative reference and input builder live on the scoring server;
editing this copy changes nothing except your own understanding.
"""

import jax, jax.numpy as jnp
import numpy as np

POOL = 7

def conv2d(x, W, b, pad):
    out = jax.lax.conv_general_dilated(x, W, (1, 1), [(pad, pad), (pad, pad)], dimension_numbers=('NCHW', 'OIHW', 'NCHW'))
    return out + b[None, :, None, None]

def upsample_add(x, y):
    B, C, H, W = y.shape
    return jax.image.resize(x, (x.shape[0], x.shape[1], H, W), method='bilinear') + y

def roi_align(feat, rois, scale, pooled=POOL):
    B, C, H, W = feat.shape
    R = rois.shape[0]
    bi = rois[:, 0].astype(jnp.int32)
    x1 = rois[:, 1] * scale
    y1 = rois[:, 2] * scale
    x2 = rois[:, 3] * scale
    y2 = rois[:, 4] * scale
    bw = jnp.maximum(x2 - x1 + 1.0, 1.0) / pooled
    bh = jnp.maximum(y2 - y1 + 1.0, 1.0) / pooled
    jj = jnp.arange(pooled, dtype=jnp.float32) + 0.5
    xs = x1[:, None] + jj[None, :] * bw[:, None]
    ys = y1[:, None] + jj[None, :] * bh[:, None]
    gx = jnp.broadcast_to(xs[:, None, :], (R, pooled, pooled))
    gy = jnp.broadcast_to(ys[:, :, None], (R, pooled, pooled))
    x0f = jnp.floor(gx)
    y0f = jnp.floor(gy)
    lx = gx - x0f
    ly = gy - y0f
    x0 = jnp.clip(x0f.astype(jnp.int32), 0, W - 1)
    x1i = jnp.clip(x0 + 1, 0, W - 1)
    y0 = jnp.clip(y0f.astype(jnp.int32), 0, H - 1)
    y1i = jnp.clip(y0 + 1, 0, H - 1)
    b3 = bi[:, None, None]
    v00 = feat[b3, :, y0, x0]
    v01 = feat[b3, :, y0, x1i]
    v10 = feat[b3, :, y1i, x0]
    v11 = feat[b3, :, y1i, x1i]
    w00 = ((1.0 - ly) * (1.0 - lx))[..., None]
    w01 = ((1.0 - ly) * lx)[..., None]
    w10 = (ly * (1.0 - lx))[..., None]
    w11 = (ly * lx)[..., None]
    out = v00 * w00 + v01 * w01 + v10 * w10 + v11 * w11
    return jnp.transpose(out, (0, 3, 1, 2))

def fpn_forward(c2, c3, c4, c5, rois, im_info, Wt, bt, Wl1, bl1, Wl2, bl2, Wl3, bl3, Ws1, bs1, Ws2, bs2, Ws3, bs3):
    # FPN top-down pathway (RCNN_toplayer / latlayer / smooth)
    p5 = conv2d(c5, Wt, bt, 0)
    p4 = conv2d(upsample_add(p5, conv2d(c4, Wl1, bl1, 0)), Ws1, bs1, 1)
    p3 = conv2d(upsample_add(p4, conv2d(c3, Wl2, bl2, 0)), Ws2, bs2, 1)
    p2 = conv2d(upsample_add(p3, conv2d(c2, Wl3, bl3, 0)), Ws3, bs3, 1)
    feats = [p2, p3, p4, p5]
    # _PyramidRoI_Feat: route each roi to a pyramid level (the moe-routing-like op)
    h = rois[:, 4] - rois[:, 2] + 1.0
    w = rois[:, 3] - rois[:, 1] + 1.0
    lvl = jnp.floor(jnp.log(jnp.sqrt(h * w) / 224.0) / np.log(2.0) + 4.0)
    lvl = jnp.clip(lvl, 2.0, 5.0)
    out = jnp.zeros((rois.shape[0], Wt.shape[0], POOL, POOL), dtype=jnp.float32)
    for i, l in enumerate(range(2, 6)):
        scale = feats[i].shape[2] / im_info[0, 0]
        f = roi_align(feats[i], rois, scale)
        out = jnp.where((lvl == l)[:, None, None, None], f, out)
    return out

def setup_inputs(seed: int = 0):
    key = jax.random.key(seed)
    ks = jax.random.split(key, 24)
    B = 1
    R = 512
    c2 = jax.random.normal(ks[0], (B, 256, 128, 128), jnp.float32)
    c3 = jax.random.normal(ks[1], (B, 512, 64, 64), jnp.float32)
    c4 = jax.random.normal(ks[2], (B, 1024, 32, 32), jnp.float32)
    c5 = jax.random.normal(ks[3], (B, 2048, 16, 16), jnp.float32)
    x1 = jax.random.uniform(ks[4], (R,)) * 380.0
    y1 = jax.random.uniform(ks[5], (R,)) * 380.0
    bw = 16.0 + jax.random.uniform(ks[6], (R,)) * 300.0
    bh = 16.0 + jax.random.uniform(ks[7], (R,)) * 300.0
    rois = jnp.stack([jnp.zeros((R,), jnp.float32), x1, y1, jnp.minimum(x1 + bw, 511.0), jnp.minimum(y1 + bh, 511.0)], axis=1)
    im_info = jnp.array([[512.0, 512.0, 1.0]], jnp.float32)
    def w(k, shape):
        return 0.01 * jax.random.normal(k, shape, jnp.float32)
    params = dict(
        Wt=w(ks[8], (256, 2048, 1, 1)), bt=jnp.zeros((256,), jnp.float32),
        Wl1=w(ks[9], (256, 1024, 1, 1)), bl1=jnp.zeros((256,), jnp.float32),
        Wl2=w(ks[10], (256, 512, 1, 1)), bl2=jnp.zeros((256,), jnp.float32),
        Wl3=w(ks[11], (256, 256, 1, 1)), bl3=jnp.zeros((256,), jnp.float32),
        Ws1=w(ks[12], (256, 256, 3, 3)), bs1=jnp.zeros((256,), jnp.float32),
        Ws2=w(ks[13], (256, 256, 3, 3)), bs2=jnp.zeros((256,), jnp.float32),
        Ws3=w(ks[14], (256, 256, 3, 3)), bs3=jnp.zeros((256,), jnp.float32))
    out = dict(c2=c2, c3=c3, c4=c4, c5=c5, rois=rois, im_info=im_info)
    out.update(params)
    return out

def reference(c2, c3, c4, c5, rois, im_info, Wt, bt, Wl1, bl1, Wl2, bl2, Wl3, bl3, Ws1, bs1, Ws2, bs2, Ws3, bs3):
    return fpn_forward(c2, c3, c4, c5, rois, im_info, Wt, bt, Wl1, bl1, Wl2, bl2, Wl3, bl3, Ws1, bs1, Ws2, bs2, Ws3, bs3)

if __name__ == "__main__":
    import jax
    _d = setup_inputs()
    print(jax.jit(kernel)(*tuple(_d.values())))

</pallas_src>

<mosaic_0001>
#map = affine_map<(d0, d1) -> (0, 0)>
#map1 = affine_map<(d0, d1) -> (0, 0, 0)>
#map2 = affine_map<(d0, d1) -> (0, 0, 0, 0)>
module attributes {stable_mosaic.version = 14 : i64} {
  func.func @k(%arg0: i32, %arg1: i32, %arg2: memref<23552x256xf32, #tpu.memory_space<hbm>>, %arg3: memref<512x2x112xi32, #tpu.memory_space<hbm>>, %arg4: memref<512x2x112x256xf32, #tpu.memory_space<hbm>>, %arg5: memref<16x2x112xi32, #tpu.memory_space<vmem>>, %arg6: memref<2x2x112x256xf32, #tpu.memory_space<vmem>>, %arg7: memref<!tpu.dma_semaphore, #tpu.memory_space<semaphore_mem>>, %arg8: memref<!tpu.dma_semaphore, #tpu.memory_space<semaphore_mem>>, %arg9: memref<!tpu.dma_semaphore, #tpu.memory_space<semaphore_mem>>, %arg10: memref<!tpu.dma_semaphore, #tpu.memory_space<semaphore_mem>>) attributes {dimension_semantics = [#tpu.dimension_semantics<core_parallel>, #tpu.dimension_semantics<subcore_parallel>], iteration_bounds = array<i64: 2, 16>, scalar_prefetch = 0 : i64, scratch_operands = 6 : i64, tpu.core_type = #tpu.core_type<sc_vector_subcore>, window_params = [{transform_indices = #map}, {transform_indices = #map1}, {transform_indices = #map2}]} {
    %mul3A = arith.constant 2 : i32
    %mul3A_0 = arith.muli %arg1, %mul3A : i32
    %add3A = arith.addi %mul3A_0, %arg0 : i32
    %mul3A_1 = arith.constant 16 : i32
    %mul3A_2 = arith.muli %add3A, %mul3A_1 : i32
    "tpu.region"() ({
      %run_scoped3A = tpu.sem_alloc : memref<!tpu.dma_semaphore, #tpu.memory_space<semaphore_mem>>
      %dma_start3A_1601 = arith.constant 0 : i32
      %dma_start3A_1602 = arith.constant 0 : i32
      %dma_start3A_1603 = tpu.memref_slice %arg3[%mul3A_2, %dma_start3A_1601, %dma_start3A_1602] : memref<512x2x112xi32, #tpu.memory_space<hbm>> -> memref<16x2x112xi32, #tpu.memory_space<hbm>>
      %dma_start3A_1604 = arith.constant 0 : i32
      %dma_start3A_1605 = arith.constant 0 : i32
      %dma_start3A_1606 = tpu.memref_slice %arg3[%mul3A_2, %dma_start3A_1604, %dma_start3A_1605] : memref<512x2x112xi32, #tpu.memory_space<hbm>> -> memref<16x2x112xi32, #tpu.memory_space<hbm>>
      tpu.enqueue_dma source(%dma_start3A_1606 : memref<16x2x112xi32, #tpu.memory_space<hbm>>) target(%arg5 : memref<16x2x112xi32, #tpu.memory_space<vmem>>) target_semaphore(%run_scoped3A : memref<!tpu.dma_semaphore, #tpu.memory_space<semaphore_mem>>)
      %dma_wait3A_1607 = arith.constant 0 : i32
      %dma_wait3A_1608 = arith.constant 0 : i32
      %dma_wait3A_1609 = tpu.memref_slice %arg3[%mul3A_2, %dma_wait3A_1607, %dma_wait3A_1608] : memref<512x2x112xi32, #tpu.memory_space<hbm>> -> memref<16x2x112xi32, #tpu.memory_space<hbm>>
      %dma_wait3A_1610 = arith.constant 0 : i32
      %dma_wait3A_1611 = arith.constant 0 : i32
      %dma_wait3A_1612 = tpu.memref_slice %arg3[%mul3A_2, %dma_wait3A_1610, %dma_wait3A_1611] : memref<512x2x112xi32, #tpu.memory_space<hbm>> -> memref<16x2x112xi32, #tpu.memory_space<hbm>>
      tpu.wait_dma2 semaphore(%run_scoped3A : memref<!tpu.dma_semaphore, #tpu.memory_space<semaphore_mem>>) src(%dma_wait3A_1612 : memref<16x2x112xi32, #tpu.memory_space<hbm>>) dst(%arg5 : memref<16x2x112xi32, #tpu.memory_space<vmem>>)
      tpu.yield
    }) : () -> ()
    %dma_start3A = arith.constant 0 : i32
    %dma_start3A_3 = arith.constant 0 : i32
    %dma_start3A_4 = arith.constant 0 : i32
    %dma_start3A_5 = arith.constant 0 : i32
    %dma_start3A_6 = arith.constant 0 : i32
    %dma_start3A_7 = arith.constant 0 : i32
    %dma_start3A_8 = tpu.memref_slice %arg6[%dma_start3A_4, %dma_start3A_5, %dma_start3A_6, %dma_start3A_7] : memref<2x2x112x256xf32, #tpu.memory_space<vmem>> -> memref<1x1x112x256xf32, #tpu.memory_space<vmem>>
    %dma_start3A_9 = tpu.memref_squeeze %dma_start3A_8 : memref<1x1x112x256xf32, #tpu.memory_space<vmem>> -> memref<112x256xf32, #tpu.memory_space<vmem>>
    %dma_start3A_10 = arith.constant 0 : i32
    %dma_start3A_11 = tpu.memref_slice %arg5[%dma_start3A, %dma_start3A_3, %dma_start3A_10] : memref<16x2x112xi32, #tpu.memory_space<vmem>> -> memref<1x1x112xi32, #tpu.memory_space<vmem>>
    %dma_start3A_12 = tpu.memref_squeeze %dma_start3A_11 : memref<1x1x112xi32, #tpu.memory_space<vmem>> -> memref<112xi32, #tpu.memory_space<vmem>>
    %dma_start3A_13 = arith.constant 0 : i32
    %dma_start3A_14 = arith.constant 0 : i32
    %dma_start3A_15 = tpu.memref_slice %arg2[%dma_start3A_13, %dma_start3A_14] : memref<23552x256xf32, #tpu.memory_space<hbm>> -> memref<23552x256xf32, #tpu.memory_space<hbm>>
    tpu.enqueue_indirect_dma source(%dma_start3A_15 : memref<23552x256xf32, #tpu.memory_space<hbm>>) target(%dma_start3A_9 : memref<112x256xf32, #tpu.memory_space<vmem>>) offsets(%dma_start3A_12 : memref<112xi32, #tpu.memory_space<vmem>>) semaphore(%arg7 : memref<!tpu.dma_semaphore, #tpu.memory_space<semaphore_mem>>)
    %dma_start3A_16 = arith.constant 0 : i32
    %dma_start3A_17 = arith.constant 1 : i32
    %dma_start3A_18 = arith.constant 0 : i32
    %dma_start3A_19 = arith.constant 1 : i32
    %dma_start3A_20 = arith.constant 0 : i32
    %dma_start3A_21 = arith.constant 0 : i32
    %dma_start3A_22 = tpu.memref_slice %arg6[%dma_start3A_18, %dma_start3A_19, %dma_start3A_20, %dma_start3A_21] : memref<2x2x112x256xf32, #tpu.memory_space<vmem>> -> memref<1x1x112x256xf32, #tpu.memory_space<vmem>>
    %dma_start3A_23 = tpu.memref_squeeze %dma_start3A_22 : memref<1x1x112x256xf32, #tpu.memory_space<vmem>> -> memref<112x256xf32, #tpu.memory_space<vmem>>
    %dma_start3A_24 = arith.constant 0 : i32
    %dma_start3A_25 = tpu.memref_slice %arg5[%dma_start3A_16, %dma_start3A_17, %dma_start3A_24] : memref<16x2x112xi32, #tpu.memory_space<vmem>> -> memref<1x1x112xi32, #tpu.memory_space<vmem>>
    %dma_start3A_26 = tpu.memref_squeeze %dma_start3A_25 : memref<1x1x112xi32, #tpu.memory_space<vmem>> -> memref<112xi32, #tpu.memory_space<vmem>>
    %dma_start3A_27 = arith.constant 0 : i32
    %dma_start3A_28 = arith.constant 0 : i32
    %dma_start3A_29 = tpu.memref_slice %arg2[%dma_start3A_27, %dma_start3A_28] : memref<23552x256xf32, #tpu.memory_space<hbm>> -> memref<23552x256xf32, #tpu.memory_space<hbm>>
    tpu.enqueue_indirect_dma source(%dma_start3A_29 : memref<23552x256xf32, #tpu.memory_space<hbm>>) target(%dma_start3A_23 : memref<112x256xf32, #tpu.memory_space<vmem>>) offsets(%dma_start3A_26 : memref<112xi32, #tpu.memory_space<vmem>>) semaphore(%arg7 : memref<!tpu.dma_semaphore, #tpu.memory_space<semaphore_mem>>)
    %dma_start3A_30 = arith.constant 1 : i32
    %dma_start3A_31 = arith.constant 0 : i32
    %dma_start3A_32 = arith.constant 1 : i32
    %dma_start3A_33 = arith.constant 0 : i32
    %dma_start3A_34 = arith.constant 0 : i32
    %dma_start3A_35 = arith.constant 0 : i32
    %dma_start3A_36 = tpu.memref_slice %arg6[%dma_start3A_32, %dma_start3A_33, %dma_start3A_34, %dma_start3A_35] : memref<2x2x112x256xf32, #tpu.memory_space<vmem>> -> memref<1x1x112x256xf32, #tpu.memory_space<vmem>>
    %dma_start3A_37 = tpu.memref_squeeze %dma_start3A_36 : memref<1x1x112x256xf32, #tpu.memory_space<vmem>> -> memref<112x256xf32, #tpu.memory_space<vmem>>
    %dma_start3A_38 = arith.constant 0 : i32
    %dma_start3A_39 = tpu.memref_slice %arg5[%dma_start3A_30, %dma_start3A_31, %dma_start3A_38] : memref<16x2x112xi32, #tpu.memory_space<vmem>> -> memref<1x1x112xi32, #tpu.memory_space<vmem>>
    %dma_start3A_40 = tpu.memref_squeeze %dma_start3A_39 : memref<1x1x112xi32, #tpu.memory_space<vmem>> -> memref<112xi32, #tpu.memory_space<vmem>>
    %dma_start3A_41 = arith.constant 0 : i32
    %dma_start3A_42 = arith.constant 0 : i32
    %dma_start3A_43 = tpu.memref_slice %arg2[%dma_start3A_41, %dma_start3A_42] : memref<23552x256xf32, #tpu.memory_space<hbm>> -> memref<23552x256xf32, #tpu.memory_space<hbm>>
    tpu.enqueue_indirect_dma source(%dma_start3A_43 : memref<23552x256xf32, #tpu.memory_space<hbm>>) target(%dma_start3A_37 : memref<112x256xf32, #tpu.memory_space<vmem>>) offsets(%dma_start3A_40 : memref<112xi32, #tpu.memory_space<vmem>>) semaphore(%arg8 : memref<!tpu.dma_semaphore, #tpu.memory_space<semaphore_mem>>)
    %dma_start3A_44 = arith.constant 1 : i32
    %dma_start3A_45 = arith.constant 1 : i32
    %dma_start3A_46 = arith.constant 1 : i32
    %dma_start3A_47 = arith.constant 1 : i32
    %dma_start3A_48 = arith.constant 0 : i32
    %dma_start3A_49 = arith.constant 0 : i32
    %dma_start3A_50 = tpu.memref_slice %arg6[%dma_start3A_46, %dma_start3A_47, %dma_start3A_48, %dma_start3A_49] : memref<2x2x112x256xf32, #tpu.memory_space<vmem>> -> memref<1x1x112x256xf32, #tpu.memory_space<vmem>>
    %dma_start3A_51 = tpu.memref_squeeze %dma_start3A_50 : memref<1x1x112x256xf32, #tpu.memory_space<vmem>> -> memref<112x256xf32, #tpu.memory_space<vmem>>
    %dma_start3A_52 = arith.constant 0 : i32
    %dma_start3A_53 = tpu.memref_slice %arg5[%dma_start3A_44, %dma_start3A_45, %dma_start3A_52] : memref<16x2x112xi32, #tpu.memory_space<vmem>> -> memref<1x1x112xi32, #tpu.memory_space<vmem>>
    %dma_start3A_54 = tpu.memref_squeeze %dma_start3A_53 : memref<1x1x112xi32, #tpu.memory_space<vmem>> -> memref<112xi32, #tpu.memory_space<vmem>>
    %dma_start3A_55 = arith.constant 0 : i32
    %dma_start3A_56 = arith.constant 0 : i32
    %dma_start3A_57 = tpu.memref_slice %arg2[%dma_start3A_55, %dma_start3A_56] : memref<23552x256xf32, #tpu.memory_space<hbm>> -> memref<23552x256xf32, #tpu.memory_space<hbm>>
    tpu.enqueue_indirect_dma source(%dma_start3A_57 : memref<23552x256xf32, #tpu.memory_space<hbm>>) target(%dma_start3A_51 : memref<112x256xf32, #tpu.memory_space<vmem>>) offsets(%dma_start3A_54 : memref<112xi32, #tpu.memory_space<vmem>>) semaphore(%arg8 : memref<!tpu.dma_semaphore, #tpu.memory_space<semaphore_mem>>)
    %dma_wait3A = arith.constant 0 : i32
    %dma_wait3A_58 = arith.constant 0 : i32
    %dma_wait3A_59 = arith.constant 0 : i32
    %dma_wait3A_60 = arith.constant 0 : i32
    %dma_wait3A_61 = arith.constant 0 : i32
    %dma_wait3A_62 = arith.constant 0 : i32
    %dma_wait3A_63 = tpu.memref_slice %arg6[%dma_wait3A_59, %dma_wait3A_60, %dma_wait3A_61, %dma_wait3A_62] : memref<2x2x112x256xf32, #tpu.memory_space<vmem>> -> memref<1x1x112x256xf32, #tpu.memory_space<vmem>>
    %dma_wait3A_64 = tpu.memref_squeeze %dma_wait3A_63 : memref<1x1x112x256xf32, #tpu.memory_space<vmem>> -> memref<112x256xf32, #tpu.memory_space<vmem>>
    %dma_wait3A_65 = arith.constant 0 : i32
    %dma_wait3A_66 = tpu.memref_slice %arg5[%dma_wait3A, %dma_wait3A_58, %dma_wait3A_65] : memref<16x2x112xi32, #tpu.memory_space<vmem>> -> memref<1x1x112xi32, #tpu.memory_space<vmem>>
    %dma_wait3A_67 = tpu.memref_squeeze %dma_wait3A_66 : memref<1x1x112xi32, #tpu.memory_space<vmem>> -> memref<112xi32, #tpu.memory_space<vmem>>
    %dma_wait3A_68 = arith.constant 0 : i32
    %dma_wait3A_69 = arith.constant 0 : i32
    %dma_wait3A_70 = tpu.memref_slice %arg2[%dma_wait3A_68, %dma_wait3A_69] : memref<23552x256xf32, #tpu.memory_space<hbm>> -> memref<23552x256xf32, #tpu.memory_space<hbm>>
    tpu.wait_indirect_dma semaphore(%arg7 : memref<!tpu.dma_semaphore, #tpu.memory_space<semaphore_mem>>) src(%dma_wait3A_70 : memref<23552x256xf32, #tpu.memory_space<hbm>>) dst(%dma_wait3A_64 : memref<112x256xf32, #tpu.memory_space<vmem>>)
    %dma_wait3A_71 = arith.constant 0 : i32
    %dma_wait3A_72 = arith.constant 1 : i32
    %dma_wait3A_73 = arith.constant 0 : i32
    %dma_wait3A_74 = arith.constant 1 : i32
    %dma_wait3A_75 = arith.constant 0 : i32
    %dma_wait3A_76 = arith.constant 0 : i32
    %dma_wait3A_77 = tpu.memref_slice %arg6[%dma_wait3A_73, %dma_wait3A_74, %dma_wait3A_75, %dma_wait3A_76] : memref<2x2x112x256xf32, #tpu.memory_space<vmem>> -> memref<1x1x112x256xf32, #tpu.memory_space<vmem>>
    %dma_wait3A_78 = tpu.memref_squeeze %dma_wait3A_77 : memref<1x1x112x256xf32, #tpu.memory_space<vmem>> -> memref<112x256xf32, #tpu.memory_space<vmem>>
    %dma_wait3A_79 = arith.constant 0 : i32
    %dma_wait3A_80 = tpu.memref_slice %arg5[%dma_wait3A_71, %dma_wait3A_72, %dma_wait3A_79] : memref<16x2x112xi32, #tpu.memory_space<vmem>> -> memref<1x1x112xi32, #tpu.memory_space<vmem>>
    %dma_wait3A_81 = tpu.memref_squeeze %dma_wait3A_80 : memref<1x1x112xi32, #tpu.memory_space<vmem>> -> memref<112xi32, #tpu.memory_space<vmem>>
    %dma_wait3A_82 = arith.constant 0 : i32
    %dma_wait3A_83 = arith.constant 0 : i32
    %dma_wait3A_84 = tpu.memref_slice %arg2[%dma_wait3A_82, %dma_wait3A_83] : memref<23552x256xf32, #tpu.memory_space<hbm>> -> memref<23552x256xf32, #tpu.memory_space<hbm>>
    tpu.wait_indirect_dma semaphore(%arg7 : memref<!tpu.dma_semaphore, #tpu.memory_space<semaphore_mem>>) src(%dma_wait3A_84 : memref<23552x256xf32, #tpu.memory_space<hbm>>) dst(%dma_wait3A_78 : memref<112x256xf32, #tpu.memory_space<vmem>>)
    %add3A_85 = arith.constant 0 : i32
    %add3A_86 = arith.addi %mul3A_2, %add3A_85 : i32
    %dma_start3A_87 = arith.constant 0 : i32
    %dma_start3A_88 = arith.constant 0 : i32
    %dma_start3A_89 = arith.constant 0 : i32
    %dma_start3A_90 = arith.constant 0 : i32
    %dma_start3A_91 = tpu.memref_slice %arg6[%dma_start3A_87, %dma_start3A_88, %dma_start3A_89, %dma_start3A_90] : memref<2x2x112x256xf32, #tpu.memory_space<vmem>> -> memref<1x2x112x256xf32, #tpu.memory_space<vmem>>
    %dma_start3A_92 = tpu.memref_squeeze %dma_start3A_91 : memref<1x2x112x256xf32, #tpu.memory_space<vmem>> -> memref<2x112x256xf32, #tpu.memory_space<vmem>>
    %dma_start3A_93 = arith.constant 0 : i32
    %dma_start3A_94 = arith.constant 0 : i32
    %dma_start3A_95 = arith.constant 0 : i32
    %dma_start3A_96 = tpu.memref_slice %arg4[%add3A_86, %dma_start3A_93, %dma_start3A_94, %dma_start3A_95] : memref<512x2x112x256xf32, #tpu.memory_space<hbm>> -> memref<1x2x112x256xf32, #tpu.memory_space<hbm>>
    %dma_start3A_97 = tpu.memref_squeeze %dma_start3A_96 : memref<1x2x112x256xf32, #tpu.memory_space<hbm>> -> memref<2x112x256xf32, #tpu.memory_space<hbm>>
    %dma_start3A_98 = arith.constant 0 : i32
    %dma_start3A_99 = arith.constant 0 : i32
    %dma_start3A_100 = arith.constant 0 : i32
    %dma_start3A_101 = tpu.memref_slice %arg4[%add3A_86, %dma_start3A_98, %dma_start3A_99, %dma_start3A_100] : memref<512x2x112x256xf32, #tpu.memory_space<hbm>> -> memref<1x2x112x256xf32, #tpu.memory_space<hbm>>
    %dma_start3A_102 = tpu.memref_squeeze %dma_start3A_101 : memref<1x2x112x256xf32, #tpu.memory_space<hbm>> -> memref<2x112x256xf32, #tpu.memory_space<hbm>>
    %dma_start3A_103 = arith.constant 0 : i32
    %dma_start3A_104 = arith.constant 0 : i32
    %dma_start3A_105 = arith.constant 0 : i32
    %dma_start3A_106 = tpu.memref_slice %arg6[%dma_start3A_87, %dma_start3A_103, %dma_start3A_104, %dma_start3A_105] : memref<2x2x112x256xf32, #tpu.memory_space<vmem>> -> memref<1x2x112x256xf32, #tpu.memory_space<vmem>>
    %dma_start3A_107 = tpu.memref_squeeze %dma_start3A_106 : memref<1x2x112x256xf32, #tpu.memory_space<vmem>> -> memref<2x112x256xf32, #tpu.memory_space<vmem>>
    tpu.enqueue_dma source(%dma_start3A_107 : memref<2x112x256xf32, #tpu.memory_space<vmem>>) target(%dma_start3A_102 : memref<2x112x256xf32, #tpu.memory_space<hbm>>) target_semaphore(%arg9 : memref<!tpu.dma_semaphore, #tpu.memory_space<semaphore_mem>>)
    %dma_wait3A_108 = arith.constant 0 : i32
    %dma_wait3A_109 = arith.constant 0 : i32
    %dma_wait3A_110 = arith.constant 0 : i32
    %dma_wait3A_111 = arith.constant 0 : i32
    %dma_wait3A_112 = tpu.memref_slice %arg6[%dma_wait3A_108, %dma_wait3A_109, %dma_wait3A_110, %dma_wait3A_111] : memref<2x2x112x256xf32, #tpu.memory_space<vmem>> -> memref<1x2x112x256xf32, #tpu.memory_space<vmem>>
    %dma_wait3A_113 = tpu.memref_squeeze %dma_wait3A_112 : memref<1x2x112x256xf32, #tpu.memory_space<vmem>> -> memref<2x112x256xf32, #tpu.memory_space<vmem>>
    %dma_wait3A_114 = arith.constant 0 : i32
    %dma_wait3A_115 = arith.constant 0 : i32
    %dma_wait3A_116 = arith.constant 0 : i32
    %dma_wait3A_117 = tpu.memref_slice %arg4[%add3A_86, %dma_wait3A_114, %dma_wait3A_115, %dma_wait3A_116] : memref<512x2x112x256xf32, #tpu.memory_space<hbm>> -> memref<1x2x112x256xf32, #tpu.memory_space<hbm>>
    %dma_wait3A_118 = tpu.memref_squeeze %dma_wait3A_117 : memref<1x2x112x256xf32, #tpu.memory_space<hbm>> -> memref<2x112x256xf32, #tpu.memory_space<hbm>>
    %dma_wait3A_119 = arith.constant 0 : i32
    %dma_wait3A_120 = arith.constant 0 : i32
    %dma_wait3A_121 = arith.constant 0 : i32
    %dma_wait3A_122 = tpu.memref_slice %arg4[%add3A_86, %dma_wait3A_119, %dma_wait3A_120, %dma_wait3A_121] : memref<512x2x112x256xf32, #tpu.memory_space<hbm>> -> memref<1x2x112x256xf32, #tpu.memory_space<hbm>>
    %dma_wait3A_123 = tpu.memref_squeeze %dma_wait3A_122 : memref<1x2x112x256xf32, #tpu.memory_space<hbm>> -> memref<2x112x256xf32, #tpu.memory_space<hbm>>
    %dma_wait3A_124 = arith.constant 0 : i32
    %dma_wait3A_125 = arith.constant 0 : i32
    %dma_wait3A_126 = arith.constant 0 : i32
    %dma_wait3A_127 = tpu.memref_slice %arg6[%dma_wait3A_108, %dma_wait3A_124, %dma_wait3A_125, %dma_wait3A_126] : memref<2x2x112x256xf32, #tpu.memory_space<vmem>> -> memref<1x2x112x256xf32, #tpu.memory_space<vmem>>
    %dma_wait3A_128 = tpu.memref_squeeze %dma_wait3A_127 : memref<1x2x112x256xf32, #tpu.memory_space<vmem>> -> memref<2x112x256xf32, #tpu.memory_space<vmem>>
    tpu.wait_dma2 semaphore(%arg9 : memref<!tpu.dma_semaphore, #tpu.memory_space<semaphore_mem>>) src(%dma_wait3A_128 : memref<2x112x256xf32, #tpu.memory_space<vmem>>) dst(%dma_wait3A_123 : memref<2x112x256xf32, #tpu.memory_space<hbm>>)
    %dma_start3A_129 = arith.constant 2 : i32
    %dma_start3A_130 = arith.constant 0 : i32
    %dma_start3A_131 = arith.constant 0 : i32
    %dma_start3A_132 = arith.constant 0 : i32
    %dma_start3A_133 = arith.constant 0 : i32
    %dma_start3A_134 = arith.constant 0 : i32
    %dma_start3A_135 = tpu.memref_slice %arg6[%dma_start3A_131, %dma_start3A_132, %dma_start3A_133, %dma_start3A_134] : memref<2x2x112x256xf32, #tpu.memory_space<vmem>> -> memref<1x1x112x256xf32, #tpu.memory_space<vmem>>
    %dma_start3A_136 = tpu.memref_squeeze %dma_start3A_135 : memref<1x1x112x256xf32, #tpu.memory_space<vmem>> -> memref<112x256xf32, #tpu.memory_space<vmem>>
    %dma_start3A_137 = arith.constant 0 : i32
    %dma_start3A_138 = tpu.memref_slice %arg5[%dma_start3A_129, %dma_start3A_130, %dma_start3A_137] : memref<16x2x112xi32, #tpu.memory_space<vmem>> -> memref<1x1x112xi32, #tpu.memory_space<vmem>>
    %dma_start3A_139 = tpu.memref_squeeze %dma_start3A_138 : memref<1x1x112xi32, #tpu.memory_space<vmem>> -> memref<112xi32, #tpu.memory_space<vmem>>
    %dma_start3A_140 = arith.constant 0 : i32
    %dma_start3A_141 = arith.constant 0 : i32
    %dma_start3A_142 = tpu.memref_slice %arg2[%dma_start3A_140, %dma_start3A_141] : memref<23552x256xf32, #tpu.memory_space<hbm>> -> memref<23552x256xf32, #tpu.memory_space<hbm>>
    tpu.enqueue_indirect_dma source(%dma_start3A_142 : memref<23552x256xf32, #tpu.memory_space<hbm>>) target(%dma_start3A_136 : memref<112x256xf32, #tpu.memory_space<vmem>>) offsets(%dma_start3A_139 : memref<112xi32, #tpu.memory_space<vmem>>) semaphore(%arg7 : memref<!tpu.dma_semaphore, #tpu.memory_space<semaphore_mem>>)
    %dma_start3A_143 = arith.constant 2 : i32
    %dma_start3A_144 = arith.constant 1 : i32
    %dma_start3A_145 = arith.constant 0 : i32
    %dma_start3A_146 = arith.constant 1 : i32
    %dma_start3A_147 = arith.constant 0 : i32
    %dma_start3A_148 = arith.constant 0 : i32
    %dma_start3A_149 = tpu.memref_slice %arg6[%dma_start3A_145, %dma_start3A_146, %dma_start3A_147, %dma_start3A_148] : memref<2x2x112x256xf32, #tpu.memory_space<vmem>> -> memref<1x1x112x256xf32, #tpu.memory_space<vmem>>
    %dma_start3A_150 = tpu.memref_squeeze %dma_start3A_149 : memref<1x1x112x256xf32, #tpu.memory_space<vmem>> -> memref<112x256xf32, #tpu.memory_space<vmem>>
    %dma_start3A_151 = arith.constant 0 : i32
    %dma_start3A_152 = tpu.memref_slice %arg5[%dma_start3A_143, %dma_start3A_144, %dma_start3A_151] : memref<16x2x112xi32, #tpu.memory_space<vmem>> -> memref<1x1x112xi32, #tpu.memory_space<vmem>>
    %dma_start3A_153 = tpu.memref_squeeze %dma_start3A_152 : memref<1x1x112xi32, #tpu.memory_space<vmem>> -> memref<112xi32, #tpu.memory_space<vmem>>
    %dma_start3A_154 = arith.constant 0 : i32
    %dma_start3A_155 = arith.constant 0 : i32
    %dma_start3A_156 = tpu.memref_slice %arg2[%dma_start3A_154, %dma_start3A_155] : memref<23552x256xf32, #tpu.memory_space<hbm>> -> memref<23552x256xf32, #tpu.memory_space<hbm>>
    tpu.enqueue_indirect_dma source(%dma_start3A_156 : memref<23552x256xf32, #tpu.memory_space<hbm>>) target(%dma_start3A_150 : memref<112x256xf32, #tpu.memory_space<vmem>>) offsets(%dma_start3A_153 : memref<112xi32, #tpu.memory_space<vmem>>) semaphore(%arg7 : memref<!tpu.dma_semaphore, #tpu.memory_space<semaphore_mem>>)
    %dma_wait3A_157 = arith.constant 1 : i32
    %dma_wait3A_158 = arith.constant 0 : i32
    %dma_wait3A_159 = arith.constant 1 : i32
    %dma_wait3A_160 = arith.constant 0 : i32
    %dma_wait3A_161 = arith.constant 0 : i32
    %dma_wait3A_162 = arith.constant 0 : i32
    %dma_wait3A_163 = tpu.memref_slice %arg6[%dma_wait3A_159, %dma_wait3A_160, %dma_wait3A_161, %dma_wait3A_162] : memref<2x2x112x256xf32, #tpu.memory_space<vmem>> -> memref<1x1x112x256xf32, #tpu.memory_space<vmem>>
    %dma_wait3A_164 = tpu.memref_squeeze %dma_wait3A_163 : memref<1x1x112x256xf32, #tpu.memory_space<vmem>> -> memref<112x256xf32, #tpu.memory_space<vmem>>
    %dma_wait3A_165 = arith.constant 0 : i32
    %dma_wait3A_166 = tpu.memref_slice %arg5[%dma_wait3A_157, %dma_wait3A_158, %dma_wait3A_165] : memref<16x2x112xi32, #tpu.memory_space<vmem>> -> memref<1x1x112xi32, #tpu.memory_space<vmem>>
    %dma_wait3A_167 = tpu.memref_squeeze %dma_wait3A_166 : memref<1x1x112xi32, #tpu.memory_space<vmem>> -> memref<112xi32, #tpu.memory_space<vmem>>
    %dma_wait3A_168 = arith.constant 0 : i32
    %dma_wait3A_169 = arith.constant 0 : i32
    %dma_wait3A_170 = tpu.memref_slice %arg2[%dma_wait3A_168, %dma_wait3A_169] : memref<23552x256xf32, #tpu.memory_space<hbm>> -> memref<23552x256xf32, #tpu.memory_space<hbm>>
    tpu.wait_indirect_dma semaphore(%arg8 : memref<!tpu.dma_semaphore, #tpu.memory_space<semaphore_mem>>) src(%dma_wait3A_170 : memref<23552x256xf32, #tpu.memory_space<hbm>>) dst(%dma_wait3A_164 : memref<112x256xf32, #tpu.memory_space<vmem>>)
    %dma_wait3A_171 = arith.constant 1 : i32
    %dma_wait3A_172 = arith.constant 1 : i32
    %dma_wait3A_173 = arith.constant 1 : i32
    %dma_wait3A_174 = arith.constant 1 : i32
    %dma_wait3A_175 = arith.constant 0 : i32
    %dma_wait3A_176 = arith.constant 0 : i32
    %dma_wait3A_177 = tpu.memref_slice %arg6[%dma_wait3A_173, %dma_wait3A_174, %dma_wait3A_175, %dma_wait3A_176] : memref<2x2x112x256xf32, #tpu.memory_space<vmem>> -> memref<1x1x112x256xf32, #tpu.memory_space<vmem>>
    %dma_wait3A_178 = tpu.memref_squeeze %dma_wait3A_177 : memref<1x1x112x256xf32, #tpu.memory_space<vmem>> -> memref<112x256xf32, #tpu.memory_space<vmem>>
    %dma_wait3A_179 = arith.constant 0 : i32
    %dma_wait3A_180 = tpu.memref_slice %arg5[%dma_wait3A_171, %dma_wait3A_172, %dma_wait3A_179] : memref<16x2x112xi32, #tpu.memory_space<vmem>> -> memref<1x1x112xi32, #tpu.memory_space<vmem>>
    %dma_wait3A_181 = tpu.memref_squeeze %dma_wait3A_180 : memref<1x1x112xi32, #tpu.memory_space<vmem>> -> memref<112xi32, #tpu.memory_space<vmem>>
    %dma_wait3A_182 = arith.constant 0 : i32
    %dma_wait3A_183 = arith.constant 0 : i32
    %dma_wait3A_184 = tpu.memref_slice %arg2[%dma_wait3A_182, %dma_wait3A_183] : memref<23552x256xf32, #tpu.memory_space<hbm>> -> memref<23552x256xf32, #tpu.memory_space<hbm>>
    tpu.wait_indirect_dma semaphore(%arg8 : memref<!tpu.dma_semaphore, #tpu.memory_space<semaphore_mem>>) src(%dma_wait3A_184 : memref<23552x256xf32, #tpu.memory_space<hbm>>) dst(%dma_wait3A_178 : memref<112x256xf32, #tpu.memory_space<vmem>>)
    %add3A_185 = arith.constant 1 : i32
    %add3A_186 = arith.addi %mul3A_2, %add3A_185 : i32
    %dma_start3A_187 = arith.constant 1 : i32
    %dma_start3A_188 = arith.constant 0 : i32
    %dma_start3A_189 = arith.constant 0 : i32
    %dma_start3A_190 = arith.constant 0 : i32
    %dma_start3A_191 = tpu.memref_slice %arg6[%dma_start3A_187, %dma_start3A_188, %dma_start3A_189, %dma_start3A_190] : memref<2x2x112x256xf32, #tpu.memory_space<vmem>> -> memref<1x2x112x256xf32, #tpu.memory_space<vmem>>
    %dma_start3A_192 = tpu.memref_squeeze %dma_start3A_191 : memref<1x2x112x256xf32, #tpu.memory_space<vmem>> -> memref<2x112x256xf32, #tpu.memory_space<vmem>>
    %dma_start3A_193 = arith.constant 0 : i32
    %dma_start3A_194 = arith.constant 0 : i32
    %dma_start3A_195 = arith.constant 0 : i32
    %dma_start3A_196 = tpu.memref_slice %arg4[%add3A_186, %dma_start3A_193, %dma_start3A_194, %dma_start3A_195] : memref<512x2x112x256xf32, #tpu.memory_space<hbm>> -> memref<1x2x112x256xf32, #tpu.memory_space<hbm>>
    %dma_start3A_197 = tpu.memref_squeeze %dma_start3A_196 : memref<1x2x112x256xf32, #tpu.memory_space<hbm>> -> memref<2x112x256xf32, #tpu.memory_space<hbm>>
    %dma_start3A_198 = arith.constant 0 : i32
    %dma_start3A_199 = arith.constant 0 : i32
    %dma_start3A_200 = arith.constant 0 : i32
    %dma_start3A_201 = tpu.memref_slice %arg4[%add3A_186, %dma_start3A_198, %dma_start3A_199, %dma_start3A_200] : memref<512x2x112x256xf32, #tpu.memory_space<hbm>> -> memref<1x2x112x256xf32, #tpu.memory_space<hbm>>
    %dma_start3A_202 = tpu.memref_squeeze %dma_start3A_201 : memref<1x2x112x256xf32, #tpu.memory_space<hbm>> -> memref<2x112x256xf32, #tpu.memory_space<hbm>>
    %dma_start3A_203 = arith.constant 0 : i32
    %dma_start3A_204 = arith.constant 0 : i32
    %dma_start3A_205 = arith.constant 0 : i32
    %dma_start3A_206 = tpu.memref_slice %arg6[%dma_start3A_187, %dma_start3A_203, %dma_start3A_204, %dma_start3A_205] : memref<2x2x112x256xf32, #tpu.memory_space<vmem>> -> memref<1x2x112x256xf32, #tpu.memory_space<vmem>>
    %dma_start3A_207 = tpu.memref_squeeze %dma_start3A_206 : memref<1x2x112x256xf32, #tpu.memory_space<vmem>> -> memref<2x112x256xf32, #tpu.memory_space<vmem>>
    tpu.enqueue_dma source(%dma_start3A_207 : memref<2x112x256xf32, #tpu.memory_space<vmem>>) target(%dma_start3A_202 : memref<2x112x256xf32, #tpu.memory_space<hbm>>) target_semaphore(%arg10 : memref<!tpu.dma_semaphore, #tpu.memory_space<semaphore_mem>>)
    %dma_wait3A_208 = arith.constant 1 : i32
    %dma_wait3A_209 = arith.constant 0 : i32
    %dma_wait3A_210 = arith.constant 0 : i32
    %dma_wait3A_211 = arith.constant 0 : i32
    %dma_wait3A_212 = tpu.memref_slice %arg6[%dma_wait3A_208, %dma_wait3A_209, %dma_wait3A_210, %dma_wait3A_211] : memref<2x2x112x256xf32, #tpu.memory_space<vmem>> -> memref<1x2x112x256xf32, #tpu.memory_space<vmem>>
    %dma_wait3A_213 = tpu.memref_squeeze %dma_wait3A_212 : memref<1x2x112x256xf32, #tpu.memory_space<vmem>> -> memref<2x112x256xf32, #tpu.memory_space<vmem>>
    %dma_wait3A_214 = arith.constant 0 : i32
    %dma_wait3A_215 = arith.constant 0 : i32
    %dma_wait3A_216 = arith.constant 0 : i32
    %dma_wait3A_217 = tpu.memref_slice %arg4[%add3A_186, %dma_wait3A_214, %dma_wait3A_215, %dma_wait3A_216] : memref<512x2x112x256xf32, #tpu.memory_space<hbm>> -> memref<1x2x112x256xf32, #tpu.memory_space<hbm>>
    %dma_wait3A_218 = tpu.memref_squeeze %dma_wait3A_217 : memref<1x2x112x256xf32, #tpu.memory_space<hbm>> -> memref<2x112x256xf32, #tpu.memory_space<hbm>>
    %dma_wait3A_219 = arith.constant 0 : i32
    %dma_wait3A_220 = arith.constant 0 : i32
    %dma_wait3A_221 = arith.constant 0 : i32
    %dma_wait3A_222 = tpu.memref_slice %arg4[%add3A_186, %dma_wait3A_219, %dma_wait3A_220, %dma_wait3A_221] : memref<512x2x112x256xf32, #tpu.memory_space<hbm>> -> memref<1x2x112x256xf32, #tpu.memory_space<hbm>>
    %dma_wait3A_223 = tpu.memref_squeeze %dma_wait3A_222 : memref<1x2x112x256xf32, #tpu.memory_space<hbm>> -> memref<2x112x256xf32, #tpu.memory_space<hbm>>
    %dma_wait3A_224 = arith.constant 0 : i32
    %dma_wait3A_225 = arith.constant 0 : i32
    %dma_wait3A_226 = arith.constant 0 : i32
    %dma_wait3A_227 = tpu.memref_slice %arg6[%dma_wait3A_208, %dma_wait3A_224, %dma_wait3A_225, %dma_wait3A_226] : memref<2x2x112x256xf32, #tpu.memory_space<vmem>> -> memref<1x2x112x256xf32, #tpu.memory_space<vmem>>
    %dma_wait3A_228 = tpu.memref_squeeze %dma_wait3A_227 : memref<1x2x112x256xf32, #tpu.memory_space<vmem>> -> memref<2x112x256xf32, #tpu.memory_space<vmem>>
    tpu.wait_dma2 semaphore(%arg10 : memref<!tpu.dma_semaphore, #tpu.memory_space<semaphore_mem>>) src(%dma_wait3A_228 : memref<2x112x256xf32, #tpu.memory_space<vmem>>) dst(%dma_wait3A_223 : memref<2x112x256xf32, #tpu.memory_space<hbm>>)
    %dma_start3A_229 = arith.constant 3 : i32
    %dma_start3A_230 = arith.constant 0 : i32
    %dma_start3A_231 = arith.constant 1 : i32
    %dma_start3A_232 = arith.constant 0 : i32
    %dma_start3A_233 = arith.constant 0 : i32
    %dma_start3A_234 = arith.constant 0 : i32
    %dma_start3A_235 = tpu.memref_slice %arg6[%dma_start3A_231, %dma_start3A_232, %dma_start3A_233, %dma_start3A_234] : memref<2x2x112x256xf32, #tpu.memory_space<vmem>> -> memref<1x1x112x256xf32, #tpu.memory_space<vmem>>
    %dma_start3A_236 = tpu.memref_squeeze %dma_start3A_235 : memref<1x1x112x256xf32, #tpu.memory_space<vmem>> -> memref<112x256xf32, #tpu.memory_space<vmem>>
    %dma_start3A_237 = arith.constant 0 : i32
    %dma_start3A_238 = tpu.memref_slice %arg5[%dma_start3A_229, %dma_start3A_230, %dma_start3A_237] : memref<16x2x112xi32, #tpu.memory_space<vmem>> -> memref<1x1x112xi32, #tpu.memory_space<vmem>>
    %dma_start3A_239 = tpu.memref_squeeze %dma_start3A_238 : memref<1x1x112xi32, #tpu.memory_space<vmem>> -> memref<112xi32, #tpu.memory_space<vmem>>
    %dma_start3A_240 = arith.constant 0 : i32
    %dma_start3A_241 = arith.constant 0 : i32
    %dma_start3A_242 = tpu.memref_slice %arg2[%dma_start3A_240, %dma_start3A_241] : memref<23552x256xf32, #tpu.memory_space<hbm>> -> memref<23552x256xf32, #tpu.memory_space<hbm>>
    tpu.enqueue_indirect_dma source(%dma_start3A_242 : memref<23552x256xf32, #tpu.memory_space<hbm>>) target(%dma_start3A_236 : memref<112x256xf32, #tpu.memory_space<vmem>>) offsets(%dma_start3A_239 : memref<112xi32, #tpu.memory_space<vmem>>) semaphore(%arg8 : memref<!tpu.dma_semaphore, #tpu.memory_space<semaphore_mem>>)
    %dma_start3A_243 = arith.constant 3 : i32
    %dma_start3A_244 = arith.constant 1 : i32
    %dma_start3A_245 = arith.constant 1 : i32
    %dma_start3A_246 = arith.constant 1 : i32
    %dma_start3A_247 = arith.constant 0 : i32
    %dma_start3A_248 = arith.constant 0 : i32
    %dma_start3A_249 = tpu.memref_slice %arg6[%dma_start3A_245, %dma_start3A_246, %dma_start3A_247, %dma_start3A_248] : memref<2x2x112x256xf32, #tpu.memory_space<vmem>> -> memref<1x1x112x256xf32, #tpu.memory_space<vmem>>
    %dma_start3A_250 = tpu.memref_squeeze %dma_start3A_249 : memref<1x1x112x256xf32, #tpu.memory_space<vmem>> -> memref<112x256xf32, #tpu.memory_space<vmem>>
    %dma_start3A_251 = arith.constant 0 : i32
    %dma_start3A_252 = tpu.memref_slice %arg5[%dma_start3A_243, %dma_start3A_244, %dma_start3A_251] : memref<16x2x112xi32, #tpu.memory_space<vmem>> -> memref<1x1x112xi32, #tpu.memory_space<vmem>>
    %dma_start3A_253 = tpu.memref_squeeze %dma_start3A_252 : memref<1x1x112xi32, #tpu.memory_space<vmem>> -> memref<112xi32, #tpu.memory_space<vmem>>
    %dma_start3A_254 = arith.constant 0 : i32
    %dma_start3A_255 = arith.constant 0 : i32
    %dma_start3A_256 = tpu.memref_slice %arg2[%dma_start3A_254, %dma_start3A_255] : memref<23552x256xf32, #tpu.memory_space<hbm>> -> memref<23552x256xf32, #tpu.memory_space<hbm>>
    tpu.enqueue_indirect_dma source(%dma_start3A_256 : memref<23552x256xf32, #tpu.memory_space<hbm>>) target(%dma_start3A_250 : memref<112x256xf32, #tpu.memory_space<vmem>>) offsets(%dma_start3A_253 : memref<112xi32, #tpu.memory_space<vmem>>) semaphore(%arg8 : memref<!tpu.dma_semaphore, #tpu.memory_space<semaphore_mem>>)
    %dma_wait3A_257 = arith.constant 2 : i32
    %dma_wait3A_258 = arith.constant 0 : i32
    %dma_wait3A_259 = arith.constant 0 : i32
    %dma_wait3A_260 = arith.constant 0 : i32
    %dma_wait3A_261 = arith.constant 0 : i32
    %dma_wait3A_262 = arith.constant 0 : i32
    %dma_wait3A_263 = tpu.memref_slice %arg6[%dma_wait3A_259, %dma_wait3A_260, %dma_wait3A_261, %dma_wait3A_262] : memref<2x2x112x256xf32, #tpu.memory_space<vmem>> -> memref<1x1x112x256xf32, #tpu.memory_space<vmem>>
    %dma_wait3A_264 = tpu.memref_squeeze %dma_wait3A_263 : memref<1x1x112x256xf32, #tpu.memory_space<vmem>> -> memref<112x256xf32, #tpu.memory_space<vmem>>
    %dma_wait3A_265 = arith.constant 0 : i32
    %dma_wait3A_266 = tpu.memref_slice %arg5[%dma_wait3A_257, %dma_wait3A_258, %dma_wait3A_265] : memref<16x2x112xi32, #tpu.memory_space<vmem>> -> memref<1x1x112xi32, #tpu.memory_space<vmem>>
    %dma_wait3A_267 = tpu.memref_squeeze %dma_wait3A_266 : memref<1x1x112xi32, #tpu.memory_space<vmem>> -> memref<112xi32, #tpu.memory_space<vmem>>
    %dma_wait3A_268 = arith.constant 0 : i32
    %dma_wait3A_269 = arith.constant 0 : i32
    %dma_wait3A_270 = tpu.memref_slice %arg2[%dma_wait3A_268, %dma_wait3A_269] : memref<23552x256xf32, #tpu.memory_space<hbm>> -> memref<23552x256xf32, #tpu.memory_space<hbm>>
    tpu.wait_indirect_dma semaphore(%arg7 : memref<!tpu.dma_semaphore, #tpu.memory_space<semaphore_mem>>) src(%dma_wait3A_270 : memref<23552x256xf32, #tpu.memory_space<hbm>>) dst(%dma_wait3A_264 : memref<112x256xf32, #tpu.memory_space<vmem>>)
    %dma_wait3A_271 = arith.constant 2 : i32
    %dma_wait3A_272 = arith.constant 1 : i32
    %dma_wait3A_273 = arith.constant 0 : i32
    %dma_wait3A_274 = arith.constant 1 : i32
    %dma_wait3A_275 = arith.constant 0 : i32
    %dma_wait3A_276 = arith.constant 0 : i32
    %dma_wait3A_277 = tpu.memref_slice %arg6[%dma_wait3A_273, %dma_wait3A_274, %dma_wait3A_275, %dma_wait3A_276] : memref<2x2x112x256xf32, #tpu.memory_space<vmem>> -> memref<1x1x112x256xf32, #tpu.memory_space<vmem>>
    %dma_wait3A_278 = tpu.memref_squeeze %dma_wait3A_277 : memref<1x1x112x256xf32, #tpu.memory_space<vmem>> -> memref<112x256xf32, #tpu.memory_space<vmem>>
    %dma_wait3A_279 = arith.constant 0 : i32
    %dma_wait3A_280 = tpu.memref_slice %arg5[%dma_wait3A_271, %dma_wait3A_272, %dma_wait3A_279] : memref<16x2x112xi32, #tpu.memory_space<vmem>> -> memref<1x1x112xi32, #tpu.memory_space<vmem>>
    %dma_wait3A_281 = tpu.memref_squeeze %dma_wait3A_280 : memref<1x1x112xi32, #tpu.memory_space<vmem>> -> memref<112xi32, #tpu.memory_space<vmem>>
    %dma_wait3A_282 = arith.constant 0 : i32
    %dma_wait3A_283 = arith.constant 0 : i32
    %dma_wait3A_284 = tpu.memref_slice %arg2[%dma_wait3A_282, %dma_wait3A_283] : memref<23552x256xf32, #tpu.memory_space<hbm>> -> memref<23552x256xf32, #tpu.memory_space<hbm>>
    tpu.wait_indirect_dma semaphore(%arg7 : memref<!tpu.dma_semaphore, #tpu.memory_space<semaphore_mem>>) src(%dma_wait3A_284 : memref<23552x256xf32, #tpu.memory_space<hbm>>) dst(%dma_wait3A_278 : memref<112x256xf32, #tpu.memory_space<vmem>>)
    %add3A_285 = arith.constant 2 : i32
    %add3A_286 = arith.addi %mul3A_2, %add3A_285 : i32
    %dma_start3A_287 = arith.constant 0 : i32
    %dma_start3A_288 = arith.constant 0 : i32
    %dma_start3A_289 = arith.constant 0 : i32
    %dma_start3A_290 = arith.constant 0 : i32
    %dma_start3A_291 = tpu.memref_slice %arg6[%dma_start3A_287, %dma_start3A_288, %dma_start3A_289, %dma_start3A_290] : memref<2x2x112x256xf32, #tpu.memory_space<vmem>> -> memref<1x2x112x256xf32, #tpu.memory_space<vmem>>
    %dma_start3A_292 = tpu.memref_squeeze %dma_start3A_291 : memref<1x2x112x256xf32, #tpu.memory_space<vmem>> -> memref<2x112x256xf32, #tpu.memory_space<vmem>>
    %dma_start3A_293 = arith.constant 0 : i32
    %dma_start3A_294 = arith.constant 0 : i32
    %dma_start3A_295 = arith.constant 0 : i32
    %dma_start3A_296 = tpu.memref_slice %arg4[%add3A_286, %dma_start3A_293, %dma_start3A_294, %dma_start3A_295] : memref<512x2x112x256xf32, #tpu.memory_space<hbm>> -> memref<1x2x112x256xf32, #tpu.memory_space<hbm>>
    %dma_start3A_297 = tpu.memref_squeeze %dma_start3A_296 : memref<1x2x112x256xf32, #tpu.memory_space<hbm>> -> memref<2x112x256xf32, #tpu.memory_space<hbm>>
    %dma_start3A_298 = arith.constant 0 : i32
    %dma_start3A_299 = arith.constant 0 : i32
    %dma_start3A_300 = arith.constant 0 : i32
    %dma_start3A_301 = tpu.memref_slice %arg4[%add3A_286, %dma_start3A_298, %dma_start3A_299, %dma_start3A_300] : memref<512x2x112x256xf32, #tpu.memory_space<hbm>> -> memref<1x2x112x256xf32, #tpu.memory_space<hbm>>
    %dma_start3A_302 = tpu.memref_squeeze %dma_start3A_301 : memref<1x2x112x256xf32, #tpu.memory_space<hbm>> -> memref<2x112x256xf32, #tpu.memory_space<hbm>>
    %dma_start3A_303 = arith.constant 0 : i32
    %dma_start3A_304 = arith.constant 0 : i32
    %dma_start3A_305 = arith.constant 0 : i32
    %dma_start3A_306 = tpu.memref_slice %arg6[%dma_start3A_287, %dma_start3A_303, %dma_start3A_304, %dma_start3A_305] : memref<2x2x112x256xf32, #tpu.memory_space<vmem>> -> memref<1x2x112x256xf32, #tpu.memory_space<vmem>>
    %dma_start3A_307 = tpu.memref_squeeze %dma_start3A_306 : memref<1x2x112x256xf32, #tpu.memory_space<vmem>> -> memref<2x112x256xf32, #tpu.memory_space<vmem>>
    tpu.enqueue_dma source(%dma_start3A_307 : memref<2x112x256xf32, #tpu.memory_space<vmem>>) target(%dma_start3A_302 : memref<2x112x256xf32, #tpu.memory_space<hbm>>) target_semaphore(%arg9 : memref<!tpu.dma_semaphore, #tpu.memory_space<semaphore_mem>>)
    %dma_wait3A_308 = arith.constant 0 : i32
    %dma_wait3A_309 = arith.constant 0 : i32
    %dma_wait3A_310 = arith.constant 0 : i32
    %dma_wait3A_311 = arith.constant 0 : i32
    %dma_wait3A_312 = tpu.memref_slice %arg6[%dma_wait3A_308, %dma_wait3A_309, %dma_wait3A_310, %dma_wait3A_311] : memref<2x2x112x256xf32, #tpu.memory_space<vmem>> -> memref<1x2x112x256xf32, #tpu.memory_space<vmem>>
    %dma_wait3A_313 = tpu.memref_squeeze %dma_wait3A_312 : memref<1x2x112x256xf32, #tpu.memory_space<vmem>> -> memref<2x112x256xf32, #tpu.memory_space<vmem>>
    %dma_wait3A_314 = arith.constant 0 : i32
    %dma_wait3A_315 = arith.constant 0 : i32
    %dma_wait3A_316 = arith.constant 0 : i32
    %dma_wait3A_317 = tpu.memref_slice %arg4[%add3A_286, %dma_wait3A_314, %dma_wait3A_315, %dma_wait3A_316] : memref<512x2x112x256xf32, #tpu.memory_space<hbm>> -> memref<1x2x112x256xf32, #tpu.memory_space<hbm>>
    %dma_wait3A_318 = tpu.memref_squeeze %dma_wait3A_317 : memref<1x2x112x256xf32, #tpu.memory_space<hbm>> -> memref<2x112x256xf32, #tpu.memory_space<hbm>>
    %dma_wait3A_319 = arith.constant 0 : i32
    %dma_wait3A_320 = arith.constant 0 : i32
    %dma_wait3A_321 = arith.constant 0 : i32
    %dma_wait3A_322 = tpu.memref_slice %arg4[%add3A_286, %dma_wait3A_319, %dma_wait3A_320, %dma_wait3A_321] : memref<512x2x112x256xf32, #tpu.memory_space<hbm>> -> memref<1x2x112x256xf32, #tpu.memory_space<hbm>>
    %dma_wait3A_323 = tpu.memref_squeeze %dma_wait3A_322 : memref<1x2x112x256xf32, #tpu.memory_space<hbm>> -> memref<2x112x256xf32, #tpu.memory_space<hbm>>
    %dma_wait3A_324 = arith.constant 0 : i32
    %dma_wait3A_325 = arith.constant 0 : i32
    %dma_wait3A_326 = arith.constant 0 : i32
    %dma_wait3A_327 = tpu.memref_slice %arg6[%dma_wait3A_308, %dma_wait3A_324, %dma_wait3A_325, %dma_wait3A_326] : memref<2x2x112x256xf32, #tpu.memory_space<vmem>> -> memref<1x2x112x256xf32, #tpu.memory_space<vmem>>
    %dma_wait3A_328 = tpu.memref_squeeze %dma_wait3A_327 : memref<1x2x112x256xf32, #tpu.memory_space<vmem>> -> memref<2x112x256xf32, #tpu.memory_space<vmem>>
    tpu.wait_dma2 semaphore(%arg9 : memref<!tpu.dma_semaphore, #tpu.memory_space<semaphore_mem>>) src(%dma_wait3A_328 : memref<2x112x256xf32, #tpu.memory_space<vmem>>) dst(%dma_wait3A_323 : memref<2x112x256xf32, #tpu.memory_space<hbm>>)
    %dma_start3A_329 = arith.constant 4 : i32
    %dma_start3A_330 = arith.constant 0 : i32
    %dma_start3A_331 = arith.constant 0 : i32
    %dma_start3A_332 = arith.constant 0 : i32
    %dma_start3A_333 = arith.constant 0 : i32
    %dma_start3A_334 = arith.constant 0 : i32
    %dma_start3A_335 = tpu.memref_slice %arg6[%dma_start3A_331, %dma_start3A_332, %dma_start3A_333, %dma_start3A_334] : memref<2x2x112x256xf32, #tpu.memory_space<vmem>> -> memref<1x1x112x256xf32, #tpu.memory_space<vmem>>
    %dma_start3A_336 = tpu.memref_squeeze %dma_start3A_335 : memref<1x1x112x256xf32, #tpu.memory_space<vmem>> -> memref<112x256xf32, #tpu.memory_space<vmem>>
    %dma_start3A_337 = arith.constant 0 : i32
    %dma_start3A_338 = tpu.memref_slice %arg5[%dma_start3A_329, %dma_start3A_330, %dma_start3A_337] : memref<16x2x112xi32, #tpu.memory_space<vmem>> -> memref<1x1x112xi32, #tpu.memory_space<vmem>>
    %dma_start3A_339 = tpu.memref_squeeze %dma_start3A_338 : memref<1x1x112xi32, #tpu.memory_space<vmem>> -> memref<112xi32, #tpu.memory_space<vmem>>
    %dma_start3A_340 = arith.constant 0 : i32
    %dma_start3A_341 = arith.constant 0 : i32
    %dma_start3A_342 = tpu.memref_slice %arg2[%dma_start3A_340, %dma_start3A_341] : memref<23552x256xf32, #tpu.memory_space<hbm>> -> memref<23552x256xf32, #tpu.memory_space<hbm>>
    tpu.enqueue_indirect_dma source(%dma_start3A_342 : memref<23552x256xf32, #tpu.memory_space<hbm>>) target(%dma_start3A_336 : memref<112x256xf32, #tpu.memory_space<vmem>>) offsets(%dma_start3A_339 : memref<112xi32, #tpu.memory_space<vmem>>) semaphore(%arg7 : memref<!tpu.dma_semaphore, #tpu.memory_space<semaphore_mem>>)
    %dma_start3A_343 = arith.constant 4 : i32
    %dma_start3A_344 = arith.constant 1 : i32
    %dma_start3A_345 = arith.constant 0 : i32
    %dma_start3A_346 = arith.constant 1 : i32
    %dma_start3A_347 = arith.constant 0 : i32
    %dma_start3A_348 = arith.constant 0 : i32
    %dma_start3A_349 = tpu.memref_slice %arg6[%dma_start3A_345, %dma_start3A_346, %dma_start3A_347, %dma_start3A_348] : memref<2x2x112x256xf32, #tpu.memory_space<vmem>> -> memref<1x1x112x256xf32, #tpu.memory_space<vmem>>
    %dma_start3A_350 = tpu.memref_squeeze %dma_start3A_349 : memref<1x1x112x256xf32, #tpu.memory_space<vmem>> -> memref<112x256xf32, #tpu.memory_space<vmem>>
    %dma_start3A_351 = arith.constant 0 : i32
    %dma_start3A_352 = tpu.memref_slice %arg5[%dma_start3A_343, %dma_start3A_344, %dma_start3A_351] : memref<16x2x112xi32, #tpu.memory_space<vmem>> -> memref<1x1x112xi32, #tpu.memory_space<vmem>>
    %dma_start3A_353 = tpu.memref_squeeze %dma_start3A_352 : memref<1x1x112xi32, #tpu.memory_space<vmem>> -> memref<112xi32, #tpu.memory_space<vmem>>
    %dma_start3A_354 = arith.constant 0 : i32
    %dma_start3A_355 = arith.constant 0 : i32
    %dma_start3A_356 = tpu.memref_slice %arg2[%dma_start3A_354, %dma_start3A_355] : memref<23552x256xf32, #tpu.memory_space<hbm>> -> memref<23552x256xf32, #tpu.memory_space<hbm>>
    tpu.enqueue_indirect_dma source(%dma_start3A_356 : memref<23552x256xf32, #tpu.memory_space<hbm>>) target(%dma_start3A_350 : memref<112x256xf32, #tpu.memory_space<vmem>>) offsets(%dma_start3A_353 : memref<112xi32, #tpu.memory_space<vmem>>) semaphore(%arg7 : memref<!tpu.dma_semaphore, #tpu.memory_space<semaphore_mem>>)
    %dma_wait3A_357 = arith.constant 3 : i32
    %dma_wait3A_358 = arith.constant 0 : i32
    %dma_wait3A_359 = arith.constant 1 : i32
    %dma_wait3A_360 = arith.constant 0 : i32
    %dma_wait3A_361 = arith.constant 0 : i32
    %dma_wait3A_362 = arith.constant 0 : i32
    %dma_wait3A_363 = tpu.memref_slice %arg6[%dma_wait3A_359, %dma_wait3A_360, %dma_wait3A_361, %dma_wait3A_362] : memref<2x2x112x256xf32, #tpu.memory_space<vmem>> -> memref<1x1x112x256xf32, #tpu.memory_space<vmem>>
    %dma_wait3A_364 = tpu.memref_squeeze %dma_wait3A_363 : memref<1x1x112x256xf32, #tpu.memory_space<vmem>> -> memref<112x256xf32, #tpu.memory_space<vmem>>
    %dma_wait3A_365 = arith.constant 0 : i32
    %dma_wait3A_366 = tpu.memref_slice %arg5[%dma_wait3A_357, %dma_wait3A_358, %dma_wait3A_365] : memref<16x2x112xi32, #tpu.memory_space<vmem>> -> memref<1x1x112xi32, #tpu.memory_space<vmem>>
    %dma_wait3A_367 = tpu.memref_squeeze %dma_wait3A_366 : memref<1x1x112xi32, #tpu.memory_space<vmem>> -> memref<112xi32, #tpu.memory_space<vmem>>
    %dma_wait3A_368 = arith.constant 0 : i32
    %dma_wait3A_369 = arith.constant 0 : i32
    %dma_wait3A_370 = tpu.memref_slice %arg2[%dma_wait3A_368, %dma_wait3A_369] : memref<23552x256xf32, #tpu.memory_space<hbm>> -> memref<23552x256xf32, #tpu.memory_space<hbm>>
    tpu.wait_indirect_dma semaphore(%arg8 : memref<!tpu.dma_semaphore, #tpu.memory_space<semaphore_mem>>) src(%dma_wait3A_370 : memref<23552x256xf32, #tpu.memory_space<hbm>>) dst(%dma_wait3A_364 : memref<112x256xf32, #tpu.memory_space<vmem>>)
    %dma_wait3A_371 = arith.constant 3 : i32
    %dma_wait3A_372 = arith.constant 1 : i32
    %dma_wait3A_373 = arith.constant 1 : i32
    %dma_wait3A_374 = arith.constant 1 : i32
    %dma_wait3A_375 = arith.constant 0 : i32
    %dma_wait3A_376 = arith.constant 0 : i32
    %dma_wait3A_377 = tpu.memref_slice %arg6[%dma_wait3A_373, %dma_wait3A_374, %dma_wait3A_375, %dma_wait3A_376] : memref<2x2x112x256xf32, #tpu.memory_space<vmem>> -> memref<1x1x112x256xf32, #tpu.memory_space<vmem>>
    %dma_wait3A_378 = tpu.memref_squeeze %dma_wait3A_377 : memref<1x1x112x256xf32, #tpu.memory_space<vmem>> -> memref<112x256xf32, #tpu.memory_space<vmem>>
    %dma_wait3A_379 = arith.constant 0 : i32
    %dma_wait3A_380 = tpu.memref_slice %arg5[%dma_wait3A_371, %dma_wait3A_372, %dma_wait3A_379] : memref<16x2x112xi32, #tpu.memory_space<vmem>> -> memref<1x1x112xi32, #tpu.memory_space<vmem>>
    %dma_wait3A_381 = tpu.memref_squeeze %dma_wait3A_380 : memref<1x1x112xi32, #tpu.memory_space<vmem>> -> memref<112xi32, #tpu.memory_space<vmem>>
    %dma_wait3A_382 = arith.constant 0 : i32
    %dma_wait3A_383 = arith.constant 0 : i32
    %dma_wait3A_384 = tpu.memref_slice %arg2[%dma_wait3A_382, %dma_wait3A_383] : memref<23552x256xf32, #tpu.memory_space<hbm>> -> memref<23552x256xf32, #tpu.memory_space<hbm>>
    tpu.wait_indirect_dma semaphore(%arg8 : memref<!tpu.dma_semaphore, #tpu.memory_space<semaphore_mem>>) src(%dma_wait3A_384 : memref<23552x256xf32, #tpu.memory_space<hbm>>) dst(%dma_wait3A_378 : memref<112x256xf32, #tpu.memory_space<vmem>>)
    %add3A_385 = arith.constant 3 : i32
    %add3A_386 = arith.addi %mul3A_2, %add3A_385 : i32
    %dma_start3A_387 = arith.constant 1 : i32
    %dma_start3A_388 = arith.constant 0 : i32
    %dma_start3A_389 = arith.constant 0 : i32
    %dma_start3A_390 = arith.constant 0 : i32
    %dma_start3A_391 = tpu.memref_slice %arg6[%dma_start3A_387, %dma_start3A_388, %dma_start3A_389, %dma_start3A_390] : memref<2x2x112x256xf32, #tpu.memory_space<vmem>> -> memref<1x2x112x256xf32, #tpu.memory_space<vmem>>
    %dma_start3A_392 = tpu.memref_squeeze %dma_start3A_391 : memref<1x2x112x256xf32, #tpu.memory_space<vmem>> -> memref<2x112x256xf32, #tpu.memory_space<vmem>>
    %dma_start3A_393 = arith.constant 0 : i32
    %dma_start3A_394 = arith.constant 0 : i32
    %dma_start3A_395 = arith.constant 0 : i32
    %dma_start3A_396 = tpu.memref_slice %arg4[%add3A_386, %dma_start3A_393, %dma_start3A_394, %dma_start3A_395] : memref<512x2x112x256xf32, #tpu.memory_space<hbm>> -> memref<1x2x112x256xf32, #tpu.memory_space<hbm>>
    %dma_start3A_397 = tpu.memref_squeeze %dma_start3A_396 : memref<1x2x112x256xf32, #tpu.memory_space<hbm>> -> memref<2x112x256xf32, #tpu.memory_space<hbm>>
    %dma_start3A_398 = arith.constant 0 : i32
    %dma_start3A_399 = arith.constant 0 : i32
    %dma_start3A_400 = arith.constant 0 : i32
    %dma_start3A_401 = tpu.memref_slice %arg4[%add3A_386, %dma_start3A_398, %dma_start3A_399, %dma_start3A_400] : memref<512x2x112x256xf32, #tpu.memory_space<hbm>> -> memref<1x2x112x256xf32, #tpu.memory_space<hbm>>
    %dma_start3A_402 = tpu.memref_squeeze %dma_start3A_401 : memref<1x2x112x256xf32, #tpu.memory_space<hbm>> -> memref<2x112x256xf32, #tpu.memory_space<hbm>>
    %dma_start3A_403 = arith.constant 0 : i32
    %dma_start3A_404 = arith.constant 0 : i32
    %dma_start3A_405 = arith.constant 0 : i32
    %dma_start3A_406 = tpu.memref_slice %arg6[%dma_start3A_387, %dma_start3A_403, %dma_start3A_404, %dma_start3A_405] : memref<2x2x112x256xf32, #tpu.memory_space<vmem>> -> memref<1x2x112x256xf32, #tpu.memory_space<vmem>>
    %dma_start3A_407 = tpu.memref_squeeze %dma_start3A_406 : memref<1x2x112x256xf32, #tpu.memory_space<vmem>> -> memref<2x112x256xf32, #tpu.memory_space<vmem>>
    tpu.enqueue_dma source(%dma_start3A_407 : memref<2x112x256xf32, #tpu.memory_space<vmem>>) target(%dma_start3A_402 : memref<2x112x256xf32, #tpu.memory_space<hbm>>) target_semaphore(%arg10 : memref<!tpu.dma_semaphore, #tpu.memory_space<semaphore_mem>>)
    %dma_wait3A_408 = arith.constant 1 : i32
    %dma_wait3A_409 = arith.constant 0 : i32
    %dma_wait3A_410 = arith.constant 0 : i32
    %dma_wait3A_411 = arith.constant 0 : i32
    %dma_wait3A_412 = tpu.memref_slice %arg6[%dma_wait3A_408, %dma_wait3A_409, %dma_wait3A_410, %dma_wait3A_411] : memref<2x2x112x256xf32, #tpu.memory_space<vmem>> -> memref<1x2x112x256xf32, #tpu.memory_space<vmem>>
    %dma_wait3A_413 = tpu.memref_squeeze %dma_wait3A_412 : memref<1x2x112x256xf32, #tpu.memory_space<vmem>> -> memref<2x112x256xf32, #tpu.memory_space<vmem>>
    %dma_wait3A_414 = arith.constant 0 : i32
    %dma_wait3A_415 = arith.constant 0 : i32
    %dma_wait3A_416 = arith.constant 0 : i32
    %dma_wait3A_417 = tpu.memref_slice %arg4[%add3A_386, %dma_wait3A_414, %dma_wait3A_415, %dma_wait3A_416] : memref<512x2x112x256xf32, #tpu.memory_space<hbm>> -> memref<1x2x112x256xf32, #tpu.memory_space<hbm>>
    %dma_wait3A_418 = tpu.memref_squeeze %dma_wait3A_417 : memref<1x2x112x256xf32, #tpu.memory_space<hbm>> -> memref<2x112x256xf32, #tpu.memory_space<hbm>>
    %dma_wait3A_419 = arith.constant 0 : i32
    %dma_wait3A_420 = arith.constant 0 : i32
    %dma_wait3A_421 = arith.constant 0 : i32
    %dma_wait3A_422 = tpu.memref_slice %arg4[%add3A_386, %dma_wait3A_419, %dma_wait3A_420, %dma_wait3A_421] : memref<512x2x112x256xf32, #tpu.memory_space<hbm>> -> memref<1x2x112x256xf32, #tpu.memory_space<hbm>>
    %dma_wait3A_423 = tpu.memref_squeeze %dma_wait3A_422 : memref<1x2x112x256xf32, #tpu.memory_space<hbm>> -> memref<2x112x256xf32, #tpu.memory_space<hbm>>
    %dma_wait3A_424 = arith.constant 0 : i32
    %dma_wait3A_425 = arith.constant 0 : i32
    %dma_wait3A_426 = arith.constant 0 : i32
    %dma_wait3A_427 = tpu.memref_slice %arg6[%dma_wait3A_408, %dma_wait3A_424, %dma_wait3A_425, %dma_wait3A_426] : memref<2x2x112x256xf32, #tpu.memory_space<vmem>> -> memref<1x2x112x256xf32, #tpu.memory_space<vmem>>
    %dma_wait3A_428 = tpu.memref_squeeze %dma_wait3A_427 : memref<1x2x112x256xf32, #tpu.memory_space<vmem>> -> memref<2x112x256xf32, #tpu.memory_space<vmem>>
    tpu.wait_dma2 semaphore(%arg10 : memref<!tpu.dma_semaphore, #tpu.memory_space<semaphore_mem>>) src(%dma_wait3A_428 : memref<2x112x256xf32, #tpu.memory_space<vmem>>) dst(%dma_wait3A_423 : memref<2x112x256xf32, #tpu.memory_space<hbm>>)
    %dma_start3A_429 = arith.constant 5 : i32
    %dma_start3A_430 = arith.constant 0 : i32
    %dma_start3A_431 = arith.constant 1 : i32
    %dma_start3A_432 = arith.constant 0 : i32
    %dma_start3A_433 = arith.constant 0 : i32
    %dma_start3A_434 = arith.constant 0 : i32
    %dma_start3A_435 = tpu.memref_slice %arg6[%dma_start3A_431, %dma_start3A_432, %dma_start3A_433, %dma_start3A_434] : memref<2x2x112x256xf32, #tpu.memory_space<vmem>> -> memref<1x1x112x256xf32, #tpu.memory_space<vmem>>
    %dma_start3A_436 = tpu.memref_squeeze %dma_start3A_435 : memref<1x1x112x256xf32, #tpu.memory_space<vmem>> -> memref<112x256xf32, #tpu.memory_space<vmem>>
    %dma_start3A_437 = arith.constant 0 : i32
    %dma_start3A_438 = tpu.memref_slice %arg5[%dma_start3A_429, %dma_start3A_430, %dma_start3A_437] : memref<16x2x112xi32, #tpu.memory_space<vmem>> -> memref<1x1x112xi32, #tpu.memory_space<vmem>>
    %dma_start3A_439 = tpu.memref_squeeze %dma_start3A_438 : memref<1x1x112xi32, #tpu.memory_space<vmem>> -> memref<112xi32, #tpu.memory_space<vmem>>
    %dma_start3A_440 = arith.constant 0 : i32
    %dma_start3A_441 = arith.constant 0 : i32
    %dma_start3A_442 = tpu.memref_slice %arg2[%dma_start3A_440, %dma_start3A_441] : memref<23552x256xf32, #tpu.memory_space<hbm>> -> memref<23552x256xf32, #tpu.memory_space<hbm>>
    tpu.enqueue_indirect_dma source(%dma_start3A_442 : memref<23552x256xf32, #tpu.memory_space<hbm>>) target(%dma_start3A_436 : memref<112x256xf32, #tpu.memory_space<vmem>>) offsets(%dma_start3A_439 : memref<112xi32, #tpu.memory_space<vmem>>) semaphore(%arg8 : memref<!tpu.dma_semaphore, #tpu.memory_space<semaphore_mem>>)
    %dma_start3A_443 = arith.constant 5 : i32
    %dma_start3A_444 = arith.constant 1 : i32
    %dma_start3A_445 = arith.constant 1 : i32
    %dma_start3A_446 = arith.constant 1 : i32
    %dma_start3A_447 = arith.constant 0 : i32
    %dma_start3A_448 = arith.constant 0 : i32
    %dma_start3A_449 = tpu.memref_slice %arg6[%dma_start3A_445, %dma_start3A_446, %dma_start3A_447, %dma_start3A_448] : memref<2x2x112x256xf32, #tpu.memory_space<vmem>> -> memref<1x1x112x256xf32, #tpu.memory_space<vmem>>
    %dma_start3A_450 = tpu.memref_squeeze %dma_start3A_449 : memref<1x1x112x256xf32, #tpu.memory_space<vmem>> -> memref<112x256xf32, #tpu.memory_space<vmem>>
    %dma_start3A_451 = arith.constant 0 : i32
    %dma_start3A_452 = tpu.memref_slice %arg5[%dma_start3A_443, %dma_start3A_444, %dma_start3A_451] : memref<16x2x112xi32, #tpu.memory_space<vmem>> -> memref<1x1x112xi32, #tpu.memory_space<vmem>>
    %dma_start3A_453 = tpu.memref_squeeze %dma_start3A_452 : memref<1x1x112xi32, #tpu.memory_space<vmem>> -> memref<112xi32, #tpu.memory_space<vmem>>
    %dma_start3A_454 = arith.constant 0 : i32
    %dma_start3A_455 = arith.constant 0 : i32
    %dma_start3A_456 = tpu.memref_slice %arg2[%dma_start3A_454, %dma_start3A_455] : memref<23552x256xf32, #tpu.memory_space<hbm>> -> memref<23552x256xf32, #tpu.memory_space<hbm>>
    tpu.enqueue_indirect_dma source(%dma_start3A_456 : memref<23552x256xf32, #tpu.memory_space<hbm>>) target(%dma_start3A_450 : memref<112x256xf32, #tpu.memory_space<vmem>>) offsets(%dma_start3A_453 : memref<112xi32, #tpu.memory_space<vmem>>) semaphore(%arg8 : memref<!tpu.dma_semaphore, #tpu.memory_space<semaphore_mem>>)
    %dma_wait3A_457 = arith.constant 4 : i32
    %dma_wait3A_458 = arith.constant 0 : i32
    %dma_wait3A_459 = arith.constant 0 : i32
    %dma_wait3A_460 = arith.constant 0 : i32
    %dma_wait3A_461 = arith.constant 0 : i32
    %dma_wait3A_462 = arith.constant 0 : i32
    %dma_wait3A_463 = tpu.memref_slice %arg6[%dma_wait3A_459, %dma_wait3A_460, %dma_wait3A_461, %dma_wait3A_462] : memref<2x2x112x256xf32, #tpu.memory_space<vmem>> -> memref<1x1x112x256xf32, #tpu.memory_space<vmem>>
    %dma_wait3A_464 = tpu.memref_squeeze %dma_wait3A_463 : memref<1x1x112x256xf32, #tpu.memory_space<vmem>> -> memref<112x256xf32, #tpu.memory_space<vmem>>
    %dma_wait3A_465 = arith.constant 0 : i32
    %dma_wait3A_466 = tpu.memref_slice %arg5[%dma_wait3A_457, %dma_wait3A_458, %dma_wait3A_465] : memref<16x2x112xi32, #tpu.memory_space<vmem>> -> memref<1x1x112xi32, #tpu.memory_space<vmem>>
    %dma_wait3A_467 = tpu.memref_squeeze %dma_wait3A_466 : memref<1x1x112xi32, #tpu.memory_space<vmem>> -> memref<112xi32, #tpu.memory_space<vmem>>
    %dma_wait3A_468 = arith.constant 0 : i32
    %dma_wait3A_469 = arith.constant 0 : i32
    %dma_wait3A_470 = tpu.memref_slice %arg2[%dma_wait3A_468, %dma_wait3A_469] : memref<23552x256xf32, #tpu.memory_space<hbm>> -> memref<23552x256xf32, #tpu.memory_space<hbm>>
    tpu.wait_indirect_dma semaphore(%arg7 : memref<!tpu.dma_semaphore, #tpu.memory_space<semaphore_mem>>) src(%dma_wait3A_470 : memref<23552x256xf32, #tpu.memory_space<hbm>>) dst(%dma_wait3A_464 : memref<112x256xf32, #tpu.memory_space<vmem>>)
    %dma_wait3A_471 = arith.constant 4 : i32
    %dma_wait3A_472 = arith.constant 1 : i32
    %dma_wait3A_473 = arith.constant 0 : i32
    %dma_wait3A_474 = arith.constant 1 : i32
    %dma_wait3A_475 = arith.constant 0 : i32
    %dma_wait3A_476 = arith.constant 0 : i32
    %dma_wait3A_477 = tpu.memref_slice %arg6[%dma_wait3A_473, %dma_wait3A_474, %dma_wait3A_475, %dma_wait3A_476] : memref<2x2x112x256xf32, #tpu.memory_space<vmem>> -> memref<1x1x112x256xf32, #tpu.memory_space<vmem>>
    %dma_wait3A_478 = tpu.memref_squeeze %dma_wait3A_477 : memref<1x1x112x256xf32, #tpu.memory_space<vmem>> -> memref<112x256xf32, #tpu.memory_space<vmem>>
    %dma_wait3A_479 = arith.constant 0 : i32
    %dma_wait3A_480 = tpu.memref_slice %arg5[%dma_wait3A_471, %dma_wait3A_472, %dma_wait3A_479] : memref<16x2x112xi32, #tpu.memory_space<vmem>> -> memref<1x1x112xi32, #tpu.memory_space<vmem>>
    %dma_wait3A_481 = tpu.memref_squeeze %dma_wait3A_480 : memref<1x1x112xi32, #tpu.memory_space<vmem>> -> memref<112xi32, #tpu.memory_space<vmem>>
    %dma_wait3A_482 = arith.constant 0 : i32
    %dma_wait3A_483 = arith.constant 0 : i32
    %dma_wait3A_484 = tpu.memref_slice %arg2[%dma_wait3A_482, %dma_wait3A_483] : memref<23552x256xf32, #tpu.memory_space<hbm>> -> memref<23552x256xf32, #tpu.memory_space<hbm>>
    tpu.wait_indirect_dma semaphore(%arg7 : memref<!tpu.dma_semaphore, #tpu.memory_space<semaphore_mem>>) src(%dma_wait3A_484 : memref<23552x256xf32, #tpu.memory_space<hbm>>) dst(%dma_wait3A_478 : memref<112x256xf32, #tpu.memory_space<vmem>>)
    %add3A_485 = arith.constant 4 : i32
    %add3A_486 = arith.addi %mul3A_2, %add3A_485 : i32
    %dma_start3A_487 = arith.constant 0 : i32
    %dma_start3A_488 = arith.constant 0 : i32
    %dma_start3A_489 = arith.constant 0 : i32
    %dma_start3A_490 = arith.constant 0 : i32
    %dma_start3A_491 = tpu.memref_slice %arg6[%dma_start3A_487, %dma_start3A_488, %dma_start3A_489, %dma_start3A_490] : memref<2x2x112x256xf32, #tpu.memory_space<vmem>> -> memref<1x2x112x256xf32, #tpu.memory_space<vmem>>
    %dma_start3A_492 = tpu.memref_squeeze %dma_start3A_491 : memref<1x2x112x256xf32, #tpu.memory_space<vmem>> -> memref<2x112x256xf32, #tpu.memory_space<vmem>>
    %dma_start3A_493 = arith.constant 0 : i32
    %dma_start3A_494 = arith.constant 0 : i32
    %dma_start3A_495 = arith.constant 0 : i32
    %dma_start3A_496 = tpu.memref_slice %arg4[%add3A_486, %dma_start3A_493, %dma_start3A_494, %dma_start3A_495] : memref<512x2x112x256xf32, #tpu.memory_space<hbm>> -> memref<1x2x112x256xf32, #tpu.memory_space<hbm>>
    %dma_start3A_497 = tpu.memref_squeeze %dma_start3A_496 : memref<1x2x112x256xf32, #tpu.memory_space<hbm>> -> memref<2x112x256xf32, #tpu.memory_space<hbm>>
    %dma_start3A_498 = arith.constant 0 : i32
    %dma_start3A_499 = arith.constant 0 : i32
    %dma_start3A_500 = arith.constant 0 : i32
    %dma_start3A_501 = tpu.memref_slice %arg4[%add3A_486, %dma_start3A_498, %dma_start3A_499, %dma_start3A_500] : memref<512x2x112x256xf32, #tpu.memory_space<hbm>> -> memref<1x2x112x256xf32, #tpu.memory_space<hbm>>
    %dma_start3A_502 = tpu.memref_squeeze %dma_start3A_501 : memref<1x2x112x256xf32, #tpu.memory_space<hbm>> -> memref<2x112x256xf32, #tpu.memory_space<hbm>>
    %dma_start3A_503 = arith.constant 0 : i32
    %dma_start3A_504 = arith.constant 0 : i32
    %dma_start3A_505 = arith.constant 0 : i32
    %dma_start3A_506 = tpu.memref_slice %arg6[%dma_start3A_487, %dma_start3A_503, %dma_start3A_504, %dma_start3A_505] : memref<2x2x112x256xf32, #tpu.memory_space<vmem>> -> memref<1x2x112x256xf32, #tpu.memory_space<vmem>>
    %dma_start3A_507 = tpu.memref_squeeze %dma_start3A_506 : memref<1x2x112x256xf32, #tpu.memory_space<vmem>> -> memref<2x112x256xf32, #tpu.memory_space<vmem>>
    tpu.enqueue_dma source(%dma_start3A_507 : memref<2x112x256xf32, #tpu.memory_space<vmem>>) target(%dma_start3A_502 : memref<2x112x256xf32, #tpu.memory_space<hbm>>) target_semaphore(%arg9 : memref<!tpu.dma_semaphore, #tpu.memory_space<semaphore_mem>>)
    %dma_wait3A_508 = arith.constant 0 : i32
    %dma_wait3A_509 = arith.constant 0 : i32
    %dma_wait3A_510 = arith.constant 0 : i32
    %dma_wait3A_511 = arith.constant 0 : i32
    %dma_wait3A_512 = tpu.memref_slice %arg6[%dma_wait3A_508, %dma_wait3A_509, %dma_wait3A_510, %dma_wait3A_511] : memref<2x2x112x256xf32, #tpu.memory_space<vmem>> -> memref<1x2x112x256xf32, #tpu.memory_space<vmem>>
    %dma_wait3A_513 = tpu.memref_squeeze %dma_wait3A_512 : memref<1x2x112x256xf32, #tpu.memory_space<vmem>> -> memref<2x112x256xf32, #tpu.memory_space<vmem>>
    %dma_wait3A_514 = arith.constant 0 : i32
    %dma_wait3A_515 = arith.constant 0 : i32
    %dma_wait3A_516 = arith.constant 0 : i32
    %dma_wait3A_517 = tpu.memref_slice %arg4[%add3A_486, %dma_wait3A_514, %dma_wait3A_515, %dma_wait3A_516] : memref<512x2x112x256xf32, #tpu.memory_space<hbm>> -> memref<1x2x112x256xf32, #tpu.memory_space<hbm>>
    %dma_wait3A_518 = tpu.memref_squeeze %dma_wait3A_517 : memref<1x2x112x256xf32, #tpu.memory_space<hbm>> -> memref<2x112x256xf32, #tpu.memory_space<hbm>>
    %dma_wait3A_519 = arith.constant 0 : i32
    %dma_wait3A_520 = arith.constant 0 : i32
    %dma_wait3A_521 = arith.constant 0 : i32
    %dma_wait3A_522 = tpu.memref_slice %arg4[%add3A_486, %dma_wait3A_519, %dma_wait3A_520, %dma_wait3A_521] : memref<512x2x112x256xf32, #tpu.memory_space<hbm>> -> memref<1x2x112x256xf32, #tpu.memory_space<hbm>>
    %dma_wait3A_523 = tpu.memref_squeeze %dma_wait3A_522 : memref<1x2x112x256xf32, #tpu.memory_space<hbm>> -> memref<2x112x256xf32, #tpu.memory_space<hbm>>
    %dma_wait3A_524 = arith.constant 0 : i32
    %dma_wait3A_525 = arith.constant 0 : i32
    %dma_wait3A_526 = arith.constant 0 : i32
    %dma_wait3A_527 = tpu.memref_slice %arg6[%dma_wait3A_508, %dma_wait3A_524, %dma_wait3A_525, %dma_wait3A_526] : memref<2x2x112x256xf32, #tpu.memory_space<vmem>> -> memref<1x2x112x256xf32, #tpu.memory_space<vmem>>
    %dma_wait3A_528 = tpu.memref_squeeze %dma_wait3A_527 : memref<1x2x112x256xf32, #tpu.memory_space<vmem>> -> memref<2x112x256xf32, #tpu.memory_space<vmem>>
    tpu.wait_dma2 semaphore(%arg9 : memref<!tpu.dma_semaphore, #tpu.memory_space<semaphore_mem>>) src(%dma_wait3A_528 : memref<2x112x256xf32, #tpu.memory_space<vmem>>) dst(%dma_wait3A_523 : memref<2x112x256xf32, #tpu.memory_space<hbm>>)
    %dma_start3A_529 = arith.constant 6 : i32
    %dma_start3A_530 = arith.constant 0 : i32
    %dma_start3A_531 = arith.constant 0 : i32
    %dma_start3A_532 = arith.constant 0 : i32
    %dma_start3A_533 = arith.constant 0 : i32
    %dma_start3A_534 = arith.constant 0 : i32
    %dma_start3A_535 = tpu.memref_slice %arg6[%dma_start3A_531, %dma_start3A_532, %dma_start3A_533, %dma_start3A_534] : memref<2x2x112x256xf32, #tpu.memory_space<vmem>> -> memref<1x1x112x256xf32, #tpu.memory_space<vmem>>
    %dma_start3A_536 = tpu.memref_squeeze %dma_start3A_535 : memref<1x1x112x256xf32, #tpu.memory_space<vmem>> -> memref<112x256xf32, #tpu.memory_space<vmem>>
    %dma_start3A_537 = arith.constant 0 : i32
    %dma_start3A_538 = tpu.memref_slice %arg5[%dma_start3A_529, %dma_start3A_530, %dma_start3A_537] : memref<16x2x112xi32, #tpu.memory_space<vmem>> -> memref<1x1x112xi32, #tpu.memory_space<vmem>>
    %dma_start3A_539 = tpu.memref_squeeze %dma_start3A_538 : memref<1x1x112xi32, #tpu.memory_space<vmem>> -> memref<112xi32, #tpu.memory_space<vmem>>
    %dma_start3A_540 = arith.constant 0 : i32
    %dma_start3A_541 = arith.constant 0 : i32
    %dma_start3A_542 = tpu.memref_slice %arg2[%dma_start3A_540, %dma_start3A_541] : memref<23552x256xf32, #tpu.memory_space<hbm>> -> memref<23552x256xf32, #tpu.memory_space<hbm>>
    tpu.enqueue_indirect_dma source(%dma_start3A_542 : memref<23552x256xf32, #tpu.memory_space<hbm>>) target(%dma_start3A_536 : memref<112x256xf32, #tpu.memory_space<vmem>>) offsets(%dma_start3A_539 : memref<112xi32, #tpu.memory_space<vmem>>) semaphore(%arg7 : memref<!tpu.dma_semaphore, #tpu.memory_space<semaphore_mem>>)
    %dma_start3A_543 = arith.constant 6 : i32
    %dma_start3A_544 = arith.constant 1 : i32
    %dma_start3A_545 = arith.constant 0 : i32
    %dma_start3A_546 = arith.constant 1 : i32
    %dma_start3A_547 = arith.constant 0 : i32
    %dma_start3A_548 = arith.constant 0 : i32
    %dma_start3A_549 = tpu.memref_slice %arg6[%dma_start3A_545, %dma_start3A_546, %dma_start3A_547, %dma_start3A_548] : memref<2x2x112x256xf32, #tpu.memory_space<vmem>> -> memref<1x1x112x256xf32, #tpu.memory_space<vmem>>
    %dma_start3A_550 = tpu.memref_squeeze %dma_start3A_549 : memref<1x1x112x256xf32, #tpu.memory_space<vmem>> -> memref<112x256xf32, #tpu.memory_space<vmem>>
    %dma_start3A_551 = arith.constant 0 : i32
    %dma_start3A_552 = tpu.memref_slice %arg5[%dma_start3A_543, %dma_start3A_544, %dma_start3A_551] : memref<16x2x112xi32, #tpu.memory_space<vmem>> -> memref<1x1x112xi32, #tpu.memory_space<vmem>>
    %dma_start3A_553 = tpu.memref_squeeze %dma_start3A_552 : memref<1x1x112xi32, #tpu.memory_space<vmem>> -> memref<112xi32, #tpu.memory_space<vmem>>
    %dma_start3A_554 = arith.constant 0 : i32
    %dma_start3A_555 = arith.constant 0 : i32
    %dma_start3A_556 = tpu.memref_slice %arg2[%dma_start3A_554, %dma_start3A_555] : memref<23552x256xf32, #tpu.memory_space<hbm>> -> memref<23552x256xf32, #tpu.memory_space<hbm>>
    tpu.enqueue_indirect_dma source(%dma_start3A_556 : memref<23552x256xf32, #tpu.memory_space<hbm>>) target(%dma_start3A_550 : memref<112x256xf32, #tpu.memory_space<vmem>>) offsets(%dma_start3A_553 : memref<112xi32, #tpu.memory_space<vmem>>) semaphore(%arg7 : memref<!tpu.dma_semaphore, #tpu.memory_space<semaphore_mem>>)
    %dma_wait3A_557 = arith.constant 5 : i32
    %dma_wait3A_558 = arith.constant 0 : i32
    %dma_wait3A_559 = arith.constant 1 : i32
    %dma_wait3A_560 = arith.constant 0 : i32
    %dma_wait3A_561 = arith.constant 0 : i32
    %dma_wait3A_562 = arith.constant 0 : i32
    %dma_wait3A_563 = tpu.memref_slice %arg6[%dma_wait3A_559, %dma_wait3A_560, %dma_wait3A_561, %dma_wait3A_562] : memref<2x2x112x256xf32, #tpu.memory_space<vmem>> -> memref<1x1x112x256xf32, #tpu.memory_space<vmem>>
    %dma_wait3A_564 = tpu.memref_squeeze %dma_wait3A_563 : memref<1x1x112x256xf32, #tpu.memory_space<vmem>> -> memref<112x256xf32, #tpu.memory_space<vmem>>
    %dma_wait3A_565 = arith.constant 0 : i32
    %dma_wait3A_566 = tpu.memref_slice %arg5[%dma_wait3A_557, %dma_wait3A_558, %dma_wait3A_565] : memref<16x2x112xi32, #tpu.memory_space<vmem>> -> memref<1x1x112xi32, #tpu.memory_space<vmem>>
    %dma_wait3A_567 = tpu.memref_squeeze %dma_wait3A_566 : memref<1x1x112xi32, #tpu.memory_space<vmem>> -> memref<112xi32, #tpu.memory_space<vmem>>
    %dma_wait3A_568 = arith.constant 0 : i32
    %dma_wait3A_569 = arith.constant 0 : i32
    %dma_wait3A_570 = tpu.memref_slice %arg2[%dma_wait3A_568, %dma_wait3A_569] : memref<23552x256xf32, #tpu.memory_space<hbm>> -> memref<23552x256xf32, #tpu.memory_space<hbm>>
    tpu.wait_indirect_dma semaphore(%arg8 : memref<!tpu.dma_semaphore, #tpu.memory_space<semaphore_mem>>) src(%dma_wait3A_570 : memref<23552x256xf32, #tpu.memory_space<hbm>>) dst(%dma_wait3A_564 : memref<112x256xf32, #tpu.memory_space<vmem>>)
    %dma_wait3A_571 = arith.constant 5 : i32
    %dma_wait3A_572 = arith.constant 1 : i32
    %dma_wait3A_573 = arith.constant 1 : i32
    %dma_wait3A_574 = arith.constant 1 : i32
    %dma_wait3A_575 = arith.constant 0 : i32
    %dma_wait3A_576 = arith.constant 0 : i32
    %dma_wait3A_577 = tpu.memref_slice %arg6[%dma_wait3A_573, %dma_wait3A_574, %dma_wait3A_575, %dma_wait3A_576] : memref<2x2x112x256xf32, #tpu.memory_space<vmem>> -> memref<1x1x112x256xf32, #tpu.memory_space<vmem>>
    %dma_wait3A_578 = tpu.memref_squeeze %dma_wait3A_577 : memref<1x1x112x256xf32, #tpu.memory_space<vmem>> -> memref<112x256xf32, #tpu.memory_space<vmem>>
    %dma_wait3A_579 = arith.constant 0 : i32
    %dma_wait3A_580 = tpu.memref_slice %arg5[%dma_wait3A_571, %dma_wait3A_572, %dma_wait3A_579] : memref<16x2x112xi32, #tpu.memory_space<vmem>> -> memref<1x1x112xi32, #tpu.memory_space<vmem>>
    %dma_wait3A_581 = tpu.memref_squeeze %dma_wait3A_580 : memref<1x1x112xi32, #tpu.memory_space<vmem>> -> memref<112xi32, #tpu.memory_space<vmem>>
    %dma_wait3A_582 = arith.constant 0 : i32
    %dma_wait3A_583 = arith.constant 0 : i32
    %dma_wait3A_584 = tpu.memref_slice %arg2[%dma_wait3A_582, %dma_wait3A_583] : memref<23552x256xf32, #tpu.memory_space<hbm>> -> memref<23552x256xf32, #tpu.memory_space<hbm>>
    tpu.wait_indirect_dma semaphore(%arg8 : memref<!tpu.dma_semaphore, #tpu.memory_space<semaphore_mem>>) src(%dma_wait3A_584 : memref<23552x256xf32, #tpu.memory_space<hbm>>) dst(%dma_wait3A_578 : memref<112x256xf32, #tpu.memory_space<vmem>>)
    %add3A_585 = arith.constant 5 : i32
    %add3A_586 = arith.addi %mul3A_2, %add3A_585 : i32
    %dma_start3A_587 = arith.constant 1 : i32
    %dma_start3A_588 = arith.constant 0 : i32
    %dma_start3A_589 = arith.constant 0 : i32
    %dma_start3A_590 = arith.constant 0 : i32
    %dma_start3A_591 = tpu.memref_slice %arg6[%dma_start3A_587, %dma_start3A_588, %dma_start3A_589, %dma_start3A_590] : memref<2x2x112x256xf32, #tpu.memory_space<vmem>> -> memref<1x2x112x256xf32, #tpu.memory_space<vmem>>
    %dma_start3A_592 = tpu.memref_squeeze %dma_start3A_591 : memref<1x2x112x256xf32, #tpu.memory_space<vmem>> -> memref<2x112x256xf32, #tpu.memory_space<vmem>>
    %dma_start3A_593 = arith.constant 0 : i32
    %dma_start3A_594 = arith.constant 0 : i32
    %dma_start3A_595 = arith.constant 0 : i32
    %dma_start3A_596 = tpu.memref_slice %arg4[%add3A_586, %dma_start3A_593, %dma_start3A_594, %dma_start3A_595] : memref<512x2x112x256xf32, #tpu.memory_space<hbm>> -> memref<1x2x112x256xf32, #tpu.memory_space<hbm>>
    %dma_start3A_597 = tpu.memref_squeeze %dma_start3A_596 : memref<1x2x112x256xf32, #tpu.memory_space<hbm>> -> memref<2x112x256xf32, #tpu.memory_space<hbm>>
    %dma_start3A_598 = arith.constant 0 : i32
    %dma_start3A_599 = arith.constant 0 : i32
    %dma_start3A_600 = arith.constant 0 : i32
    %dma_start3A_601 = tpu.memref_slice %arg4[%add3A_586, %dma_start3A_598, %dma_start3A_599, %dma_start3A_600] : memref<512x2x112x256xf32, #tpu.memory_space<hbm>> -> memref<1x2x112x256xf32, #tpu.memory_space<hbm>>
    %dma_start3A_602 = tpu.memref_squeeze %dma_start3A_601 : memref<1x2x112x256xf32, #tpu.memory_space<hbm>> -> memref<2x112x256xf32, #tpu.memory_space<hbm>>
    %dma_start3A_603 = arith.constant 0 : i32
    %dma_start3A_604 = arith.constant 0 : i32
    %dma_start3A_605 = arith.constant 0 : i32
    %dma_start3A_606 = tpu.memref_slice %arg6[%dma_start3A_587, %dma_start3A_603, %dma_start3A_604, %dma_start3A_605] : memref<2x2x112x256xf32, #tpu.memory_space<vmem>> -> memref<1x2x112x256xf32, #tpu.memory_space<vmem>>
    %dma_start3A_607 = tpu.memref_squeeze %dma_start3A_606 : memref<1x2x112x256xf32, #tpu.memory_space<vmem>> -> memref<2x112x256xf32, #tpu.memory_space<vmem>>
    tpu.enqueue_dma source(%dma_start3A_607 : memref<2x112x256xf32, #tpu.memory_space<vmem>>) target(%dma_start3A_602 : memref<2x112x256xf32, #tpu.memory_space<hbm>>) target_semaphore(%arg10 : memref<!tpu.dma_semaphore, #tpu.memory_space<semaphore_mem>>)
    %dma_wait3A_608 = arith.constant 1 : i32
    %dma_wait3A_609 = arith.constant 0 : i32
    %dma_wait3A_610 = arith.constant 0 : i32
    %dma_wait3A_611 = arith.constant 0 : i32
    %dma_wait3A_612 = tpu.memref_slice %arg6[%dma_wait3A_608, %dma_wait3A_609, %dma_wait3A_610, %dma_wait3A_611] : memref<2x2x112x256xf32, #tpu.memory_space<vmem>> -> memref<1x2x112x256xf32, #tpu.memory_space<vmem>>
    %dma_wait3A_613 = tpu.memref_squeeze %dma_wait3A_612 : memref<1x2x112x256xf32, #tpu.memory_space<vmem>> -> memref<2x112x256xf32, #tpu.memory_space<vmem>>
    %dma_wait3A_614 = arith.constant 0 : i32
    %dma_wait3A_615 = arith.constant 0 : i32
    %dma_wait3A_616 = arith.constant 0 : i32
    %dma_wait3A_617 = tpu.memref_slice %arg4[%add3A_586, %dma_wait3A_614, %dma_wait3A_615, %dma_wait3A_616] : memref<512x2x112x256xf32, #tpu.memory_space<hbm>> -> memref<1x2x112x256xf32, #tpu.memory_space<hbm>>
    %dma_wait3A_618 = tpu.memref_squeeze %dma_wait3A_617 : memref<1x2x112x256xf32, #tpu.memory_space<hbm>> -> memref<2x112x256xf32, #tpu.memory_space<hbm>>
    %dma_wait3A_619 = arith.constant 0 : i32
    %dma_wait3A_620 = arith.constant 0 : i32
    %dma_wait3A_621 = arith.constant 0 : i32
    %dma_wait3A_622 = tpu.memref_slice %arg4[%add3A_586, %dma_wait3A_619, %dma_wait3A_620, %dma_wait3A_621] : memref<512x2x112x256xf32, #tpu.memory_space<hbm>> -> memref<1x2x112x256xf32, #tpu.memory_space<hbm>>
    %dma_wait3A_623 = tpu.memref_squeeze %dma_wait3A_622 : memref<1x2x112x256xf32, #tpu.memory_space<hbm>> -> memref<2x112x256xf32, #tpu.memory_space<hbm>>
    %dma_wait3A_624 = arith.constant 0 : i32
    %dma_wait3A_625 = arith.constant 0 : i32
    %dma_wait3A_626 = arith.constant 0 : i32
    %dma_wait3A_627 = tpu.memref_slice %arg6[%dma_wait3A_608, %dma_wait3A_624, %dma_wait3A_625, %dma_wait3A_626] : memref<2x2x112x256xf32, #tpu.memory_space<vmem>> -> memref<1x2x112x256xf32, #tpu.memory_space<vmem>>
    %dma_wait3A_628 = tpu.memref_squeeze %dma_wait3A_627 : memref<1x2x112x256xf32, #tpu.memory_space<vmem>> -> memref<2x112x256xf32, #tpu.memory_space<vmem>>
    tpu.wait_dma2 semaphore(%arg10 : memref<!tpu.dma_semaphore, #tpu.memory_space<semaphore_mem>>) src(%dma_wait3A_628 : memref<2x112x256xf32, #tpu.memory_space<vmem>>) dst(%dma_wait3A_623 : memref<2x112x256xf32, #tpu.memory_space<hbm>>)
    %dma_start3A_629 = arith.constant 7 : i32
    %dma_start3A_630 = arith.constant 0 : i32
    %dma_start3A_631 = arith.constant 1 : i32
    %dma_start3A_632 = arith.constant 0 : i32
    %dma_start3A_633 = arith.constant 0 : i32
    %dma_start3A_634 = arith.constant 0 : i32
    %dma_start3A_635 = tpu.memref_slice %arg6[%dma_start3A_631, %dma_start3A_632, %dma_start3A_633, %dma_start3A_634] : memref<2x2x112x256xf32, #tpu.memory_space<vmem>> -> memref<1x1x112x256xf32, #tpu.memory_space<vmem>>
    %dma_start3A_636 = tpu.memref_squeeze %dma_start3A_635 : memref<1x1x112x256xf32, #tpu.memory_space<vmem>> -> memref<112x256xf32, #tpu.memory_space<vmem>>
    %dma_start3A_637 = arith.constant 0 : i32
    %dma_start3A_638 = tpu.memref_slice %arg5[%dma_start3A_629, %dma_start3A_630, %dma_start3A_637] : memref<16x2x112xi32, #tpu.memory_space<vmem>> -> memref<1x1x112xi32, #tpu.memory_space<vmem>>
    %dma_start3A_639 = tpu.memref_squeeze %dma_start3A_638 : memref<1x1x112xi32, #tpu.memory_space<vmem>> -> memref<112xi32, #tpu.memory_space<vmem>>
    %dma_start3A_640 = arith.constant 0 : i32
    %dma_start3A_641 = arith.constant 0 : i32
    %dma_start3A_642 = tpu.memref_slice %arg2[%dma_start3A_640, %dma_start3A_641] : memref<23552x256xf32, #tpu.memory_space<hbm>> -> memref<23552x256xf32, #tpu.memory_space<hbm>>
    tpu.enqueue_indirect_dma source(%dma_start3A_642 : memref<23552x256xf32, #tpu.memory_space<hbm>>) target(%dma_start3A_636 : memref<112x256xf32, #tpu.memory_space<vmem>>) offsets(%dma_start3A_639 : memref<112xi32, #tpu.memory_space<vmem>>) semaphore(%arg8 : memref<!tpu.dma_semaphore, #tpu.memory_space<semaphore_mem>>)
    %dma_start3A_643 = arith.constant 7 : i32
    %dma_start3A_644 = arith.constant 1 : i32
    %dma_start3A_645 = arith.constant 1 : i32
    %dma_start3A_646 = arith.constant 1 : i32
    %dma_start3A_647 = arith.constant 0 : i32
    %dma_start3A_648 = arith.constant 0 : i32
    %dma_start3A_649 = tpu.memref_slice %arg6[%dma_start3A_645, %dma_start3A_646, %dma_start3A_647, %dma_start3A_648] : memref<2x2x112x256xf32, #tpu.memory_space<vmem>> -> memref<1x1x112x256xf32, #tpu.memory_space<vmem>>
    %dma_start3A_650 = tpu.memref_squeeze %dma_start3A_649 : memref<1x1x112x256xf32, #tpu.memory_space<vmem>> -> memref<112x256xf32, #tpu.memory_space<vmem>>
    %dma_start3A_651 = arith.constant 0 : i32
    %dma_start3A_652 = tpu.memref_slice %arg5[%dma_start3A_643, %dma_start3A_644, %dma_start3A_651] : memref<16x2x112xi32, #tpu.memory_space<vmem>> -> memref<1x1x112xi32, #tpu.memory_space<vmem>>
    %dma_start3A_653 = tpu.memref_squeeze %dma_start3A_652 : memref<1x1x112xi32, #tpu.memory_space<vmem>> -> memref<112xi32, #tpu.memory_space<vmem>>
    %dma_start3A_654 = arith.constant 0 : i32
    %dma_start3A_655 = arith.constant 0 : i32
    %dma_start3A_656 = tpu.memref_slice %arg2[%dma_start3A_654, %dma_start3A_655] : memref<23552x256xf32, #tpu.memory_space<hbm>> -> memref<23552x256xf32, #tpu.memory_space<hbm>>
    tpu.enqueue_indirect_dma source(%dma_start3A_656 : memref<23552x256xf32, #tpu.memory_space<hbm>>) target(%dma_start3A_650 : memref<112x256xf32, #tpu.memory_space<vmem>>) offsets(%dma_start3A_653 : memref<112xi32, #tpu.memory_space<vmem>>) semaphore(%arg8 : memref<!tpu.dma_semaphore, #tpu.memory_space<semaphore_mem>>)
    %dma_wait3A_657 = arith.constant 6 : i32
    %dma_wait3A_658 = arith.constant 0 : i32
    %dma_wait3A_659 = arith.constant 0 : i32
    %dma_wait3A_660 = arith.constant 0 : i32
    %dma_wait3A_661 = arith.constant 0 : i32
    %dma_wait3A_662 = arith.constant 0 : i32
    %dma_wait3A_663 = tpu.memref_slice %arg6[%dma_wait3A_659, %dma_wait3A_660, %dma_wait3A_661, %dma_wait3A_662] : memref<2x2x112x256xf32, #tpu.memory_space<vmem>> -> memref<1x1x112x256xf32, #tpu.memory_space<vmem>>
    %dma_wait3A_664 = tpu.memref_squeeze %dma_wait3A_663 : memref<1x1x112x256xf32, #tpu.memory_space<vmem>> -> memref<112x256xf32, #tpu.memory_space<vmem>>
    %dma_wait3A_665 = arith.constant 0 : i32
    %dma_wait3A_666 = tpu.memref_slice %arg5[%dma_wait3A_657, %dma_wait3A_658, %dma_wait3A_665] : memref<16x2x112xi32, #tpu.memory_space<vmem>> -> memref<1x1x112xi32, #tpu.memory_space<vmem>>
    %dma_wait3A_667 = tpu.memref_squeeze %dma_wait3A_666 : memref<1x1x112xi32, #tpu.memory_space<vmem>> -> memref<112xi32, #tpu.memory_space<vmem>>
    %dma_wait3A_668 = arith.constant 0 : i32
    %dma_wait3A_669 = arith.constant 0 : i32
    %dma_wait3A_670 = tpu.memref_slice %arg2[%dma_wait3A_668, %dma_wait3A_669] : memref<23552x256xf32, #tpu.memory_space<hbm>> -> memref<23552x256xf32, #tpu.memory_space<hbm>>
    tpu.wait_indirect_dma semaphore(%arg7 : memref<!tpu.dma_semaphore, #tpu.memory_space<semaphore_mem>>) src(%dma_wait3A_670 : memref<23552x256xf32, #tpu.memory_space<hbm>>) dst(%dma_wait3A_664 : memref<112x256xf32, #tpu.memory_space<vmem>>)
    %dma_wait3A_671 = arith.constant 6 : i32
    %dma_wait3A_672 = arith.constant 1 : i32
    %dma_wait3A_673 = arith.constant 0 : i32
    %dma_wait3A_674 = arith.constant 1 : i32
    %dma_wait3A_675 = arith.constant 0 : i32
    %dma_wait3A_676 = arith.constant 0 : i32
    %dma_wait3A_677 = tpu.memref_slice %arg6[%dma_wait3A_673, %dma_wait3A_674, %dma_wait3A_675, %dma_wait3A_676] : memref<2x2x112x256xf32, #tpu.memory_space<vmem>> -> memref<1x1x112x256xf32, #tpu.memory_space<vmem>>
    %dma_wait3A_678 = tpu.memref_squeeze %dma_wait3A_677 : memref<1x1x112x256xf32, #tpu.memory_space<vmem>> -> memref<112x256xf32, #tpu.memory_space<vmem>>
    %dma_wait3A_679 = arith.constant 0 : i32
    %dma_wait3A_680 = tpu.memref_slice %arg5[%dma_wait3A_671, %dma_wait3A_672, %dma_wait3A_679] : memref<16x2x112xi32, #tpu.memory_space<vmem>> -> memref<1x1x112xi32, #tpu.memory_space<vmem>>
    %dma_wait3A_681 = tpu.memref_squeeze %dma_wait3A_680 : memref<1x1x112xi32, #tpu.memory_space<vmem>> -> memref<112xi32, #tpu.memory_space<vmem>>
    %dma_wait3A_682 = arith.constant 0 : i32
    %dma_wait3A_683 = arith.constant 0 : i32
    %dma_wait3A_684 = tpu.memref_slice %arg2[%dma_wait3A_682, %dma_wait3A_683] : memref<23552x256xf32, #tpu.memory_space<hbm>> -> memref<23552x256xf32, #tpu.memory_space<hbm>>
    tpu.wait_indirect_dma semaphore(%arg7 : memref<!tpu.dma_semaphore, #tpu.memory_space<semaphore_mem>>) src(%dma_wait3A_684 : memref<23552x256xf32, #tpu.memory_space<hbm>>) dst(%dma_wait3A_678 : memref<112x256xf32, #tpu.memory_space<vmem>>)
    %add3A_685 = arith.constant 6 : i32
    %add3A_686 = arith.addi %mul3A_2, %add3A_685 : i32
    %dma_start3A_687 = arith.constant 0 : i32
    %dma_start3A_688 = arith.constant 0 : i32
    %dma_start3A_689 = arith.constant 0 : i32
    %dma_start3A_690 = arith.constant 0 : i32
    %dma_start3A_691 = tpu.memref_slice %arg6[%dma_start3A_687, %dma_start3A_688, %dma_start3A_689, %dma_start3A_690] : memref<2x2x112x256xf32, #tpu.memory_space<vmem>> -> memref<1x2x112x256xf32, #tpu.memory_space<vmem>>
    %dma_start3A_692 = tpu.memref_squeeze %dma_start3A_691 : memref<1x2x112x256xf32, #tpu.memory_space<vmem>> -> memref<2x112x256xf32, #tpu.memory_space<vmem>>
    %dma_start3A_693 = arith.constant 0 : i32
    %dma_start3A_694 = arith.constant 0 : i32
    %dma_start3A_695 = arith.constant 0 : i32
    %dma_start3A_696 = tpu.memref_slice %arg4[%add3A_686, %dma_start3A_693, %dma_start3A_694, %dma_start3A_695] : memref<512x2x112x256xf32, #tpu.memory_space<hbm>> -> memref<1x2x112x256xf32, #tpu.memory_space<hbm>>
    %dma_start3A_697 = tpu.memref_squeeze %dma_start3A_696 : memref<1x2x112x256xf32, #tpu.memory_space<hbm>> -> memref<2x112x256xf32, #tpu.memory_space<hbm>>
    %dma_start3A_698 = arith.constant 0 : i32
    %dma_start3A_699 = arith.constant 0 : i32
    %dma_start3A_700 = arith.constant 0 : i32
    %dma_start3A_701 = tpu.memref_slice %arg4[%add3A_686, %dma_start3A_698, %dma_start3A_699, %dma_start3A_700] : memref<512x2x112x256xf32, #tpu.memory_space<hbm>> -> memref<1x2x112x256xf32, #tpu.memory_space<hbm>>
    %dma_start3A_702 = tpu.memref_squeeze %dma_start3A_701 : memref<1x2x112x256xf32, #tpu.memory_space<hbm>> -> memref<2x112x256xf32, #tpu.memory_space<hbm>>
    %dma_start3A_703 = arith.constant 0 : i32
    %dma_start3A_704 = arith.constant 0 : i32
    %dma_start3A_705 = arith.constant 0 : i32
    %dma_start3A_706 = tpu.memref_slice %arg6[%dma_start3A_687, %dma_start3A_703, %dma_start3A_704, %dma_start3A_705] : memref<2x2x112x256xf32, #tpu.memory_space<vmem>> -> memref<1x2x112x256xf32, #tpu.memory_space<vmem>>
    %dma_start3A_707 = tpu.memref_squeeze %dma_start3A_706 : memref<1x2x112x256xf32, #tpu.memory_space<vmem>> -> memref<2x112x256xf32, #tpu.memory_space<vmem>>
    tpu.enqueue_dma source(%dma_start3A_707 : memref<2x112x256xf32, #tpu.memory_space<vmem>>) target(%dma_start3A_702 : memref<2x112x256xf32, #tpu.memory_space<hbm>>) target_semaphore(%arg9 : memref<!tpu.dma_semaphore, #tpu.memory_space<semaphore_mem>>)
    %dma_wait3A_708 = arith.constant 0 : i32
    %dma_wait3A_709 = arith.constant 0 : i32
    %dma_wait3A_710 = arith.constant 0 : i32
    %dma_wait3A_711 = arith.constant 0 : i32
    %dma_wait3A_712 = tpu.memref_slice %arg6[%dma_wait3A_708, %dma_wait3A_709, %dma_wait3A_710, %dma_wait3A_711] : memref<2x2x112x256xf32, #tpu.memory_space<vmem>> -> memref<1x2x112x256xf32, #tpu.memory_space<vmem>>
    %dma_wait3A_713 = tpu.memref_squeeze %dma_wait3A_712 : memref<1x2x112x256xf32, #tpu.memory_space<vmem>> -> memref<2x112x256xf32, #tpu.memory_space<vmem>>
    %dma_wait3A_714 = arith.constant 0 : i32
    %dma_wait3A_715 = arith.constant 0 : i32
    %dma_wait3A_716 = arith.constant 0 : i32
    %dma_wait3A_717 = tpu.memref_slice %arg4[%add3A_686, %dma_wait3A_714, %dma_wait3A_715, %dma_wait3A_716] : memref<512x2x112x256xf32, #tpu.memory_space<hbm>> -> memref<1x2x112x256xf32, #tpu.memory_space<hbm>>
    %dma_wait3A_718 = tpu.memref_squeeze %dma_wait3A_717 : memref<1x2x112x256xf32, #tpu.memory_space<hbm>> -> memref<2x112x256xf32, #tpu.memory_space<hbm>>
    %dma_wait3A_719 = arith.constant 0 : i32
    %dma_wait3A_720 = arith.constant 0 : i32
    %dma_wait3A_721 = arith.constant 0 : i32
    %dma_wait3A_722 = tpu.memref_slice %arg4[%add3A_686, %dma_wait3A_719, %dma_wait3A_720, %dma_wait3A_721] : memref<512x2x112x256xf32, #tpu.memory_space<hbm>> -> memref<1x2x112x256xf32, #tpu.memory_space<hbm>>
    %dma_wait3A_723 = tpu.memref_squeeze %dma_wait3A_722 : memref<1x2x112x256xf32, #tpu.memory_space<hbm>> -> memref<2x112x256xf32, #tpu.memory_space<hbm>>
    %dma_wait3A_724 = arith.constant 0 : i32
    %dma_wait3A_725 = arith.constant 0 : i32
    %dma_wait3A_726 = arith.constant 0 : i32
    %dma_wait3A_727 = tpu.memref_slice %arg6[%dma_wait3A_708, %dma_wait3A_724, %dma_wait3A_725, %dma_wait3A_726] : memref<2x2x112x256xf32, #tpu.memory_space<vmem>> -> memref<1x2x112x256xf32, #tpu.memory_space<vmem>>
    %dma_wait3A_728 = tpu.memref_squeeze %dma_wait3A_727 : memref<1x2x112x256xf32, #tpu.memory_space<vmem>> -> memref<2x112x256xf32, #tpu.memory_space<vmem>>
    tpu.wait_dma2 semaphore(%arg9 : memref<!tpu.dma_semaphore, #tpu.memory_space<semaphore_mem>>) src(%dma_wait3A_728 : memref<2x112x256xf32, #tpu.memory_space<vmem>>) dst(%dma_wait3A_723 : memref<2x112x256xf32, #tpu.memory_space<hbm>>)
    %dma_start3A_729 = arith.constant 8 : i32
    %dma_start3A_730 = arith.constant 0 : i32
    %dma_start3A_731 = arith.constant 0 : i32
    %dma_start3A_732 = arith.constant 0 : i32
    %dma_start3A_733 = arith.constant 0 : i32
    %dma_start3A_734 = arith.constant 0 : i32
    %dma_start3A_735 = tpu.memref_slice %arg6[%dma_start3A_731, %dma_start3A_732, %dma_start3A_733, %dma_start3A_734] : memref<2x2x112x256xf32, #tpu.memory_space<vmem>> -> memref<1x1x112x256xf32, #tpu.memory_space<vmem>>
    %dma_start3A_736 = tpu.memref_squeeze %dma_start3A_735 : memref<1x1x112x256xf32, #tpu.memory_space<vmem>> -> memref<112x256xf32, #tpu.memory_space<vmem>>
    %dma_start3A_737 = arith.constant 0 : i32
    %dma_start3A_738 = tpu.memref_slice %arg5[%dma_start3A_729, %dma_start3A_730, %dma_start3A_737] : memref<16x2x112xi32, #tpu.memory_space<vmem>> -> memref<1x1x112xi32, #tpu.memory_space<vmem>>
    %dma_start3A_739 = tpu.memref_squeeze %dma_start3A_738 : memref<1x1x112xi32, #tpu.memory_space<vmem>> -> memref<112xi32, #tpu.memory_space<vmem>>
    %dma_start3A_740 = arith.constant 0 : i32
    %dma_start3A_741 = arith.constant 0 : i32
    %dma_start3A_742 = tpu.memref_slice %arg2[%dma_start3A_740, %dma_start3A_741] : memref<23552x256xf32, #tpu.memory_space<hbm>> -> memref<23552x256xf32, #tpu.memory_space<hbm>>
    tpu.enqueue_indirect_dma source(%dma_start3A_742 : memref<23552x256xf32, #tpu.memory_space<hbm>>) target(%dma_start3A_736 : memref<112x256xf32, #tpu.memory_space<vmem>>) offsets(%dma_start3A_739 : memref<112xi32, #tpu.memory_space<vmem>>) semaphore(%arg7 : memref<!tpu.dma_semaphore, #tpu.memory_space<semaphore_mem>>)
    %dma_start3A_743 = arith.constant 8 : i32
    %dma_start3A_744 = arith.constant 1 : i32
    %dma_start3A_745 = arith.constant 0 : i32
    %dma_start3A_746 = arith.constant 1 : i32
    %dma_start3A_747 = arith.constant 0 : i32
    %dma_start3A_748 = arith.constant 0 : i32
    %dma_start3A_749 = tpu.memref_slice %arg6[%dma_start3A_745, %dma_start3A_746, %dma_start3A_747, %dma_start3A_748] : memref<2x2x112x256xf32, #tpu.memory_space<vmem>> -> memref<1x1x112x256xf32, #tpu.memory_space<vmem>>
    %dma_start3A_750 = tpu.memref_squeeze %dma_start3A_749 : memref<1x1x112x256xf32, #tpu.memory_space<vmem>> -> memref<112x256xf32, #tpu.memory_space<vmem>>
    %dma_start3A_751 = arith.constant 0 : i32
    %dma_start3A_752 = tpu.memref_slice %arg5[%dma_start3A_743, %dma_start3A_744, %dma_start3A_751] : memref<16x2x112xi32, #tpu.memory_space<vmem>> -> memref<1x1x112xi32, #tpu.memory_space<vmem>>
    %dma_start3A_753 = tpu.memref_squeeze %dma_start3A_752 : memref<1x1x112xi32, #tpu.memory_space<vmem>> -> memref<112xi32, #tpu.memory_space<vmem>>
    %dma_start3A_754 = arith.constant 0 : i32
    %dma_start3A_755 = arith.constant 0 : i32
    %dma_start3A_756 = tpu.memref_slice %arg2[%dma_start3A_754, %dma_start3A_755] : memref<23552x256xf32, #tpu.memory_space<hbm>> -> memref<23552x256xf32, #tpu.memory_space<hbm>>
    tpu.enqueue_indirect_dma source(%dma_start3A_756 : memref<23552x256xf32, #tpu.memory_space<hbm>>) target(%dma_start3A_750 : memref<112x256xf32, #tpu.memory_space<vmem>>) offsets(%dma_start3A_753 : memref<112xi32, #tpu.memory_space<vmem>>) semaphore(%arg7 : memref<!tpu.dma_semaphore, #tpu.memory_space<semaphore_mem>>)
    %dma_wait3A_757 = arith.constant 7 : i32
    %dma_wait3A_758 = arith.constant 0 : i32
    %dma_wait3A_759 = arith.constant 1 : i32
    %dma_wait3A_760 = arith.constant 0 : i32
    %dma_wait3A_761 = arith.constant 0 : i32
    %dma_wait3A_762 = arith.constant 0 : i32
    %dma_wait3A_763 = tpu.memref_slice %arg6[%dma_wait3A_759, %dma_wait3A_760, %dma_wait3A_761, %dma_wait3A_762] : memref<2x2x112x256xf32, #tpu.memory_space<vmem>> -> memref<1x1x112x256xf32, #tpu.memory_space<vmem>>
    %dma_wait3A_764 = tpu.memref_squeeze %dma_wait3A_763 : memref<1x1x112x256xf32, #tpu.memory_space<vmem>> -> memref<112x256xf32, #tpu.memory_space<vmem>>
    %dma_wait3A_765 = arith.constant 0 : i32
    %dma_wait3A_766 = tpu.memref_slice %arg5[%dma_wait3A_757, %dma_wait3A_758, %dma_wait3A_765] : memref<16x2x112xi32, #tpu.memory_space<vmem>> -> memref<1x1x112xi32, #tpu.memory_space<vmem>>
    %dma_wait3A_767 = tpu.memref_squeeze %dma_wait3A_766 : memref<1x1x112xi32, #tpu.memory_space<vmem>> -> memref<112xi32, #tpu.memory_space<vmem>>
    %dma_wait3A_768 = arith.constant 0 : i32
    %dma_wait3A_769 = arith.constant 0 : i32
    %dma_wait3A_770 = tpu.memref_slice %arg2[%dma_wait3A_768, %dma_wait3A_769] : memref<23552x256xf32, #tpu.memory_space<hbm>> -> memref<23552x256xf32, #tpu.memory_space<hbm>>
    tpu.wait_indirect_dma semaphore(%arg8 : memref<!tpu.dma_semaphore, #tpu.memory_space<semaphore_mem>>) src(%dma_wait3A_770 : memref<23552x256xf32, #tpu.memory_space<hbm>>) dst(%dma_wait3A_764 : memref<112x256xf32, #tpu.memory_space<vmem>>)
    %dma_wait3A_771 = arith.constant 7 : i32
    %dma_wait3A_772 = arith.constant 1 : i32
    %dma_wait3A_773 = arith.constant 1 : i32
    %dma_wait3A_774 = arith.constant 1 : i32
    %dma_wait3A_775 = arith.constant 0 : i32
    %dma_wait3A_776 = arith.constant 0 : i32
    %dma_wait3A_777 = tpu.memref_slice %arg6[%dma_wait3A_773, %dma_wait3A_774, %dma_wait3A_775, %dma_wait3A_776] : memref<2x2x112x256xf32, #tpu.memory_space<vmem>> -> memref<1x1x112x256xf32, #tpu.memory_space<vmem>>
    %dma_wait3A_778 = tpu.memref_squeeze %dma_wait3A_777 : memref<1x1x112x256xf32, #tpu.memory_space<vmem>> -> memref<112x256xf32, #tpu.memory_space<vmem>>
    %dma_wait3A_779 = arith.constant 0 : i32
    %dma_wait3A_780 = tpu.memref_slice %arg5[%dma_wait3A_771, %dma_wait3A_772, %dma_wait3A_779] : memref<16x2x112xi32, #tpu.memory_space<vmem>> -> memref<1x1x112xi32, #tpu.memory_space<vmem>>
    %dma_wait3A_781 = tpu.memref_squeeze %dma_wait3A_780 : memref<1x1x112xi32, #tpu.memory_space<vmem>> -> memref<112xi32, #tpu.memory_space<vmem>>
    %dma_wait3A_782 = arith.constant 0 : i32
    %dma_wait3A_783 = arith.constant 0 : i32
    %dma_wait3A_784 = tpu.memref_slice %arg2[%dma_wait3A_782, %dma_wait3A_783] : memref<23552x256xf32, #tpu.memory_space<hbm>> -> memref<23552x256xf32, #tpu.memory_space<hbm>>
    tpu.wait_indirect_dma semaphore(%arg8 : memref<!tpu.dma_semaphore, #tpu.memory_space<semaphore_mem>>) src(%dma_wait3A_784 : memref<23552x256xf32, #tpu.memory_space<hbm>>) dst(%dma_wait3A_778 : memref<112x256xf32, #tpu.memory_space<vmem>>)
    %add3A_785 = arith.constant 7 : i32
    %add3A_786 = arith.addi %mul3A_2, %add3A_785 : i32
    %dma_start3A_787 = arith.constant 1 : i32
    %dma_start3A_788 = arith.constant 0 : i32
    %dma_start3A_789 = arith.constant 0 : i32
    %dma_start3A_790 = arith.constant 0 : i32
    %dma_start3A_791 = tpu.memref_slice %arg6[%dma_start3A_787, %dma_start3A_788, %dma_start3A_789, %dma_start3A_790] : memref<2x2x112x256xf32, #tpu.memory_space<vmem>> -> memref<1x2x112x256xf32, #tpu.memory_space<vmem>>
    %dma_start3A_792 = tpu.memref_squeeze %dma_start3A_791 : memref<1x2x112x256xf32, #tpu.memory_space<vmem>> -> memref<2x112x256xf32, #tpu.memory_space<vmem>>
    %dma_start3A_793 = arith.constant 0 : i32
    %dma_start3A_794 = arith.constant 0 : i32
    %dma_start3A_795 = arith.constant 0 : i32
    %dma_start3A_796 = tpu.memref_slice %arg4[%add3A_786, %dma_start3A_793, %dma_start3A_794, %dma_start3A_795] : memref<512x2x112x256xf32, #tpu.memory_space<hbm>> -> memref<1x2x112x256xf32, #tpu.memory_space<hbm>>
    %dma_start3A_797 = tpu.memref_squeeze %dma_start3A_796 : memref<1x2x112x256xf32, #tpu.memory_space<hbm>> -> memref<2x112x256xf32, #tpu.memory_space<hbm>>
    %dma_start3A_798 = arith.constant 0 : i32
    %dma_start3A_799 = arith.constant 0 : i32
    %dma_start3A_800 = arith.constant 0 : i32
    %dma_start3A_801 = tpu.memref_slice %arg4[%add3A_786, %dma_start3A_798, %dma_start3A_799, %dma_start3A_800] : memref<512x2x112x256xf32, #tpu.memory_space<hbm>> -> memref<1x2x112x256xf32, #tpu.memory_space<hbm>>
    %dma_start3A_802 = tpu.memref_squeeze %dma_start3A_801 : memref<1x2x112x256xf32, #tpu.memory_space<hbm>> -> memref<2x112x256xf32, #tpu.memory_space<hbm>>
    %dma_start3A_803 = arith.constant 0 : i32
    %dma_start3A_804 = arith.constant 0 : i32
    %dma_start3A_805 = arith.constant 0 : i32
    %dma_start3A_806 = tpu.memref_slice %arg6[%dma_start3A_787, %dma_start3A_803, %dma_start3A_804, %dma_start3A_805] : memref<2x2x112x256xf32, #tpu.memory_space<vmem>> -> memref<1x2x112x256xf32, #tpu.memory_space<vmem>>
    %dma_start3A_807 = tpu.memref_squeeze %dma_start3A_806 : memref<1x2x112x256xf32, #tpu.memory_space<vmem>> -> memref<2x112x256xf32, #tpu.memory_space<vmem>>
    tpu.enqueue_dma source(%dma_start3A_807 : memref<2x112x256xf32, #tpu.memory_space<vmem>>) target(%dma_start3A_802 : memref<2x112x256xf32, #tpu.memory_space<hbm>>) target_semaphore(%arg10 : memref<!tpu.dma_semaphore, #tpu.memory_space<semaphore_mem>>)
    %dma_wait3A_808 = arith.constant 1 : i32
    %dma_wait3A_809 = arith.constant 0 : i32
    %dma_wait3A_810 = arith.constant 0 : i32
    %dma_wait3A_811 = arith.constant 0 : i32
    %dma_wait3A_812 = tpu.memref_slice %arg6[%dma_wait3A_808, %dma_wait3A_809, %dma_wait3A_810, %dma_wait3A_811] : memref<2x2x112x256xf32, #tpu.memory_space<vmem>> -> memref<1x2x112x256xf32, #tpu.memory_space<vmem>>
    %dma_wait3A_813 = tpu.memref_squeeze %dma_wait3A_812 : memref<1x2x112x256xf32, #tpu.memory_space<vmem>> -> memref<2x112x256xf32, #tpu.memory_space<vmem>>
    %dma_wait3A_814 = arith.constant 0 : i32
    %dma_wait3A_815 = arith.constant 0 : i32
    %dma_wait3A_816 = arith.constant 0 : i32
    %dma_wait3A_817 = tpu.memref_slice %arg4[%add3A_786, %dma_wait3A_814, %dma_wait3A_815, %dma_wait3A_816] : memref<512x2x112x256xf32, #tpu.memory_space<hbm>> -> memref<1x2x112x256xf32, #tpu.memory_space<hbm>>
    %dma_wait3A_818 = tpu.memref_squeeze %dma_wait3A_817 : memref<1x2x112x256xf32, #tpu.memory_space<hbm>> -> memref<2x112x256xf32, #tpu.memory_space<hbm>>
    %dma_wait3A_819 = arith.constant 0 : i32
    %dma_wait3A_820 = arith.constant 0 : i32
    %dma_wait3A_821 = arith.constant 0 : i32
    %dma_wait3A_822 = tpu.memref_slice %arg4[%add3A_786, %dma_wait3A_819, %dma_wait3A_820, %dma_wait3A_821] : memref<512x2x112x256xf32, #tpu.memory_space<hbm>> -> memref<1x2x112x256xf32, #tpu.memory_space<hbm>>
    %dma_wait3A_823 = tpu.memref_squeeze %dma_wait3A_822 : memref<1x2x112x256xf32, #tpu.memory_space<hbm>> -> memref<2x112x256xf32, #tpu.memory_space<hbm>>
    %dma_wait3A_824 = arith.constant 0 : i32
    %dma_wait3A_825 = arith.constant 0 : i32
    %dma_wait3A_826 = arith.constant 0 : i32
    %dma_wait3A_827 = tpu.memref_slice %arg6[%dma_wait3A_808, %dma_wait3A_824, %dma_wait3A_825, %dma_wait3A_826] : memref<2x2x112x256xf32, #tpu.memory_space<vmem>> -> memref<1x2x112x256xf32, #tpu.memory_space<vmem>>
    %dma_wait3A_828 = tpu.memref_squeeze %dma_wait3A_827 : memref<1x2x112x256xf32, #tpu.memory_space<vmem>> -> memref<2x112x256xf32, #tpu.memory_space<vmem>>
    tpu.wait_dma2 semaphore(%arg10 : memref<!tpu.dma_semaphore, #tpu.memory_space<semaphore_mem>>) src(%dma_wait3A_828 : memref<2x112x256xf32, #tpu.memory_space<vmem>>) dst(%dma_wait3A_823 : memref<2x112x256xf32, #tpu.memory_space<hbm>>)
    %dma_start3A_829 = arith.constant 9 : i32
    %dma_start3A_830 = arith.constant 0 : i32
    %dma_start3A_831 = arith.constant 1 : i32
    %dma_start3A_832 = arith.constant 0 : i32
    %dma_start3A_833 = arith.constant 0 : i32
    %dma_start3A_834 = arith.constant 0 : i32
    %dma_start3A_835 = tpu.memref_slice %arg6[%dma_start3A_831, %dma_start3A_832, %dma_start3A_833, %dma_start3A_834] : memref<2x2x112x256xf32, #tpu.memory_space<vmem>> -> memref<1x1x112x256xf32, #tpu.memory_space<vmem>>
    %dma_start3A_836 = tpu.memref_squeeze %dma_start3A_835 : memref<1x1x112x256xf32, #tpu.memory_space<vmem>> -> memref<112x256xf32, #tpu.memory_space<vmem>>
    %dma_start3A_837 = arith.constant 0 : i32
    %dma_start3A_838 = tpu.memref_slice %arg5[%dma_start3A_829, %dma_start3A_830, %dma_start3A_837] : memref<16x2x112xi32, #tpu.memory_space<vmem>> -> memref<1x1x112xi32, #tpu.memory_space<vmem>>
    %dma_start3A_839 = tpu.memref_squeeze %dma_start3A_838 : memref<1x1x112xi32, #tpu.memory_space<vmem>> -> memref<112xi32, #tpu.memory_space<vmem>>
    %dma_start3A_840 = arith.constant 0 : i32
    %dma_start3A_841 = arith.constant 0 : i32
    %dma_start3A_842 = tpu.memref_slice %arg2[%dma_start3A_840, %dma_start3A_841] : memref<23552x256xf32, #tpu.memory_space<hbm>> -> memref<23552x256xf32, #tpu.memory_space<hbm>>
    tpu.enqueue_indirect_dma source(%dma_start3A_842 : memref<23552x256xf32, #tpu.memory_space<hbm>>) target(%dma_start3A_836 : memref<112x256xf32, #tpu.memory_space<vmem>>) offsets(%dma_start3A_839 : memref<112xi32, #tpu.memory_space<vmem>>) semaphore(%arg8 : memref<!tpu.dma_semaphore, #tpu.memory_space<semaphore_mem>>)
    %dma_start3A_843 = arith.constant 9 : i32
    %dma_start3A_844 = arith.constant 1 : i32
    %dma_start3A_845 = arith.constant 1 : i32
    %dma_start3A_846 = arith.constant 1 : i32
    %dma_start3A_847 = arith.constant 0 : i32
    %dma_start3A_848 = arith.constant 0 : i32
    %dma_start3A_849 = tpu.memref_slice %arg6[%dma_start3A_845, %dma_start3A_846, %dma_start3A_847, %dma_start3A_848] : memref<2x2x112x256xf32, #tpu.memory_space<vmem>> -> memref<1x1x112x256xf32, #tpu.memory_space<vmem>>
    %dma_start3A_850 = tpu.memref_squeeze %dma_start3A_849 : memref<1x1x112x256xf32, #tpu.memory_space<vmem>> -> memref<112x256xf32, #tpu.memory_space<vmem>>
    %dma_start3A_851 = arith.constant 0 : i32
    %dma_start3A_852 = tpu.memref_slice %arg5[%dma_start3A_843, %dma_start3A_844, %dma_start3A_851] : memref<16x2x112xi32, #tpu.memory_space<vmem>> -> memref<1x1x112xi32, #tpu.memory_space<vmem>>
    %dma_start3A_853 = tpu.memref_squeeze %dma_start3A_852 : memref<1x1x112xi32, #tpu.memory_space<vmem>> -> memref<112xi32, #tpu.memory_space<vmem>>
    %dma_start3A_854 = arith.constant 0 : i32
    %dma_start3A_855 = arith.constant 0 : i32
    %dma_start3A_856 = tpu.memref_slice %arg2[%dma_start3A_854, %dma_start3A_855] : memref<23552x256xf32, #tpu.memory_space<hbm>> -> memref<23552x256xf32, #tpu.memory_space<hbm>>
    tpu.enqueue_indirect_dma source(%dma_start3A_856 : memref<23552x256xf32, #tpu.memory_space<hbm>>) target(%dma_start3A_850 : memref<112x256xf32, #tpu.memory_space<vmem>>) offsets(%dma_start3A_853 : memref<112xi32, #tpu.memory_space<vmem>>) semaphore(%arg8 : memref<!tpu.dma_semaphore, #tpu.memory_space<semaphore_mem>>)
    %dma_wait3A_857 = arith.constant 8 : i32
    %dma_wait3A_858 = arith.constant 0 : i32
    %dma_wait3A_859 = arith.constant 0 : i32
    %dma_wait3A_860 = arith.constant 0 : i32
    %dma_wait3A_861 = arith.constant 0 : i32
    %dma_wait3A_862 = arith.constant 0 : i32
    %dma_wait3A_863 = tpu.memref_slice %arg6[%dma_wait3A_859, %dma_wait3A_860, %dma_wait3A_861, %dma_wait3A_862] : memref<2x2x112x256xf32, #tpu.memory_space<vmem>> -> memref<1x1x112x256xf32, #tpu.memory_space<vmem>>
    %dma_wait3A_864 = tpu.memref_squeeze %dma_wait3A_863 : memref<1x1x112x256xf32, #tpu.memory_space<vmem>> -> memref<112x256xf32, #tpu.memory_space<vmem>>
    %dma_wait3A_865 = arith.constant 0 : i32
    %dma_wait3A_866 = tpu.memref_slice %arg5[%dma_wait3A_857, %dma_wait3A_858, %dma_wait3A_865] : memref<16x2x112xi32, #tpu.memory_space<vmem>> -> memref<1x1x112xi32, #tpu.memory_space<vmem>>
    %dma_wait3A_867 = tpu.memref_squeeze %dma_wait3A_866 : memref<1x1x112xi32, #tpu.memory_space<vmem>> -> memref<112xi32, #tpu.memory_space<vmem>>
    %dma_wait3A_868 = arith.constant 0 : i32
    %dma_wait3A_869 = arith.constant 0 : i32
    %dma_wait3A_870 = tpu.memref_slice %arg2[%dma_wait3A_868, %dma_wait3A_869] : memref<23552x256xf32, #tpu.memory_space<hbm>> -> memref<23552x256xf32, #tpu.memory_space<hbm>>
    tpu.wait_indirect_dma semaphore(%arg7 : memref<!tpu.dma_semaphore, #tpu.memory_space<semaphore_mem>>) src(%dma_wait3A_870 : memref<23552x256xf32, #tpu.memory_space<hbm>>) dst(%dma_wait3A_864 : memref<112x256xf32, #tpu.memory_space<vmem>>)
    %dma_wait3A_871 = arith.constant 8 : i32
    %dma_wait3A_872 = arith.constant 1 : i32
    %dma_wait3A_873 = arith.constant 0 : i32
    %dma_wait3A_874 = arith.constant 1 : i32
    %dma_wait3A_875 = arith.constant 0 : i32
    %dma_wait3A_876 = arith.constant 0 : i32
    %dma_wait3A_877 = tpu.memref_slice %arg6[%dma_wait3A_873, %dma_wait3A_874, %dma_wait3A_875, %dma_wait3A_876] : memref<2x2x112x256xf32, #tpu.memory_space<vmem>> -> memref<1x1x112x256xf32, #tpu.memory_space<vmem>>
    %dma_wait3A_878 = tpu.memref_squeeze %dma_wait3A_877 : memref<1x1x112x256xf32, #tpu.memory_space<vmem>> -> memref<112x256xf32, #tpu.memory_space<vmem>>
    %dma_wait3A_879 = arith.constant 0 : i32
    %dma_wait3A_880 = tpu.memref_slice %arg5[%dma_wait3A_871, %dma_wait3A_872, %dma_wait3A_879] : memref<16x2x112xi32, #tpu.memory_space<vmem>> -> memref<1x1x112xi32, #tpu.memory_space<vmem>>
    %dma_wait3A_881 = tpu.memref_squeeze %dma_wait3A_880 : memref<1x1x112xi32, #tpu.memory_space<vmem>> -> memref<112xi32, #tpu.memory_space<vmem>>
    %dma_wait3A_882 = arith.constant 0 : i32
    %dma_wait3A_883 = arith.constant 0 : i32
    %dma_wait3A_884 = tpu.memref_slice %arg2[%dma_wait3A_882, %dma_wait3A_883] : memref<23552x256xf32, #tpu.memory_space<hbm>> -> memref<23552x256xf32, #tpu.memory_space<hbm>>
    tpu.wait_indirect_dma semaphore(%arg7 : memref<!tpu.dma_semaphore, #tpu.memory_space<semaphore_mem>>) src(%dma_wait3A_884 : memref<23552x256xf32, #tpu.memory_space<hbm>>) dst(%dma_wait3A_878 : memref<112x256xf32, #tpu.memory_space<vmem>>)
    %add3A_885 = arith.constant 8 : i32
    %add3A_886 = arith.addi %mul3A_2, %add3A_885 : i32
    %dma_start3A_887 = arith.constant 0 : i32
    %dma_start3A_888 = arith.constant 0 : i32
    %dma_start3A_889 = arith.constant 0 : i32
    %dma_start3A_890 = arith.constant 0 : i32
    %dma_start3A_891 = tpu.memref_slice %arg6[%dma_start3A_887, %dma_start3A_888, %dma_start3A_889, %dma_start3A_890] : memref<2x2x112x256xf32, #tpu.memory_space<vmem>> -> memref<1x2x112x256xf32, #tpu.memory_space<vmem>>
    %dma_start3A_892 = tpu.memref_squeeze %dma_start3A_891 : memref<1x2x112x256xf32, #tpu.memory_space<vmem>> -> memref<2x112x256xf32, #tpu.memory_space<vmem>>
    %dma_start3A_893 = arith.constant 0 : i32
    %dma_start3A_894 = arith.constant 0 : i32
    %dma_start3A_895 = arith.constant 0 : i32
    %dma_start3A_896 = tpu.memref_slice %arg4[%add3A_886, %dma_start3A_893, %dma_start3A_894, %dma_start3A_895] : memref<512x2x112x256xf32, #tpu.memory_space<hbm>> -> memref<1x2x112x256xf32, #tpu.memory_space<hbm>>
    %dma_start3A_897 = tpu.memref_squeeze %dma_start3A_896 : memref<1x2x112x256xf32, #tpu.memory_space<hbm>> -> memref<2x112x256xf32, #tpu.memory_space<hbm>>
    %dma_start3A_898 = arith.constant 0 : i32
    %dma_start3A_899 = arith.constant 0 : i32
    %dma_start3A_900 = arith.constant 0 : i32
    %dma_start3A_901 = tpu.memref_slice %arg4[%add3A_886, %dma_start3A_898, %dma_start3A_899, %dma_start3A_900] : memref<512x2x112x256xf32, #tpu.memory_space<hbm>> -> memref<1x2x112x256xf32, #tpu.memory_space<hbm>>
    %dma_start3A_902 = tpu.memref_squeeze %dma_start3A_901 : memref<1x2x112x256xf32, #tpu.memory_space<hbm>> -> memref<2x112x256xf32, #tpu.memory_space<hbm>>
    %dma_start3A_903 = arith.constant 0 : i32
    %dma_start3A_904 = arith.constant 0 : i32
    %dma_start3A_905 = arith.constant 0 : i32
    %dma_start3A_906 = tpu.memref_slice %arg6[%dma_start3A_887, %dma_start3A_903, %dma_start3A_904, %dma_start3A_905] : memref<2x2x112x256xf32, #tpu.memory_space<vmem>> -> memref<1x2x112x256xf32, #tpu.memory_space<vmem>>
    %dma_start3A_907 = tpu.memref_squeeze %dma_start3A_906 : memref<1x2x112x256xf32, #tpu.memory_space<vmem>> -> memref<2x112x256xf32, #tpu.memory_space<vmem>>
    tpu.enqueue_dma source(%dma_start3A_907 : memref<2x112x256xf32, #tpu.memory_space<vmem>>) target(%dma_start3A_902 : memref<2x112x256xf32, #tpu.memory_space<hbm>>) target_semaphore(%arg9 : memref<!tpu.dma_semaphore, #tpu.memory_space<semaphore_mem>>)
    %dma_wait3A_908 = arith.constant 0 : i32
    %dma_wait3A_909 = arith.constant 0 : i32
    %dma_wait3A_910 = arith.constant 0 : i32
    %dma_wait3A_911 = arith.constant 0 : i32
    %dma_wait3A_912 = tpu.memref_slice %arg6[%dma_wait3A_908, %dma_wait3A_909, %dma_wait3A_910, %dma_wait3A_911] : memref<2x2x112x256xf32, #tpu.memory_space<vmem>> -> memref<1x2x112x256xf32, #tpu.memory_space<vmem>>
    %dma_wait3A_913 = tpu.memref_squeeze %dma_wait3A_912 : memref<1x2x112x256xf32, #tpu.memory_space<vmem>> -> memref<2x112x256xf32, #tpu.memory_space<vmem>>
    %dma_wait3A_914 = arith.constant 0 : i32
    %dma_wait3A_915 = arith.constant 0 : i32
    %dma_wait3A_916 = arith.constant 0 : i32
    %dma_wait3A_917 = tpu.memref_slice %arg4[%add3A_886, %dma_wait3A_914, %dma_wait3A_915, %dma_wait3A_916] : memref<512x2x112x256xf32, #tpu.memory_space<hbm>> -> memref<1x2x112x256xf32, #tpu.memory_space<hbm>>
    %dma_wait3A_918 = tpu.memref_squeeze %dma_wait3A_917 : memref<1x2x112x256xf32, #tpu.memory_space<hbm>> -> memref<2x112x256xf32, #tpu.memory_space<hbm>>
    %dma_wait3A_919 = arith.constant 0 : i32
    %dma_wait3A_920 = arith.constant 0 : i32
    %dma_wait3A_921 = arith.constant 0 : i32
    %dma_wait3A_922 = tpu.memref_slice %arg4[%add3A_886, %dma_wait3A_919, %dma_wait3A_920, %dma_wait3A_921] : memref<512x2x112x256xf32, #tpu.memory_space<hbm>> -> memref<1x2x112x256xf32, #tpu.memory_space<hbm>>
    %dma_wait3A_923 = tpu.memref_squeeze %dma_wait3A_922 : memref<1x2x112x256xf32, #tpu.memory_space<hbm>> -> memref<2x112x256xf32, #tpu.memory_space<hbm>>
    %dma_wait3A_924 = arith.constant 0 : i32
    %dma_wait3A_925 = arith.constant 0 : i32
    %dma_wait3A_926 = arith.constant 0 : i32
    %dma_wait3A_927 = tpu.memref_slice %arg6[%dma_wait3A_908, %dma_wait3A_924, %dma_wait3A_925, %dma_wait3A_926] : memref<2x2x112x256xf32, #tpu.memory_space<vmem>> -> memref<1x2x112x256xf32, #tpu.memory_space<vmem>>
    %dma_wait3A_928 = tpu.memref_squeeze %dma_wait3A_927 : memref<1x2x112x256xf32, #tpu.memory_space<vmem>> -> memref<2x112x256xf32, #tpu.memory_space<vmem>>
    tpu.wait_dma2 semaphore(%arg9 : memref<!tpu.dma_semaphore, #tpu.memory_space<semaphore_mem>>) src(%dma_wait3A_928 : memref<2x112x256xf32, #tpu.memory_space<vmem>>) dst(%dma_wait3A_923 : memref<2x112x256xf32, #tpu.memory_space<hbm>>)
    %dma_start3A_929 = arith.constant 10 : i32
    %dma_start3A_930 = arith.constant 0 : i32
    %dma_start3A_931 = arith.constant 0 : i32
    %dma_start3A_932 = arith.constant 0 : i32
    %dma_start3A_933 = arith.constant 0 : i32
    %dma_start3A_934 = arith.constant 0 : i32
    %dma_start3A_935 = tpu.memref_slice %arg6[%dma_start3A_931, %dma_start3A_932, %dma_start3A_933, %dma_start3A_934] : memref<2x2x112x256xf32, #tpu.memory_space<vmem>> -> memref<1x1x112x256xf32, #tpu.memory_space<vmem>>
    %dma_start3A_936 = tpu.memref_squeeze %dma_start3A_935 : memref<1x1x112x256xf32, #tpu.memory_space<vmem>> -> memref<112x256xf32, #tpu.memory_space<vmem>>
    %dma_start3A_937 = arith.constant 0 : i32
    %dma_start3A_938 = tpu.memref_slice %arg5[%dma_start3A_929, %dma_start3A_930, %dma_start3A_937] : memref<16x2x112xi32, #tpu.memory_space<vmem>> -> memref<1x1x112xi32, #tpu.memory_space<vmem>>
    %dma_start3A_939 = tpu.memref_squeeze %dma_start3A_938 : memref<1x1x112xi32, #tpu.memory_space<vmem>> -> memref<112xi32, #tpu.memory_space<vmem>>
    %dma_start3A_940 = arith.constant 0 : i32
    %dma_start3A_941 = arith.constant 0 : i32
    %dma_start3A_942 = tpu.memref_slice %arg2[%dma_start3A_940, %dma_start3A_941] : memref<23552x256xf32, #tpu.memory_space<hbm>> -> memref<23552x256xf32, #tpu.memory_space<hbm>>
    tpu.enqueue_indirect_dma source(%dma_start3A_942 : memref<23552x256xf32, #tpu.memory_space<hbm>>) target(%dma_start3A_936 : memref<112x256xf32, #tpu.memory_space<vmem>>) offsets(%dma_start3A_939 : memref<112xi32, #tpu.memory_space<vmem>>) semaphore(%arg7 : memref<!tpu.dma_semaphore, #tpu.memory_space<semaphore_mem>>)
    %dma_start3A_943 = arith.constant 10 : i32
    %dma_start3A_944 = arith.constant 1 : i32
    %dma_start3A_945 = arith.constant 0 : i32
    %dma_start3A_946 = arith.constant 1 : i32
    %dma_start3A_947 = arith.constant 0 : i32
    %dma_start3A_948 = arith.constant 0 : i32
    %dma_start3A_949 = tpu.memref_slice %arg6[%dma_start3A_945, %dma_start3A_946, %dma_start3A_947, %dma_start3A_948] : memref<2x2x112x256xf32, #tpu.memory_space<vmem>> -> memref<1x1x112x256xf32, #tpu.memory_space<vmem>>
    %dma_start3A_950 = tpu.memref_squeeze %dma_start3A_949 : memref<1x1x112x256xf32, #tpu.memory_space<vmem>> -> memref<112x256xf32, #tpu.memory_space<vmem>>
    %dma_start3A_951 = arith.constant 0 : i32
    %dma_start3A_952 = tpu.memref_slice %arg5[%dma_start3A_943, %dma_start3A_944, %dma_start3A_951] : memref<16x2x112xi32, #tpu.memory_space<vmem>> -> memref<1x1x112xi32, #tpu.memory_space<vmem>>
    %dma_start3A_953 = tpu.memref_squeeze %dma_start3A_952 : memref<1x1x112xi32, #tpu.memory_space<vmem>> -> memref<112xi32, #tpu.memory_space<vmem>>
    %dma_start3A_954 = arith.constant 0 : i32
    %dma_start3A_955 = arith.constant 0 : i32
    %dma_start3A_956 = tpu.memref_slice %arg2[%dma_start3A_954, %dma_start3A_955] : memref<23552x256xf32, #tpu.memory_space<hbm>> -> memref<23552x256xf32, #tpu.memory_space<hbm>>
    tpu.enqueue_indirect_dma source(%dma_start3A_956 : memref<23552x256xf32, #tpu.memory_space<hbm>>) target(%dma_start3A_950 : memref<112x256xf32, #tpu.memory_space<vmem>>) offsets(%dma_start3A_953 : memref<112xi32, #tpu.memory_space<vmem>>) semaphore(%arg7 : memref<!tpu.dma_semaphore, #tpu.memory_space<semaphore_mem>>)
    %dma_wait3A_957 = arith.constant 9 : i32
    %dma_wait3A_958 = arith.constant 0 : i32
    %dma_wait3A_959 = arith.constant 1 : i32
    %dma_wait3A_960 = arith.constant 0 : i32
    %dma_wait3A_961 = arith.constant 0 : i32
    %dma_wait3A_962 = arith.constant 0 : i32
    %dma_wait3A_963 = tpu.memref_slice %arg6[%dma_wait3A_959, %dma_wait3A_960, %dma_wait3A_961, %dma_wait3A_962] : memref<2x2x112x256xf32, #tpu.memory_space<vmem>> -> memref<1x1x112x256xf32, #tpu.memory_space<vmem>>
    %dma_wait3A_964 = tpu.memref_squeeze %dma_wait3A_963 : memref<1x1x112x256xf32, #tpu.memory_space<vmem>> -> memref<112x256xf32, #tpu.memory_space<vmem>>
    %dma_wait3A_965 = arith.constant 0 : i32
    %dma_wait3A_966 = tpu.memref_slice %arg5[%dma_wait3A_957, %dma_wait3A_958, %dma_wait3A_965] : memref<16x2x112xi32, #tpu.memory_space<vmem>> -> memref<1x1x112xi32, #tpu.memory_space<vmem>>
    %dma_wait3A_967 = tpu.memref_squeeze %dma_wait3A_966 : memref<1x1x112xi32, #tpu.memory_space<vmem>> -> memref<112xi32, #tpu.memory_space<vmem>>
    %dma_wait3A_968 = arith.constant 0 : i32
    %dma_wait3A_969 = arith.constant 0 : i32
    %dma_wait3A_970 = tpu.memref_slice %arg2[%dma_wait3A_968, %dma_wait3A_969] : memref<23552x256xf32, #tpu.memory_space<hbm>> -> memref<23552x256xf32, #tpu.memory_space<hbm>>
    tpu.wait_indirect_dma semaphore(%arg8 : memref<!tpu.dma_semaphore, #tpu.memory_space<semaphore_mem>>) src(%dma_wait3A_970 : memref<23552x256xf32, #tpu.memory_space<hbm>>) dst(%dma_wait3A_964 : memref<112x256xf32, #tpu.memory_space<vmem>>)
    %dma_wait3A_971 = arith.constant 9 : i32
    %dma_wait3A_972 = arith.constant 1 : i32
    %dma_wait3A_973 = arith.constant 1 : i32
    %dma_wait3A_974 = arith.constant 1 : i32
    %dma_wait3A_975 = arith.constant 0 : i32
    %dma_wait3A_976 = arith.constant 0 : i32
    %dma_wait3A_977 = tpu.memref_slice %arg6[%dma_wait3A_973, %dma_wait3A_974, %dma_wait3A_975, %dma_wait3A_976] : memref<2x2x112x256xf32, #tpu.memory_space<vmem>> -> memref<1x1x112x256xf32, #tpu.memory_space<vmem>>
    %dma_wait3A_978 = tpu.memref_squeeze %dma_wait3A_977 : memref<1x1x112x256xf32, #tpu.memory_space<vmem>> -> memref<112x256xf32, #tpu.memory_space<vmem>>
    %dma_wait3A_979 = arith.constant 0 : i32
    %dma_wait3A_980 = tpu.memref_slice %arg5[%dma_wait3A_971, %dma_wait3A_972, %dma_wait3A_979] : memref<16x2x112xi32, #tpu.memory_space<vmem>> -> memref<1x1x112xi32, #tpu.memory_space<vmem>>
    %dma_wait3A_981 = tpu.memref_squeeze %dma_wait3A_980 : memref<1x1x112xi32, #tpu.memory_space<vmem>> -> memref<112xi32, #tpu.memory_space<vmem>>
    %dma_wait3A_982 = arith.constant 0 : i32
    %dma_wait3A_983 = arith.constant 0 : i32
    %dma_wait3A_984 = tpu.memref_slice %arg2[%dma_wait3A_982, %dma_wait3A_983] : memref<23552x256xf32, #tpu.memory_space<hbm>> -> memref<23552x256xf32, #tpu.memory_space<hbm>>
    tpu.wait_indirect_dma semaphore(%arg8 : memref<!tpu.dma_semaphore, #tpu.memory_space<semaphore_mem>>) src(%dma_wait3A_984 : memref<23552x256xf32, #tpu.memory_space<hbm>>) dst(%dma_wait3A_978 : memref<112x256xf32, #tpu.memory_space<vmem>>)
    %add3A_985 = arith.constant 9 : i32
    %add3A_986 = arith.addi %mul3A_2, %add3A_985 : i32
    %dma_start3A_987 = arith.constant 1 : i32
    %dma_start3A_988 = arith.constant 0 : i32
    %dma_start3A_989 = arith.constant 0 : i32
    %dma_start3A_990 = arith.constant 0 : i32
    %dma_start3A_991 = tpu.memref_slice %arg6[%dma_start3A_987, %dma_start3A_988, %dma_start3A_989, %dma_start3A_990] : memref<2x2x112x256xf32, #tpu.memory_space<vmem>> -> memref<1x2x112x256xf32, #tpu.memory_space<vmem>>
    %dma_start3A_992 = tpu.memref_squeeze %dma_start3A_991 : memref<1x2x112x256xf32, #tpu.memory_space<vmem>> -> memref<2x112x256xf32, #tpu.memory_space<vmem>>
    %dma_start3A_993 = arith.constant 0 : i32
    %dma_start3A_994 = arith.constant 0 : i32
    %dma_start3A_995 = arith.constant 0 : i32
    %dma_start3A_996 = tpu.memref_slice %arg4[%add3A_986, %dma_start3A_993, %dma_start3A_994, %dma_start3A_995] : memref<512x2x112x256xf32, #tpu.memory_space<hbm>> -> memref<1x2x112x256xf32, #tpu.memory_space<hbm>>
    %dma_start3A_997 = tpu.memref_squeeze %dma_start3A_996 : memref<1x2x112x256xf32, #tpu.memory_space<hbm>> -> memref<2x112x256xf32, #tpu.memory_space<hbm>>
    %dma_start3A_998 = arith.constant 0 : i32
    %dma_start3A_999 = arith.constant 0 : i32
    %dma_start3A_1000 = arith.constant 0 : i32
    %dma_start3A_1001 = tpu.memref_slice %arg4[%add3A_986, %dma_start3A_998, %dma_start3A_999, %dma_start3A_1000] : memref<512x2x112x256xf32, #tpu.memory_space<hbm>> -> memref<1x2x112x256xf32, #tpu.memory_space<hbm>>
    %dma_start3A_1002 = tpu.memref_squeeze %dma_start3A_1001 : memref<1x2x112x256xf32, #tpu.memory_space<hbm>> -> memref<2x112x256xf32, #tpu.memory_space<hbm>>
    %dma_start3A_1003 = arith.constant 0 : i32
    %dma_start3A_1004 = arith.constant 0 : i32
    %dma_start3A_1005 = arith.constant 0 : i32
    %dma_start3A_1006 = tpu.memref_slice %arg6[%dma_start3A_987, %dma_start3A_1003, %dma_start3A_1004, %dma_start3A_1005] : memref<2x2x112x256xf32, #tpu.memory_space<vmem>> -> memref<1x2x112x256xf32, #tpu.memory_space<vmem>>
    %dma_start3A_1007 = tpu.memref_squeeze %dma_start3A_1006 : memref<1x2x112x256xf32, #tpu.memory_space<vmem>> -> memref<2x112x256xf32, #tpu.memory_space<vmem>>
    tpu.enqueue_dma source(%dma_start3A_1007 : memref<2x112x256xf32, #tpu.memory_space<vmem>>) target(%dma_start3A_1002 : memref<2x112x256xf32, #tpu.memory_space<hbm>>) target_semaphore(%arg10 : memref<!tpu.dma_semaphore, #tpu.memory_space<semaphore_mem>>)
    %dma_wait3A_1008 = arith.constant 1 : i32
    %dma_wait3A_1009 = arith.constant 0 : i32
    %dma_wait3A_1010 = arith.constant 0 : i32
    %dma_wait3A_1011 = arith.constant 0 : i32
    %dma_wait3A_1012 = tpu.memref_slice %arg6[%dma_wait3A_1008, %dma_wait3A_1009, %dma_wait3A_1010, %dma_wait3A_1011] : memref<2x2x112x256xf32, #tpu.memory_space<vmem>> -> memref<1x2x112x256xf32, #tpu.memory_space<vmem>>
    %dma_wait3A_1013 = tpu.memref_squeeze %dma_wait3A_1012 : memref<1x2x112x256xf32, #tpu.memory_space<vmem>> -> memref<2x112x256xf32, #tpu.memory_space<vmem>>
    %dma_wait3A_1014 = arith.constant 0 : i32
    %dma_wait3A_1015 = arith.constant 0 : i32
    %dma_wait3A_1016 = arith.constant 0 : i32
    %dma_wait3A_1017 = tpu.memref_slice %arg4[%add3A_986, %dma_wait3A_1014, %dma_wait3A_1015, %dma_wait3A_1016] : memref<512x2x112x256xf32, #tpu.memory_space<hbm>> -> memref<1x2x112x256xf32, #tpu.memory_space<hbm>>
    %dma_wait3A_1018 = tpu.memref_squeeze %dma_wait3A_1017 : memref<1x2x112x256xf32, #tpu.memory_space<hbm>> -> memref<2x112x256xf32, #tpu.memory_space<hbm>>
    %dma_wait3A_1019 = arith.constant 0 : i32
    %dma_wait3A_1020 = arith.constant 0 : i32
    %dma_wait3A_1021 = arith.constant 0 : i32
    %dma_wait3A_1022 = tpu.memref_slice %arg4[%add3A_986, %dma_wait3A_1019, %dma_wait3A_1020, %dma_wait3A_1021] : memref<512x2x112x256xf32, #tpu.memory_space<hbm>> -> memref<1x2x112x256xf32, #tpu.memory_space<hbm>>
    %dma_wait3A_1023 = tpu.memref_squeeze %dma_wait3A_1022 : memref<1x2x112x256xf32, #tpu.memory_space<hbm>> -> memref<2x112x256xf32, #tpu.memory_space<hbm>>
    %dma_wait3A_1024 = arith.constant 0 : i32
    %dma_wait3A_1025 = arith.constant 0 : i32
    %dma_wait3A_1026 = arith.constant 0 : i32
    %dma_wait3A_1027 = tpu.memref_slice %arg6[%dma_wait3A_1008, %dma_wait3A_1024, %dma_wait3A_1025, %dma_wait3A_1026] : memref<2x2x112x256xf32, #tpu.memory_space<vmem>> -> memref<1x2x112x256xf32, #tpu.memory_space<vmem>>
    %dma_wait3A_1028 = tpu.memref_squeeze %dma_wait3A_1027 : memref<1x2x112x256xf32, #tpu.memory_space<vmem>> -> memref<2x112x256xf32, #tpu.memory_space<vmem>>
    tpu.wait_dma2 semaphore(%arg10 : memref<!tpu.dma_semaphore, #tpu.memory_space<semaphore_mem>>) src(%dma_wait3A_1028 : memref<2x112x256xf32, #tpu.memory_space<vmem>>) dst(%dma_wait3A_1023 : memref<2x112x256xf32, #tpu.memory_space<hbm>>)
    %dma_start3A_1029 = arith.constant 11 : i32
    %dma_start3A_1030 = arith.constant 0 : i32
    %dma_start3A_1031 = arith.constant 1 : i32
    %dma_start3A_1032 = arith.constant 0 : i32
    %dma_start3A_1033 = arith.constant 0 : i32
    %dma_start3A_1034 = arith.constant 0 : i32
    %dma_start3A_1035 = tpu.memref_slice %arg6[%dma_start3A_1031, %dma_start3A_1032, %dma_start3A_1033, %dma_start3A_1034] : memref<2x2x112x256xf32, #tpu.memory_space<vmem>> -> memref<1x1x112x256xf32, #tpu.memory_space<vmem>>
    %dma_start3A_1036 = tpu.memref_squeeze %dma_start3A_1035 : memref<1x1x112x256xf32, #tpu.memory_space<vmem>> -> memref<112x256xf32, #tpu.memory_space<vmem>>
    %dma_start3A_1037 = arith.constant 0 : i32
    %dma_start3A_1038 = tpu.memref_slice %arg5[%dma_start3A_1029, %dma_start3A_1030, %dma_start3A_1037] : memref<16x2x112xi32, #tpu.memory_space<vmem>> -> memref<1x1x112xi32, #tpu.memory_space<vmem>>
    %dma_start3A_1039 = tpu.memref_squeeze %dma_start3A_1038 : memref<1x1x112xi32, #tpu.memory_space<vmem>> -> memref<112xi32, #tpu.memory_space<vmem>>
    %dma_start3A_1040 = arith.constant 0 : i32
    %dma_start3A_1041 = arith.constant 0 : i32
    %dma_start3A_1042 = tpu.memref_slice %arg2[%dma_start3A_1040, %dma_start3A_1041] : memref<23552x256xf32, #tpu.memory_space<hbm>> -> memref<23552x256xf32, #tpu.memory_space<hbm>>
    tpu.enqueue_indirect_dma source(%dma_start3A_1042 : memref<23552x256xf32, #tpu.memory_space<hbm>>) target(%dma_start3A_1036 : memref<112x256xf32, #tpu.memory_space<vmem>>) offsets(%dma_start3A_1039 : memref<112xi32, #tpu.memory_space<vmem>>) semaphore(%arg8 : memref<!tpu.dma_semaphore, #tpu.memory_space<semaphore_mem>>)
    %dma_start3A_1043 = arith.constant 11 : i32
    %dma_start3A_1044 = arith.constant 1 : i32
    %dma_start3A_1045 = arith.constant 1 : i32
    %dma_start3A_1046 = arith.constant 1 : i32
    %dma_start3A_1047 = arith.constant 0 : i32
    %dma_start3A_1048 = arith.constant 0 : i32
    %dma_start3A_1049 = tpu.memref_slice %arg6[%dma_start3A_1045, %dma_start3A_1046, %dma_start3A_1047, %dma_start3A_1048] : memref<2x2x112x256xf32, #tpu.memory_space<vmem>> -> memref<1x1x112x256xf32, #tpu.memory_space<vmem>>
    %dma_start3A_1050 = tpu.memref_squeeze %dma_start3A_1049 : memref<1x1x112x256xf32, #tpu.memory_space<vmem>> -> memref<112x256xf32, #tpu.memory_space<vmem>>
    %dma_start3A_1051 = arith.constant 0 : i32
    %dma_start3A_1052 = tpu.memref_slice %arg5[%dma_start3A_1043, %dma_start3A_1044, %dma_start3A_1051] : memref<16x2x112xi32, #tpu.memory_space<vmem>> -> memref<1x1x112xi32, #tpu.memory_space<vmem>>
    %dma_start3A_1053 = tpu.memref_squeeze %dma_start3A_1052 : memref<1x1x112xi32, #tpu.memory_space<vmem>> -> memref<112xi32, #tpu.memory_space<vmem>>
    %dma_start3A_1054 = arith.constant 0 : i32
    %dma_start3A_1055 = arith.constant 0 : i32
    %dma_start3A_1056 = tpu.memref_slice %arg2[%dma_start3A_1054, %dma_start3A_1055] : memref<23552x256xf32, #tpu.memory_space<hbm>> -> memref<23552x256xf32, #tpu.memory_space<hbm>>
    tpu.enqueue_indirect_dma source(%dma_start3A_1056 : memref<23552x256xf32, #tpu.memory_space<hbm>>) target(%dma_start3A_1050 : memref<112x256xf32, #tpu.memory_space<vmem>>) offsets(%dma_start3A_1053 : memref<112xi32, #tpu.memory_space<vmem>>) semaphore(%arg8 : memref<!tpu.dma_semaphore, #tpu.memory_space<semaphore_mem>>)
    %dma_wait3A_1057 = arith.constant 10 : i32
    %dma_wait3A_1058 = arith.constant 0 : i32
    %dma_wait3A_1059 = arith.constant 0 : i32
    %dma_wait3A_1060 = arith.constant 0 : i32
    %dma_wait3A_1061 = arith.constant 0 : i32
    %dma_wait3A_1062 = arith.constant 0 : i32
    %dma_wait3A_1063 = tpu.memref_slice %arg6[%dma_wait3A_1059, %dma_wait3A_1060, %dma_wait3A_1061, %dma_wait3A_1062] : memref<2x2x112x256xf32, #tpu.memory_space<vmem>> -> memref<1x1x112x256xf32, #tpu.memory_space<vmem>>
    %dma_wait3A_1064 = tpu.memref_squeeze %dma_wait3A_1063 : memref<1x1x112x256xf32, #tpu.memory_space<vmem>> -> memref<112x256xf32, #tpu.memory_space<vmem>>
    %dma_wait3A_1065 = arith.constant 0 : i32
    %dma_wait3A_1066 = tpu.memref_slice %arg5[%dma_wait3A_1057, %dma_wait3A_1058, %dma_wait3A_1065] : memref<16x2x112xi32, #tpu.memory_space<vmem>> -> memref<1x1x112xi32, #tpu.memory_space<vmem>>
    %dma_wait3A_1067 = tpu.memref_squeeze %dma_wait3A_1066 : memref<1x1x112xi32, #tpu.memory_space<vmem>> -> memref<112xi32, #tpu.memory_space<vmem>>
    %dma_wait3A_1068 = arith.constant 0 : i32
    %dma_wait3A_1069 = arith.constant 0 : i32
    %dma_wait3A_1070 = tpu.memref_slice %arg2[%dma_wait3A_1068, %dma_wait3A_1069] : memref<23552x256xf32, #tpu.memory_space<hbm>> -> memref<23552x256xf32, #tpu.memory_space<hbm>>
    tpu.wait_indirect_dma semaphore(%arg7 : memref<!tpu.dma_semaphore, #tpu.memory_space<semaphore_mem>>) src(%dma_wait3A_1070 : memref<23552x256xf32, #tpu.memory_space<hbm>>) dst(%dma_wait3A_1064 : memref<112x256xf32, #tpu.memory_space<vmem>>)
    %dma_wait3A_1071 = arith.constant 10 : i32
    %dma_wait3A_1072 = arith.constant 1 : i32
    %dma_wait3A_1073 = arith.constant 0 : i32
    %dma_wait3A_1074 = arith.constant 1 : i32
    %dma_wait3A_1075 = arith.constant 0 : i32
    %dma_wait3A_1076 = arith.constant 0 : i32
    %dma_wait3A_1077 = tpu.memref_slice %arg6[%dma_wait3A_1073, %dma_wait3A_1074, %dma_wait3A_1075, %dma_wait3A_1076] : memref<2x2x112x256xf32, #tpu.memory_space<vmem>> -> memref<1x1x112x256xf32, #tpu.memory_space<vmem>>
    %dma_wait3A_1078 = tpu.memref_squeeze %dma_wait3A_1077 : memref<1x1x112x256xf32, #tpu.memory_space<vmem>> -> memref<112x256xf32, #tpu.memory_space<vmem>>
    %dma_wait3A_1079 = arith.constant 0 : i32
    %dma_wait3A_1080 = tpu.memref_slice %arg5[%dma_wait3A_1071, %dma_wait3A_1072, %dma_wait3A_1079] : memref<16x2x112xi32, #tpu.memory_space<vmem>> -> memref<1x1x112xi32, #tpu.memory_space<vmem>>
    %dma_wait3A_1081 = tpu.memref_squeeze %dma_wait3A_1080 : memref<1x1x112xi32, #tpu.memory_space<vmem>> -> memref<112xi32, #tpu.memory_space<vmem>>
    %dma_wait3A_1082 = arith.constant 0 : i32
    %dma_wait3A_1083 = arith.constant 0 : i32
    %dma_wait3A_1084 = tpu.memref_slice %arg2[%dma_wait3A_1082, %dma_wait3A_1083] : memref<23552x256xf32, #tpu.memory_space<hbm>> -> memref<23552x256xf32, #tpu.memory_space<hbm>>
    tpu.wait_indirect_dma semaphore(%arg7 : memref<!tpu.dma_semaphore, #tpu.memory_space<semaphore_mem>>) src(%dma_wait3A_1084 : memref<23552x256xf32, #tpu.memory_space<hbm>>) dst(%dma_wait3A_1078 : memref<112x256xf32, #tpu.memory_space<vmem>>)
    %add3A_1085 = arith.constant 10 : i32
    %add3A_1086 = arith.addi %mul3A_2, %add3A_1085 : i32
    %dma_start3A_1087 = arith.constant 0 : i32
    %dma_start3A_1088 = arith.constant 0 : i32
    %dma_start3A_1089 = arith.constant 0 : i32
    %dma_start3A_1090 = arith.constant 0 : i32
    %dma_start3A_1091 = tpu.memref_slice %arg6[%dma_start3A_1087, %dma_start3A_1088, %dma_start3A_1089, %dma_start3A_1090] : memref<2x2x112x256xf32, #tpu.memory_space<vmem>> -> memref<1x2x112x256xf32, #tpu.memory_space<vmem>>
    %dma_start3A_1092 = tpu.memref_squeeze %dma_start3A_1091 : memref<1x2x112x256xf32, #tpu.memory_space<vmem>> -> memref<2x112x256xf32, #tpu.memory_space<vmem>>
    %dma_start3A_1093 = arith.constant 0 : i32
    %dma_start3A_1094 = arith.constant 0 : i32
    %dma_start3A_1095 = arith.constant 0 : i32
    %dma_start3A_1096 = tpu.memref_slice %arg4[%add3A_1086, %dma_start3A_1093, %dma_start3A_1094, %dma_start3A_1095] : memref<512x2x112x256xf32, #tpu.memory_space<hbm>> -> memref<1x2x112x256xf32, #tpu.memory_space<hbm>>
    %dma_start3A_1097 = tpu.memref_squeeze %dma_start3A_1096 : memref<1x2x112x256xf32, #tpu.memory_space<hbm>> -> memref<2x112x256xf32, #tpu.memory_space<hbm>>
    %dma_start3A_1098 = arith.constant 0 : i32
    %dma_start3A_1099 = arith.constant 0 : i32
    %dma_start3A_1100 = arith.constant 0 : i32
    %dma_start3A_1101 = tpu.memref_slice %arg4[%add3A_1086, %dma_start3A_1098, %dma_start3A_1099, %dma_start3A_1100] : memref<512x2x112x256xf32, #tpu.memory_space<hbm>> -> memref<1x2x112x256xf32, #tpu.memory_space<hbm>>
    %dma_start3A_1102 = tpu.memref_squeeze %dma_start3A_1101 : memref<1x2x112x256xf32, #tpu.memory_space<hbm>> -> memref<2x112x256xf32, #tpu.memory_space<hbm>>
    %dma_start3A_1103 = arith.constant 0 : i32
    %dma_start3A_1104 = arith.constant 0 : i32
    %dma_start3A_1105 = arith.constant 0 : i32
    %dma_start3A_1106 = tpu.memref_slice %arg6[%dma_start3A_1087, %dma_start3A_1103, %dma_start3A_1104, %dma_start3A_1105] : memref<2x2x112x256xf32, #tpu.memory_space<vmem>> -> memref<1x2x112x256xf32, #tpu.memory_space<vmem>>
    %dma_start3A_1107 = tpu.memref_squeeze %dma_start3A_1106 : memref<1x2x112x256xf32, #tpu.memory_space<vmem>> -> memref<2x112x256xf32, #tpu.memory_space<vmem>>
    tpu.enqueue_dma source(%dma_start3A_1107 : memref<2x112x256xf32, #tpu.memory_space<vmem>>) target(%dma_start3A_1102 : memref<2x112x256xf32, #tpu.memory_space<hbm>>) target_semaphore(%arg9 : memref<!tpu.dma_semaphore, #tpu.memory_space<semaphore_mem>>)
    %dma_wait3A_1108 = arith.constant 0 : i32
    %dma_wait3A_1109 = arith.constant 0 : i32
    %dma_wait3A_1110 = arith.constant 0 : i32
    %dma_wait3A_1111 = arith.constant 0 : i32
    %dma_wait3A_1112 = tpu.memref_slice %arg6[%dma_wait3A_1108, %dma_wait3A_1109, %dma_wait3A_1110, %dma_wait3A_1111] : memref<2x2x112x256xf32, #tpu.memory_space<vmem>> -> memref<1x2x112x256xf32, #tpu.memory_space<vmem>>
    %dma_wait3A_1113 = tpu.memref_squeeze %dma_wait3A_1112 : memref<1x2x112x256xf32, #tpu.memory_space<vmem>> -> memref<2x112x256xf32, #tpu.memory_space<vmem>>
    %dma_wait3A_1114 = arith.constant 0 : i32
    %dma_wait3A_1115 = arith.constant 0 : i32
    %dma_wait3A_1116 = arith.constant 0 : i32
    %dma_wait3A_1117 = tpu.memref_slice %arg4[%add3A_1086, %dma_wait3A_1114, %dma_wait3A_1115, %dma_wait3A_1116] : memref<512x2x112x256xf32, #tpu.memory_space<hbm>> -> memref<1x2x112x256xf32, #tpu.memory_space<hbm>>
    %dma_wait3A_1118 = tpu.memref_squeeze %dma_wait3A_1117 : memref<1x2x112x256xf32, #tpu.memory_space<hbm>> -> memref<2x112x256xf32, #tpu.memory_space<hbm>>
    %dma_wait3A_1119 = arith.constant 0 : i32
    %dma_wait3A_1120 = arith.constant 0 : i32
    %dma_wait3A_1121 = arith.constant 0 : i32
    %dma_wait3A_1122 = tpu.memref_slice %arg4[%add3A_1086, %dma_wait3A_1119, %dma_wait3A_1120, %dma_wait3A_1121] : memref<512x2x112x256xf32, #tpu.memory_space<hbm>> -> memref<1x2x112x256xf32, #tpu.memory_space<hbm>>
    %dma_wait3A_1123 = tpu.memref_squeeze %dma_wait3A_1122 : memref<1x2x112x256xf32, #tpu.memory_space<hbm>> -> memref<2x112x256xf32, #tpu.memory_space<hbm>>
    %dma_wait3A_1124 = arith.constant 0 : i32
    %dma_wait3A_1125 = arith.constant 0 : i32
    %dma_wait3A_1126 = arith.constant 0 : i32
    %dma_wait3A_1127 = tpu.memref_slice %arg6[%dma_wait3A_1108, %dma_wait3A_1124, %dma_wait3A_1125, %dma_wait3A_1126] : memref<2x2x112x256xf32, #tpu.memory_space<vmem>> -> memref<1x2x112x256xf32, #tpu.memory_space<vmem>>
    %dma_wait3A_1128 = tpu.memref_squeeze %dma_wait3A_1127 : memref<1x2x112x256xf32, #tpu.memory_space<vmem>> -> memref<2x112x256xf32, #tpu.memory_space<vmem>>
    tpu.wait_dma2 semaphore(%arg9 : memref<!tpu.dma_semaphore, #tpu.memory_space<semaphore_mem>>) src(%dma_wait3A_1128 : memref<2x112x256xf32, #tpu.memory_space<vmem>>) dst(%dma_wait3A_1123 : memref<2x112x256xf32, #tpu.memory_space<hbm>>)
    %dma_start3A_1129 = arith.constant 12 : i32
    %dma_start3A_1130 = arith.constant 0 : i32
    %dma_start3A_1131 = arith.constant 0 : i32
    %dma_start3A_1132 = arith.constant 0 : i32
    %dma_start3A_1133 = arith.constant 0 : i32
    %dma_start3A_1134 = arith.constant 0 : i32
    %dma_start3A_1135 = tpu.memref_slice %arg6[%dma_start3A_1131, %dma_start3A_1132, %dma_start3A_1133, %dma_start3A_1134] : memref<2x2x112x256xf32, #tpu.memory_space<vmem>> -> memref<1x1x112x256xf32, #tpu.memory_space<vmem>>
    %dma_start3A_1136 = tpu.memref_squeeze %dma_start3A_1135 : memref<1x1x112x256xf32, #tpu.memory_space<vmem>> -> memref<112x256xf32, #tpu.memory_space<vmem>>
    %dma_start3A_1137 = arith.constant 0 : i32
    %dma_start3A_1138 = tpu.memref_slice %arg5[%dma_start3A_1129, %dma_start3A_1130, %dma_start3A_1137] : memref<16x2x112xi32, #tpu.memory_space<vmem>> -> memref<1x1x112xi32, #tpu.memory_space<vmem>>
    %dma_start3A_1139 = tpu.memref_squeeze %dma_start3A_1138 : memref<1x1x112xi32, #tpu.memory_space<vmem>> -> memref<112xi32, #tpu.memory_space<vmem>>
    %dma_start3A_1140 = arith.constant 0 : i32
    %dma_start3A_1141 = arith.constant 0 : i32
    %dma_start3A_1142 = tpu.memref_slice %arg2[%dma_start3A_1140, %dma_start3A_1141] : memref<23552x256xf32, #tpu.memory_space<hbm>> -> memref<23552x256xf32, #tpu.memory_space<hbm>>
    tpu.enqueue_indirect_dma source(%dma_start3A_1142 : memref<23552x256xf32, #tpu.memory_space<hbm>>) target(%dma_start3A_1136 : memref<112x256xf32, #tpu.memory_space<vmem>>) offsets(%dma_start3A_1139 : memref<112xi32, #tpu.memory_space<vmem>>) semaphore(%arg7 : memref<!tpu.dma_semaphore, #tpu.memory_space<semaphore_mem>>)
    %dma_start3A_1143 = arith.constant 12 : i32
    %dma_start3A_1144 = arith.constant 1 : i32
    %dma_start3A_1145 = arith.constant 0 : i32
    %dma_start3A_1146 = arith.constant 1 : i32
    %dma_start3A_1147 = arith.constant 0 : i32
    %dma_start3A_1148 = arith.constant 0 : i32
    %dma_start3A_1149 = tpu.memref_slice %arg6[%dma_start3A_1145, %dma_start3A_1146, %dma_start3A_1147, %dma_start3A_1148] : memref<2x2x112x256xf32, #tpu.memory_space<vmem>> -> memref<1x1x112x256xf32, #tpu.memory_space<vmem>>
    %dma_start3A_1150 = tpu.memref_squeeze %dma_start3A_1149 : memref<1x1x112x256xf32, #tpu.memory_space<vmem>> -> memref<112x256xf32, #tpu.memory_space<vmem>>
    %dma_start3A_1151 = arith.constant 0 : i32
    %dma_start3A_1152 = tpu.memref_slice %arg5[%dma_start3A_1143, %dma_start3A_1144, %dma_start3A_1151] : memref<16x2x112xi32, #tpu.memory_space<vmem>> -> memref<1x1x112xi32, #tpu.memory_space<vmem>>
    %dma_start3A_1153 = tpu.memref_squeeze %dma_start3A_1152 : memref<1x1x112xi32, #tpu.memory_space<vmem>> -> memref<112xi32, #tpu.memory_space<vmem>>
    %dma_start3A_1154 = arith.constant 0 : i32
    %dma_start3A_1155 = arith.constant 0 : i32
    %dma_start3A_1156 = tpu.memref_slice %arg2[%dma_start3A_1154, %dma_start3A_1155] : memref<23552x256xf32, #tpu.memory_space<hbm>> -> memref<23552x256xf32, #tpu.memory_space<hbm>>
    tpu.enqueue_indirect_dma source(%dma_start3A_1156 : memref<23552x256xf32, #tpu.memory_space<hbm>>) target(%dma_start3A_1150 : memref<112x256xf32, #tpu.memory_space<vmem>>) offsets(%dma_start3A_1153 : memref<112xi32, #tpu.memory_space<vmem>>) semaphore(%arg7 : memref<!tpu.dma_semaphore, #tpu.memory_space<semaphore_mem>>)
    %dma_wait3A_1157 = arith.constant 11 : i32
    %dma_wait3A_1158 = arith.constant 0 : i32
    %dma_wait3A_1159 = arith.constant 1 : i32
    %dma_wait3A_1160 = arith.constant 0 : i32
    %dma_wait3A_1161 = arith.constant 0 : i32
    %dma_wait3A_1162 = arith.constant 0 : i32
    %dma_wait3A_1163 = tpu.memref_slice %arg6[%dma_wait3A_1159, %dma_wait3A_1160, %dma_wait3A_1161, %dma_wait3A_1162] : memref<2x2x112x256xf32, #tpu.memory_space<vmem>> -> memref<1x1x112x256xf32, #tpu.memory_space<vmem>>
    %dma_wait3A_1164 = tpu.memref_squeeze %dma_wait3A_1163 : memref<1x1x112x256xf32, #tpu.memory_space<vmem>> -> memref<112x256xf32, #tpu.memory_space<vmem>>
    %dma_wait3A_1165 = arith.constant 0 : i32
    %dma_wait3A_1166 = tpu.memref_slice %arg5[%dma_wait3A_1157, %dma_wait3A_1158, %dma_wait3A_1165] : memref<16x2x112xi32, #tpu.memory_space<vmem>> -> memref<1x1x112xi32, #tpu.memory_space<vmem>>
    %dma_wait3A_1167 = tpu.memref_squeeze %dma_wait3A_1166 : memref<1x1x112xi32, #tpu.memory_space<vmem>> -> memref<112xi32, #tpu.memory_space<vmem>>
    %dma_wait3A_1168 = arith.constant 0 : i32
    %dma_wait3A_1169 = arith.constant 0 : i32
    %dma_wait3A_1170 = tpu.memref_slice %arg2[%dma_wait3A_1168, %dma_wait3A_1169] : memref<23552x256xf32, #tpu.memory_space<hbm>> -> memref<23552x256xf32, #tpu.memory_space<hbm>>
    tpu.wait_indirect_dma semaphore(%arg8 : memref<!tpu.dma_semaphore, #tpu.memory_space<semaphore_mem>>) src(%dma_wait3A_1170 : memref<23552x256xf32, #tpu.memory_space<hbm>>) dst(%dma_wait3A_1164 : memref<112x256xf32, #tpu.memory_space<vmem>>)
    %dma_wait3A_1171 = arith.constant 11 : i32
    %dma_wait3A_1172 = arith.constant 1 : i32
    %dma_wait3A_1173 = arith.constant 1 : i32
    %dma_wait3A_1174 = arith.constant 1 : i32
    %dma_wait3A_1175 = arith.constant 0 : i32
    %dma_wait3A_1176 = arith.constant 0 : i32
    %dma_wait3A_1177 = tpu.memref_slice %arg6[%dma_wait3A_1173, %dma_wait3A_1174, %dma_wait3A_1175, %dma_wait3A_1176] : memref<2x2x112x256xf32, #tpu.memory_space<vmem>> -> memref<1x1x112x256xf32, #tpu.memory_space<vmem>>
    %dma_wait3A_1178 = tpu.memref_squeeze %dma_wait3A_1177 : memref<1x1x112x256xf32, #tpu.memory_space<vmem>> -> memref<112x256xf32, #tpu.memory_space<vmem>>
    %dma_wait3A_1179 = arith.constant 0 : i32
    %dma_wait3A_1180 = tpu.memref_slice %arg5[%dma_wait3A_1171, %dma_wait3A_1172, %dma_wait3A_1179] : memref<16x2x112xi32, #tpu.memory_space<vmem>> -> memref<1x1x112xi32, #tpu.memory_space<vmem>>
    %dma_wait3A_1181 = tpu.memref_squeeze %dma_wait3A_1180 : memref<1x1x112xi32, #tpu.memory_space<vmem>> -> memref<112xi32, #tpu.memory_space<vmem>>
    %dma_wait3A_1182 = arith.constant 0 : i32
    %dma_wait3A_1183 = arith.constant 0 : i32
    %dma_wait3A_1184 = tpu.memref_slice %arg2[%dma_wait3A_1182, %dma_wait3A_1183] : memref<23552x256xf32, #tpu.memory_space<hbm>> -> memref<23552x256xf32, #tpu.memory_space<hbm>>
    tpu.wait_indirect_dma semaphore(%arg8 : memref<!tpu.dma_semaphore, #tpu.memory_space<semaphore_mem>>) src(%dma_wait3A_1184 : memref<23552x256xf32, #tpu.memory_space<hbm>>) dst(%dma_wait3A_1178 : memref<112x256xf32, #tpu.memory_space<vmem>>)
    %add3A_1185 = arith.constant 11 : i32
    %add3A_1186 = arith.addi %mul3A_2, %add3A_1185 : i32
    %dma_start3A_1187 = arith.constant 1 : i32
    %dma_start3A_1188 = arith.constant 0 : i32
    %dma_start3A_1189 = arith.constant 0 : i32
    %dma_start3A_1190 = arith.constant 0 : i32
    %dma_start3A_1191 = tpu.memref_slice %arg6[%dma_start3A_1187, %dma_start3A_1188, %dma_start3A_1189, %dma_start3A_1190] : memref<2x2x112x256xf32, #tpu.memory_space<vmem>> -> memref<1x2x112x256xf32, #tpu.memory_space<vmem>>
    %dma_start3A_1192 = tpu.memref_squeeze %dma_start3A_1191 : memref<1x2x112x256xf32, #tpu.memory_space<vmem>> -> memref<2x112x256xf32, #tpu.memory_space<vmem>>
    %dma_start3A_1193 = arith.constant 0 : i32
    %dma_start3A_1194 = arith.constant 0 : i32
    %dma_start3A_1195 = arith.constant 0 : i32
    %dma_start3A_1196 = tpu.memref_slice %arg4[%add3A_1186, %dma_start3A_1193, %dma_start3A_1194, %dma_start3A_1195] : memref<512x2x112x256xf32, #tpu.memory_space<hbm>> -> memref<1x2x112x256xf32, #tpu.memory_space<hbm>>
    %dma_start3A_1197 = tpu.memref_squeeze %dma_start3A_1196 : memref<1x2x112x256xf32, #tpu.memory_space<hbm>> -> memref<2x112x256xf32, #tpu.memory_space<hbm>>
    %dma_start3A_1198 = arith.constant 0 : i32
    %dma_start3A_1199 = arith.constant 0 : i32
    %dma_start3A_1200 = arith.constant 0 : i32
    %dma_start3A_1201 = tpu.memref_slice %arg4[%add3A_1186, %dma_start3A_1198, %dma_start3A_1199, %dma_start3A_1200] : memref<512x2x112x256xf32, #tpu.memory_space<hbm>> -> memref<1x2x112x256xf32, #tpu.memory_space<hbm>>
    %dma_start3A_1202 = tpu.memref_squeeze %dma_start3A_1201 : memref<1x2x112x256xf32, #tpu.memory_space<hbm>> -> memref<2x112x256xf32, #tpu.memory_space<hbm>>
    %dma_start3A_1203 = arith.constant 0 : i32
    %dma_start3A_1204 = arith.constant 0 : i32
    %dma_start3A_1205 = arith.constant 0 : i32
    %dma_start3A_1206 = tpu.memref_slice %arg6[%dma_start3A_1187, %dma_start3A_1203, %dma_start3A_1204, %dma_start3A_1205] : memref<2x2x112x256xf32, #tpu.memory_space<vmem>> -> memref<1x2x112x256xf32, #tpu.memory_space<vmem>>
    %dma_start3A_1207 = tpu.memref_squeeze %dma_start3A_1206 : memref<1x2x112x256xf32, #tpu.memory_space<vmem>> -> memref<2x112x256xf32, #tpu.memory_space<vmem>>
    tpu.enqueue_dma source(%dma_start3A_1207 : memref<2x112x256xf32, #tpu.memory_space<vmem>>) target(%dma_start3A_1202 : memref<2x112x256xf32, #tpu.memory_space<hbm>>) target_semaphore(%arg10 : memref<!tpu.dma_semaphore, #tpu.memory_space<semaphore_mem>>)
    %dma_wait3A_1208 = arith.constant 1 : i32
    %dma_wait3A_1209 = arith.constant 0 : i32
    %dma_wait3A_1210 = arith.constant 0 : i32
    %dma_wait3A_1211 = arith.constant 0 : i32
    %dma_wait3A_1212 = tpu.memref_slice %arg6[%dma_wait3A_1208, %dma_wait3A_1209, %dma_wait3A_1210, %dma_wait3A_1211] : memref<2x2x112x256xf32, #tpu.memory_space<vmem>> -> memref<1x2x112x256xf32, #tpu.memory_space<vmem>>
    %dma_wait3A_1213 = tpu.memref_squeeze %dma_wait3A_1212 : memref<1x2x112x256xf32, #tpu.memory_space<vmem>> -> memref<2x112x256xf32, #tpu.memory_space<vmem>>
    %dma_wait3A_1214 = arith.constant 0 : i32
    %dma_wait3A_1215 = arith.constant 0 : i32
    %dma_wait3A_1216 = arith.constant 0 : i32
    %dma_wait3A_1217 = tpu.memref_slice %arg4[%add3A_1186, %dma_wait3A_1214, %dma_wait3A_1215, %dma_wait3A_1216] : memref<512x2x112x256xf32, #tpu.memory_space<hbm>> -> memref<1x2x112x256xf32, #tpu.memory_space<hbm>>
    %dma_wait3A_1218 = tpu.memref_squeeze %dma_wait3A_1217 : memref<1x2x112x256xf32, #tpu.memory_space<hbm>> -> memref<2x112x256xf32, #tpu.memory_space<hbm>>
    %dma_wait3A_1219 = arith.constant 0 : i32
    %dma_wait3A_1220 = arith.constant 0 : i32
    %dma_wait3A_1221 = arith.constant 0 : i32
    %dma_wait3A_1222 = tpu.memref_slice %arg4[%add3A_1186, %dma_wait3A_1219, %dma_wait3A_1220, %dma_wait3A_1221] : memref<512x2x112x256xf32, #tpu.memory_space<hbm>> -> memref<1x2x112x256xf32, #tpu.memory_space<hbm>>
    %dma_wait3A_1223 = tpu.memref_squeeze %dma_wait3A_1222 : memref<1x2x112x256xf32, #tpu.memory_space<hbm>> -> memref<2x112x256xf32, #tpu.memory_space<hbm>>
    %dma_wait3A_1224 = arith.constant 0 : i32
    %dma_wait3A_1225 = arith.constant 0 : i32
    %dma_wait3A_1226 = arith.constant 0 : i32
    %dma_wait3A_1227 = tpu.memref_slice %arg6[%dma_wait3A_1208, %dma_wait3A_1224, %dma_wait3A_1225, %dma_wait3A_1226] : memref<2x2x112x256xf32, #tpu.memory_space<vmem>> -> memref<1x2x112x256xf32, #tpu.memory_space<vmem>>
    %dma_wait3A_1228 = tpu.memref_squeeze %dma_wait3A_1227 : memref<1x2x112x256xf32, #tpu.memory_space<vmem>> -> memref<2x112x256xf32, #tpu.memory_space<vmem>>
    tpu.wait_dma2 semaphore(%arg10 : memref<!tpu.dma_semaphore, #tpu.memory_space<semaphore_mem>>) src(%dma_wait3A_1228 : memref<2x112x256xf32, #tpu.memory_space<vmem>>) dst(%dma_wait3A_1223 : memref<2x112x256xf32, #tpu.memory_space<hbm>>)
    %dma_start3A_1229 = arith.constant 13 : i32
    %dma_start3A_1230 = arith.constant 0 : i32
    %dma_start3A_1231 = arith.constant 1 : i32
    %dma_start3A_1232 = arith.constant 0 : i32
    %dma_start3A_1233 = arith.constant 0 : i32
    %dma_start3A_1234 = arith.constant 0 : i32
    %dma_start3A_1235 = tpu.memref_slice %arg6[%dma_start3A_1231, %dma_start3A_1232, %dma_start3A_1233, %dma_start3A_1234] : memref<2x2x112x256xf32, #tpu.memory_space<vmem>> -> memref<1x1x112x256xf32, #tpu.memory_space<vmem>>
    %dma_start3A_1236 = tpu.memref_squeeze %dma_start3A_1235 : memref<1x1x112x256xf32, #tpu.memory_space<vmem>> -> memref<112x256xf32, #tpu.memory_space<vmem>>
    %dma_start3A_1237 = arith.constant 0 : i32
    %dma_start3A_1238 = tpu.memref_slice %arg5[%dma_start3A_1229, %dma_start3A_1230, %dma_start3A_1237] : memref<16x2x112xi32, #tpu.memory_space<vmem>> -> memref<1x1x112xi32, #tpu.memory_space<vmem>>
    %dma_start3A_1239 = tpu.memref_squeeze %dma_start3A_1238 : memref<1x1x112xi32, #tpu.memory_space<vmem>> -> memref<112xi32, #tpu.memory_space<vmem>>
    %dma_start3A_1240 = arith.constant 0 : i32
    %dma_start3A_1241 = arith.constant 0 : i32
    %dma_start3A_1242 = tpu.memref_slice %arg2[%dma_start3A_1240, %dma_start3A_1241] : memref<23552x256xf32, #tpu.memory_space<hbm>> -> memref<23552x256xf32, #tpu.memory_space<hbm>>
    tpu.enqueue_indirect_dma source(%dma_start3A_1242 : memref<23552x256xf32, #tpu.memory_space<hbm>>) target(%dma_start3A_1236 : memref<112x256xf32, #tpu.memory_space<vmem>>) offsets(%dma_start3A_1239 : memref<112xi32, #tpu.memory_space<vmem>>) semaphore(%arg8 : memref<!tpu.dma_semaphore, #tpu.memory_space<semaphore_mem>>)
    %dma_start3A_1243 = arith.constant 13 : i32
    %dma_start3A_1244 = arith.constant 1 : i32
    %dma_start3A_1245 = arith.constant 1 : i32
    %dma_start3A_1246 = arith.constant 1 : i32
    %dma_start3A_1247 = arith.constant 0 : i32
    %dma_start3A_1248 = arith.constant 0 : i32
    %dma_start3A_1249 = tpu.memref_slice %arg6[%dma_start3A_1245, %dma_start3A_1246, %dma_start3A_1247, %dma_start3A_1248] : memref<2x2x112x256xf32, #tpu.memory_space<vmem>> -> memref<1x1x112x256xf32, #tpu.memory_space<vmem>>
    %dma_start3A_1250 = tpu.memref_squeeze %dma_start3A_1249 : memref<1x1x112x256xf32, #tpu.memory_space<vmem>> -> memref<112x256xf32, #tpu.memory_space<vmem>>
    %dma_start3A_1251 = arith.constant 0 : i32
    %dma_start3A_1252 = tpu.memref_slice %arg5[%dma_start3A_1243, %dma_start3A_1244, %dma_start3A_1251] : memref<16x2x112xi32, #tpu.memory_space<vmem>> -> memref<1x1x112xi32, #tpu.memory_space<vmem>>
    %dma_start3A_1253 = tpu.memref_squeeze %dma_start3A_1252 : memref<1x1x112xi32, #tpu.memory_space<vmem>> -> memref<112xi32, #tpu.memory_space<vmem>>
    %dma_start3A_1254 = arith.constant 0 : i32
    %dma_start3A_1255 = arith.constant 0 : i32
    %dma_start3A_1256 = tpu.memref_slice %arg2[%dma_start3A_1254, %dma_start3A_1255] : memref<23552x256xf32, #tpu.memory_space<hbm>> -> memref<23552x256xf32, #tpu.memory_space<hbm>>
    tpu.enqueue_indirect_dma source(%dma_start3A_1256 : memref<23552x256xf32, #tpu.memory_space<hbm>>) target(%dma_start3A_1250 : memref<112x256xf32, #tpu.memory_space<vmem>>) offsets(%dma_start3A_1253 : memref<112xi32, #tpu.memory_space<vmem>>) semaphore(%arg8 : memref<!tpu.dma_semaphore, #tpu.memory_space<semaphore_mem>>)
    %dma_wait3A_1257 = arith.constant 12 : i32
    %dma_wait3A_1258 = arith.constant 0 : i32
    %dma_wait3A_1259 = arith.constant 0 : i32
    %dma_wait3A_1260 = arith.constant 0 : i32
    %dma_wait3A_1261 = arith.constant 0 : i32
    %dma_wait3A_1262 = arith.constant 0 : i32
    %dma_wait3A_1263 = tpu.memref_slice %arg6[%dma_wait3A_1259, %dma_wait3A_1260, %dma_wait3A_1261, %dma_wait3A_1262] : memref<2x2x112x256xf32, #tpu.memory_space<vmem>> -> memref<1x1x112x256xf32, #tpu.memory_space<vmem>>
    %dma_wait3A_1264 = tpu.memref_squeeze %dma_wait3A_1263 : memref<1x1x112x256xf32, #tpu.memory_space<vmem>> -> memref<112x256xf32, #tpu.memory_space<vmem>>
    %dma_wait3A_1265 = arith.constant 0 : i32
    %dma_wait3A_1266 = tpu.memref_slice %arg5[%dma_wait3A_1257, %dma_wait3A_1258, %dma_wait3A_1265] : memref<16x2x112xi32, #tpu.memory_space<vmem>> -> memref<1x1x112xi32, #tpu.memory_space<vmem>>
    %dma_wait3A_1267 = tpu.memref_squeeze %dma_wait3A_1266 : memref<1x1x112xi32, #tpu.memory_space<vmem>> -> memref<112xi32, #tpu.memory_space<vmem>>
    %dma_wait3A_1268 = arith.constant 0 : i32
    %dma_wait3A_1269 = arith.constant 0 : i32
    %dma_wait3A_1270 = tpu.memref_slice %arg2[%dma_wait3A_1268, %dma_wait3A_1269] : memref<23552x256xf32, #tpu.memory_space<hbm>> -> memref<23552x256xf32, #tpu.memory_space<hbm>>
    tpu.wait_indirect_dma semaphore(%arg7 : memref<!tpu.dma_semaphore, #tpu.memory_space<semaphore_mem>>) src(%dma_wait3A_1270 : memref<23552x256xf32, #tpu.memory_space<hbm>>) dst(%dma_wait3A_1264 : memref<112x256xf32, #tpu.memory_space<vmem>>)
    %dma_wait3A_1271 = arith.constant 12 : i32
    %dma_wait3A_1272 = arith.constant 1 : i32
    %dma_wait3A_1273 = arith.constant 0 : i32
    %dma_wait3A_1274 = arith.constant 1 : i32
    %dma_wait3A_1275 = arith.constant 0 : i32
    %dma_wait3A_1276 = arith.constant 0 : i32
    %dma_wait3A_1277 = tpu.memref_slice %arg6[%dma_wait3A_1273, %dma_wait3A_1274, %dma_wait3A_1275, %dma_wait3A_1276] : memref<2x2x112x256xf32, #tpu.memory_space<vmem>> -> memref<1x1x112x256xf32, #tpu.memory_space<vmem>>
    %dma_wait3A_1278 = tpu.memref_squeeze %dma_wait3A_1277 : memref<1x1x112x256xf32, #tpu.memory_space<vmem>> -> memref<112x256xf32, #tpu.memory_space<vmem>>
    %dma_wait3A_1279 = arith.constant 0 : i32
    %dma_wait3A_1280 = tpu.memref_slice %arg5[%dma_wait3A_1271, %dma_wait3A_1272, %dma_wait3A_1279] : memref<16x2x112xi32, #tpu.memory_space<vmem>> -> memref<1x1x112xi32, #tpu.memory_space<vmem>>
    %dma_wait3A_1281 = tpu.memref_squeeze %dma_wait3A_1280 : memref<1x1x112xi32, #tpu.memory_space<vmem>> -> memref<112xi32, #tpu.memory_space<vmem>>
    %dma_wait3A_1282 = arith.constant 0 : i32
    %dma_wait3A_1283 = arith.constant 0 : i32
    %dma_wait3A_1284 = tpu.memref_slice %arg2[%dma_wait3A_1282, %dma_wait3A_1283] : memref<23552x256xf32, #tpu.memory_space<hbm>> -> memref<23552x256xf32, #tpu.memory_space<hbm>>
    tpu.wait_indirect_dma semaphore(%arg7 : memref<!tpu.dma_semaphore, #tpu.memory_space<semaphore_mem>>) src(%dma_wait3A_1284 : memref<23552x256xf32, #tpu.memory_space<hbm>>) dst(%dma_wait3A_1278 : memref<112x256xf32, #tpu.memory_space<vmem>>)
    %add3A_1285 = arith.constant 12 : i32
    %add3A_1286 = arith.addi %mul3A_2, %add3A_1285 : i32
    %dma_start3A_1287 = arith.constant 0 : i32
    %dma_start3A_1288 = arith.constant 0 : i32
    %dma_start3A_1289 = arith.constant 0 : i32
    %dma_start3A_1290 = arith.constant 0 : i32
    %dma_start3A_1291 = tpu.memref_slice %arg6[%dma_start3A_1287, %dma_start3A_1288, %dma_start3A_1289, %dma_start3A_1290] : memref<2x2x112x256xf32, #tpu.memory_space<vmem>> -> memref<1x2x112x256xf32, #tpu.memory_space<vmem>>
    %dma_start3A_1292 = tpu.memref_squeeze %dma_start3A_1291 : memref<1x2x112x256xf32, #tpu.memory_space<vmem>> -> memref<2x112x256xf32, #tpu.memory_space<vmem>>
    %dma_start3A_1293 = arith.constant 0 : i32
    %dma_start3A_1294 = arith.constant 0 : i32
    %dma_start3A_1295 = arith.constant 0 : i32
    %dma_start3A_1296 = tpu.memref_slice %arg4[%add3A_1286, %dma_start3A_1293, %dma_start3A_1294, %dma_start3A_1295] : memref<512x2x112x256xf32, #tpu.memory_space<hbm>> -> memref<1x2x112x256xf32, #tpu.memory_space<hbm>>
    %dma_start3A_1297 = tpu.memref_squeeze %dma_start3A_1296 : memref<1x2x112x256xf32, #tpu.memory_space<hbm>> -> memref<2x112x256xf32, #tpu.memory_space<hbm>>
    %dma_start3A_1298 = arith.constant 0 : i32
    %dma_start3A_1299 = arith.constant 0 : i32
    %dma_start3A_1300 = arith.constant 0 : i32
    %dma_start3A_1301 = tpu.memref_slice %arg4[%add3A_1286, %dma_start3A_1298, %dma_start3A_1299, %dma_start3A_1300] : memref<512x2x112x256xf32, #tpu.memory_space<hbm>> -> memref<1x2x112x256xf32, #tpu.memory_space<hbm>>
    %dma_start3A_1302 = tpu.memref_squeeze %dma_start3A_1301 : memref<1x2x112x256xf32, #tpu.memory_space<hbm>> -> memref<2x112x256xf32, #tpu.memory_space<hbm>>
    %dma_start3A_1303 = arith.constant 0 : i32
    %dma_start3A_1304 = arith.constant 0 : i32
    %dma_start3A_1305 = arith.constant 0 : i32
    %dma_start3A_1306 = tpu.memref_slice %arg6[%dma_start3A_1287, %dma_start3A_1303, %dma_start3A_1304, %dma_start3A_1305] : memref<2x2x112x256xf32, #tpu.memory_space<vmem>> -> memref<1x2x112x256xf32, #tpu.memory_space<vmem>>
    %dma_start3A_1307 = tpu.memref_squeeze %dma_start3A_1306 : memref<1x2x112x256xf32, #tpu.memory_space<vmem>> -> memref<2x112x256xf32, #tpu.memory_space<vmem>>
    tpu.enqueue_dma source(%dma_start3A_1307 : memref<2x112x256xf32, #tpu.memory_space<vmem>>) target(%dma_start3A_1302 : memref<2x112x256xf32, #tpu.memory_space<hbm>>) target_semaphore(%arg9 : memref<!tpu.dma_semaphore, #tpu.memory_space<semaphore_mem>>)
    %dma_wait3A_1308 = arith.constant 0 : i32
    %dma_wait3A_1309 = arith.constant 0 : i32
    %dma_wait3A_1310 = arith.constant 0 : i32
    %dma_wait3A_1311 = arith.constant 0 : i32
    %dma_wait3A_1312 = tpu.memref_slice %arg6[%dma_wait3A_1308, %dma_wait3A_1309, %dma_wait3A_1310, %dma_wait3A_1311] : memref<2x2x112x256xf32, #tpu.memory_space<vmem>> -> memref<1x2x112x256xf32, #tpu.memory_space<vmem>>
    %dma_wait3A_1313 = tpu.memref_squeeze %dma_wait3A_1312 : memref<1x2x112x256xf32, #tpu.memory_space<vmem>> -> memref<2x112x256xf32, #tpu.memory_space<vmem>>
    %dma_wait3A_1314 = arith.constant 0 : i32
    %dma_wait3A_1315 = arith.constant 0 : i32
    %dma_wait3A_1316 = arith.constant 0 : i32
    %dma_wait3A_1317 = tpu.memref_slice %arg4[%add3A_1286, %dma_wait3A_1314, %dma_wait3A_1315, %dma_wait3A_1316] : memref<512x2x112x256xf32, #tpu.memory_space<hbm>> -> memref<1x2x112x256xf32, #tpu.memory_space<hbm>>
    %dma_wait3A_1318 = tpu.memref_squeeze %dma_wait3A_1317 : memref<1x2x112x256xf32, #tpu.memory_space<hbm>> -> memref<2x112x256xf32, #tpu.memory_space<hbm>>
    %dma_wait3A_1319 = arith.constant 0 : i32
    %dma_wait3A_1320 = arith.constant 0 : i32
    %dma_wait3A_1321 = arith.constant 0 : i32
    %dma_wait3A_1322 = tpu.memref_slice %arg4[%add3A_1286, %dma_wait3A_1319, %dma_wait3A_1320, %dma_wait3A_1321] : memref<512x2x112x256xf32, #tpu.memory_space<hbm>> -> memref<1x2x112x256xf32, #tpu.memory_space<hbm>>
    %dma_wait3A_1323 = tpu.memref_squeeze %dma_wait3A_1322 : memref<1x2x112x256xf32, #tpu.memory_space<hbm>> -> memref<2x112x256xf32, #tpu.memory_space<hbm>>
    %dma_wait3A_1324 = arith.constant 0 : i32
    %dma_wait3A_1325 = arith.constant 0 : i32
    %dma_wait3A_1326 = arith.constant 0 : i32
    %dma_wait3A_1327 = tpu.memref_slice %arg6[%dma_wait3A_1308, %dma_wait3A_1324, %dma_wait3A_1325, %dma_wait3A_1326] : memref<2x2x112x256xf32, #tpu.memory_space<vmem>> -> memref<1x2x112x256xf32, #tpu.memory_space<vmem>>
    %dma_wait3A_1328 = tpu.memref_squeeze %dma_wait3A_1327 : memref<1x2x112x256xf32, #tpu.memory_space<vmem>> -> memref<2x112x256xf32, #tpu.memory_space<vmem>>
    tpu.wait_dma2 semaphore(%arg9 : memref<!tpu.dma_semaphore, #tpu.memory_space<semaphore_mem>>) src(%dma_wait3A_1328 : memref<2x112x256xf32, #tpu.memory_space<vmem>>) dst(%dma_wait3A_1323 : memref<2x112x256xf32, #tpu.memory_space<hbm>>)
    %dma_start3A_1329 = arith.constant 14 : i32
    %dma_start3A_1330 = arith.constant 0 : i32
    %dma_start3A_1331 = arith.constant 0 : i32
    %dma_start3A_1332 = arith.constant 0 : i32
    %dma_start3A_1333 = arith.constant 0 : i32
    %dma_start3A_1334 = arith.constant 0 : i32
    %dma_start3A_1335 = tpu.memref_slice %arg6[%dma_start3A_1331, %dma_start3A_1332, %dma_start3A_1333, %dma_start3A_1334] : memref<2x2x112x256xf32, #tpu.memory_space<vmem>> -> memref<1x1x112x256xf32, #tpu.memory_space<vmem>>
    %dma_start3A_1336 = tpu.memref_squeeze %dma_start3A_1335 : memref<1x1x112x256xf32, #tpu.memory_space<vmem>> -> memref<112x256xf32, #tpu.memory_space<vmem>>
    %dma_start3A_1337 = arith.constant 0 : i32
    %dma_start3A_1338 = tpu.memref_slice %arg5[%dma_start3A_1329, %dma_start3A_1330, %dma_start3A_1337] : memref<16x2x112xi32, #tpu.memory_space<vmem>> -> memref<1x1x112xi32, #tpu.memory_space<vmem>>
    %dma_start3A_1339 = tpu.memref_squeeze %dma_start3A_1338 : memref<1x1x112xi32, #tpu.memory_space<vmem>> -> memref<112xi32, #tpu.memory_space<vmem>>
    %dma_start3A_1340 = arith.constant 0 : i32
    %dma_start3A_1341 = arith.constant 0 : i32
    %dma_start3A_1342 = tpu.memref_slice %arg2[%dma_start3A_1340, %dma_start3A_1341] : memref<23552x256xf32, #tpu.memory_space<hbm>> -> memref<23552x256xf32, #tpu.memory_space<hbm>>
    tpu.enqueue_indirect_dma source(%dma_start3A_1342 : memref<23552x256xf32, #tpu.memory_space<hbm>>) target(%dma_start3A_1336 : memref<112x256xf32, #tpu.memory_space<vmem>>) offsets(%dma_start3A_1339 : memref<112xi32, #tpu.memory_space<vmem>>) semaphore(%arg7 : memref<!tpu.dma_semaphore, #tpu.memory_space<semaphore_mem>>)
    %dma_start3A_1343 = arith.constant 14 : i32
    %dma_start3A_1344 = arith.constant 1 : i32
    %dma_start3A_1345 = arith.constant 0 : i32
    %dma_start3A_1346 = arith.constant 1 : i32
    %dma_start3A_1347 = arith.constant 0 : i32
    %dma_start3A_1348 = arith.constant 0 : i32
    %dma_start3A_1349 = tpu.memref_slice %arg6[%dma_start3A_1345, %dma_start3A_1346, %dma_start3A_1347, %dma_start3A_1348] : memref<2x2x112x256xf32, #tpu.memory_space<vmem>> -> memref<1x1x112x256xf32, #tpu.memory_space<vmem>>
    %dma_start3A_1350 = tpu.memref_squeeze %dma_start3A_1349 : memref<1x1x112x256xf32, #tpu.memory_space<vmem>> -> memref<112x256xf32, #tpu.memory_space<vmem>>
    %dma_start3A_1351 = arith.constant 0 : i32
    %dma_start3A_1352 = tpu.memref_slice %arg5[%dma_start3A_1343, %dma_start3A_1344, %dma_start3A_1351] : memref<16x2x112xi32, #tpu.memory_space<vmem>> -> memref<1x1x112xi32, #tpu.memory_space<vmem>>
    %dma_start3A_1353 = tpu.memref_squeeze %dma_start3A_1352 : memref<1x1x112xi32, #tpu.memory_space<vmem>> -> memref<112xi32, #tpu.memory_space<vmem>>
    %dma_start3A_1354 = arith.constant 0 : i32
    %dma_start3A_1355 = arith.constant 0 : i32
    %dma_start3A_1356 = tpu.memref_slice %arg2[%dma_start3A_1354, %dma_start3A_1355] : memref<23552x256xf32, #tpu.memory_space<hbm>> -> memref<23552x256xf32, #tpu.memory_space<hbm>>
    tpu.enqueue_indirect_dma source(%dma_start3A_1356 : memref<23552x256xf32, #tpu.memory_space<hbm>>) target(%dma_start3A_1350 : memref<112x256xf32, #tpu.memory_space<vmem>>) offsets(%dma_start3A_1353 : memref<112xi32, #tpu.memory_space<vmem>>) semaphore(%arg7 : memref<!tpu.dma_semaphore, #tpu.memory_space<semaphore_mem>>)
    %dma_wait3A_1357 = arith.constant 13 : i32
    %dma_wait3A_1358 = arith.constant 0 : i32
    %dma_wait3A_1359 = arith.constant 1 : i32
    %dma_wait3A_1360 = arith.constant 0 : i32
    %dma_wait3A_1361 = arith.constant 0 : i32
    %dma_wait3A_1362 = arith.constant 0 : i32
    %dma_wait3A_1363 = tpu.memref_slice %arg6[%dma_wait3A_1359, %dma_wait3A_1360, %dma_wait3A_1361, %dma_wait3A_1362] : memref<2x2x112x256xf32, #tpu.memory_space<vmem>> -> memref<1x1x112x256xf32, #tpu.memory_space<vmem>>
    %dma_wait3A_1364 = tpu.memref_squeeze %dma_wait3A_1363 : memref<1x1x112x256xf32, #tpu.memory_space<vmem>> -> memref<112x256xf32, #tpu.memory_space<vmem>>
    %dma_wait3A_1365 = arith.constant 0 : i32
    %dma_wait3A_1366 = tpu.memref_slice %arg5[%dma_wait3A_1357, %dma_wait3A_1358, %dma_wait3A_1365] : memref<16x2x112xi32, #tpu.memory_space<vmem>> -> memref<1x1x112xi32, #tpu.memory_space<vmem>>
    %dma_wait3A_1367 = tpu.memref_squeeze %dma_wait3A_1366 : memref<1x1x112xi32, #tpu.memory_space<vmem>> -> memref<112xi32, #tpu.memory_space<vmem>>
    %dma_wait3A_1368 = arith.constant 0 : i32
    %dma_wait3A_1369 = arith.constant 0 : i32
    %dma_wait3A_1370 = tpu.memref_slice %arg2[%dma_wait3A_1368, %dma_wait3A_1369] : memref<23552x256xf32, #tpu.memory_space<hbm>> -> memref<23552x256xf32, #tpu.memory_space<hbm>>
    tpu.wait_indirect_dma semaphore(%arg8 : memref<!tpu.dma_semaphore, #tpu.memory_space<semaphore_mem>>) src(%dma_wait3A_1370 : memref<23552x256xf32, #tpu.memory_space<hbm>>) dst(%dma_wait3A_1364 : memref<112x256xf32, #tpu.memory_space<vmem>>)
    %dma_wait3A_1371 = arith.constant 13 : i32
    %dma_wait3A_1372 = arith.constant 1 : i32
    %dma_wait3A_1373 = arith.constant 1 : i32
    %dma_wait3A_1374 = arith.constant 1 : i32
    %dma_wait3A_1375 = arith.constant 0 : i32
    %dma_wait3A_1376 = arith.constant 0 : i32
    %dma_wait3A_1377 = tpu.memref_slice %arg6[%dma_wait3A_1373, %dma_wait3A_1374, %dma_wait3A_1375, %dma_wait3A_1376] : memref<2x2x112x256xf32, #tpu.memory_space<vmem>> -> memref<1x1x112x256xf32, #tpu.memory_space<vmem>>
    %dma_wait3A_1378 = tpu.memref_squeeze %dma_wait3A_1377 : memref<1x1x112x256xf32, #tpu.memory_space<vmem>> -> memref<112x256xf32, #tpu.memory_space<vmem>>
    %dma_wait3A_1379 = arith.constant 0 : i32
    %dma_wait3A_1380 = tpu.memref_slice %arg5[%dma_wait3A_1371, %dma_wait3A_1372, %dma_wait3A_1379] : memref<16x2x112xi32, #tpu.memory_space<vmem>> -> memref<1x1x112xi32, #tpu.memory_space<vmem>>
    %dma_wait3A_1381 = tpu.memref_squeeze %dma_wait3A_1380 : memref<1x1x112xi32, #tpu.memory_space<vmem>> -> memref<112xi32, #tpu.memory_space<vmem>>
    %dma_wait3A_1382 = arith.constant 0 : i32
    %dma_wait3A_1383 = arith.constant 0 : i32
    %dma_wait3A_1384 = tpu.memref_slice %arg2[%dma_wait3A_1382, %dma_wait3A_1383] : memref<23552x256xf32, #tpu.memory_space<hbm>> -> memref<23552x256xf32, #tpu.memory_space<hbm>>
    tpu.wait_indirect_dma semaphore(%arg8 : memref<!tpu.dma_semaphore, #tpu.memory_space<semaphore_mem>>) src(%dma_wait3A_1384 : memref<23552x256xf32, #tpu.memory_space<hbm>>) dst(%dma_wait3A_1378 : memref<112x256xf32, #tpu.memory_space<vmem>>)
    %add3A_1385 = arith.constant 13 : i32
    %add3A_1386 = arith.addi %mul3A_2, %add3A_1385 : i32
    %dma_start3A_1387 = arith.constant 1 : i32
    %dma_start3A_1388 = arith.constant 0 : i32
    %dma_start3A_1389 = arith.constant 0 : i32
    %dma_start3A_1390 = arith.constant 0 : i32
    %dma_start3A_1391 = tpu.memref_slice %arg6[%dma_start3A_1387, %dma_start3A_1388, %dma_start3A_1389, %dma_start3A_1390] : memref<2x2x112x256xf32, #tpu.memory_space<vmem>> -> memref<1x2x112x256xf32, #tpu.memory_space<vmem>>
    %dma_start3A_1392 = tpu.memref_squeeze %dma_start3A_1391 : memref<1x2x112x256xf32, #tpu.memory_space<vmem>> -> memref<2x112x256xf32, #tpu.memory_space<vmem>>
    %dma_start3A_1393 = arith.constant 0 : i32
    %dma_start3A_1394 = arith.constant 0 : i32
    %dma_start3A_1395 = arith.constant 0 : i32
    %dma_start3A_1396 = tpu.memref_slice %arg4[%add3A_1386, %dma_start3A_1393, %dma_start3A_1394, %dma_start3A_1395] : memref<512x2x112x256xf32, #tpu.memory_space<hbm>> -> memref<1x2x112x256xf32, #tpu.memory_space<hbm>>
    %dma_start3A_1397 = tpu.memref_squeeze %dma_start3A_1396 : memref<1x2x112x256xf32, #tpu.memory_space<hbm>> -> memref<2x112x256xf32, #tpu.memory_space<hbm>>
    %dma_start3A_1398 = arith.constant 0 : i32
    %dma_start3A_1399 = arith.constant 0 : i32
    %dma_start3A_1400 = arith.constant 0 : i32
    %dma_start3A_1401 = tpu.memref_slice %arg4[%add3A_1386, %dma_start3A_1398, %dma_start3A_1399, %dma_start3A_1400] : memref<512x2x112x256xf32, #tpu.memory_space<hbm>> -> memref<1x2x112x256xf32, #tpu.memory_space<hbm>>
    %dma_start3A_1402 = tpu.memref_squeeze %dma_start3A_1401 : memref<1x2x112x256xf32, #tpu.memory_space<hbm>> -> memref<2x112x256xf32, #tpu.memory_space<hbm>>
    %dma_start3A_1403 = arith.constant 0 : i32
    %dma_start3A_1404 = arith.constant 0 : i32
    %dma_start3A_1405 = arith.constant 0 : i32
    %dma_start3A_1406 = tpu.memref_slice %arg6[%dma_start3A_1387, %dma_start3A_1403, %dma_start3A_1404, %dma_start3A_1405] : memref<2x2x112x256xf32, #tpu.memory_space<vmem>> -> memref<1x2x112x256xf32, #tpu.memory_space<vmem>>
    %dma_start3A_1407 = tpu.memref_squeeze %dma_start3A_1406 : memref<1x2x112x256xf32, #tpu.memory_space<vmem>> -> memref<2x112x256xf32, #tpu.memory_space<vmem>>
    tpu.enqueue_dma source(%dma_start3A_1407 : memref<2x112x256xf32, #tpu.memory_space<vmem>>) target(%dma_start3A_1402 : memref<2x112x256xf32, #tpu.memory_space<hbm>>) target_semaphore(%arg10 : memref<!tpu.dma_semaphore, #tpu.memory_space<semaphore_mem>>)
    %dma_wait3A_1408 = arith.constant 1 : i32
    %dma_wait3A_1409 = arith.constant 0 : i32
    %dma_wait3A_1410 = arith.constant 0 : i32
    %dma_wait3A_1411 = arith.constant 0 : i32
    %dma_wait3A_1412 = tpu.memref_slice %arg6[%dma_wait3A_1408, %dma_wait3A_1409, %dma_wait3A_1410, %dma_wait3A_1411] : memref<2x2x112x256xf32, #tpu.memory_space<vmem>> -> memref<1x2x112x256xf32, #tpu.memory_space<vmem>>
    %dma_wait3A_1413 = tpu.memref_squeeze %dma_wait3A_1412 : memref<1x2x112x256xf32, #tpu.memory_space<vmem>> -> memref<2x112x256xf32, #tpu.memory_space<vmem>>
    %dma_wait3A_1414 = arith.constant 0 : i32
    %dma_wait3A_1415 = arith.constant 0 : i32
    %dma_wait3A_1416 = arith.constant 0 : i32
    %dma_wait3A_1417 = tpu.memref_slice %arg4[%add3A_1386, %dma_wait3A_1414, %dma_wait3A_1415, %dma_wait3A_1416] : memref<512x2x112x256xf32, #tpu.memory_space<hbm>> -> memref<1x2x112x256xf32, #tpu.memory_space<hbm>>
    %dma_wait3A_1418 = tpu.memref_squeeze %dma_wait3A_1417 : memref<1x2x112x256xf32, #tpu.memory_space<hbm>> -> memref<2x112x256xf32, #tpu.memory_space<hbm>>
    %dma_wait3A_1419 = arith.constant 0 : i32
    %dma_wait3A_1420 = arith.constant 0 : i32
    %dma_wait3A_1421 = arith.constant 0 : i32
    %dma_wait3A_1422 = tpu.memref_slice %arg4[%add3A_1386, %dma_wait3A_1419, %dma_wait3A_1420, %dma_wait3A_1421] : memref<512x2x112x256xf32, #tpu.memory_space<hbm>> -> memref<1x2x112x256xf32, #tpu.memory_space<hbm>>
    %dma_wait3A_1423 = tpu.memref_squeeze %dma_wait3A_1422 : memref<1x2x112x256xf32, #tpu.memory_space<hbm>> -> memref<2x112x256xf32, #tpu.memory_space<hbm>>
    %dma_wait3A_1424 = arith.constant 0 : i32
    %dma_wait3A_1425 = arith.constant 0 : i32
    %dma_wait3A_1426 = arith.constant 0 : i32
    %dma_wait3A_1427 = tpu.memref_slice %arg6[%dma_wait3A_1408, %dma_wait3A_1424, %dma_wait3A_1425, %dma_wait3A_1426] : memref<2x2x112x256xf32, #tpu.memory_space<vmem>> -> memref<1x2x112x256xf32, #tpu.memory_space<vmem>>
    %dma_wait3A_1428 = tpu.memref_squeeze %dma_wait3A_1427 : memref<1x2x112x256xf32, #tpu.memory_space<vmem>> -> memref<2x112x256xf32, #tpu.memory_space<vmem>>
    tpu.wait_dma2 semaphore(%arg10 : memref<!tpu.dma_semaphore, #tpu.memory_space<semaphore_mem>>) src(%dma_wait3A_1428 : memref<2x112x256xf32, #tpu.memory_space<vmem>>) dst(%dma_wait3A_1423 : memref<2x112x256xf32, #tpu.memory_space<hbm>>)
    %dma_start3A_1429 = arith.constant 15 : i32
    %dma_start3A_1430 = arith.constant 0 : i32
    %dma_start3A_1431 = arith.constant 1 : i32
    %dma_start3A_1432 = arith.constant 0 : i32
    %dma_start3A_1433 = arith.constant 0 : i32
    %dma_start3A_1434 = arith.constant 0 : i32
    %dma_start3A_1435 = tpu.memref_slice %arg6[%dma_start3A_1431, %dma_start3A_1432, %dma_start3A_1433, %dma_start3A_1434] : memref<2x2x112x256xf32, #tpu.memory_space<vmem>> -> memref<1x1x112x256xf32, #tpu.memory_space<vmem>>
    %dma_start3A_1436 = tpu.memref_squeeze %dma_start3A_1435 : memref<1x1x112x256xf32, #tpu.memory_space<vmem>> -> memref<112x256xf32, #tpu.memory_space<vmem>>
    %dma_start3A_1437 = arith.constant 0 : i32
    %dma_start3A_1438 = tpu.memref_slice %arg5[%dma_start3A_1429, %dma_start3A_1430, %dma_start3A_1437] : memref<16x2x112xi32, #tpu.memory_space<vmem>> -> memref<1x1x112xi32, #tpu.memory_space<vmem>>
    %dma_start3A_1439 = tpu.memref_squeeze %dma_start3A_1438 : memref<1x1x112xi32, #tpu.memory_space<vmem>> -> memref<112xi32, #tpu.memory_space<vmem>>
    %dma_start3A_1440 = arith.constant 0 : i32
    %dma_start3A_1441 = arith.constant 0 : i32
    %dma_start3A_1442 = tpu.memref_slice %arg2[%dma_start3A_1440, %dma_start3A_1441] : memref<23552x256xf32, #tpu.memory_space<hbm>> -> memref<23552x256xf32, #tpu.memory_space<hbm>>
    tpu.enqueue_indirect_dma source(%dma_start3A_1442 : memref<23552x256xf32, #tpu.memory_space<hbm>>) target(%dma_start3A_1436 : memref<112x256xf32, #tpu.memory_space<vmem>>) offsets(%dma_start3A_1439 : memref<112xi32, #tpu.memory_space<vmem>>) semaphore(%arg8 : memref<!tpu.dma_semaphore, #tpu.memory_space<semaphore_mem>>)
    %dma_start3A_1443 = arith.constant 15 : i32
    %dma_start3A_1444 = arith.constant 1 : i32
    %dma_start3A_1445 = arith.constant 1 : i32
    %dma_start3A_1446 = arith.constant 1 : i32
    %dma_start3A_1447 = arith.constant 0 : i32
    %dma_start3A_1448 = arith.constant 0 : i32
    %dma_start3A_1449 = tpu.memref_slice %arg6[%dma_start3A_1445, %dma_start3A_1446, %dma_start3A_1447, %dma_start3A_1448] : memref<2x2x112x256xf32, #tpu.memory_space<vmem>> -> memref<1x1x112x256xf32, #tpu.memory_space<vmem>>
    %dma_start3A_1450 = tpu.memref_squeeze %dma_start3A_1449 : memref<1x1x112x256xf32, #tpu.memory_space<vmem>> -> memref<112x256xf32, #tpu.memory_space<vmem>>
    %dma_start3A_1451 = arith.constant 0 : i32
    %dma_start3A_1452 = tpu.memref_slice %arg5[%dma_start3A_1443, %dma_start3A_1444, %dma_start3A_1451] : memref<16x2x112xi32, #tpu.memory_space<vmem>> -> memref<1x1x112xi32, #tpu.memory_space<vmem>>
    %dma_start3A_1453 = tpu.memref_squeeze %dma_start3A_1452 : memref<1x1x112xi32, #tpu.memory_space<vmem>> -> memref<112xi32, #tpu.memory_space<vmem>>
    %dma_start3A_1454 = arith.constant 0 : i32
    %dma_start3A_1455 = arith.constant 0 : i32
    %dma_start3A_1456 = tpu.memref_slice %arg2[%dma_start3A_1454, %dma_start3A_1455] : memref<23552x256xf32, #tpu.memory_space<hbm>> -> memref<23552x256xf32, #tpu.memory_space<hbm>>
    tpu.enqueue_indirect_dma source(%dma_start3A_1456 : memref<23552x256xf32, #tpu.memory_space<hbm>>) target(%dma_start3A_1450 : memref<112x256xf32, #tpu.memory_space<vmem>>) offsets(%dma_start3A_1453 : memref<112xi32, #tpu.memory_space<vmem>>) semaphore(%arg8 : memref<!tpu.dma_semaphore, #tpu.memory_space<semaphore_mem>>)
    %dma_wait3A_1457 = arith.constant 14 : i32
    %dma_wait3A_1458 = arith.constant 0 : i32
    %dma_wait3A_1459 = arith.constant 0 : i32
    %dma_wait3A_1460 = arith.constant 0 : i32
    %dma_wait3A_1461 = arith.constant 0 : i32
    %dma_wait3A_1462 = arith.constant 0 : i32
    %dma_wait3A_1463 = tpu.memref_slice %arg6[%dma_wait3A_1459, %dma_wait3A_1460, %dma_wait3A_1461, %dma_wait3A_1462] : memref<2x2x112x256xf32, #tpu.memory_space<vmem>> -> memref<1x1x112x256xf32, #tpu.memory_space<vmem>>
    %dma_wait3A_1464 = tpu.memref_squeeze %dma_wait3A_1463 : memref<1x1x112x256xf32, #tpu.memory_space<vmem>> -> memref<112x256xf32, #tpu.memory_space<vmem>>
    %dma_wait3A_1465 = arith.constant 0 : i32
    %dma_wait3A_1466 = tpu.memref_slice %arg5[%dma_wait3A_1457, %dma_wait3A_1458, %dma_wait3A_1465] : memref<16x2x112xi32, #tpu.memory_space<vmem>> -> memref<1x1x112xi32, #tpu.memory_space<vmem>>
    %dma_wait3A_1467 = tpu.memref_squeeze %dma_wait3A_1466 : memref<1x1x112xi32, #tpu.memory_space<vmem>> -> memref<112xi32, #tpu.memory_space<vmem>>
    %dma_wait3A_1468 = arith.constant 0 : i32
    %dma_wait3A_1469 = arith.constant 0 : i32
    %dma_wait3A_1470 = tpu.memref_slice %arg2[%dma_wait3A_1468, %dma_wait3A_1469] : memref<23552x256xf32, #tpu.memory_space<hbm>> -> memref<23552x256xf32, #tpu.memory_space<hbm>>
    tpu.wait_indirect_dma semaphore(%arg7 : memref<!tpu.dma_semaphore, #tpu.memory_space<semaphore_mem>>) src(%dma_wait3A_1470 : memref<23552x256xf32, #tpu.memory_space<hbm>>) dst(%dma_wait3A_1464 : memref<112x256xf32, #tpu.memory_space<vmem>>)
    %dma_wait3A_1471 = arith.constant 14 : i32
    %dma_wait3A_1472 = arith.constant 1 : i32
    %dma_wait3A_1473 = arith.constant 0 : i32
    %dma_wait3A_1474 = arith.constant 1 : i32
    %dma_wait3A_1475 = arith.constant 0 : i32
    %dma_wait3A_1476 = arith.constant 0 : i32
    %dma_wait3A_1477 = tpu.memref_slice %arg6[%dma_wait3A_1473, %dma_wait3A_1474, %dma_wait3A_1475, %dma_wait3A_1476] : memref<2x2x112x256xf32, #tpu.memory_space<vmem>> -> memref<1x1x112x256xf32, #tpu.memory_space<vmem>>
    %dma_wait3A_1478 = tpu.memref_squeeze %dma_wait3A_1477 : memref<1x1x112x256xf32, #tpu.memory_space<vmem>> -> memref<112x256xf32, #tpu.memory_space<vmem>>
    %dma_wait3A_1479 = arith.constant 0 : i32
    %dma_wait3A_1480 = tpu.memref_slice %arg5[%dma_wait3A_1471, %dma_wait3A_1472, %dma_wait3A_1479] : memref<16x2x112xi32, #tpu.memory_space<vmem>> -> memref<1x1x112xi32, #tpu.memory_space<vmem>>
    %dma_wait3A_1481 = tpu.memref_squeeze %dma_wait3A_1480 : memref<1x1x112xi32, #tpu.memory_space<vmem>> -> memref<112xi32, #tpu.memory_space<vmem>>
    %dma_wait3A_1482 = arith.constant 0 : i32
    %dma_wait3A_1483 = arith.constant 0 : i32
    %dma_wait3A_1484 = tpu.memref_slice %arg2[%dma_wait3A_1482, %dma_wait3A_1483] : memref<23552x256xf32, #tpu.memory_space<hbm>> -> memref<23552x256xf32, #tpu.memory_space<hbm>>
    tpu.wait_indirect_dma semaphore(%arg7 : memref<!tpu.dma_semaphore, #tpu.memory_space<semaphore_mem>>) src(%dma_wait3A_1484 : memref<23552x256xf32, #tpu.memory_space<hbm>>) dst(%dma_wait3A_1478 : memref<112x256xf32, #tpu.memory_space<vmem>>)
    %add3A_1485 = arith.constant 14 : i32
    %add3A_1486 = arith.addi %mul3A_2, %add3A_1485 : i32
    %dma_start3A_1487 = arith.constant 0 : i32
    %dma_start3A_1488 = arith.constant 0 : i32
    %dma_start3A_1489 = arith.constant 0 : i32
    %dma_start3A_1490 = arith.constant 0 : i32
    %dma_start3A_1491 = tpu.memref_slice %arg6[%dma_start3A_1487, %dma_start3A_1488, %dma_start3A_1489, %dma_start3A_1490] : memref<2x2x112x256xf32, #tpu.memory_space<vmem>> -> memref<1x2x112x256xf32, #tpu.memory_space<vmem>>
    %dma_start3A_1492 = tpu.memref_squeeze %dma_start3A_1491 : memref<1x2x112x256xf32, #tpu.memory_space<vmem>> -> memref<2x112x256xf32, #tpu.memory_space<vmem>>
    %dma_start3A_1493 = arith.constant 0 : i32
    %dma_start3A_1494 = arith.constant 0 : i32
    %dma_start3A_1495 = arith.constant 0 : i32
    %dma_start3A_1496 = tpu.memref_slice %arg4[%add3A_1486, %dma_start3A_1493, %dma_start3A_1494, %dma_start3A_1495] : memref<512x2x112x256xf32, #tpu.memory_space<hbm>> -> memref<1x2x112x256xf32, #tpu.memory_space<hbm>>
    %dma_start3A_1497 = tpu.memref_squeeze %dma_start3A_1496 : memref<1x2x112x256xf32, #tpu.memory_space<hbm>> -> memref<2x112x256xf32, #tpu.memory_space<hbm>>
    %dma_start3A_1498 = arith.constant 0 : i32
    %dma_start3A_1499 = arith.constant 0 : i32
    %dma_start3A_1500 = arith.constant 0 : i32
    %dma_start3A_1501 = tpu.memref_slice %arg4[%add3A_1486, %dma_start3A_1498, %dma_start3A_1499, %dma_start3A_1500] : memref<512x2x112x256xf32, #tpu.memory_space<hbm>> -> memref<1x2x112x256xf32, #tpu.memory_space<hbm>>
    %dma_start3A_1502 = tpu.memref_squeeze %dma_start3A_1501 : memref<1x2x112x256xf32, #tpu.memory_space<hbm>> -> memref<2x112x256xf32, #tpu.memory_space<hbm>>
    %dma_start3A_1503 = arith.constant 0 : i32
    %dma_start3A_1504 = arith.constant 0 : i32
    %dma_start3A_1505 = arith.constant 0 : i32
    %dma_start3A_1506 = tpu.memref_slice %arg6[%dma_start3A_1487, %dma_start3A_1503, %dma_start3A_1504, %dma_start3A_1505] : memref<2x2x112x256xf32, #tpu.memory_space<vmem>> -> memref<1x2x112x256xf32, #tpu.memory_space<vmem>>
    %dma_start3A_1507 = tpu.memref_squeeze %dma_start3A_1506 : memref<1x2x112x256xf32, #tpu.memory_space<vmem>> -> memref<2x112x256xf32, #tpu.memory_space<vmem>>
    tpu.enqueue_dma source(%dma_start3A_1507 : memref<2x112x256xf32, #tpu.memory_space<vmem>>) target(%dma_start3A_1502 : memref<2x112x256xf32, #tpu.memory_space<hbm>>) target_semaphore(%arg9 : memref<!tpu.dma_semaphore, #tpu.memory_space<semaphore_mem>>)
    %dma_wait3A_1508 = arith.constant 15 : i32
    %dma_wait3A_1509 = arith.constant 0 : i32
    %dma_wait3A_1510 = arith.constant 1 : i32
    %dma_wait3A_1511 = arith.constant 0 : i32
    %dma_wait3A_1512 = arith.constant 0 : i32
    %dma_wait3A_1513 = arith.constant 0 : i32
    %dma_wait3A_1514 = tpu.memref_slice %arg6[%dma_wait3A_1510, %dma_wait3A_1511, %dma_wait3A_1512, %dma_wait3A_1513] : memref<2x2x112x256xf32, #tpu.memory_space<vmem>> -> memref<1x1x112x256xf32, #tpu.memory_space<vmem>>
    %dma_wait3A_1515 = tpu.memref_squeeze %dma_wait3A_1514 : memref<1x1x112x256xf32, #tpu.memory_space<vmem>> -> memref<112x256xf32, #tpu.memory_space<vmem>>
    %dma_wait3A_1516 = arith.constant 0 : i32
    %dma_wait3A_1517 = tpu.memref_slice %arg5[%dma_wait3A_1508, %dma_wait3A_1509, %dma_wait3A_1516] : memref<16x2x112xi32, #tpu.memory_space<vmem>> -> memref<1x1x112xi32, #tpu.memory_space<vmem>>
    %dma_wait3A_1518 = tpu.memref_squeeze %dma_wait3A_1517 : memref<1x1x112xi32, #tpu.memory_space<vmem>> -> memref<112xi32, #tpu.memory_space<vmem>>
    %dma_wait3A_1519 = arith.constant 0 : i32
    %dma_wait3A_1520 = arith.constant 0 : i32
    %dma_wait3A_1521 = tpu.memref_slice %arg2[%dma_wait3A_1519, %dma_wait3A_1520] : memref<23552x256xf32, #tpu.memory_space<hbm>> -> memref<23552x256xf32, #tpu.memory_space<hbm>>
    tpu.wait_indirect_dma semaphore(%arg8 : memref<!tpu.dma_semaphore, #tpu.memory_space<semaphore_mem>>) src(%dma_wait3A_1521 : memref<23552x256xf32, #tpu.memory_space<hbm>>) dst(%dma_wait3A_1515 : memref<112x256xf32, #tpu.memory_space<vmem>>)
    %dma_wait3A_1522 = arith.constant 15 : i32
    %dma_wait3A_1523 = arith.constant 1 : i32
    %dma_wait3A_1524 = arith.constant 1 : i32
    %dma_wait3A_1525 = arith.constant 1 : i32
    %dma_wait3A_1526 = arith.constant 0 : i32
    %dma_wait3A_1527 = arith.constant 0 : i32
    %dma_wait3A_1528 = tpu.memref_slice %arg6[%dma_wait3A_1524, %dma_wait3A_1525, %dma_wait3A_1526, %dma_wait3A_1527] : memref<2x2x112x256xf32, #tpu.memory_space<vmem>> -> memref<1x1x112x256xf32, #tpu.memory_space<vmem>>
    %dma_wait3A_1529 = tpu.memref_squeeze %dma_wait3A_1528 : memref<1x1x112x256xf32, #tpu.memory_space<vmem>> -> memref<112x256xf32, #tpu.memory_space<vmem>>
    %dma_wait3A_1530 = arith.constant 0 : i32
    %dma_wait3A_1531 = tpu.memref_slice %arg5[%dma_wait3A_1522, %dma_wait3A_1523, %dma_wait3A_1530] : memref<16x2x112xi32, #tpu.memory_space<vmem>> -> memref<1x1x112xi32, #tpu.memory_space<vmem>>
    %dma_wait3A_1532 = tpu.memref_squeeze %dma_wait3A_1531 : memref<1x1x112xi32, #tpu.memory_space<vmem>> -> memref<112xi32, #tpu.memory_space<vmem>>
    %dma_wait3A_1533 = arith.constant 0 : i32
    %dma_wait3A_1534 = arith.constant 0 : i32
    %dma_wait3A_1535 = tpu.memref_slice %arg2[%dma_wait3A_1533, %dma_wait3A_1534] : memref<23552x256xf32, #tpu.memory_space<hbm>> -> memref<23552x256xf32, #tpu.memory_space<hbm>>
    tpu.wait_indirect_dma semaphore(%arg8 : memref<!tpu.dma_semaphore, #tpu.memory_space<semaphore_mem>>) src(%dma_wait3A_1535 : memref<23552x256xf32, #tpu.memory_space<hbm>>) dst(%dma_wait3A_1529 : memref<112x256xf32, #tpu.memory_space<vmem>>)
    %add3A_1536 = arith.constant 15 : i32
    %add3A_1537 = arith.addi %mul3A_2, %add3A_1536 : i32
    %dma_start3A_1538 = arith.constant 1 : i32
    %dma_start3A_1539 = arith.constant 0 : i32
    %dma_start3A_1540 = arith.constant 0 : i32
    %dma_start3A_1541 = arith.constant 0 : i32
    %dma_start3A_1542 = tpu.memref_slice %arg6[%dma_start3A_1538, %dma_start3A_1539, %dma_start3A_1540, %dma_start3A_1541] : memref<2x2x112x256xf32, #tpu.memory_space<vmem>> -> memref<1x2x112x256xf32, #tpu.memory_space<vmem>>
    %dma_start3A_1543 = tpu.memref_squeeze %dma_start3A_1542 : memref<1x2x112x256xf32, #tpu.memory_space<vmem>> -> memref<2x112x256xf32, #tpu.memory_space<vmem>>
    %dma_start3A_1544 = arith.constant 0 : i32
    %dma_start3A_1545 = arith.constant 0 : i32
    %dma_start3A_1546 = arith.constant 0 : i32
    %dma_start3A_1547 = tpu.memref_slice %arg4[%add3A_1537, %dma_start3A_1544, %dma_start3A_1545, %dma_start3A_1546] : memref<512x2x112x256xf32, #tpu.memory_space<hbm>> -> memref<1x2x112x256xf32, #tpu.memory_space<hbm>>
    %dma_start3A_1548 = tpu.memref_squeeze %dma_start3A_1547 : memref<1x2x112x256xf32, #tpu.memory_space<hbm>> -> memref<2x112x256xf32, #tpu.memory_space<hbm>>
    %dma_start3A_1549 = arith.constant 0 : i32
    %dma_start3A_1550 = arith.constant 0 : i32
    %dma_start3A_1551 = arith.constant 0 : i32
    %dma_start3A_1552 = tpu.memref_slice %arg4[%add3A_1537, %dma_start3A_1549, %dma_start3A_1550, %dma_start3A_1551] : memref<512x2x112x256xf32, #tpu.memory_space<hbm>> -> memref<1x2x112x256xf32, #tpu.memory_space<hbm>>
    %dma_start3A_1553 = tpu.memref_squeeze %dma_start3A_1552 : memref<1x2x112x256xf32, #tpu.memory_space<hbm>> -> memref<2x112x256xf32, #tpu.memory_space<hbm>>
    %dma_start3A_1554 = arith.constant 0 : i32
    %dma_start3A_1555 = arith.constant 0 : i32
    %dma_start3A_1556 = arith.constant 0 : i32
    %dma_start3A_1557 = tpu.memref_slice %arg6[%dma_start3A_1538, %dma_start3A_1554, %dma_start3A_1555, %dma_start3A_1556] : memref<2x2x112x256xf32, #tpu.memory_space<vmem>> -> memref<1x2x112x256xf32, #tpu.memory_space<vmem>>
    %dma_start3A_1558 = tpu.memref_squeeze %dma_start3A_1557 : memref<1x2x112x256xf32, #tpu.memory_space<vmem>> -> memref<2x112x256xf32, #tpu.memory_space<vmem>>
    tpu.enqueue_dma source(%dma_start3A_1558 : memref<2x112x256xf32, #tpu.memory_space<vmem>>) target(%dma_start3A_1553 : memref<2x112x256xf32, #tpu.memory_space<hbm>>) target_semaphore(%arg10 : memref<!tpu.dma_semaphore, #tpu.memory_space<semaphore_mem>>)
    %dma_wait3A_1559 = arith.constant 0 : i32
    %dma_wait3A_1560 = arith.constant 0 : i32
    %dma_wait3A_1561 = arith.constant 0 : i32
    %dma_wait3A_1562 = arith.constant 0 : i32
    %dma_wait3A_1563 = tpu.memref_slice %arg6[%dma_wait3A_1559, %dma_wait3A_1560, %dma_wait3A_1561, %dma_wait3A_1562] : memref<2x2x112x256xf32, #tpu.memory_space<vmem>> -> memref<1x2x112x256xf32, #tpu.memory_space<vmem>>
    %dma_wait3A_1564 = tpu.memref_squeeze %dma_wait3A_1563 : memref<1x2x112x256xf32, #tpu.memory_space<vmem>> -> memref<2x112x256xf32, #tpu.memory_space<vmem>>
    %dma_wait3A_1565 = arith.constant 0 : i32
    %dma_wait3A_1566 = arith.constant 0 : i32
    %dma_wait3A_1567 = arith.constant 0 : i32
    %dma_wait3A_1568 = tpu.memref_slice %arg4[%add3A_1486, %dma_wait3A_1565, %dma_wait3A_1566, %dma_wait3A_1567] : memref<512x2x112x256xf32, #tpu.memory_space<hbm>> -> memref<1x2x112x256xf32, #tpu.memory_space<hbm>>
    %dma_wait3A_1569 = tpu.memref_squeeze %dma_wait3A_1568 : memref<1x2x112x256xf32, #tpu.memory_space<hbm>> -> memref<2x112x256xf32, #tpu.memory_space<hbm>>
    %dma_wait3A_1570 = arith.constant 0 : i32
    %dma_wait3A_1571 = arith.constant 0 : i32
    %dma_wait3A_1572 = arith.constant 0 : i32
    %dma_wait3A_1573 = tpu.memref_slice %arg4[%add3A_1486, %dma_wait3A_1570, %dma_wait3A_1571, %dma_wait3A_1572] : memref<512x2x112x256xf32, #tpu.memory_space<hbm>> -> memref<1x2x112x256xf32, #tpu.memory_space<hbm>>
    %dma_wait3A_1574 = tpu.memref_squeeze %dma_wait3A_1573 : memref<1x2x112x256xf32, #tpu.memory_space<hbm>> -> memref<2x112x256xf32, #tpu.memory_space<hbm>>
    %dma_wait3A_1575 = arith.constant 0 : i32
    %dma_wait3A_1576 = arith.constant 0 : i32
    %dma_wait3A_1577 = arith.constant 0 : i32
    %dma_wait3A_1578 = tpu.memref_slice %arg6[%dma_wait3A_1559, %dma_wait3A_1575, %dma_wait3A_1576, %dma_wait3A_1577] : memref<2x2x112x256xf32, #tpu.memory_space<vmem>> -> memref<1x2x112x256xf32, #tpu.memory_space<vmem>>
    %dma_wait3A_1579 = tpu.memref_squeeze %dma_wait3A_1578 : memref<1x2x112x256xf32, #tpu.memory_space<vmem>> -> memref<2x112x256xf32, #tpu.memory_space<vmem>>
    tpu.wait_dma2 semaphore(%arg9 : memref<!tpu.dma_semaphore, #tpu.memory_space<semaphore_mem>>) src(%dma_wait3A_1579 : memref<2x112x256xf32, #tpu.memory_space<vmem>>) dst(%dma_wait3A_1574 : memref<2x112x256xf32, #tpu.memory_space<hbm>>)
    %dma_wait3A_1580 = arith.constant 1 : i32
    %dma_wait3A_1581 = arith.constant 0 : i32
    %dma_wait3A_1582 = arith.constant 0 : i32
    %dma_wait3A_1583 = arith.constant 0 : i32
    %dma_wait3A_1584 = tpu.memref_slice %arg6[%dma_wait3A_1580, %dma_wait3A_1581, %dma_wait3A_1582, %dma_wait3A_1583] : memref<2x2x112x256xf32, #tpu.memory_space<vmem>> -> memref<1x2x112x256xf32, #tpu.memory_space<vmem>>
    %dma_wait3A_1585 = tpu.memref_squeeze %dma_wait3A_1584 : memref<1x2x112x256xf32, #tpu.memory_space<vmem>> -> memref<2x112x256xf32, #tpu.memory_space<vmem>>
    %dma_wait3A_1586 = arith.constant 0 : i32
    %dma_wait3A_1587 = arith.constant 0 : i32
    %dma_wait3A_1588 = arith.constant 0 : i32
    %dma_wait3A_1589 = tpu.memref_slice %arg4[%add3A_1537, %dma_wait3A_1586, %dma_wait3A_1587, %dma_wait3A_1588] : memref<512x2x112x256xf32, #tpu.memory_space<hbm>> -> memref<1x2x112x256xf32, #tpu.memory_space<hbm>>
    %dma_wait3A_1590 = tpu.memref_squeeze %dma_wait3A_1589 : memref<1x2x112x256xf32, #tpu.memory_space<hbm>> -> memref<2x112x256xf32, #tpu.memory_space<hbm>>
    %dma_wait3A_1591 = arith.constant 0 : i32
    %dma_wait3A_1592 = arith.constant 0 : i32
    %dma_wait3A_1593 = arith.constant 0 : i32
    %dma_wait3A_1594 = tpu.memref_slice %arg4[%add3A_1537, %dma_wait3A_1591, %dma_wait3A_1592, %dma_wait3A_1593] : memref<512x2x112x256xf32, #tpu.memory_space<hbm>> -> memref<1x2x112x256xf32, #tpu.memory_space<hbm>>
    %dma_wait3A_1595 = tpu.memref_squeeze %dma_wait3A_1594 : memref<1x2x112x256xf32, #tpu.memory_space<hbm>> -> memref<2x112x256xf32, #tpu.memory_space<hbm>>
    %dma_wait3A_1596 = arith.constant 0 : i32
    %dma_wait3A_1597 = arith.constant 0 : i32
    %dma_wait3A_1598 = arith.constant 0 : i32
    %dma_wait3A_1599 = tpu.memref_slice %arg6[%dma_wait3A_1580, %dma_wait3A_1596, %dma_wait3A_1597, %dma_wait3A_1598] : memref<2x2x112x256xf32, #tpu.memory_space<vmem>> -> memref<1x2x112x256xf32, #tpu.memory_space<vmem>>
    %dma_wait3A_1600 = tpu.memref_squeeze %dma_wait3A_1599 : memref<1x2x112x256xf32, #tpu.memory_space<vmem>> -> memref<2x112x256xf32, #tpu.memory_space<vmem>>
    tpu.wait_dma2 semaphore(%arg10 : memref<!tpu.dma_semaphore, #tpu.memory_space<semaphore_mem>>) src(%dma_wait3A_1600 : memref<2x112x256xf32, #tpu.memory_space<vmem>>) dst(%dma_wait3A_1595 : memref<2x112x256xf32, #tpu.memory_space<hbm>>)
    return
  }
}

module attributes {stable_mosaic.version = 14 : i64} {
  func.func @body(%arg0: i32, %arg1: memref<256x2048xf32, #tpu.memory_space<vmem>>, %arg2: memref<2048x256xf32, #tpu.memory_space<vmem>>, %arg3: memref<1x256xf32, #tpu.memory_space<vmem>>, %arg4: memref<256x256xf32, #tpu.memory_space<vmem>>) attributes {dimension_semantics = [#tpu.dimension_semantics<arbitrary>], iteration_bounds = array<i64: 1>, scalar_prefetch = 0 : i64, scratch_operands = 0 : i64, tpu.core_type = #tpu.core_type<tc>, window_params = [{transform_indices = @transform_0, window_bounds = array<i64: 256, 2048>}, {pipeline_mode = #tpu.pipeline_mode<synchronous>, transform_indices = @transform_1, window_bounds = array<i64: 2048, 256>}, {pipeline_mode = #tpu.pipeline_mode<synchronous>, transform_indices = @transform_2, window_bounds = array<i64: 1, 256>}, {transform_indices = @transform_3, window_bounds = array<i64: 256, 256>}]} {
    %get3A = arith.constant 0 : index
    %get3A_0 = arith.constant 0 : index
    %get3A_1 = vector.load %arg1[%get3A, %get3A_0] : memref<256x2048xf32, #tpu.memory_space<vmem>>, vector<256x2048xf32>
    %get3A_2 = arith.constant 0 : index
    %get3A_3 = arith.constant 0 : index
    %get3A_4 = vector.load %arg2[%get3A_2, %get3A_3] : memref<2048x256xf32, #tpu.memory_space<vmem>>, vector<2048x256xf32>
    %dot_general3A = arith.constant dense<0.000000e+00> : vector<256x256xf32>
    %dot_general3A_5 = tpu.matmul %get3A_1, %get3A_4, %dot_general3A {dimension_numbers = #tpu.dot_dimension_numbers<[1], [0], [0], [1], [0, 0, 1, 1], [], []>, transpose_lhs_hint = false} : vector<256x2048xf32>, vector<2048x256xf32>, vector<256x256xf32> -> vector<256x256xf32>
    %get3A_6 = arith.constant 0 : index
    %get3A_7 = arith.constant 0 : index
    %get3A_8 = vector.load %arg3[%get3A_6, %get3A_7] : memref<1x256xf32, #tpu.memory_space<vmem>>, vector<1x256xf32>
    %add3A = vector.broadcast %get3A_8 : vector<1x256xf32> to vector<256x256xf32>
    %add3A_9 = arith.addf %dot_general3A_5, %add3A : vector<256x256xf32>
    %swap3A = arith.constant 0 : index
    %swap3A_10 = arith.constant 0 : index
    %swap3A_11 = vector.load %arg4[%swap3A, %swap3A_10] : memref<256x256xf32, #tpu.memory_space<vmem>>, vector<256x256xf32>
    tpu.vector_store %arg4[%swap3A, %swap3A_10], %add3A_9 {strides = array<i32>} : memref<256x256xf32, #tpu.memory_space<vmem>>, vector<256x256xf32>,
    return
  }
  func.func @transform_0(%arg0: i32) -> (i32, i32) {
    %c0_i32 = arith.constant 0 : i32
    %c0_i32_0 = arith.constant 0 : i32
    return %arg0, %c0_i32 : i32, i32
  }
  func.func @transform_1(%arg0: i32) -> (i32, i32) {
    %c0_i32 = arith.constant 0 : i32
    %c0_i32_0 = arith.constant 0 : i32
    %c0_i32_1 = arith.constant 0 : i32
    return %c0_i32, %c0_i32_0 : i32, i32
  }
  func.func @transform_2(%arg0: i32) -> (i32, i32) {
    %c0_i32 = arith.constant 0 : i32
    %c0_i32_0 = arith.constant 0 : i32
    %c0_i32_1 = arith.constant 0 : i32
    return %c0_i32, %c0_i32_0 : i32, i32
  }
  func.func @transform_3(%arg0: i32) -> (i32, i32) {
    %c0_i32 = arith.constant 0 : i32
    %c0_i32_0 = arith.constant 0 : i32
    return %arg0, %c0_i32 : i32, i32
  }
}

module attributes {stable_mosaic.version = 14 : i64} {
  func.func @body(%arg0: i32, %arg1: memref<1024x1024xf32, #tpu.memory_space<vmem>>, %arg2: memref<1024x256xf32, #tpu.memory_space<vmem>>, %arg3: memref<1x256xf32, #tpu.memory_space<vmem>>, %arg4: memref<1024x256xf32, #tpu.memory_space<vmem>>) attributes {dimension_semantics = [#tpu.dimension_semantics<arbitrary>], iteration_bounds = array<i64: 1>, scalar_prefetch = 0 : i64, scratch_operands = 0 : i64, tpu.core_type = #tpu.core_type<tc>, window_params = [{transform_indices = @transform_0, window_bounds = array<i64: 1024, 1024>}, {pipeline_mode = #tpu.pipeline_mode<synchronous>, transform_indices = @transform_1, window_bounds = array<i64: 1024, 256>}, {pipeline_mode = #tpu.pipeline_mode<synchronous>, transform_indices = @transform_2, window_bounds = array<i64: 1, 256>}, {transform_indices = @transform_3, window_bounds = array<i64: 1024, 256>}]} {
    %get3A = arith.constant 0 : index
    %get3A_0 = arith.constant 0 : index
    %get3A_1 = vector.load %arg1[%get3A, %get3A_0] : memref<1024x1024xf32, #tpu.memory_space<vmem>>, vector<1024x1024xf32>
    %get3A_2 = arith.constant 0 : index
    %get3A_3 = arith.constant 0 : index
    %get3A_4 = vector.load %arg2[%get3A_2, %get3A_3] : memref<1024x256xf32, #tpu.memory_space<vmem>>, vector<1024x256xf32>
    %dot_general3A = arith.constant dense<0.000000e+00> : vector<1024x256xf32>
    %dot_general3A_5 = tpu.matmul %get3A_1, %get3A_4, %dot_general3A {dimension_numbers = #tpu.dot_dimension_numbers<[1], [0], [0], [1], [0, 0, 1, 1], [], []>, transpose_lhs_hint = false} : vector<1024x1024xf32>, vector<1024x256xf32>, vector<1024x256xf32> -> vector<1024x256xf32>
    %get3A_6 = arith.constant 0 : index
    %get3A_7 = arith.constant 0 : index
    %get3A_8 = vector.load %arg3[%get3A_6, %get3A_7] : memref<1x256xf32, #tpu.memory_space<vmem>>, vector<1x256xf32>
    %add3A = vector.broadcast %get3A_8 : vector<1x256xf32> to vector<1024x256xf32>
    %add3A_9 = arith.addf %dot_general3A_5, %add3A : vector<1024x256xf32>
    %swap3A = arith.constant 0 : index
    %swap3A_10 = arith.constant 0 : index
    %swap3A_11 = vector.load %arg4[%swap3A, %swap3A_10] : memref<1024x256xf32, #tpu.memory_space<vmem>>, vector<1024x256xf32>
    tpu.vector_store %arg4[%swap3A, %swap3A_10], %add3A_9 {strides = array<i32>} : memref<1024x256xf32, #tpu.memory_space<vmem>>, vector<1024x256xf32>,
    return
  }
  func.func @transform_0(%arg0: i32) -> (i32, i32) {
    %c0_i32 = arith.constant 0 : i32
    %c0_i32_0 = arith.constant 0 : i32
    return %arg0, %c0_i32 : i32, i32
  }
  func.func @transform_1(%arg0: i32) -> (i32, i32) {
    %c0_i32 = arith.constant 0 : i32
    %c0_i32_0 = arith.constant 0 : i32
    %c0_i32_1 = arith.constant 0 : i32
    return %c0_i32, %c0_i32_0 : i32, i32
  }
  func.func @transform_2(%arg0: i32) -> (i32, i32) {
    %c0_i32 = arith.constant 0 : i32
    %c0_i32_0 = arith.constant 0 : i32
    %c0_i32_1 = arith.constant 0 : i32
    return %c0_i32, %c0_i32_0 : i32, i32
  }
  func.func @transform_3(%arg0: i32) -> (i32, i32) {
    %c0_i32 = arith.constant 0 : i32
    %c0_i32_0 = arith.constant 0 : i32
    return %arg0, %c0_i32 : i32, i32
  }
}

module attributes {stable_mosaic.version = 14 : i64} {
  func.func @body(%arg0: i32, %arg1: memref<16x16x256xf32, #tpu.memory_space<vmem>>, %arg2: memref<1024x256xf32, #tpu.memory_space<vmem>>, %arg3: memref<1x40x256xf32, #tpu.memory_space<vmem>>) attributes {dimension_semantics = [#tpu.dimension_semantics<arbitrary>], iteration_bounds = array<i64: 35>, scalar_prefetch = 0 : i64, scratch_operands = 0 : i64, tpu.core_type = #tpu.core_type<tc>, window_params = [{pipeline_mode = #tpu.pipeline_mode<synchronous>, transform_indices = @transform_0, window_bounds = array<i64: 16, 16, 256>}, {pipeline_mode = #tpu.pipeline_mode<synchronous>, transform_indices = @transform_1, window_bounds = array<i64: 1024, 256>}, {transform_indices = @transform_2, window_bounds = array<i64: 1, 40, 256>}]} {
    %sub3A = arith.constant 1 : i32
    %sub3A_0 = arith.subi %arg0, %sub3A : i32
    %div3A = arith.constant 2 : i32
    %div3A_1 = arith.divsi %sub3A_0, %div3A : i32
    %sub3A_2 = arith.constant 1 : i32
    %sub3A_3 = arith.subi %div3A_1, %sub3A_2 : i32
    %jit3A = arith.constant 0 : i32
    %jit3A_4 = arith.constant 15 : i32
    %max3A = arith.maxsi %jit3A, %sub3A_3 : i32
    %min3A = arith.minsi %jit3A_4, %max3A : i32
    %jit3A_5 = arith.constant 0 : i32
    %jit3A_6 = arith.constant 15 : i32
    %max3A_7 = arith.maxsi %jit3A_5, %div3A_1 : i32
    %min3A_8 = arith.minsi %jit3A_6, %max3A_7 : i32
    %add3A = arith.constant 1 : i32
    %add3A_9 = arith.addi %div3A_1, %add3A : i32
    %jit3A_10 = arith.constant 0 : i32
    %jit3A_11 = arith.constant 15 : i32
    %max3A_12 = arith.maxsi %jit3A_10, %add3A_9 : i32
    %min3A_13 = arith.minsi %jit3A_11, %max3A_12 : i32
    %jit3A_14 = arith.constant 2 : i32
    %eq3A = arith.constant 0 : i32
    %eq3A_15 = arith.cmpi eq, %jit3A_14, %eq3A : i32
    %jit3A_16 = arith.constant 1 : i32
    %select_n3A = arith.select %eq3A_15, %jit3A_16, %jit3A_14 : i32
    %rem3A = arith.remsi %sub3A_0, %select_n3A : i32
    %ne3A = arith.constant 0 : i32
    %ne3A_17 = arith.cmpi ne, %rem3A, %ne3A : i32
    %lt3A = arith.constant 0 : i32
    %lt3A_18 = arith.cmpi slt, %rem3A, %lt3A : i32
    %lt3A_19 = arith.constant 0 : i32
    %lt3A_20 = arith.cmpi slt, %select_n3A, %lt3A_19 : i32
    %ne3A_21 = arith.xori %lt3A_18, %lt3A_20 : i1
    %and3A = arith.andi %ne3A_21, %ne3A_17 : i1
    %add3A_22 = arith.addi %rem3A, %select_n3A : i32
    %select_n3A_23 = arith.select %and3A, %add3A_22, %rem3A : i32
    %eq3A_24 = arith.constant 0 : i32
    %eq3A_25 = arith.cmpi eq, %select_n3A_23, %eq3A_24 : i32
    %get3A = arith.index_cast %min3A : i32 to index
    %get3A_26 = arith.constant 0 : index
    %get3A_27 = arith.constant 0 : index
    %get3A_28 = vector.load %arg1[%get3A, %get3A_26, %get3A_27] : memref<16x16x256xf32, #tpu.memory_space<vmem>>, vector<1x16x256xf32>
    %get3A_29 = vector.shape_cast %get3A_28 : vector<1x16x256xf32> to vector<16x256xf32>
    %mul3A = arith.constant 2.500000e-01 : f32
    %mul3A_30 = vector.broadcast %mul3A : f32 to vector<16x256xf32>
    %mul3A_31 = arith.mulf %mul3A_30, %get3A_29 : vector<16x256xf32>
    %get3A_32 = arith.index_cast %min3A_8 : i32 to index
    %get3A_33 = arith.constant 0 : index
    %get3A_34 = arith.constant 0 : index
    %get3A_35 = vector.load %arg1[%get3A_32, %get3A_33, %get3A_34] : memref<16x16x256xf32, #tpu.memory_space<vmem>>, vector<1x16x256xf32>
    %get3A_36 = vector.shape_cast %get3A_35 : vector<1x16x256xf32> to vector<16x256xf32>
    %mul3A_37 = arith.constant 7.500000e-01 : f32
    %mul3A_38 = vector.broadcast %mul3A_37 : f32 to vector<16x256xf32>
    %mul3A_39 = arith.mulf %mul3A_38, %get3A_36 : vector<16x256xf32>
    %add3A_40 = arith.addf %mul3A_31, %mul3A_39 : vector<16x256xf32>
    %get3A_41 = arith.index_cast %min3A_8 : i32 to index
    %get3A_42 = arith.constant 0 : index
    %get3A_43 = arith.constant 0 : index
    %get3A_44 = vector.load %arg1[%get3A_41, %get3A_42, %get3A_43] : memref<16x16x256xf32, #tpu.memory_space<vmem>>, vector<1x16x256xf32>
    %get3A_45 = vector.shape_cast %get3A_44 : vector<1x16x256xf32> to vector<16x256xf32>
    %mul3A_46 = arith.constant 7.500000e-01 : f32
    %mul3A_47 = vector.broadcast %mul3A_46 : f32 to vector<16x256xf32>
    %mul3A_48 = arith.mulf %mul3A_47, %get3A_45 : vector<16x256xf32>
    %get3A_49 = arith.index_cast %min3A_13 : i32 to index
    %get3A_50 = arith.constant 0 : index
    %get3A_51 = arith.constant 0 : index
    %get3A_52 = vector.load %arg1[%get3A_49, %get3A_50, %get3A_51] : memref<16x16x256xf32, #tpu.memory_space<vmem>>, vector<1x16x256xf32>
    %get3A_53 = vector.shape_cast %get3A_52 : vector<1x16x256xf32> to vector<16x256xf32>
    %mul3A_54 = arith.constant 2.500000e-01 : f32
    %mul3A_55 = vector.broadcast %mul3A_54 : f32 to vector<16x256xf32>
    %mul3A_56 = arith.mulf %mul3A_55, %get3A_53 : vector<16x256xf32>
    %add3A_57 = arith.addf %mul3A_48, %mul3A_56 : vector<16x256xf32>
    %select_n3A_58 = arith.select %eq3A_25, %add3A_40, %add3A_57 : vector<16x256xf32>
    %slice3A = vector.extract_strided_slice %select_n3A_58 {offsets = [0, 0], sizes = [1, 256], strides = [1, 1]} : vector<16x256xf32> to vector<1x256xf32>
    %slice3A_59 = vector.extract_strided_slice %select_n3A_58 {offsets = [0, 0], sizes = [15, 256], strides = [1, 1]} : vector<16x256xf32> to vector<15x256xf32>
    %concatenate3A = tpu.concatenate %slice3A, %slice3A_59 in 0 : vector<1x256xf32>, vector<15x256xf32> -> vector<16x256xf32>
    %slice3A_60 = vector.extract_strided_slice %select_n3A_58 {offsets = [1, 0], sizes = [15, 256], strides = [1, 1]} : vector<16x256xf32> to vector<15x256xf32>
    %slice3A_61 = vector.extract_strided_slice %select_n3A_58 {offsets = [15, 0], sizes = [1, 256], strides = [1, 1]} : vector<16x256xf32> to vector<1x256xf32>
    %concatenate3A_62 = tpu.concatenate %slice3A_60, %slice3A_61 in 0 : vector<15x256xf32>, vector<1x256xf32> -> vector<16x256xf32>
    %mul3A_63 = arith.constant 2.500000e-01 : f32
    %mul3A_64 = vector.broadcast %mul3A_63 : f32 to vector<16x256xf32>
    %mul3A_65 = arith.mulf %mul3A_64, %concatenate3A : vector<16x256xf32>
    %mul3A_66 = arith.constant 7.500000e-01 : f32
    %mul3A_67 = vector.broadcast %mul3A_66 : f32 to vector<16x256xf32>
    %mul3A_68 = arith.mulf %mul3A_67, %select_n3A_58 : vector<16x256xf32>
    %add3A_69 = arith.addf %mul3A_65, %mul3A_68 : vector<16x256xf32>
    %mul3A_70 = arith.constant 7.500000e-01 : f32
    %mul3A_71 = vector.broadcast %mul3A_70 : f32 to vector<16x256xf32>
    %mul3A_72 = arith.mulf %mul3A_71, %select_n3A_58 : vector<16x256xf32>
    %mul3A_73 = arith.constant 2.500000e-01 : f32
    %mul3A_74 = vector.broadcast %mul3A_73 : f32 to vector<16x256xf32>
    %mul3A_75 = arith.mulf %mul3A_74, %concatenate3A_62 : vector<16x256xf32>
    %add3A_76 = arith.addf %mul3A_72, %mul3A_75 : vector<16x256xf32>
    %stack3A = vector.shape_cast %add3A_69 : vector<16x256xf32> to vector<16x1x256xf32>
    %stack3A_77 = vector.shape_cast %add3A_76 : vector<16x256xf32> to vector<16x1x256xf32>
    %stack3A_78 = tpu.concatenate %stack3A, %stack3A_77 in 1 : vector<16x1x256xf32>, vector<16x1x256xf32> -> vector<16x2x256xf32>
    %reshape3A = vector.shape_cast %stack3A_78 : vector<16x2x256xf32> to vector<32x256xf32>
    %jit3A_79 = arith.constant 0 : i32
    %jit3A_80 = arith.constant 31 : i32
    %max3A_81 = arith.maxsi %jit3A_79, %sub3A_0 : i32
    %min3A_82 = arith.minsi %jit3A_80, %max3A_81 : i32
    %mul3A_83 = arith.constant 32 : i32
    %mul3A_84 = arith.muli %min3A_82, %mul3A_83 : i32
    %get3A_85 = arith.index_cast %mul3A_84 : i32 to index
    %get3A_86 = arith.constant 0 : index
    %get3A_87 = vector.load %arg2[%get3A_85, %get3A_86] : memref<1024x256xf32, #tpu.memory_space<vmem>>, vector<32x256xf32>
    %add3A_88 = arith.addf %reshape3A, %get3A_87 : vector<32x256xf32>
    %broadcast_in_dim3A = arith.constant 0.000000e+00 : f32
    %broadcast_in_dim3A_89 = vector.broadcast %broadcast_in_dim3A : f32 to vector<1x256xf32>
    %broadcast_in_dim3A_90 = arith.constant 0.000000e+00 : f32
    %broadcast_in_dim3A_91 = vector.broadcast %broadcast_in_dim3A_90 : f32 to vector<7x256xf32>
    %concatenate3A_92 = tpu.concatenate %broadcast_in_dim3A_89, %add3A_88, %broadcast_in_dim3A_91 in 0 : vector<1x256xf32>, vector<32x256xf32>, vector<7x256xf32> -> vector<40x256xf32>
    %ge3A = arith.constant 1 : i32
    %ge3A_93 = arith.cmpi sge, %arg0, %ge3A : i32
    %le3A = arith.constant 32 : i32
    %le3A_94 = arith.cmpi sle, %arg0, %le3A : i32
    %and3A_95 = arith.andi %ge3A_93, %le3A_94 : i1
    %jit3A_96 = arith.constant 0.000000e+00 : f32
    %broadcast_in_dim3A_97 = vector.broadcast %jit3A_96 : f32 to vector<40x256xf32>
    %select_n3A_98 = arith.select %and3A_95, %concatenate3A_92, %broadcast_in_dim3A_97 : vector<40x256xf32>
    %broadcast_in_dim3A_99 = vector.shape_cast %select_n3A_98 : vector<40x256xf32> to vector<1x40x256xf32>
    %swap3A = arith.constant 0 : index
    %swap3A_100 = arith.constant 0 : index
    %swap3A_101 = arith.constant 0 : index
    %swap3A_102 = vector.load %arg3[%swap3A, %swap3A_100, %swap3A_101] : memref<1x40x256xf32, #tpu.memory_space<vmem>>, vector<1x40x256xf32>
    tpu.vector_store %arg3[%swap3A, %swap3A_100, %swap3A_101], %broadcast_in_dim3A_99 {strides = array<i32>} : memref<1x40x256xf32, #tpu.memory_space<vmem>>, vector<1x40x256xf32>,
    return
  }
  func.func @transform_0(%arg0: i32) -> (i32, i32, i32) {
    %c0_i32 = arith.constant 0 : i32
    %c0_i32_0 = arith.constant 0 : i32
    %c0_i32_1 = arith.constant 0 : i32
    %c0_i32_2 = arith.constant 0 : i32
    return %c0_i32, %c0_i32_0, %c0_i32_1 : i32, i32, i32
  }
  func.func @transform_1(%arg0: i32) -> (i32, i32) {
    %c0_i32 = arith.constant 0 : i32
    %c0_i32_0 = arith.constant 0 : i32
    %c0_i32_1 = arith.constant 0 : i32
    return %c0_i32, %c0_i32_0 : i32, i32
  }
  func.func @transform_2(%arg0: i32) -> (i32, i32, i32) {
    %c0_i32 = arith.constant 0 : i32
    %c0_i32_0 = arith.constant 0 : i32
    %c0_i32_1 = arith.constant 0 : i32
    return %arg0, %c0_i32, %c0_i32_0 : i32, i32, i32
  }
}

module attributes {stable_mosaic.version = 14 : i64} {
  func.func @body(%arg0: i32, %arg1: memref<2048x512xf32, #tpu.memory_space<vmem>>, %arg2: memref<512x256xf32, #tpu.memory_space<vmem>>, %arg3: memref<1x256xf32, #tpu.memory_space<vmem>>, %arg4: memref<2048x256xf32, #tpu.memory_space<vmem>>) attributes {dimension_semantics = [#tpu.dimension_semantics<arbitrary>], iteration_bounds = array<i64: 2>, scalar_prefetch = 0 : i64, scratch_operands = 0 : i64, tpu.core_type = #tpu.core_type<tc>, window_params = [{transform_indices = @transform_0, window_bounds = array<i64: 2048, 512>}, {pipeline_mode = #tpu.pipeline_mode<synchronous>, transform_indices = @transform_1, window_bounds = array<i64: 512, 256>}, {pipeline_mode = #tpu.pipeline_mode<synchronous>, transform_indices = @transform_2, window_bounds = array<i64: 1, 256>}, {transform_indices = @transform_3, window_bounds = array<i64: 2048, 256>}]} {
    %get3A = arith.constant 0 : index
    %get3A_0 = arith.constant 0 : index
    %get3A_1 = vector.load %arg1[%get3A, %get3A_0] : memref<2048x512xf32, #tpu.memory_space<vmem>>, vector<2048x512xf32>
    %get3A_2 = arith.constant 0 : index
    %get3A_3 = arith.constant 0 : index
    %get3A_4 = vector.load %arg2[%get3A_2, %get3A_3] : memref<512x256xf32, #tpu.memory_space<vmem>>, vector<512x256xf32>
    %dot_general3A = arith.constant dense<0.000000e+00> : vector<2048x256xf32>
    %dot_general3A_5 = tpu.matmul %get3A_1, %get3A_4, %dot_general3A {dimension_numbers = #tpu.dot_dimension_numbers<[1], [0], [0], [1], [0, 0, 1, 1], [], []>, transpose_lhs_hint = false} : vector<2048x512xf32>, vector<512x256xf32>, vector<2048x256xf32> -> vector<2048x256xf32>
    %get3A_6 = arith.constant 0 : index
    %get3A_7 = arith.constant 0 : index
    %get3A_8 = vector.load %arg3[%get3A_6, %get3A_7] : memref<1x256xf32, #tpu.memory_space<vmem>>, vector<1x256xf32>
    %add3A = vector.broadcast %get3A_8 : vector<1x256xf32> to vector<2048x256xf32>
    %add3A_9 = arith.addf %dot_general3A_5, %add3A : vector<2048x256xf32>
    %swap3A = arith.constant 0 : index
    %swap3A_10 = arith.constant 0 : index
    %swap3A_11 = vector.load %arg4[%swap3A, %swap3A_10] : memref<2048x256xf32, #tpu.memory_space<vmem>>, vector<2048x256xf32>
    tpu.vector_store %arg4[%swap3A, %swap3A_10], %add3A_9 {strides = array<i32>} : memref<2048x256xf32, #tpu.memory_space<vmem>>, vector<2048x256xf32>,
    return
  }
  func.func @transform_0(%arg0: i32) -> (i32, i32) {
    %c0_i32 = arith.constant 0 : i32
    %c0_i32_0 = arith.constant 0 : i32
    return %arg0, %c0_i32 : i32, i32
  }
  func.func @transform_1(%arg0: i32) -> (i32, i32) {
    %c0_i32 = arith.constant 0 : i32
    %c0_i32_0 = arith.constant 0 : i32
    %c0_i32_1 = arith.constant 0 : i32
    return %c0_i32, %c0_i32_0 : i32, i32
  }
  func.func @transform_2(%arg0: i32) -> (i32, i32) {
    %c0_i32 = arith.constant 0 : i32
    %c0_i32_0 = arith.constant 0 : i32
    %c0_i32_1 = arith.constant 0 : i32
    return %c0_i32, %c0_i32_0 : i32, i32
  }
  func.func @transform_3(%arg0: i32) -> (i32, i32) {
    %c0_i32 = arith.constant 0 : i32
    %c0_i32_0 = arith.constant 0 : i32
    return %arg0, %c0_i32 : i32, i32
  }
}

module attributes {stable_mosaic.version = 14 : i64} {
  func.func @body(%arg0: i32, %arg1: memref<1400x256xf32, #tpu.memory_space<vmem>>, %arg2: memref<9x256x256xf32, #tpu.memory_space<vmem>>, %arg3: memref<1x256xf32, #tpu.memory_space<vmem>>, %arg4: memref<160x256xf32, #tpu.memory_space<vmem>>) attributes {dimension_semantics = [#tpu.dimension_semantics<arbitrary>], iteration_bounds = array<i64: 8>, scalar_prefetch = 0 : i64, scratch_operands = 0 : i64, tpu.core_type = #tpu.core_type<tc>, window_params = [{pipeline_mode = #tpu.pipeline_mode<synchronous>, transform_indices = @transform_0, window_bounds = array<i64: 1400, 256>}, {pipeline_mode = #tpu.pipeline_mode<synchronous>, transform_indices = @transform_1, window_bounds = array<i64: 9, 256, 256>}, {pipeline_mode = #tpu.pipeline_mode<synchronous>, transform_indices = @transform_2, window_bounds = array<i64: 1, 256>}, {transform_indices = @transform_3, window_bounds = array<i64: 160, 256>}]} {
    %mul3A = arith.constant 160 : i32
    %mul3A_0 = arith.muli %arg0, %mul3A : i32
    %get3A = arith.index_cast %mul3A_0 : i32 to index
    %get3A_1 = arith.constant 0 : index
    %get3A_2 = vector.load %arg1[%get3A, %get3A_1] : memref<1400x256xf32, #tpu.memory_space<vmem>>, vector<248x256xf32>
    %slice3A = vector.extract_strided_slice %get3A_2 {offsets = [1, 0], sizes = [247, 256], strides = [1, 1]} : vector<248x256xf32> to vector<247x256xf32>
    %slice3A_3 = vector.extract_strided_slice %get3A_2 {offsets = [2, 0], sizes = [246, 256], strides = [1, 1]} : vector<248x256xf32> to vector<246x256xf32>
    %get3A_4 = arith.constant 0 : index
    %get3A_5 = arith.constant 0 : index
    %get3A_6 = vector.load %arg3[%get3A_4, %get3A_5] : memref<1x256xf32, #tpu.memory_space<vmem>>, vector<1x256xf32>
    %broadcast_in_dim3A = vector.shape_cast %get3A_6 : vector<1x256xf32> to vector<1x256xf32>
    %broadcast_in_dim3A_7 = vector.broadcast %broadcast_in_dim3A : vector<1x256xf32> to vector<160x256xf32>
    %slice3A_8 = vector.extract_strided_slice %get3A_2 {offsets = [0, 0], sizes = [160, 256], strides = [1, 1]} : vector<248x256xf32> to vector<160x256xf32>
    %get3A_9 = arith.constant 0 : index
    %get3A_10 = arith.constant 0 : index
    %get3A_11 = arith.constant 0 : index
    %get3A_12 = vector.load %arg2[%get3A_9, %get3A_10, %get3A_11] : memref<9x256x256xf32, #tpu.memory_space<vmem>>, vector<1x256x256xf32>
    %get3A_13 = vector.shape_cast %get3A_12 : vector<1x256x256xf32> to vector<256x256xf32>
    %dot_general3A = arith.constant dense<0.000000e+00> : vector<160x256xf32>
    %dot_general3A_14 = tpu.matmul %slice3A_8, %get3A_13, %dot_general3A {dimension_numbers = #tpu.dot_dimension_numbers<[1], [0], [0], [1], [0, 0, 1, 1], [], []>, transpose_lhs_hint = false} : vector<160x256xf32>, vector<256x256xf32>, vector<160x256xf32> -> vector<160x256xf32>
    %add3A = arith.addf %broadcast_in_dim3A_7, %dot_general3A_14 : vector<160x256xf32>
    %slice3A_15 = vector.extract_strided_slice %slice3A {offsets = [0, 0], sizes = [160, 256], strides = [1, 1]} : vector<247x256xf32> to vector<160x256xf32>
    %get3A_16 = arith.constant 1 : index
    %get3A_17 = arith.constant 0 : index
    %get3A_18 = arith.constant 0 : index
    %get3A_19 = vector.load %arg2[%get3A_16, %get3A_17, %get3A_18] : memref<9x256x256xf32, #tpu.memory_space<vmem>>, vector<1x256x256xf32>
    %get3A_20 = vector.shape_cast %get3A_19 : vector<1x256x256xf32> to vector<256x256xf32>
    %dot_general3A_21 = arith.constant dense<0.000000e+00> : vector<160x256xf32>
    %dot_general3A_22 = tpu.matmul %slice3A_15, %get3A_20, %dot_general3A_21 {dimension_numbers = #tpu.dot_dimension_numbers<[1], [0], [0], [1], [0, 0, 1, 1], [], []>, transpose_lhs_hint = false} : vector<160x256xf32>, vector<256x256xf32>, vector<160x256xf32> -> vector<160x256xf32>
    %add3A_23 = arith.addf %add3A, %dot_general3A_22 : vector<160x256xf32>
    %slice3A_24 = vector.extract_strided_slice %slice3A_3 {offsets = [0, 0], sizes = [160, 256], strides = [1, 1]} : vector<246x256xf32> to vector<160x256xf32>
    %get3A_25 = arith.constant 2 : index
    %get3A_26 = arith.constant 0 : index
    %get3A_27 = arith.constant 0 : index
    %get3A_28 = vector.load %arg2[%get3A_25, %get3A_26, %get3A_27] : memref<9x256x256xf32, #tpu.memory_space<vmem>>, vector<1x256x256xf32>
    %get3A_29 = vector.shape_cast %get3A_28 : vector<1x256x256xf32> to vector<256x256xf32>
    %dot_general3A_30 = arith.constant dense<0.000000e+00> : vector<160x256xf32>
    %dot_general3A_31 = tpu.matmul %slice3A_24, %get3A_29, %dot_general3A_30 {dimension_numbers = #tpu.dot_dimension_numbers<[1], [0], [0], [1], [0, 0, 1, 1], [], []>, transpose_lhs_hint = false} : vector<160x256xf32>, vector<256x256xf32>, vector<160x256xf32> -> vector<160x256xf32>
    %add3A_32 = arith.addf %add3A_23, %dot_general3A_31 : vector<160x256xf32>
    %slice3A_33 = vector.extract_strided_slice %get3A_2 {offsets = [40, 0], sizes = [160, 256], strides = [1, 1]} : vector<248x256xf32> to vector<160x256xf32>
    %get3A_34 = arith.constant 3 : index
    %get3A_35 = arith.constant 0 : index
    %get3A_36 = arith.constant 0 : index
    %get3A_37 = vector.load %arg2[%get3A_34, %get3A_35, %get3A_36] : memref<9x256x256xf32, #tpu.memory_space<vmem>>, vector<1x256x256xf32>
    %get3A_38 = vector.shape_cast %get3A_37 : vector<1x256x256xf32> to vector<256x256xf32>
    %dot_general3A_39 = arith.constant dense<0.000000e+00> : vector<160x256xf32>
    %dot_general3A_40 = tpu.matmul %slice3A_33, %get3A_38, %dot_general3A_39 {dimension_numbers = #tpu.dot_dimension_numbers<[1], [0], [0], [1], [0, 0, 1, 1], [], []>, transpose_lhs_hint = false} : vector<160x256xf32>, vector<256x256xf32>, vector<160x256xf32> -> vector<160x256xf32>
    %add3A_41 = arith.addf %add3A_32, %dot_general3A_40 : vector<160x256xf32>
    %slice3A_42 = vector.extract_strided_slice %slice3A {offsets = [40, 0], sizes = [160, 256], strides = [1, 1]} : vector<247x256xf32> to vector<160x256xf32>
    %get3A_43 = arith.constant 4 : index
    %get3A_44 = arith.constant 0 : index
    %get3A_45 = arith.constant 0 : index
    %get3A_46 = vector.load %arg2[%get3A_43, %get3A_44, %get3A_45] : memref<9x256x256xf32, #tpu.memory_space<vmem>>, vector<1x256x256xf32>
    %get3A_47 = vector.shape_cast %get3A_46 : vector<1x256x256xf32> to vector<256x256xf32>
    %dot_general3A_48 = arith.constant dense<0.000000e+00> : vector<160x256xf32>
    %dot_general3A_49 = tpu.matmul %slice3A_42, %get3A_47, %dot_general3A_48 {dimension_numbers = #tpu.dot_dimension_numbers<[1], [0], [0], [1], [0, 0, 1, 1], [], []>, transpose_lhs_hint = false} : vector<160x256xf32>, vector<256x256xf32>, vector<160x256xf32> -> vector<160x256xf32>
    %add3A_50 = arith.addf %add3A_41, %dot_general3A_49 : vector<160x256xf32>
    %slice3A_51 = vector.extract_strided_slice %slice3A_3 {offsets = [40, 0], sizes = [160, 256], strides = [1, 1]} : vector<246x256xf32> to vector<160x256xf32>
    %get3A_52 = arith.constant 5 : index
    %get3A_53 = arith.constant 0 : index
    %get3A_54 = arith.constant 0 : index
    %get3A_55 = vector.load %arg2[%get3A_52, %get3A_53, %get3A_54] : memref<9x256x256xf32, #tpu.memory_space<vmem>>, vector<1x256x256xf32>
    %get3A_56 = vector.shape_cast %get3A_55 : vector<1x256x256xf32> to vector<256x256xf32>
    %dot_general3A_57 = arith.constant dense<0.000000e+00> : vector<160x256xf32>
    %dot_general3A_58 = tpu.matmul %slice3A_51, %get3A_56, %dot_general3A_57 {dimension_numbers = #tpu.dot_dimension_numbers<[1], [0], [0], [1], [0, 0, 1, 1], [], []>, transpose_lhs_hint = false} : vector<160x256xf32>, vector<256x256xf32>, vector<160x256xf32> -> vector<160x256xf32>
    %add3A_59 = arith.addf %add3A_50, %dot_general3A_58 : vector<160x256xf32>
    %slice3A_60 = vector.extract_strided_slice %get3A_2 {offsets = [80, 0], sizes = [160, 256], strides = [1, 1]} : vector<248x256xf32> to vector<160x256xf32>
    %get3A_61 = arith.constant 6 : index
    %get3A_62 = arith.constant 0 : index
    %get3A_63 = arith.constant 0 : index
    %get3A_64 = vector.load %arg2[%get3A_61, %get3A_62, %get3A_63] : memref<9x256x256xf32, #tpu.memory_space<vmem>>, vector<1x256x256xf32>
    %get3A_65 = vector.shape_cast %get3A_64 : vector<1x256x256xf32> to vector<256x256xf32>
    %dot_general3A_66 = arith.constant dense<0.000000e+00> : vector<160x256xf32>
    %dot_general3A_67 = tpu.matmul %slice3A_60, %get3A_65, %dot_general3A_66 {dimension_numbers = #tpu.dot_dimension_numbers<[1], [0], [0], [1], [0, 0, 1, 1], [], []>, transpose_lhs_hint = false} : vector<160x256xf32>, vector<256x256xf32>, vector<160x256xf32> -> vector<160x256xf32>
    %add3A_68 = arith.addf %add3A_59, %dot_general3A_67 : vector<160x256xf32>
    %slice3A_69 = vector.extract_strided_slice %slice3A {offsets = [80, 0], sizes = [160, 256], strides = [1, 1]} : vector<247x256xf32> to vector<160x256xf32>
    %get3A_70 = arith.constant 7 : index
    %get3A_71 = arith.constant 0 : index
    %get3A_72 = arith.constant 0 : index
    %get3A_73 = vector.load %arg2[%get3A_70, %get3A_71, %get3A_72] : memref<9x256x256xf32, #tpu.memory_space<vmem>>, vector<1x256x256xf32>
    %get3A_74 = vector.shape_cast %get3A_73 : vector<1x256x256xf32> to vector<256x256xf32>
    %dot_general3A_75 = arith.constant dense<0.000000e+00> : vector<160x256xf32>
    %dot_general3A_76 = tpu.matmul %slice3A_69, %get3A_74, %dot_general3A_75 {dimension_numbers = #tpu.dot_dimension_numbers<[1], [0], [0], [1], [0, 0, 1, 1], [], []>, transpose_lhs_hint = false} : vector<160x256xf32>, vector<256x256xf32>, vector<160x256xf32> -> vector<160x256xf32>
    %add3A_77 = arith.addf %add3A_68, %dot_general3A_76 : vector<160x256xf32>
    %slice3A_78 = vector.extract_strided_slice %slice3A_3 {offsets = [80, 0], sizes = [160, 256], strides = [1, 1]} : vector<246x256xf32> to vector<160x256xf32>
    %get3A_79 = arith.constant 8 : index
    %get3A_80 = arith.constant 0 : index
    %get3A_81 = arith.constant 0 : index
    %get3A_82 = vector.load %arg2[%get3A_79, %get3A_80, %get3A_81] : memref<9x256x256xf32, #tpu.memory_space<vmem>>, vector<1x256x256xf32>
    %get3A_83 = vector.shape_cast %get3A_82 : vector<1x256x256xf32> to vector<256x256xf32>
    %dot_general3A_84 = arith.constant dense<0.000000e+00> : vector<160x256xf32>
    %dot_general3A_85 = tpu.matmul %slice3A_78, %get3A_83, %dot_general3A_84 {dimension_numbers = #tpu.dot_dimension_numbers<[1], [0], [0], [1], [0, 0, 1, 1], [], []>, transpose_lhs_hint = false} : vector<160x256xf32>, vector<256x256xf32>, vector<160x256xf32> -> vector<160x256xf32>
    %add3A_86 = arith.addf %add3A_77, %dot_general3A_85 : vector<160x256xf32>
    %swap3A = arith.constant 0 : index
    %swap3A_87 = arith.constant 0 : index
    %swap3A_88 = vector.load %arg4[%swap3A, %swap3A_87] : memref<160x256xf32, #tpu.memory_space<vmem>>, vector<160x256xf32>
    tpu.vector_store %arg4[%swap3A, %swap3A_87], %add3A_86 {strides = array<i32>} : memref<160x256xf32, #tpu.memory_space<vmem>>, vector<160x256xf32>,
    return
  }
  func.func @transform_0(%arg0: i32) -> (i32, i32) {
    %c0_i32 = arith.constant 0 : i32
    %c0_i32_0 = arith.constant 0 : i32
    %c0_i32_1 = arith.constant 0 : i32
    return %c0_i32, %c0_i32_0 : i32, i32
  }
  func.func @transform_1(%arg0: i32) -> (i32, i32, i32) {
    %c0_i32 = arith.constant 0 : i32
    %c0_i32_0 = arith.constant 0 : i32
    %c0_i32_1 = arith.constant 0 : i32
    %c0_i32_2 = arith.constant 0 : i32
    return %c0_i32, %c0_i32_0, %c0_i32_1 : i32, i32, i32
  }
  func.func @transform_2(%arg0: i32) -> (i32, i32) {
    %c0_i32 = arith.constant 0 : i32
    %c0_i32_0 = arith.constant 0 : i32
    %c0_i32_1 = arith.constant 0 : i32
    return %c0_i32, %c0_i32_0 : i32, i32
  }
  func.func @transform_3(%arg0: i32) -> (i32, i32) {
    %c0_i32 = arith.constant 0 : i32
    %c0_i32_0 = arith.constant 0 : i32
    return %arg0, %c0_i32 : i32, i32
  }
}

module attributes {stable_mosaic.version = 14 : i64} {
  func.func @body(%arg0: i32, %arg1: memref<32x40x256xf32, #tpu.memory_space<vmem>>, %arg2: memref<4096x256xf32, #tpu.memory_space<vmem>>, %arg3: memref<1x72x256xf32, #tpu.memory_space<vmem>>) attributes {dimension_semantics = [#tpu.dimension_semantics<arbitrary>], iteration_bounds = array<i64: 67>, scalar_prefetch = 0 : i64, scratch_operands = 0 : i64, tpu.core_type = #tpu.core_type<tc>, window_params = [{pipeline_mode = #tpu.pipeline_mode<synchronous>, transform_indices = @transform_0, window_bounds = array<i64: 32, 40, 256>}, {pipeline_mode = #tpu.pipeline_mode<synchronous>, transform_indices = @transform_1, window_bounds = array<i64: 4096, 256>}, {transform_indices = @transform_2, window_bounds = array<i64: 1, 72, 256>}]} {
    %sub3A = arith.constant 1 : i32
    %sub3A_0 = arith.subi %arg0, %sub3A : i32
    %div3A = arith.constant 2 : i32
    %div3A_1 = arith.divsi %sub3A_0, %div3A : i32
    %sub3A_2 = arith.constant 1 : i32
    %sub3A_3 = arith.subi %div3A_1, %sub3A_2 : i32
    %jit3A = arith.constant 0 : i32
    %jit3A_4 = arith.constant 31 : i32
    %max3A = arith.maxsi %jit3A, %sub3A_3 : i32
    %min3A = arith.minsi %jit3A_4, %max3A : i32
    %jit3A_5 = arith.constant 0 : i32
    %jit3A_6 = arith.constant 31 : i32
    %max3A_7 = arith.maxsi %jit3A_5, %div3A_1 : i32
    %min3A_8 = arith.minsi %jit3A_6, %max3A_7 : i32
    %add3A = arith.constant 1 : i32
    %add3A_9 = arith.addi %div3A_1, %add3A : i32
    %jit3A_10 = arith.constant 0 : i32
    %jit3A_11 = arith.constant 31 : i32
    %max3A_12 = arith.maxsi %jit3A_10, %add3A_9 : i32
    %min3A_13 = arith.minsi %jit3A_11, %max3A_12 : i32
    %jit3A_14 = arith.constant 2 : i32
    %eq3A = arith.constant 0 : i32
    %eq3A_15 = arith.cmpi eq, %jit3A_14, %eq3A : i32
    %jit3A_16 = arith.constant 1 : i32
    %select_n3A = arith.select %eq3A_15, %jit3A_16, %jit3A_14 : i32
    %rem3A = arith.remsi %sub3A_0, %select_n3A : i32
    %ne3A = arith.constant 0 : i32
    %ne3A_17 = arith.cmpi ne, %rem3A, %ne3A : i32
    %lt3A = arith.constant 0 : i32
    %lt3A_18 = arith.cmpi slt, %rem3A, %lt3A : i32
    %lt3A_19 = arith.constant 0 : i32
    %lt3A_20 = arith.cmpi slt, %select_n3A, %lt3A_19 : i32
    %ne3A_21 = arith.xori %lt3A_18, %lt3A_20 : i1
    %and3A = arith.andi %ne3A_21, %ne3A_17 : i1
    %add3A_22 = arith.addi %rem3A, %select_n3A : i32
    %select_n3A_23 = arith.select %and3A, %add3A_22, %rem3A : i32
    %eq3A_24 = arith.constant 0 : i32
    %eq3A_25 = arith.cmpi eq, %select_n3A_23, %eq3A_24 : i32
    %get3A = arith.index_cast %min3A : i32 to index
    %get3A_26 = arith.constant 0 : index
    %get3A_27 = arith.constant 0 : index
    %get3A_28 = vector.load %arg1[%get3A, %get3A_26, %get3A_27] : memref<32x40x256xf32, #tpu.memory_space<vmem>>, vector<1x32x256xf32>
    %get3A_29 = vector.shape_cast %get3A_28 : vector<1x32x256xf32> to vector<32x256xf32>
    %mul3A = arith.constant 2.500000e-01 : f32
    %mul3A_30 = vector.broadcast %mul3A : f32 to vector<32x256xf32>
    %mul3A_31 = arith.mulf %mul3A_30, %get3A_29 : vector<32x256xf32>
    %get3A_32 = arith.index_cast %min3A_8 : i32 to index
    %get3A_33 = arith.constant 0 : index
    %get3A_34 = arith.constant 0 : index
    %get3A_35 = vector.load %arg1[%get3A_32, %get3A_33, %get3A_34] : memref<32x40x256xf32, #tpu.memory_space<vmem>>, vector<1x32x256xf32>
    %get3A_36 = vector.shape_cast %get3A_35 : vector<1x32x256xf32> to vector<32x256xf32>
    %mul3A_37 = arith.constant 7.500000e-01 : f32
    %mul3A_38 = vector.broadcast %mul3A_37 : f32 to vector<32x256xf32>
    %mul3A_39 = arith.mulf %mul3A_38, %get3A_36 : vector<32x256xf32>
    %add3A_40 = arith.addf %mul3A_31, %mul3A_39 : vector<32x256xf32>
    %get3A_41 = arith.index_cast %min3A_8 : i32 to index
    %get3A_42 = arith.constant 0 : index
    %get3A_43 = arith.constant 0 : index
    %get3A_44 = vector.load %arg1[%get3A_41, %get3A_42, %get3A_43] : memref<32x40x256xf32, #tpu.memory_space<vmem>>, vector<1x32x256xf32>
    %get3A_45 = vector.shape_cast %get3A_44 : vector<1x32x256xf32> to vector<32x256xf32>
    %mul3A_46 = arith.constant 7.500000e-01 : f32
    %mul3A_47 = vector.broadcast %mul3A_46 : f32 to vector<32x256xf32>
    %mul3A_48 = arith.mulf %mul3A_47, %get3A_45 : vector<32x256xf32>
    %get3A_49 = arith.index_cast %min3A_13 : i32 to index
    %get3A_50 = arith.constant 0 : index
    %get3A_51 = arith.constant 0 : index
    %get3A_52 = vector.load %arg1[%get3A_49, %get3A_50, %get3A_51] : memref<32x40x256xf32, #tpu.memory_space<vmem>>, vector<1x32x256xf32>
    %get3A_53 = vector.shape_cast %get3A_52 : vector<1x32x256xf32> to vector<32x256xf32>
    %mul3A_54 = arith.constant 2.500000e-01 : f32
    %mul3A_55 = vector.broadcast %mul3A_54 : f32 to vector<32x256xf32>
    %mul3A_56 = arith.mulf %mul3A_55, %get3A_53 : vector<32x256xf32>
    %add3A_57 = arith.addf %mul3A_48, %mul3A_56 : vector<32x256xf32>
    %select_n3A_58 = arith.select %eq3A_25, %add3A_40, %add3A_57 : vector<32x256xf32>
    %slice3A = vector.extract_strided_slice %select_n3A_58 {offsets = [0, 0], sizes = [1, 256], strides = [1, 1]} : vector<32x256xf32> to vector<1x256xf32>
    %slice3A_59 = vector.extract_strided_slice %select_n3A_58 {offsets = [0, 0], sizes = [31, 256], strides = [1, 1]} : vector<32x256xf32> to vector<31x256xf32>
    %concatenate3A = tpu.concatenate %slice3A, %slice3A_59 in 0 : vector<1x256xf32>, vector<31x256xf32> -> vector<32x256xf32>
    %slice3A_60 = vector.extract_strided_slice %select_n3A_58 {offsets = [1, 0], sizes = [31, 256], strides = [1, 1]} : vector<32x256xf32> to vector<31x256xf32>
    %slice3A_61 = vector.extract_strided_slice %select_n3A_58 {offsets = [31, 0], sizes = [1, 256], strides = [1, 1]} : vector<32x256xf32> to vector<1x256xf32>
    %concatenate3A_62 = tpu.concatenate %slice3A_60, %slice3A_61 in 0 : vector<31x256xf32>, vector<1x256xf32> -> vector<32x256xf32>
    %mul3A_63 = arith.constant 2.500000e-01 : f32
    %mul3A_64 = vector.broadcast %mul3A_63 : f32 to vector<32x256xf32>
    %mul3A_65 = arith.mulf %mul3A_64, %concatenate3A : vector<32x256xf32>
    %mul3A_66 = arith.constant 7.500000e-01 : f32
    %mul3A_67 = vector.broadcast %mul3A_66 : f32 to vector<32x256xf32>
    %mul3A_68 = arith.mulf %mul3A_67, %select_n3A_58 : vector<32x256xf32>
    %add3A_69 = arith.addf %mul3A_65, %mul3A_68 : vector<32x256xf32>
    %mul3A_70 = arith.constant 7.500000e-01 : f32
    %mul3A_71 = vector.broadcast %mul3A_70 : f32 to vector<32x256xf32>
    %mul3A_72 = arith.mulf %mul3A_71, %select_n3A_58 : vector<32x256xf32>
    %mul3A_73 = arith.constant 2.500000e-01 : f32
    %mul3A_74 = vector.broadcast %mul3A_73 : f32 to vector<32x256xf32>
    %mul3A_75 = arith.mulf %mul3A_74, %concatenate3A_62 : vector<32x256xf32>
    %add3A_76 = arith.addf %mul3A_72, %mul3A_75 : vector<32x256xf32>
    %stack3A = vector.shape_cast %add3A_69 : vector<32x256xf32> to vector<32x1x256xf32>
    %stack3A_77 = vector.shape_cast %add3A_76 : vector<32x256xf32> to vector<32x1x256xf32>
    %stack3A_78 = tpu.concatenate %stack3A, %stack3A_77 in 1 : vector<32x1x256xf32>, vector<32x1x256xf32> -> vector<32x2x256xf32>
    %reshape3A = vector.shape_cast %stack3A_78 : vector<32x2x256xf32> to vector<64x256xf32>
    %jit3A_79 = arith.constant 0 : i32
    %jit3A_80 = arith.constant 63 : i32
    %max3A_81 = arith.maxsi %jit3A_79, %sub3A_0 : i32
    %min3A_82 = arith.minsi %jit3A_80, %max3A_81 : i32
    %mul3A_83 = arith.constant 64 : i32
    %mul3A_84 = arith.muli %min3A_82, %mul3A_83 : i32
    %get3A_85 = arith.index_cast %mul3A_84 : i32 to index
    %get3A_86 = arith.constant 0 : index
    %get3A_87 = vector.load %arg2[%get3A_85, %get3A_86] : memref<4096x256xf32, #tpu.memory_space<vmem>>, vector<64x256xf32>
    %add3A_88 = arith.addf %reshape3A, %get3A_87 : vector<64x256xf32>
    %broadcast_in_dim3A = arith.constant 0.000000e+00 : f32
    %broadcast_in_dim3A_89 = vector.broadcast %broadcast_in_dim3A : f32 to vector<1x256xf32>
    %broadcast_in_dim3A_90 = arith.constant 0.000000e+00 : f32
    %broadcast_in_dim3A_91 = vector.broadcast %broadcast_in_dim3A_90 : f32 to vector<7x256xf32>
    %concatenate3A_92 = tpu.concatenate %broadcast_in_dim3A_89, %add3A_88, %broadcast_in_dim3A_91 in 0 : vector<1x256xf32>, vector<64x256xf32>, vector<7x256xf32> -> vector<72x256xf32>
    %ge3A = arith.constant 1 : i32
    %ge3A_93 = arith.cmpi sge, %arg0, %ge3A : i32
    %le3A = arith.constant 64 : i32
    %le3A_94 = arith.cmpi sle, %arg0, %le3A : i32
    %and3A_95 = arith.andi %ge3A_93, %le3A_94 : i1
    %jit3A_96 = arith.constant 0.000000e+00 : f32
    %broadcast_in_dim3A_97 = vector.broadcast %jit3A_96 : f32 to vector<72x256xf32>
    %select_n3A_98 = arith.select %and3A_95, %concatenate3A_92, %broadcast_in_dim3A_97 : vector<72x256xf32>
    %broadcast_in_dim3A_99 = vector.shape_cast %select_n3A_98 : vector<72x256xf32> to vector<1x72x256xf32>
    %swap3A = arith.constant 0 : index
    %swap3A_100 = arith.constant 0 : index
    %swap3A_101 = arith.constant 0 : index
    %swap3A_102 = vector.load %arg3[%swap3A, %swap3A_100, %swap3A_101] : memref<1x72x256xf32, #tpu.memory_space<vmem>>, vector<1x72x256xf32>
    tpu.vector_store %arg3[%swap3A, %swap3A_100, %swap3A_101], %broadcast_in_dim3A_99 {strides = array<i32>} : memref<1x72x256xf32, #tpu.memory_space<vmem>>, vector<1x72x256xf32>,
    return
  }
  func.func @transform_0(%arg0: i32) -> (i32, i32, i32) {
    %c0_i32 = arith.constant 0 : i32
    %c0_i32_0 = arith.constant 0 : i32
    %c0_i32_1 = arith.constant 0 : i32
    %c0_i32_2 = arith.constant 0 : i32
    return %c0_i32, %c0_i32_0, %c0_i32_1 : i32, i32, i32
  }
  func.func @transform_1(%arg0: i32) -> (i32, i32) {
    %c0_i32 = arith.constant 0 : i32
    %c0_i32_0 = arith.constant 0 : i32
    %c0_i32_1 = arith.constant 0 : i32
    return %c0_i32, %c0_i32_0 : i32, i32
  }
  func.func @transform_2(%arg0: i32) -> (i32, i32, i32) {
    %c0_i32 = arith.constant 0 : i32
    %c0_i32_0 = arith.constant 0 : i32
    %c0_i32_1 = arith.constant 0 : i32
    return %arg0, %c0_i32, %c0_i32_0 : i32, i32, i32
  }
}

module attributes {stable_mosaic.version = 14 : i64} {
  func.func @body(%arg0: i32, %arg1: memref<4824x256xf32, #tpu.memory_space<vmem>>, %arg2: memref<9x256x256xf32, #tpu.memory_space<vmem>>, %arg3: memref<1x256xf32, #tpu.memory_space<vmem>>, %arg4: memref<576x256xf32, #tpu.memory_space<vmem>>) attributes {dimension_semantics = [#tpu.dimension_semantics<arbitrary>], iteration_bounds = array<i64: 8>, scalar_prefetch = 0 : i64, scratch_operands = 0 : i64, tpu.core_type = #tpu.core_type<tc>, window_params = [{pipeline_mode = #tpu.pipeline_mode<synchronous>, transform_indices = @transform_0, window_bounds = array<i64: 4824, 256>}, {pipeline_mode = #tpu.pipeline_mode<synchronous>, transform_indices = @transform_1, window_bounds = array<i64: 9, 256, 256>}, {pipeline_mode = #tpu.pipeline_mode<synchronous>, transform_indices = @transform_2, window_bounds = array<i64: 1, 256>}, {transform_indices = @transform_3, window_bounds = array<i64: 576, 256>}]} {
    %mul3A = arith.constant 576 : i32
    %mul3A_0 = arith.muli %arg0, %mul3A : i32
    %get3A = arith.index_cast %mul3A_0 : i32 to index
    %get3A_1 = arith.constant 0 : index
    %get3A_2 = vector.load %arg1[%get3A, %get3A_1] : memref<4824x256xf32, #tpu.memory_space<vmem>>, vector<728x256xf32>
    %slice3A = vector.extract_strided_slice %get3A_2 {offsets = [1, 0], sizes = [727, 256], strides = [1, 1]} : vector<728x256xf32> to vector<727x256xf32>
    %slice3A_3 = vector.extract_strided_slice %get3A_2 {offsets = [2, 0], sizes = [726, 256], strides = [1, 1]} : vector<728x256xf32> to vector<726x256xf32>
    %get3A_4 = arith.constant 0 : index
    %get3A_5 = arith.constant 0 : index
    %get3A_6 = vector.load %arg3[%get3A_4, %get3A_5] : memref<1x256xf32, #tpu.memory_space<vmem>>, vector<1x256xf32>
    %broadcast_in_dim3A = vector.shape_cast %get3A_6 : vector<1x256xf32> to vector<1x256xf32>
    %broadcast_in_dim3A_7 = vector.broadcast %broadcast_in_dim3A : vector<1x256xf32> to vector<576x256xf32>
    %slice3A_8 = vector.extract_strided_slice %get3A_2 {offsets = [0, 0], sizes = [576, 256], strides = [1, 1]} : vector<728x256xf32> to vector<576x256xf32>
    %get3A_9 = arith.constant 0 : index
    %get3A_10 = arith.constant 0 : index
    %get3A_11 = arith.constant 0 : index
    %get3A_12 = vector.load %arg2[%get3A_9, %get3A_10, %get3A_11] : memref<9x256x256xf32, #tpu.memory_space<vmem>>, vector<1x256x256xf32>
    %get3A_13 = vector.shape_cast %get3A_12 : vector<1x256x256xf32> to vector<256x256xf32>
    %dot_general3A = arith.constant dense<0.000000e+00> : vector<576x256xf32>
    %dot_general3A_14 = tpu.matmul %slice3A_8, %get3A_13, %dot_general3A {dimension_numbers = #tpu.dot_dimension_numbers<[1], [0], [0], [1], [0, 0, 1, 1], [], []>, transpose_lhs_hint = false} : vector<576x256xf32>, vector<256x256xf32>, vector<576x256xf32> -> vector<576x256xf32>
    %add3A = arith.addf %broadcast_in_dim3A_7, %dot_general3A_14 : vector<576x256xf32>
    %slice3A_15 = vector.extract_strided_slice %slice3A {offsets = [0, 0], sizes = [576, 256], strides = [1, 1]} : vector<727x256xf32> to vector<576x256xf32>
    %get3A_16 = arith.constant 1 : index
    %get3A_17 = arith.constant 0 : index
    %get3A_18 = arith.constant 0 : index
    %get3A_19 = vector.load %arg2[%get3A_16, %get3A_17, %get3A_18] : memref<9x256x256xf32, #tpu.memory_space<vmem>>, vector<1x256x256xf32>
    %get3A_20 = vector.shape_cast %get3A_19 : vector<1x256x256xf32> to vector<256x256xf32>
    %dot_general3A_21 = arith.constant dense<0.000000e+00> : vector<576x256xf32>
    %dot_general3A_22 = tpu.matmul %slice3A_15, %get3A_20, %dot_general3A_21 {dimension_numbers = #tpu.dot_dimension_numbers<[1], [0], [0], [1], [0, 0, 1, 1], [], []>, transpose_lhs_hint = false} : vector<576x256xf32>, vector<256x256xf32>, vector<576x256xf32> -> vector<576x256xf32>
    %add3A_23 = arith.addf %add3A, %dot_general3A_22 : vector<576x256xf32>
    %slice3A_24 = vector.extract_strided_slice %slice3A_3 {offsets = [0, 0], sizes = [576, 256], strides = [1, 1]} : vector<726x256xf32> to vector<576x256xf32>
    %get3A_25 = arith.constant 2 : index
    %get3A_26 = arith.constant 0 : index
    %get3A_27 = arith.constant 0 : index
    %get3A_28 = vector.load %arg2[%get3A_25, %get3A_26, %get3A_27] : memref<9x256x256xf32, #tpu.memory_space<vmem>>, vector<1x256x256xf32>
    %get3A_29 = vector.shape_cast %get3A_28 : vector<1x256x256xf32> to vector<256x256xf32>
    %dot_general3A_30 = arith.constant dense<0.000000e+00> : vector<576x256xf32>
    %dot_general3A_31 = tpu.matmul %slice3A_24, %get3A_29, %dot_general3A_30 {dimension_numbers = #tpu.dot_dimension_numbers<[1], [0], [0], [1], [0, 0, 1, 1], [], []>, transpose_lhs_hint = false} : vector<576x256xf32>, vector<256x256xf32>, vector<576x256xf32> -> vector<576x256xf32>
    %add3A_32 = arith.addf %add3A_23, %dot_general3A_31 : vector<576x256xf32>
    %slice3A_33 = vector.extract_strided_slice %get3A_2 {offsets = [72, 0], sizes = [576, 256], strides = [1, 1]} : vector<728x256xf32> to vector<576x256xf32>
    %get3A_34 = arith.constant 3 : index
    %get3A_35 = arith.constant 0 : index
    %get3A_36 = arith.constant 0 : index
    %get3A_37 = vector.load %arg2[%get3A_34, %get3A_35, %get3A_36] : memref<9x256x256xf32, #tpu.memory_space<vmem>>, vector<1x256x256xf32>
    %get3A_38 = vector.shape_cast %get3A_37 : vector<1x256x256xf32> to vector<256x256xf32>
    %dot_general3A_39 = arith.constant dense<0.000000e+00> : vector<576x256xf32>
    %dot_general3A_40 = tpu.matmul %slice3A_33, %get3A_38, %dot_general3A_39 {dimension_numbers = #tpu.dot_dimension_numbers<[1], [0], [0], [1], [0, 0, 1, 1], [], []>, transpose_lhs_hint = false} : vector<576x256xf32>, vector<256x256xf32>, vector<576x256xf32> -> vector<576x256xf32>
    %add3A_41 = arith.addf %add3A_32, %dot_general3A_40 : vector<576x256xf32>
    %slice3A_42 = vector.extract_strided_slice %slice3A {offsets = [72, 0], sizes = [576, 256], strides = [1, 1]} : vector<727x256xf32> to vector<576x256xf32>
    %get3A_43 = arith.constant 4 : index
    %get3A_44 = arith.constant 0 : index
    %get3A_45 = arith.constant 0 : index
    %get3A_46 = vector.load %arg2[%get3A_43, %get3A_44, %get3A_45] : memref<9x256x256xf32, #tpu.memory_space<vmem>>, vector<1x256x256xf32>
    %get3A_47 = vector.shape_cast %get3A_46 : vector<1x256x256xf32> to vector<256x256xf32>
    %dot_general3A_48 = arith.constant dense<0.000000e+00> : vector<576x256xf32>
    %dot_general3A_49 = tpu.matmul %slice3A_42, %get3A_47, %dot_general3A_48 {dimension_numbers = #tpu.dot_dimension_numbers<[1], [0], [0], [1], [0, 0, 1, 1], [], []>, transpose_lhs_hint = false} : vector<576x256xf32>, vector<256x256xf32>, vector<576x256xf32> -> vector<576x256xf32>
    %add3A_50 = arith.addf %add3A_41, %dot_general3A_49 : vector<576x256xf32>
    %slice3A_51 = vector.extract_strided_slice %slice3A_3 {offsets = [72, 0], sizes = [576, 256], strides = [1, 1]} : vector<726x256xf32> to vector<576x256xf32>
    %get3A_52 = arith.constant 5 : index
    %get3A_53 = arith.constant 0 : index
    %get3A_54 = arith.constant 0 : index
    %get3A_55 = vector.load %arg2[%get3A_52, %get3A_53, %get3A_54] : memref<9x256x256xf32, #tpu.memory_space<vmem>>, vector<1x256x256xf32>
    %get3A_56 = vector.shape_cast %get3A_55 : vector<1x256x256xf32> to vector<256x256xf32>
    %dot_general3A_57 = arith.constant dense<0.000000e+00> : vector<576x256xf32>
    %dot_general3A_58 = tpu.matmul %slice3A_51, %get3A_56, %dot_general3A_57 {dimension_numbers = #tpu.dot_dimension_numbers<[1], [0], [0], [1], [0, 0, 1, 1], [], []>, transpose_lhs_hint = false} : vector<576x256xf32>, vector<256x256xf32>, vector<576x256xf32> -> vector<576x256xf32>
    %add3A_59 = arith.addf %add3A_50, %dot_general3A_58 : vector<576x256xf32>
    %slice3A_60 = vector.extract_strided_slice %get3A_2 {offsets = [144, 0], sizes = [576, 256], strides = [1, 1]} : vector<728x256xf32> to vector<576x256xf32>
    %get3A_61 = arith.constant 6 : index
    %get3A_62 = arith.constant 0 : index
    %get3A_63 = arith.constant 0 : index
    %get3A_64 = vector.load %arg2[%get3A_61, %get3A_62, %get3A_63] : memref<9x256x256xf32, #tpu.memory_space<vmem>>, vector<1x256x256xf32>
    %get3A_65 = vector.shape_cast %get3A_64 : vector<1x256x256xf32> to vector<256x256xf32>
    %dot_general3A_66 = arith.constant dense<0.000000e+00> : vector<576x256xf32>
    %dot_general3A_67 = tpu.matmul %slice3A_60, %get3A_65, %dot_general3A_66 {dimension_numbers = #tpu.dot_dimension_numbers<[1], [0], [0], [1], [0, 0, 1, 1], [], []>, transpose_lhs_hint = false} : vector<576x256xf32>, vector<256x256xf32>, vector<576x256xf32> -> vector<576x256xf32>
    %add3A_68 = arith.addf %add3A_59, %dot_general3A_67 : vector<576x256xf32>
    %slice3A_69 = vector.extract_strided_slice %slice3A {offsets = [144, 0], sizes = [576, 256], strides = [1, 1]} : vector<727x256xf32> to vector<576x256xf32>
    %get3A_70 = arith.constant 7 : index
    %get3A_71 = arith.constant 0 : index
    %get3A_72 = arith.constant 0 : index
    %get3A_73 = vector.load %arg2[%get3A_70, %get3A_71, %get3A_72] : memref<9x256x256xf32, #tpu.memory_space<vmem>>, vector<1x256x256xf32>
    %get3A_74 = vector.shape_cast %get3A_73 : vector<1x256x256xf32> to vector<256x256xf32>
    %dot_general3A_75 = arith.constant dense<0.000000e+00> : vector<576x256xf32>
    %dot_general3A_76 = tpu.matmul %slice3A_69, %get3A_74, %dot_general3A_75 {dimension_numbers = #tpu.dot_dimension_numbers<[1], [0], [0], [1], [0, 0, 1, 1], [], []>, transpose_lhs_hint = false} : vector<576x256xf32>, vector<256x256xf32>, vector<576x256xf32> -> vector<576x256xf32>
    %add3A_77 = arith.addf %add3A_68, %dot_general3A_76 : vector<576x256xf32>
    %slice3A_78 = vector.extract_strided_slice %slice3A_3 {offsets = [144, 0], sizes = [576, 256], strides = [1, 1]} : vector<726x256xf32> to vector<576x256xf32>
    %get3A_79 = arith.constant 8 : index
    %get3A_80 = arith.constant 0 : index
    %get3A_81 = arith.constant 0 : index
    %get3A_82 = vector.load %arg2[%get3A_79, %get3A_80, %get3A_81] : memref<9x256x256xf32, #tpu.memory_space<vmem>>, vector<1x256x256xf32>
    %get3A_83 = vector.shape_cast %get3A_82 : vector<1x256x256xf32> to vector<256x256xf32>
    %dot_general3A_84 = arith.constant dense<0.000000e+00> : vector<576x256xf32>
    %dot_general3A_85 = tpu.matmul %slice3A_78, %get3A_83, %dot_general3A_84 {dimension_numbers = #tpu.dot_dimension_numbers<[1], [0], [0], [1], [0, 0, 1, 1], [], []>, transpose_lhs_hint = false} : vector<576x256xf32>, vector<256x256xf32>, vector<576x256xf32> -> vector<576x256xf32>
    %add3A_86 = arith.addf %add3A_77, %dot_general3A_85 : vector<576x256xf32>
    %swap3A = arith.constant 0 : index
    %swap3A_87 = arith.constant 0 : index
    %swap3A_88 = vector.load %arg4[%swap3A, %swap3A_87] : memref<576x256xf32, #tpu.memory_space<vmem>>, vector<576x256xf32>
    tpu.vector_store %arg4[%swap3A, %swap3A_87], %add3A_86 {strides = array<i32>} : memref<576x256xf32, #tpu.memory_space<vmem>>, vector<576x256xf32>,
    return
  }
  func.func @transform_0(%arg0: i32) -> (i32, i32) {
    %c0_i32 = arith.constant 0 : i32
    %c0_i32_0 = arith.constant 0 : i32
    %c0_i32_1 = arith.constant 0 : i32
    return %c0_i32, %c0_i32_0 : i32, i32
  }
  func.func @transform_1(%arg0: i32) -> (i32, i32, i32) {
    %c0_i32 = arith.constant 0 : i32
    %c0_i32_0 = arith.constant 0 : i32
    %c0_i32_1 = arith.constant 0 : i32
    %c0_i32_2 = arith.constant 0 : i32
    return %c0_i32, %c0_i32_0, %c0_i32_1 : i32, i32, i32
  }
  func.func @transform_2(%arg0: i32) -> (i32, i32) {
    %c0_i32 = arith.constant 0 : i32
    %c0_i32_0 = arith.constant 0 : i32
    %c0_i32_1 = arith.constant 0 : i32
    return %c0_i32, %c0_i32_0 : i32, i32
  }
  func.func @transform_3(%arg0: i32) -> (i32, i32) {
    %c0_i32 = arith.constant 0 : i32
    %c0_i32_0 = arith.constant 0 : i32
    return %arg0, %c0_i32 : i32, i32
  }
}

module attributes {stable_mosaic.version = 14 : i64} {
  func.func @body(%arg0: i32, %arg1: memref<2048x256xf32, #tpu.memory_space<vmem>>, %arg2: memref<256x256xf32, #tpu.memory_space<vmem>>, %arg3: memref<1x256xf32, #tpu.memory_space<vmem>>, %arg4: memref<2048x256xf32, #tpu.memory_space<vmem>>) attributes {dimension_semantics = [#tpu.dimension_semantics<arbitrary>], iteration_bounds = array<i64: 8>, scalar_prefetch = 0 : i64, scratch_operands = 0 : i64, tpu.core_type = #tpu.core_type<tc>, window_params = [{transform_indices = @transform_0, window_bounds = array<i64: 2048, 256>}, {pipeline_mode = #tpu.pipeline_mode<synchronous>, transform_indices = @transform_1, window_bounds = array<i64: 256, 256>}, {pipeline_mode = #tpu.pipeline_mode<synchronous>, transform_indices = @transform_2, window_bounds = array<i64: 1, 256>}, {transform_indices = @transform_3, window_bounds = array<i64: 2048, 256>}]} {
    %get3A = arith.constant 0 : index
    %get3A_0 = arith.constant 0 : index
    %get3A_1 = vector.load %arg1[%get3A, %get3A_0] : memref<2048x256xf32, #tpu.memory_space<vmem>>, vector<2048x256xf32>
    %get3A_2 = arith.constant 0 : index
    %get3A_3 = arith.constant 0 : index
    %get3A_4 = vector.load %arg2[%get3A_2, %get3A_3] : memref<256x256xf32, #tpu.memory_space<vmem>>, vector<256x256xf32>
    %dot_general3A = arith.constant dense<0.000000e+00> : vector<2048x256xf32>
    %dot_general3A_5 = tpu.matmul %get3A_1, %get3A_4, %dot_general3A {dimension_numbers = #tpu.dot_dimension_numbers<[1], [0], [0], [1], [0, 0, 1, 1], [], []>, transpose_lhs_hint = false} : vector<2048x256xf32>, vector<256x256xf32>, vector<2048x256xf32> -> vector<2048x256xf32>
    %get3A_6 = arith.constant 0 : index
    %get3A_7 = arith.constant 0 : index
    %get3A_8 = vector.load %arg3[%get3A_6, %get3A_7] : memref<1x256xf32, #tpu.memory_space<vmem>>, vector<1x256xf32>
    %add3A = vector.broadcast %get3A_8 : vector<1x256xf32> to vector<2048x256xf32>
    %add3A_9 = arith.addf %dot_general3A_5, %add3A : vector<2048x256xf32>
    %swap3A = arith.constant 0 : index
    %swap3A_10 = arith.constant 0 : index
    %swap3A_11 = vector.load %arg4[%swap3A, %swap3A_10] : memref<2048x256xf32, #tpu.memory_space<vmem>>, vector<2048x256xf32>
    tpu.vector_store %arg4[%swap3A, %swap3A_10], %add3A_9 {strides = array<i32>} : memref<2048x256xf32, #tpu.memory_space<vmem>>, vector<2048x256xf32>,
    return
  }
  func.func @transform_0(%arg0: i32) -> (i32, i32) {
    %c0_i32 = arith.constant 0 : i32
    %c0_i32_0 = arith.constant 0 : i32
    return %arg0, %c0_i32 : i32, i32
  }
  func.func @transform_1(%arg0: i32) -> (i32, i32) {
    %c0_i32 = arith.constant 0 : i32
    %c0_i32_0 = arith.constant 0 : i32
    %c0_i32_1 = arith.constant 0 : i32
    return %c0_i32, %c0_i32_0 : i32, i32
  }
  func.func @transform_2(%arg0: i32) -> (i32, i32) {
    %c0_i32 = arith.constant 0 : i32
    %c0_i32_0 = arith.constant 0 : i32
    %c0_i32_1 = arith.constant 0 : i32
    return %c0_i32, %c0_i32_0 : i32, i32
  }
  func.func @transform_3(%arg0: i32) -> (i32, i32) {
    %c0_i32 = arith.constant 0 : i32
    %c0_i32_0 = arith.constant 0 : i32
    return %arg0, %c0_i32 : i32, i32
  }
}

module attributes {stable_mosaic.version = 14 : i64} {
  func.func @body(%arg0: i32, %arg1: memref<64x72x256xf32, #tpu.memory_space<vmem>>, %arg2: memref<16384x256xf32, #tpu.memory_space<vmem>>, %arg3: memref<1x136x256xf32, #tpu.memory_space<vmem>>) attributes {dimension_semantics = [#tpu.dimension_semantics<arbitrary>], iteration_bounds = array<i64: 131>, scalar_prefetch = 0 : i64, scratch_operands = 0 : i64, tpu.core_type = #tpu.core_type<tc>, window_params = [{pipeline_mode = #tpu.pipeline_mode<synchronous>, transform_indices = @transform_0, window_bounds = array<i64: 64, 72, 256>}, {pipeline_mode = #tpu.pipeline_mode<synchronous>, transform_indices = @transform_1, window_bounds = array<i64: 16384, 256>}, {transform_indices = @transform_2, window_bounds = array<i64: 1, 136, 256>}]} {
    %sub3A = arith.constant 1 : i32
    %sub3A_0 = arith.subi %arg0, %sub3A : i32
    %div3A = arith.constant 2 : i32
    %div3A_1 = arith.divsi %sub3A_0, %div3A : i32
    %sub3A_2 = arith.constant 1 : i32
    %sub3A_3 = arith.subi %div3A_1, %sub3A_2 : i32
    %jit3A = arith.constant 0 : i32
    %jit3A_4 = arith.constant 63 : i32
    %max3A = arith.maxsi %jit3A, %sub3A_3 : i32
    %min3A = arith.minsi %jit3A_4, %max3A : i32
    %jit3A_5 = arith.constant 0 : i32
    %jit3A_6 = arith.constant 63 : i32
    %max3A_7 = arith.maxsi %jit3A_5, %div3A_1 : i32
    %min3A_8 = arith.minsi %jit3A_6, %max3A_7 : i32
    %add3A = arith.constant 1 : i32
    %add3A_9 = arith.addi %div3A_1, %add3A : i32
    %jit3A_10 = arith.constant 0 : i32
    %jit3A_11 = arith.constant 63 : i32
    %max3A_12 = arith.maxsi %jit3A_10, %add3A_9 : i32
    %min3A_13 = arith.minsi %jit3A_11, %max3A_12 : i32
    %jit3A_14 = arith.constant 2 : i32
    %eq3A = arith.constant 0 : i32
    %eq3A_15 = arith.cmpi eq, %jit3A_14, %eq3A : i32
    %jit3A_16 = arith.constant 1 : i32
    %select_n3A = arith.select %eq3A_15, %jit3A_16, %jit3A_14 : i32
    %rem3A = arith.remsi %sub3A_0, %select_n3A : i32
    %ne3A = arith.constant 0 : i32
    %ne3A_17 = arith.cmpi ne, %rem3A, %ne3A : i32
    %lt3A = arith.constant 0 : i32
    %lt3A_18 = arith.cmpi slt, %rem3A, %lt3A : i32
    %lt3A_19 = arith.constant 0 : i32
    %lt3A_20 = arith.cmpi slt, %select_n3A, %lt3A_19 : i32
    %ne3A_21 = arith.xori %lt3A_18, %lt3A_20 : i1
    %and3A = arith.andi %ne3A_21, %ne3A_17 : i1
    %add3A_22 = arith.addi %rem3A, %select_n3A : i32
    %select_n3A_23 = arith.select %and3A, %add3A_22, %rem3A : i32
    %eq3A_24 = arith.constant 0 : i32
    %eq3A_25 = arith.cmpi eq, %select_n3A_23, %eq3A_24 : i32
    %get3A = arith.index_cast %min3A : i32 to index
    %get3A_26 = arith.constant 0 : index
    %get3A_27 = arith.constant 0 : index
    %get3A_28 = vector.load %arg1[%get3A, %get3A_26, %get3A_27] : memref<64x72x256xf32, #tpu.memory_space<vmem>>, vector<1x64x256xf32>
    %get3A_29 = vector.shape_cast %get3A_28 : vector<1x64x256xf32> to vector<64x256xf32>
    %mul3A = arith.constant 2.500000e-01 : f32
    %mul3A_30 = vector.broadcast %mul3A : f32 to vector<64x256xf32>
    %mul3A_31 = arith.mulf %mul3A_30, %get3A_29 : vector<64x256xf32>
    %get3A_32 = arith.index_cast %min3A_8 : i32 to index
    %get3A_33 = arith.constant 0 : index
    %get3A_34 = arith.constant 0 : index
    %get3A_35 = vector.load %arg1[%get3A_32, %get3A_33, %get3A_34] : memref<64x72x256xf32, #tpu.memory_space<vmem>>, vector<1x64x256xf32>
    %get3A_36 = vector.shape_cast %get3A_35 : vector<1x64x256xf32> to vector<64x256xf32>
    %mul3A_37 = arith.constant 7.500000e-01 : f32
    %mul3A_38 = vector.broadcast %mul3A_37 : f32 to vector<64x256xf32>
    %mul3A_39 = arith.mulf %mul3A_38, %get3A_36 : vector<64x256xf32>
    %add3A_40 = arith.addf %mul3A_31, %mul3A_39 : vector<64x256xf32>
    %get3A_41 = arith.index_cast %min3A_8 : i32 to index
    %get3A_42 = arith.constant 0 : index
    %get3A_43 = arith.constant 0 : index
    %get3A_44 = vector.load %arg1[%get3A_41, %get3A_42, %get3A_43] : memref<64x72x256xf32, #tpu.memory_space<vmem>>, vector<1x64x256xf32>
    %get3A_45 = vector.shape_cast %get3A_44 : vector<1x64x256xf32> to vector<64x256xf32>
    %mul3A_46 = arith.constant 7.500000e-01 : f32
    %mul3A_47 = vector.broadcast %mul3A_46 : f32 to vector<64x256xf32>
    %mul3A_48 = arith.mulf %mul3A_47, %get3A_45 : vector<64x256xf32>
    %get3A_49 = arith.index_cast %min3A_13 : i32 to index
    %get3A_50 = arith.constant 0 : index
    %get3A_51 = arith.constant 0 : index
    %get3A_52 = vector.load %arg1[%get3A_49, %get3A_50, %get3A_51] : memref<64x72x256xf32, #tpu.memory_space<vmem>>, vector<1x64x256xf32>
    %get3A_53 = vector.shape_cast %get3A_52 : vector<1x64x256xf32> to vector<64x256xf32>
    %mul3A_54 = arith.constant 2.500000e-01 : f32
    %mul3A_55 = vector.broadcast %mul3A_54 : f32 to vector<64x256xf32>
    %mul3A_56 = arith.mulf %mul3A_55, %get3A_53 : vector<64x256xf32>
    %add3A_57 = arith.addf %mul3A_48, %mul3A_56 : vector<64x256xf32>
    %select_n3A_58 = arith.select %eq3A_25, %add3A_40, %add3A_57 : vector<64x256xf32>
    %slice3A = vector.extract_strided_slice %select_n3A_58 {offsets = [0, 0], sizes = [1, 256], strides = [1, 1]} : vector<64x256xf32> to vector<1x256xf32>
    %slice3A_59 = vector.extract_strided_slice %select_n3A_58 {offsets = [0, 0], sizes = [63, 256], strides = [1, 1]} : vector<64x256xf32> to vector<63x256xf32>
    %concatenate3A = tpu.concatenate %slice3A, %slice3A_59 in 0 : vector<1x256xf32>, vector<63x256xf32> -> vector<64x256xf32>
    %slice3A_60 = vector.extract_strided_slice %select_n3A_58 {offsets = [1, 0], sizes = [63, 256], strides = [1, 1]} : vector<64x256xf32> to vector<63x256xf32>
    %slice3A_61 = vector.extract_strided_slice %select_n3A_58 {offsets = [63, 0], sizes = [1, 256], strides = [1, 1]} : vector<64x256xf32> to vector<1x256xf32>
    %concatenate3A_62 = tpu.concatenate %slice3A_60, %slice3A_61 in 0 : vector<63x256xf32>, vector<1x256xf32> -> vector<64x256xf32>
    %mul3A_63 = arith.constant 2.500000e-01 : f32
    %mul3A_64 = vector.broadcast %mul3A_63 : f32 to vector<64x256xf32>
    %mul3A_65 = arith.mulf %mul3A_64, %concatenate3A : vector<64x256xf32>
    %mul3A_66 = arith.constant 7.500000e-01 : f32
    %mul3A_67 = vector.broadcast %mul3A_66 : f32 to vector<64x256xf32>
    %mul3A_68 = arith.mulf %mul3A_67, %select_n3A_58 : vector<64x256xf32>
    %add3A_69 = arith.addf %mul3A_65, %mul3A_68 : vector<64x256xf32>
    %mul3A_70 = arith.constant 7.500000e-01 : f32
    %mul3A_71 = vector.broadcast %mul3A_70 : f32 to vector<64x256xf32>
    %mul3A_72 = arith.mulf %mul3A_71, %select_n3A_58 : vector<64x256xf32>
    %mul3A_73 = arith.constant 2.500000e-01 : f32
    %mul3A_74 = vector.broadcast %mul3A_73 : f32 to vector<64x256xf32>
    %mul3A_75 = arith.mulf %mul3A_74, %concatenate3A_62 : vector<64x256xf32>
    %add3A_76 = arith.addf %mul3A_72, %mul3A_75 : vector<64x256xf32>
    %stack3A = vector.shape_cast %add3A_69 : vector<64x256xf32> to vector<64x1x256xf32>
    %stack3A_77 = vector.shape_cast %add3A_76 : vector<64x256xf32> to vector<64x1x256xf32>
    %stack3A_78 = tpu.concatenate %stack3A, %stack3A_77 in 1 : vector<64x1x256xf32>, vector<64x1x256xf32> -> vector<64x2x256xf32>
    %reshape3A = vector.shape_cast %stack3A_78 : vector<64x2x256xf32> to vector<128x256xf32>
    %jit3A_79 = arith.constant 0 : i32
    %jit3A_80 = arith.constant 127 : i32
    %max3A_81 = arith.maxsi %jit3A_79, %sub3A_0 : i32
    %min3A_82 = arith.minsi %jit3A_80, %max3A_81 : i32
    %mul3A_83 = arith.constant 128 : i32
    %mul3A_84 = arith.muli %min3A_82, %mul3A_83 : i32
    %get3A_85 = arith.index_cast %mul3A_84 : i32 to index
    %get3A_86 = arith.constant 0 : index
    %get3A_87 = vector.load %arg2[%get3A_85, %get3A_86] : memref<16384x256xf32, #tpu.memory_space<vmem>>, vector<128x256xf32>
    %add3A_88 = arith.addf %reshape3A, %get3A_87 : vector<128x256xf32>
    %broadcast_in_dim3A = arith.constant 0.000000e+00 : f32
    %broadcast_in_dim3A_89 = vector.broadcast %broadcast_in_dim3A : f32 to vector<1x256xf32>
    %broadcast_in_dim3A_90 = arith.constant 0.000000e+00 : f32
    %broadcast_in_dim3A_91 = vector.broadcast %broadcast_in_dim3A_90 : f32 to vector<7x256xf32>
    %concatenate3A_92 = tpu.concatenate %broadcast_in_dim3A_89, %add3A_88, %broadcast_in_dim3A_91 in 0 : vector<1x256xf32>, vector<128x256xf32>, vector<7x256xf32> -> vector<136x256xf32>
    %ge3A = arith.constant 1 : i32
    %ge3A_93 = arith.cmpi sge, %arg0, %ge3A : i32
    %le3A = arith.constant 128 : i32
    %le3A_94 = arith.cmpi sle, %arg0, %le3A : i32
    %and3A_95 = arith.andi %ge3A_93, %le3A_94 : i1
    %jit3A_96 = arith.constant 0.000000e+00 : f32
    %broadcast_in_dim3A_97 = vector.broadcast %jit3A_96 : f32 to vector<136x256xf32>
    %select_n3A_98 = arith.select %and3A_95, %concatenate3A_92, %broadcast_in_dim3A_97 : vector<136x256xf32>
    %broadcast_in_dim3A_99 = vector.shape_cast %select_n3A_98 : vector<136x256xf32> to vector<1x136x256xf32>
    %swap3A = arith.constant 0 : index
    %swap3A_100 = arith.constant 0 : index
    %swap3A_101 = arith.constant 0 : index
    %swap3A_102 = vector.load %arg3[%swap3A, %swap3A_100, %swap3A_101] : memref<1x136x256xf32, #tpu.memory_space<vmem>>, vector<1x136x256xf32>
    tpu.vector_store %arg3[%swap3A, %swap3A_100, %swap3A_101], %broadcast_in_dim3A_99 {strides = array<i32>} : memref<1x136x256xf32, #tpu.memory_space<vmem>>, vector<1x136x256xf32>,
    return
  }
  func.func @transform_0(%arg0: i32) -> (i32, i32, i32) {
    %c0_i32 = arith.constant 0 : i32
    %c0_i32_0 = arith.constant 0 : i32
    %c0_i32_1 = arith.constant 0 : i32
    %c0_i32_2 = arith.constant 0 : i32
    return %c0_i32, %c0_i32_0, %c0_i32_1 : i32, i32, i32
  }
  func.func @transform_1(%arg0: i32) -> (i32, i32) {
    %c0_i32 = arith.constant 0 : i32
    %c0_i32_0 = arith.constant 0 : i32
    %c0_i32_1 = arith.constant 0 : i32
    return %c0_i32, %c0_i32_0 : i32, i32
  }
  func.func @transform_2(%arg0: i32) -> (i32, i32, i32) {
    %c0_i32 = arith.constant 0 : i32
    %c0_i32_0 = arith.constant 0 : i32
    %c0_i32_1 = arith.constant 0 : i32
    return %arg0, %c0_i32, %c0_i32_0 : i32, i32, i32
  }
}

module attributes {stable_mosaic.version = 14 : i64} {
  func.func @body(%arg0: i32, %arg1: memref<17816x256xf32, #tpu.memory_space<vmem>>, %arg2: memref<9x256x256xf32, #tpu.memory_space<vmem>>, %arg3: memref<1x256xf32, #tpu.memory_space<vmem>>, %arg4: memref<2176x256xf32, #tpu.memory_space<vmem>>) attributes {dimension_semantics = [#tpu.dimension_semantics<arbitrary>], iteration_bounds = array<i64: 8>, scalar_prefetch = 0 : i64, scratch_operands = 0 : i64, tpu.core_type = #tpu.core_type<tc>, window_params = [{pipeline_mode = #tpu.pipeline_mode<synchronous>, transform_indices = @transform_0, window_bounds = array<i64: 17816, 256>}, {pipeline_mode = #tpu.pipeline_mode<synchronous>, transform_indices = @transform_1, window_bounds = array<i64: 9, 256, 256>}, {pipeline_mode = #tpu.pipeline_mode<synchronous>, transform_indices = @transform_2, window_bounds = array<i64: 1, 256>}, {transform_indices = @transform_3, window_bounds = array<i64: 2176, 256>}]} {
    %mul3A = arith.constant 2176 : i32
    %mul3A_0 = arith.muli %arg0, %mul3A : i32
    %get3A = arith.index_cast %mul3A_0 : i32 to index
    %get3A_1 = arith.constant 0 : index
    %get3A_2 = vector.load %arg1[%get3A, %get3A_1] : memref<17816x256xf32, #tpu.memory_space<vmem>>, vector<2456x256xf32>
    %slice3A = vector.extract_strided_slice %get3A_2 {offsets = [1, 0], sizes = [2455, 256], strides = [1, 1]} : vector<2456x256xf32> to vector<2455x256xf32>
    %slice3A_3 = vector.extract_strided_slice %get3A_2 {offsets = [2, 0], sizes = [2454, 256], strides = [1, 1]} : vector<2456x256xf32> to vector<2454x256xf32>
    %get3A_4 = arith.constant 0 : index
    %get3A_5 = arith.constant 0 : index
    %get3A_6 = vector.load %arg3[%get3A_4, %get3A_5] : memref<1x256xf32, #tpu.memory_space<vmem>>, vector<1x256xf32>
    %broadcast_in_dim3A = vector.shape_cast %get3A_6 : vector<1x256xf32> to vector<1x256xf32>
    %broadcast_in_dim3A_7 = vector.broadcast %broadcast_in_dim3A : vector<1x256xf32> to vector<2176x256xf32>
    %slice3A_8 = vector.extract_strided_slice %get3A_2 {offsets = [0, 0], sizes = [2176, 256], strides = [1, 1]} : vector<2456x256xf32> to vector<2176x256xf32>
    %get3A_9 = arith.constant 0 : index
    %get3A_10 = arith.constant 0 : index
    %get3A_11 = arith.constant 0 : index
    %get3A_12 = vector.load %arg2[%get3A_9, %get3A_10, %get3A_11] : memref<9x256x256xf32, #tpu.memory_space<vmem>>, vector<1x256x256xf32>
    %get3A_13 = vector.shape_cast %get3A_12 : vector<1x256x256xf32> to vector<256x256xf32>
    %dot_general3A = arith.constant dense<0.000000e+00> : vector<2176x256xf32>
    %dot_general3A_14 = tpu.matmul %slice3A_8, %get3A_13, %dot_general3A {dimension_numbers = #tpu.dot_dimension_numbers<[1], [0], [0], [1], [0, 0, 1, 1], [], []>, transpose_lhs_hint = false} : vector<2176x256xf32>, vector<256x256xf32>, vector<2176x256xf32> -> vector<2176x256xf32>
    %add3A = arith.addf %broadcast_in_dim3A_7, %dot_general3A_14 : vector<2176x256xf32>
    %slice3A_15 = vector.extract_strided_slice %slice3A {offsets = [0, 0], sizes = [2176, 256], strides = [1, 1]} : vector<2455x256xf32> to vector<2176x256xf32>
    %get3A_16 = arith.constant 1 : index
    %get3A_17 = arith.constant 0 : index
    %get3A_18 = arith.constant 0 : index
    %get3A_19 = vector.load %arg2[%get3A_16, %get3A_17, %get3A_18] : memref<9x256x256xf32, #tpu.memory_space<vmem>>, vector<1x256x256xf32>
    %get3A_20 = vector.shape_cast %get3A_19 : vector<1x256x256xf32> to vector<256x256xf32>
    %dot_general3A_21 = arith.constant dense<0.000000e+00> : vector<2176x256xf32>
    %dot_general3A_22 = tpu.matmul %slice3A_15, %get3A_20, %dot_general3A_21 {dimension_numbers = #tpu.dot_dimension_numbers<[1], [0], [0], [1], [0, 0, 1, 1], [], []>, transpose_lhs_hint = false} : vector<2176x256xf32>, vector<256x256xf32>, vector<2176x256xf32> -> vector<2176x256xf32>
    %add3A_23 = arith.addf %add3A, %dot_general3A_22 : vector<2176x256xf32>
    %slice3A_24 = vector.extract_strided_slice %slice3A_3 {offsets = [0, 0], sizes = [2176, 256], strides = [1, 1]} : vector<2454x256xf32> to vector<2176x256xf32>
    %get3A_25 = arith.constant 2 : index
    %get3A_26 = arith.constant 0 : index
    %get3A_27 = arith.constant 0 : index
    %get3A_28 = vector.load %arg2[%get3A_25, %get3A_26, %get3A_27] : memref<9x256x256xf32, #tpu.memory_space<vmem>>, vector<1x256x256xf32>
    %get3A_29 = vector.shape_cast %get3A_28 : vector<1x256x256xf32> to vector<256x256xf32>
    %dot_general3A_30 = arith.constant dense<0.000000e+00> : vector<2176x256xf32>
    %dot_general3A_31 = tpu.matmul %slice3A_24, %get3A_29, %dot_general3A_30 {dimension_numbers = #tpu.dot_dimension_numbers<[1], [0], [0], [1], [0, 0, 1, 1], [], []>, transpose_lhs_hint = false} : vector<2176x256xf32>, vector<256x256xf32>, vector<2176x256xf32> -> vector<2176x256xf32>
    %add3A_32 = arith.addf %add3A_23, %dot_general3A_31 : vector<2176x256xf32>
    %slice3A_33 = vector.extract_strided_slice %get3A_2 {offsets = [136, 0], sizes = [2176, 256], strides = [1, 1]} : vector<2456x256xf32> to vector<2176x256xf32>
    %get3A_34 = arith.constant 3 : index
    %get3A_35 = arith.constant 0 : index
    %get3A_36 = arith.constant 0 : index
    %get3A_37 = vector.load %arg2[%get3A_34, %get3A_35, %get3A_36] : memref<9x256x256xf32, #tpu.memory_space<vmem>>, vector<1x256x256xf32>
    %get3A_38 = vector.shape_cast %get3A_37 : vector<1x256x256xf32> to vector<256x256xf32>
    %dot_general3A_39 = arith.constant dense<0.000000e+00> : vector<2176x256xf32>
    %dot_general3A_40 = tpu.matmul %slice3A_33, %get3A_38, %dot_general3A_39 {dimension_numbers = #tpu.dot_dimension_numbers<[1], [0], [0], [1], [0, 0, 1, 1], [], []>, transpose_lhs_hint = false} : vector<2176x256xf32>, vector<256x256xf32>, vector<2176x256xf32> -> vector<2176x256xf32>
    %add3A_41 = arith.addf %add3A_32, %dot_general3A_40 : vector<2176x256xf32>
    %slice3A_42 = vector.extract_strided_slice %slice3A {offsets = [136, 0], sizes = [2176, 256], strides = [1, 1]} : vector<2455x256xf32> to vector<2176x256xf32>
    %get3A_43 = arith.constant 4 : index
    %get3A_44 = arith.constant 0 : index
    %get3A_45 = arith.constant 0 : index
    %get3A_46 = vector.load %arg2[%get3A_43, %get3A_44, %get3A_45] : memref<9x256x256xf32, #tpu.memory_space<vmem>>, vector<1x256x256xf32>
    %get3A_47 = vector.shape_cast %get3A_46 : vector<1x256x256xf32> to vector<256x256xf32>
    %dot_general3A_48 = arith.constant dense<0.000000e+00> : vector<2176x256xf32>
    %dot_general3A_49 = tpu.matmul %slice3A_42, %get3A_47, %dot_general3A_48 {dimension_numbers = #tpu.dot_dimension_numbers<[1], [0], [0], [1], [0, 0, 1, 1], [], []>, transpose_lhs_hint = false} : vector<2176x256xf32>, vector<256x256xf32>, vector<2176x256xf32> -> vector<2176x256xf32>
    %add3A_50 = arith.addf %add3A_41, %dot_general3A_49 : vector<2176x256xf32>
    %slice3A_51 = vector.extract_strided_slice %slice3A_3 {offsets = [136, 0], sizes = [2176, 256], strides = [1, 1]} : vector<2454x256xf32> to vector<2176x256xf32>
    %get3A_52 = arith.constant 5 : index
    %get3A_53 = arith.constant 0 : index
    %get3A_54 = arith.constant 0 : index
    %get3A_55 = vector.load %arg2[%get3A_52, %get3A_53, %get3A_54] : memref<9x256x256xf32, #tpu.memory_space<vmem>>, vector<1x256x256xf32>
    %get3A_56 = vector.shape_cast %get3A_55 : vector<1x256x256xf32> to vector<256x256xf32>
    %dot_general3A_57 = arith.constant dense<0.000000e+00> : vector<2176x256xf32>
    %dot_general3A_58 = tpu.matmul %slice3A_51, %get3A_56, %dot_general3A_57 {dimension_numbers = #tpu.dot_dimension_numbers<[1], [0], [0], [1], [0, 0, 1, 1], [], []>, transpose_lhs_hint = false} : vector<2176x256xf32>, vector<256x256xf32>, vector<2176x256xf32> -> vector<2176x256xf32>
    %add3A_59 = arith.addf %add3A_50, %dot_general3A_58 : vector<2176x256xf32>
    %slice3A_60 = vector.extract_strided_slice %get3A_2 {offsets = [272, 0], sizes = [2176, 256], strides = [1, 1]} : vector<2456x256xf32> to vector<2176x256xf32>
    %get3A_61 = arith.constant 6 : index
    %get3A_62 = arith.constant 0 : index
    %get3A_63 = arith.constant 0 : index
    %get3A_64 = vector.load %arg2[%get3A_61, %get3A_62, %get3A_63] : memref<9x256x256xf32, #tpu.memory_space<vmem>>, vector<1x256x256xf32>
    %get3A_65 = vector.shape_cast %get3A_64 : vector<1x256x256xf32> to vector<256x256xf32>
    %dot_general3A_66 = arith.constant dense<0.000000e+00> : vector<2176x256xf32>
    %dot_general3A_67 = tpu.matmul %slice3A_60, %get3A_65, %dot_general3A_66 {dimension_numbers = #tpu.dot_dimension_numbers<[1], [0], [0], [1], [0, 0, 1, 1], [], []>, transpose_lhs_hint = false} : vector<2176x256xf32>, vector<256x256xf32>, vector<2176x256xf32> -> vector<2176x256xf32>
    %add3A_68 = arith.addf %add3A_59, %dot_general3A_67 : vector<2176x256xf32>
    %slice3A_69 = vector.extract_strided_slice %slice3A {offsets = [272, 0], sizes = [2176, 256], strides = [1, 1]} : vector<2455x256xf32> to vector<2176x256xf32>
    %get3A_70 = arith.constant 7 : index
    %get3A_71 = arith.constant 0 : index
    %get3A_72 = arith.constant 0 : index
    %get3A_73 = vector.load %arg2[%get3A_70, %get3A_71, %get3A_72] : memref<9x256x256xf32, #tpu.memory_space<vmem>>, vector<1x256x256xf32>
    %get3A_74 = vector.shape_cast %get3A_73 : vector<1x256x256xf32> to vector<256x256xf32>
    %dot_general3A_75 = arith.constant dense<0.000000e+00> : vector<2176x256xf32>
    %dot_general3A_76 = tpu.matmul %slice3A_69, %get3A_74, %dot_general3A_75 {dimension_numbers = #tpu.dot_dimension_numbers<[1], [0], [0], [1], [0, 0, 1, 1], [], []>, transpose_lhs_hint = false} : vector<2176x256xf32>, vector<256x256xf32>, vector<2176x256xf32> -> vector<2176x256xf32>
    %add3A_77 = arith.addf %add3A_68, %dot_general3A_76 : vector<2176x256xf32>
    %slice3A_78 = vector.extract_strided_slice %slice3A_3 {offsets = [272, 0], sizes = [2176, 256], strides = [1, 1]} : vector<2454x256xf32> to vector<2176x256xf32>
    %get3A_79 = arith.constant 8 : index
    %get3A_80 = arith.constant 0 : index
    %get3A_81 = arith.constant 0 : index
    %get3A_82 = vector.load %arg2[%get3A_79, %get3A_80, %get3A_81] : memref<9x256x256xf32, #tpu.memory_space<vmem>>, vector<1x256x256xf32>
    %get3A_83 = vector.shape_cast %get3A_82 : vector<1x256x256xf32> to vector<256x256xf32>
    %dot_general3A_84 = arith.constant dense<0.000000e+00> : vector<2176x256xf32>
    %dot_general3A_85 = tpu.matmul %slice3A_78, %get3A_83, %dot_general3A_84 {dimension_numbers = #tpu.dot_dimension_numbers<[1], [0], [0], [1], [0, 0, 1, 1], [], []>, transpose_lhs_hint = false} : vector<2176x256xf32>, vector<256x256xf32>, vector<2176x256xf32> -> vector<2176x256xf32>
    %add3A_86 = arith.addf %add3A_77, %dot_general3A_85 : vector<2176x256xf32>
    %swap3A = arith.constant 0 : index
    %swap3A_87 = arith.constant 0 : index
    %swap3A_88 = vector.load %arg4[%swap3A, %swap3A_87] : memref<2176x256xf32, #tpu.memory_space<vmem>>, vector<2176x256xf32>
    tpu.vector_store %arg4[%swap3A, %swap3A_87], %add3A_86 {strides = array<i32>} : memref<2176x256xf32, #tpu.memory_space<vmem>>, vector<2176x256xf32>,
    return
  }
  func.func @transform_0(%arg0: i32) -> (i32, i32) {
    %c0_i32 = arith.constant 0 : i32
    %c0_i32_0 = arith.constant 0 : i32
    %c0_i32_1 = arith.constant 0 : i32
    return %c0_i32, %c0_i32_0 : i32, i32
  }
  func.func @transform_1(%arg0: i32) -> (i32, i32, i32) {
    %c0_i32 = arith.constant 0 : i32
    %c0_i32_0 = arith.constant 0 : i32
    %c0_i32_1 = arith.constant 0 : i32
    %c0_i32_2 = arith.constant 0 : i32
    return %c0_i32, %c0_i32_0, %c0_i32_1 : i32, i32, i32
  }
  func.func @transform_2(%arg0: i32) -> (i32, i32) {
    %c0_i32 = arith.constant 0 : i32
    %c0_i32_0 = arith.constant 0 : i32
    %c0_i32_1 = arith.constant 0 : i32
    return %c0_i32, %c0_i32_0 : i32, i32
  }
  func.func @transform_3(%arg0: i32) -> (i32, i32) {
    %c0_i32 = arith.constant 0 : i32
    %c0_i32_0 = arith.constant 0 : i32
    return %arg0, %c0_i32 : i32, i32
  }
}

module attributes {stable_mosaic.version = 14 : i64} {
  func.func @_combine_body(%arg0: i32, %arg1: memref<8x4x56x1xf32, #tpu.memory_space<vmem>>, %arg2: memref<8x4x56x256xf32, #tpu.memory_space<vmem>>, %arg3: memref<8x49x256xf32, #tpu.memory_space<vmem>>) attributes {dimension_semantics = [#tpu.dimension_semantics<arbitrary>], iteration_bounds = array<i64: 64>, scalar_prefetch = 0 : i64, scratch_operands = 0 : i64, tpu.core_type = #tpu.core_type<tc>, window_params = [{transform_indices = @transform_0, window_bounds = array<i64: 8, 4, 56, 1>}, {transform_indices = @transform_1, window_bounds = array<i64: 8, 4, 56, 256>}, {transform_indices = @transform_2, window_bounds = array<i64: 8, 49, 256>}]} {
    %get3A = arith.constant 0 : index
    %get3A_0 = arith.constant 0 : index
    %get3A_1 = arith.constant 0 : index
    %get3A_2 = arith.constant 0 : index
    %get3A_3 = vector.load %arg2[%get3A, %get3A_0, %get3A_1, %get3A_2] : memref<8x4x56x256xf32, #tpu.memory_space<vmem>>, vector<8x1x56x256xf32>
    %get3A_4 = vector.shape_cast %get3A_3 : vector<8x1x56x256xf32> to vector<8x56x256xf32>
    %get3A_5 = arith.constant 0 : index
    %get3A_6 = arith.constant 0 : index
    %get3A_7 = arith.constant 0 : index
    %get3A_8 = arith.constant 0 : index
    %get3A_9 = vector.load %arg1[%get3A_5, %get3A_6, %get3A_7, %get3A_8] : memref<8x4x56x1xf32, #tpu.memory_space<vmem>>, vector<8x1x56x1xf32>
    %get3A_10 = vector.shape_cast %get3A_9 : vector<8x1x56x1xf32> to vector<8x56x1xf32>
    %mul3A = vector.broadcast %get3A_10 : vector<8x56x1xf32> to vector<8x56x256xf32>
    %mul3A_11 = arith.mulf %get3A_4, %mul3A : vector<8x56x256xf32>
    %get3A_12 = arith.constant 0 : index
    %get3A_13 = arith.constant 1 : index
    %get3A_14 = arith.constant 0 : index
    %get3A_15 = arith.constant 0 : index
    %get3A_16 = vector.load %arg2[%get3A_12, %get3A_13, %get3A_14, %get3A_15] : memref<8x4x56x256xf32, #tpu.memory_space<vmem>>, vector<8x1x56x256xf32>
    %get3A_17 = vector.shape_cast %get3A_16 : vector<8x1x56x256xf32> to vector<8x56x256xf32>
    %get3A_18 = arith.constant 0 : index
    %get3A_19 = arith.constant 1 : index
    %get3A_20 = arith.constant 0 : index
    %get3A_21 = arith.constant 0 : index
    %get3A_22 = vector.load %arg1[%get3A_18, %get3A_19, %get3A_20, %get3A_21] : memref<8x4x56x1xf32, #tpu.memory_space<vmem>>, vector<8x1x56x1xf32>
    %get3A_23 = vector.shape_cast %get3A_22 : vector<8x1x56x1xf32> to vector<8x56x1xf32>
    %mul3A_24 = vector.broadcast %get3A_23 : vector<8x56x1xf32> to vector<8x56x256xf32>
    %mul3A_25 = arith.mulf %get3A_17, %mul3A_24 : vector<8x56x256xf32>
    %add3A = arith.addf %mul3A_11, %mul3A_25 : vector<8x56x256xf32>
    %get3A_26 = arith.constant 0 : index
    %get3A_27 = arith.constant 2 : index
    %get3A_28 = arith.constant 0 : index
    %get3A_29 = arith.constant 0 : index
    %get3A_30 = vector.load %arg2[%get3A_26, %get3A_27, %get3A_28, %get3A_29] : memref<8x4x56x256xf32, #tpu.memory_space<vmem>>, vector<8x1x56x256xf32>
    %get3A_31 = vector.shape_cast %get3A_30 : vector<8x1x56x256xf32> to vector<8x56x256xf32>
    %get3A_32 = arith.constant 0 : index
    %get3A_33 = arith.constant 2 : index
    %get3A_34 = arith.constant 0 : index
    %get3A_35 = arith.constant 0 : index
    %get3A_36 = vector.load %arg1[%get3A_32, %get3A_33, %get3A_34, %get3A_35] : memref<8x4x56x1xf32, #tpu.memory_space<vmem>>, vector<8x1x56x1xf32>
    %get3A_37 = vector.shape_cast %get3A_36 : vector<8x1x56x1xf32> to vector<8x56x1xf32>
    %mul3A_38 = vector.broadcast %get3A_37 : vector<8x56x1xf32> to vector<8x56x256xf32>
    %mul3A_39 = arith.mulf %get3A_31, %mul3A_38 : vector<8x56x256xf32>
    %add3A_40 = arith.addf %add3A, %mul3A_39 : vector<8x56x256xf32>
    %get3A_41 = arith.constant 0 : index
    %get3A_42 = arith.constant 3 : index
    %get3A_43 = arith.constant 0 : index
    %get3A_44 = arith.constant 0 : index
    %get3A_45 = vector.load %arg2[%get3A_41, %get3A_42, %get3A_43, %get3A_44] : memref<8x4x56x256xf32, #tpu.memory_space<vmem>>, vector<8x1x56x256xf32>
    %get3A_46 = vector.shape_cast %get3A_45 : vector<8x1x56x256xf32> to vector<8x56x256xf32>
    %get3A_47 = arith.constant 0 : index
    %get3A_48 = arith.constant 3 : index
    %get3A_49 = arith.constant 0 : index
    %get3A_50 = arith.constant 0 : index
    %get3A_51 = vector.load %arg1[%get3A_47, %get3A_48, %get3A_49, %get3A_50] : memref<8x4x56x1xf32, #tpu.memory_space<vmem>>, vector<8x1x56x1xf32>
    %get3A_52 = vector.shape_cast %get3A_51 : vector<8x1x56x1xf32> to vector<8x56x1xf32>
    %mul3A_53 = vector.broadcast %get3A_52 : vector<8x56x1xf32> to vector<8x56x256xf32>
    %mul3A_54 = arith.mulf %get3A_46, %mul3A_53 : vector<8x56x256xf32>
    %add3A_55 = arith.addf %add3A_40, %mul3A_54 : vector<8x56x256xf32>
    %slice3A = vector.extract_strided_slice %add3A_55 {offsets = [0, 0, 0], sizes = [8, 49, 256], strides = [1, 1, 1]} : vector<8x56x256xf32> to vector<8x49x256xf32>
    %swap3A = arith.constant 0 : index
    %swap3A_56 = arith.constant 0 : index
    %swap3A_57 = arith.constant 0 : index
    %swap3A_58 = vector.load %arg3[%swap3A, %swap3A_56, %swap3A_57] : memref<8x49x256xf32, #tpu.memory_space<vmem>>, vector<8x49x256xf32>
    tpu.vector_store %arg3[%swap3A, %swap3A_56, %swap3A_57], %slice3A {strides = array<i32>} : memref<8x49x256xf32, #tpu.memory_space<vmem>>, vector<8x49x256xf32>,
    return
  }
  func.func @transform_0(%arg0: i32) -> (i32, i32, i32, i32) {
    %c0_i32 = arith.constant 0 : i32
    %c0_i32_0 = arith.constant 0 : i32
    %c0_i32_1 = arith.constant 0 : i32
    %c0_i32_2 = arith.constant 0 : i32
    return %arg0, %c0_i32, %c0_i32_0, %c0_i32_1 : i32, i32, i32, i32
  }
  func.func @transform_1(%arg0: i32) -> (i32, i32, i32, i32) {
    %c0_i32 = arith.constant 0 : i32
    %c0_i32_0 = arith.constant 0 : i32
    %c0_i32_1 = arith.constant 0 : i32
    %c0_i32_2 = arith.constant 0 : i32
    return %arg0, %c0_i32, %c0_i32_0, %c0_i32_1 : i32, i32, i32, i32
  }
  func.func @transform_2(%arg0: i32) -> (i32, i32, i32) {
    %c0_i32 = arith.constant 0 : i32
    %c0_i32_0 = arith.constant 0 : i32
    %c0_i32_1 = arith.constant 0 : i32
    return %arg0, %c0_i32, %c0_i32_0 : i32, i32, i32
  }
}

</mosaic_0001>

<sc_bundles>
// kernel: kernel.14.cloned.1.call-start
scs
__scs_entry_jumppad:
0x0: {  	(pc) =	sbr.rel $0x88, $3  }
0x1: {  	(tag) =	ssettag $0x0;
	lr =	simm.s32 $0x1  }
0x2: {  	[smem:$0x3F8D] =	sst lr;
	_ =	strace $0xD0000000  }
0x3: {  	_ = 	snop  }
0x4: {  	_ = 	snop  }
0x5: {  	_ = 	snop  }
0x6: {  	_ = 	snop  }
0x7: {  	_ = 	snop  }
__scs_overlays_trampoline_lowered:
0x8: {  	[smem:$0x3F9C] =	sst s0  }
0x9: {  	[smem:$0x3F9D] =	sst s1  }
0xa: {  	[smem:$0x3F9E] =	sst s2  }
0xb: {  	[smem:$0x3F9F] =	sst s3  }
0xc: {  	[smem:$0x3FA0] =	sst s4  }
0xd: {  	[smem:$0x3FA1] =	sst s5  }
0xe: {  	[smem:$0x3FA2] =	sst s6  }
0xf: {  	[smem:$0x3FA3] =	sst s7  }
0x10: {  	[smem:$0x3FA4] =	sst s8  }
0x11: {  	[smem:$0x3FA5] =	sst s9;
	s0 =	simm.s32 @!p0 $0x0  }
0x12: {  	s1 =	sld [smem:$0x3F8B];
	s0 =	simm.s32 @p0 $0x1  }
0x13: {  	[smem:$0x3FA6] =	sst s0;
	s0 =	simm.s32 @!p1 $0x0  }
0x14: {  	s2 =	sld [smem:$0x3F8A];
	s0 =	simm.s32 @p1 $0x1  }
0x15: {  	[smem:$0x3FA7] =	sst s0;
	s0 =	simm.s32 @!p2 $0x0  }
0x16: {  	s3 =	sld [smem:$0x3FDB];
	s0 =	simm.s32 @p2 $0x1  }
0x17: {  	s4 =	simm.s32 $0x1BF5;
	[smem:$0x3FA9] =	sst s0  }
0x18: {  	s0 =	sld [smem:$0x3F8C];
	_ =	swait.ge [sflag:s4], $0x0  }
0x19: {  	s7 =	sld [smem:$0x3F8D]  }
0x1a: {  	s8 =	sadd.s32 $0xFFFFE003, lr  }
0x1b: {  	s9 =	sadd.s32 $0xFFFFFEF7, lr;
	s5 =	simm.s32 $0xFFFFFFFF;
	p2 =	slt.u32 s8, $0xFFFFF086  }
0x1c: {  	p1 =	slt.u32 s9, $0xF7A;
	s5 =	simm.s32 @!p2 $0x0  }
0x1d: {  	s5 =	simm.s32 @p1 $0x1;
	p0 =	seq.s32 s7, s2  }
0x1e: {  	s7 =	smul.u32 @!p0 $0xF7A, s2;
	p2 =	seq.s32 @!p0 s5, $0x0  }
0x1f: {  	s9 =	smul.u32 $0xF7A, s1;
	s8 =	simm.s32 @!p0 $0x1BF5;
	p2 =	por !p2, p0  }
0x20: {  	[sflag:s8] =	ssyncset.s32 @!p0 $0xFFFFF086;
	s6 =	sadd.s32 @!p0 s3, s7;
	s7 =	simm.s32 @!p0 $0x108  }
0x21: {  	s3 =	sadd.s32 s3, s9;
	s6 =	sadd.s32 @!p0 $0x88, s6;
	s7 =	simm.s32 @p2 $0x1082  }
0x22: {  	[simem:s7], [sflag:s8] =	dma.local @!p0 [hbm:s6], $0xF7A  }
0x23: {  	s9 =	sor.u32 $0xD0000000, s2;
	s6 =	simm.s32 $0x108;
	_ =	swait.ge @!p0 [sflag:s8], $0x0  }
0x24: {  	s3 =	sadd.s32 $0x88, s3;
	s6 =	simm.s32 @!p1 $0x1082;
	[sflag:s4] =	ssyncset.s32 $0xFFFFF086  }
0x25: {  	[simem:s6], [sflag:s4] =	dma.local [hbm:s3], $0xF7A  }
0x26: {  	[smem:$0x3F8D] =	sst s1;
	(tag) =	ssettag s2;
	_ =	strace s9  }
0x27: {  	s1 =	sld [smem:$0x3F9D]  }
0x28: {  	s2 =	sld [smem:$0x3F9E]  }
0x29: {  	s4 =	sld [smem:$0x3FA0]  }
0x2a: {  	p0 =	seq.s32 s5, $0x0;
	s5 =	sld [smem:$0x3FA1]  }
0x2b: {  	s6 =	sld [smem:$0x3FA2]  }
0x2c: {  	s7 =	sld [smem:$0x3FA3]  }
0x2d: {  	s3 =	simm.s32 $0x108;
	s8 =	sld [smem:$0x3FA4]  }
0x2e: {  	s3 =	simm.s32 @!p0 $0x1082;
	s9 =	sld [smem:$0x3FA5]  }
0x2f: {  	lr =	sadd.s32 s0, s3;
	s0 =	sld [smem:$0x3F9C]  }
0x30: {  	s3 =	sld [smem:$0x3F9F]  }
0x31: {  	[smem:$0x3FA8] =	sst s10  }
0x32: {  	s10 =	sld [smem:$0x3FA6];
	_ =	sdelay $0x3  }
0x33: {  	p0 =	seq.s32 s10, $0x1;
	s10 =	sld [smem:$0x3FA8];
	_ =	sdelay $0x3  }
0x34: {  	[smem:$0x3FA8] =	sst s10  }
0x35: {  	s10 =	sld [smem:$0x3FA7];
	_ =	sdelay $0x3  }
0x36: {  	p1 =	seq.s32 s10, $0x1;
	s10 =	sld [smem:$0x3FA8];
	_ =	sdelay $0x3  }
0x37: {  	[smem:$0x3FA8] =	sst s10  }
0x38: {  	s10 =	sld [smem:$0x3FA9]  }
0x39: {  	_ = 	snop;
	(pc) =	sbr.ind lr, $3  }
0x3a: {  	_ = 	snop  }
0x3b: {  	_ = 	snop  }
0x3c: {  	p2 =	seq.s32 s10, $0x1;
	s10 =	sld [smem:$0x3FA8]  }
0x3d: {  	_ =	shalt  }
0x3e: {  	_ =	shalt  }
0x3f: {  	_ =	shalt  }
0x40: {  	_ =	shalt  }
0x41: {  	_ =	shalt  }
0x42: {  	_ =	shalt  }
0x43: {  	_ =	shalt  }
0x44: {  	_ =	shalt  }
0x45: {  	_ =	shalt  }
0x46: {  	_ =	shalt  }
0x47: {  	_ =	shalt  }
0x48: {  	_ =	shalt  }
0x49: {  	_ =	shalt  }
0x4a: {  	_ =	shalt  }
0x4b: {  	_ =	shalt  }
0x4c: {  	_ =	shalt  }
0x4d: {  	_ =	shalt  }
0x4e: {  	_ =	shalt  }
0x4f: {  	_ =	shalt  }
0x50: {  	_ =	shalt  }
0x51: {  	_ =	shalt  }
0x52: {  	_ =	shalt  }
0x53: {  	_ =	shalt  }
0x54: {  	_ =	shalt  }
0x55: {  	_ =	shalt  }
0x56: {  	_ =	shalt  }
0x57: {  	_ =	shalt  }
0x58: {  	_ =	shalt  }
0x59: {  	_ =	shalt  }
0x5a: {  	_ =	shalt  }
0x5b: {  	_ =	shalt  }
0x5c: {  	_ =	shalt  }
0x5d: {  	_ =	shalt  }
0x5e: {  	_ =	shalt  }
0x5f: {  	_ =	shalt  }
0x60: {  	_ =	shalt  }
0x61: {  	_ =	shalt  }
0x62: {  	_ =	shalt  }
0x63: {  	_ =	shalt  }
0x64: {  	_ =	shalt  }
0x65: {  	_ =	shalt  }
0x66: {  	_ =	shalt  }
0x67: {  	_ =	shalt  }
0x68: {  	_ =	shalt  }
0x69: {  	_ =	shalt  }
0x6a: {  	_ =	shalt  }
0x6b: {  	_ =	shalt  }
0x6c: {  	_ =	shalt  }
0x6d: {  	_ =	shalt  }
0x6e: {  	_ =	shalt  }
0x6f: {  	_ =	shalt  }
0x70: {  	_ =	shalt  }
0x71: {  	_ =	shalt  }
0x72: {  	_ =	shalt  }
0x73: {  	_ =	shalt  }
0x74: {  	_ =	shalt  }
0x75: {  	_ =	shalt  }
0x76: {  	_ =	shalt  }
0x77: {  	_ =	shalt  }
0x78: {  	_ =	shalt  }
0x79: {  	_ =	shalt  }
0x7a: {  	_ =	shalt  }
0x7b: {  	_ =	shalt  }
0x7c: {  	_ =	shalt  }
0x7d: {  	_ =	shalt  }
0x7e: {  	_ =	shalt  }
0x7f: {  	_ =	shalt  }
0x80: {  	_ =	shalt  }
0x81: {  	_ =	shalt  }
0x82: {  	_ =	shalt  }
0x83: {  	_ =	shalt  }
0x84: {  	_ =	shalt  }
0x85: {  	_ =	shalt  }
0x86: {  	_ =	shalt  }
0x87: {  	_ =	shalt  }
.Lfunc_end0:
.L_simem_size_0:
called_computation_lowered:
.L_overlay_start_0:
0x88: {  	s2 =	sld [smem:$0x3FD9]  }
0x89: {  	s3 =	sld [smem:$0x3FFE];
	_ =	sdelay $0x1  }
0x8a: {  	s1 =	srdreg.scid  }
0x8b: {  	s0 =	sand.u32 $0x1, s1  }
0x8c: {  	s17 =	sshll.u32 s0, $0xA;
	s2 =	sadd.s32 s3, s2  }
0x8d: {  	s2 =	sadd.s32 s2, s17  }
0x8e: {  	[smem:$0x3FB4] =	sst s2  }
0x8f: {  	_ = 	snop  }
0x90: {  	s2 =	sld [smem:$0x3FD0];
	(tm) =	ssettm $0x1  }
0x91: {  	s18 =	sld [smem:$0x3FFB];
	_ =	sdelay $0x3  }
0x92: {  	_ =	strace s18  }
0x93: {  	s3 =	sld [smem:$0x3FFC];
	_ =	sdelay $0x3  }
0x94: {  	_ =	strace s3  }
0x95: {  	s3 =	sld [smem:$0x3FFD];
	_ =	sdelay $0x3  }
0x96: {  	_ =	strace s3  }
0x97: {  	_ =	strace $0x8FFFFFFF  }
0x98: {  	s19 =	sld [smem:$0x3FDB];
	_ =	sdelay $0x1  }
0x99: {  	s4 =	simm.s32 $_scs_section_size  }
0x9a: {  	s5 =	simm.s32 $_size__tile_overlayer_lowered;
	s6 =	simm.s32 $_tile_overlayer_lowered  }
0x9b: {  	s22 =	simm.s32 $0x1BFF;
	s21 =	sshll.u32 s6, $0x1;
	s3 =	sadd.s32 s4, s19  }
0x9c: {  	s7 =	simm.s32 $0x0;
	s20 =	sshll.u32 s5, $0x1;
	s5 =	sadd.s32 s21, s3  }
0x9d: {  	[timem:s7], [sflag:s22] =	dma.local [hbm:s5], s20  }
0x9e: {  	_ =	swait.ge [sflag:s22], s20  }
0x9f: {  	s4 =	ssub.s32 $0x0, s20;
	[sflag:s22] =	ssyncset.done $0x0  }
0xa0: {  	[sflag:s22] =	ssyncadd.s32 s4;
	_ =	sdelay $0x1  }
0xa1: {  	s23 =	simm.s32 $0x1B8B  }
0xa2: {  	_ =	swait.ge [sflag:s23], $0x1  }
0xa3: {  	[sflag:s23] =	ssyncset.done $0x0  }
0xa4: {  	s25 =	simm.s32 $0x1B8E;
	s24 =	sld [smem:$0x3FFE];
	[sflag:s23] =	ssyncadd.s32 $0xFFFFFFFF  }
0xa5: {  	s26 =	simm.s32 $execute0_lowered;
	[smem:$0x3FD2] =	sst s25  }
0xa6: {  	s5 =	sshll.u32 s26, $0x1;
	_ =	strace $0x80000046;
	[dreg:$0x1] =	wrdreg $0xFFFFFFFF  }
0xa7: {  	s28 =	simm.s32 $_size_execute0_lowered;
	s3 =	sadd.s32 s3, s5;
	[dreg:$0x0] =	wrdreg $0x0  }
0xa8: {  	s5 =	sshll.u32 s28, $0x1;
	[dreg:$0x2] =	wrdreg s3  }
0xa9: {  	[dreg:$0x3] =	wrdreg s5  }
0xaa: {  	[dreg:$0x4] =	wrdreg $0xC0  }
0xab: {  	_ =	task [dreg:s7], $0x5FFFF  }
0xac: {  	[dreg:$0x1] =	wrdreg $0xFFFFFFFF  }
0xad: {  	[dreg:$0x0] =	wrdreg $0x60  }
0xae: {  	[dreg:$0x2] =	wrdreg s2  }
0xaf: {  	[dreg:$0x3] =	wrdreg s24  }
0xb0: {  	[dreg:$0x4] =	wrdreg $0x9  }
0xb1: {  	_ =	task.clear_ibuf [dreg:s7], $0x5FFFF;
	_ =	strace $0x90000046  }
0xb2: {  	s29 =	simm.s32 $0x9;
	_ =	strace $0x80000048  }
0xb3: {  	_ =	swait.ge [sflag:s29], $0x1  }
0xb4: {  	[sflag:s29] =	ssyncadd.s32 $0xFFFFFFFF  }
0xb5: {  	_ =	strace $0x90000048  }
0xb6: {  	_ =	sfence  }
0xb7: {  	s30 =	sld [smem:$0x0];
	_ =	sdelay $0x2  }
0xb8: {  	s31 =	sshll.u32 s1, $0xD;
	s1 =	sshrl.u32 s1, $0x2  }
0xb9: {  	s3 =	sand.u32 $0x4000, s31;
	s1 =	sadd.s32 s1, s30  }
0xba: {  	s0 =	sor.u32 s3, s0;
	s1 =	sshll.u32 s1, $0x11  }
0xbb: {  	s0 =	sor.u32 s1, s0  }
0xbc: {  	s0 =	sadd.s32 $0x8F2B, s0  }
0xbd: {  	[sflag:s0] =	ssyncadd.remote.s32 $0x1  }
0xbe: {  	_ =	sfence.sel $0xFFFF  }
0xbf: {  	[dreg:$0x0] =	wrdreg $0xFFFFFFFF;
	(pc) =	sbr.abs _section_cstart, $3  }
0xc0: {  	[dreg:$0x1] =	wrdreg $0xFFFFFFFF  }
0xc1: {  	_ =	task.clear_ibuf [dreg:s7], $0x2FFFF;
	_ =	strace $0x9FFFFFFF  }
0xc2: {  	(tm) =	ssettm $0x7FFFFFFF  }
0xc3: {  	_ =	shalt  }
tec
execute0_lowered:
.L_overlay_start_1:
0x0: {  	(tag) =	ssettag $0x1  }
0x1: {  	s0 =	srdreg.scid  }
0x2: {  	s3 =	stileid.u32;
	s0 =	sand.u32 $0x1, s0  }
0x3: {  	s4 =	sshll.u32 s3, $0x5;
	s5 =	sshll.u32 s0, $0x4  }
0x4: {  	s2 =	rddreg [dreg:$0x0];
	s4 =	sor.u32 s5, s4  }
0x5: {  	s1 =	rddreg [dreg:$0x1];
	s3 =	simm.s32 $0x0;
	s5 =	sshll.u32 s4, $0x5  }
0x6: {  	[smem:$0x7FF] =	sst s3;
	s6 =	smul.u32 $0x1C00, s4;
	s5 =	sadd.s32 s5, s1  }
0x7: {  	s4 =	smul.u32 $0xE000, s4;
	s1 =	sadd.s32 $0x8A00, s1;
	s5 =	sadd.s32 $0x4A00, s5  }
0x8: {  	_ =	strace $0x80000047;
	s6 =	sadd.s32 s1, s6;
	[dreg:$0x3] =	wrdreg s5  }
0x9: {  	s4 =	sshrl.u32 s4, $0x3;
	s17 =	sadd.s32 $0x1C00, s6;
	[dreg:$0x13] =	wrdreg s6  }
0xa: {  	s18 =	sadd.s32 $0x3800, s6;
	s1 =	sadd.s32 s1, s4;
	[dreg:$0x4] =	wrdreg s17  }
0xb: {  	[dreg:$0x5] =	wrdreg s18;
	s4 =	sadd.s32 $0x5400, s1  }
0xc: {  	s19 =	sadd.s32 $0x7000, s1;
	[dreg:$0x6] =	wrdreg s4  }
0xd: {  	s20 =	sadd.s32 $0x8C00, s1;
	[dreg:$0x7] =	wrdreg s19  }
0xe: {  	s21 =	sadd.s32 $0xA800, s1;
	[dreg:$0x8] =	wrdreg s20  }
0xf: {  	s22 =	sadd.s32 $0xC400, s1;
	[dreg:$0x9] =	wrdreg s21  }
0x10: {  	s8 =	simm.s32 $0xF000;
	s23 =	sadd.s32 $0xE000, s1;
	[dreg:$0xa] =	wrdreg s22  }
0x11: {  	s10 =	simm.s32 $0x1;
	s24 =	sadd.s32 $0xFC00, s1;
	[dreg:$0xb] =	wrdreg s23  }
0x12: {  	s11 =	simm.s32 $0x3;
	s25 =	sadd.s32 $0x11800, s1;
	[dreg:$0xc] =	wrdreg s24  }
0x13: {  	s12 =	simm.s32 $0x2;
	s26 =	sadd.s32 $0x13400, s1;
	[dreg:$0xd] =	wrdreg s25  }
0x14: {  	s13 =	simm.s32 $0x4;
	s28 =	sadd.s32 $0x15000, s1;
	[dreg:$0xe] =	wrdreg s26  }
0x15: {  	s0 =	ssub.s32 $0x2, s0;
	s29 =	sadd.s32 $0x16C00, s1;
	[dreg:$0xf] =	wrdreg s28  }
0x16: {  	v2 =	vlaneseq.u32;
	s30 =	sshrl.u32 s0, $0x1;
	s31 =	sadd.s32 $0x18800, s1;
	[dreg:$0x10] =	wrdreg s29  }
0x17: {  	vm0 =	vmmov $0xffff;
	v1 =	vshrl.u32 v2, $0x3;
	s0 =	ssub.s32 s0, s30;
	s1 =	sadd.s32 $0x1A400, s1;
	[dreg:$0x11] =	wrdreg s31  }
0x18: {  	v0 =	vand.u32 $0x7, v2;
	v2 =	vor.u32 $0x8, v2;
	v1 =	vmul.u32 $0x8, v1;
	s0 =	smax.u32 s0, $0x1;
	[dreg:$0x12] =	wrdreg s1;
	s25 =	simm.s32 $0x1000  }
.LBB2_1:
0x19: {  	[dreg:$0x14] =	wrdreg s0  }
0x1a: {  	s14 =	rddreg [dreg:$0x3];
	s19 =	simm.s32 $0x5  }
0x1b: {  	[tilespmem:s3], [sflag:$0x5] =	stream.linear.gather [hbm4b:s14+s3], $0x1000, $0x38;
	[tilespmem:$0x1D000] =	vst v63  }
0x1c: {  	_ =	swait.ge [sflag:s19], $0x1000  }
0x1d: {  	[sflag:s19] =	ssyncset.done $0x0  }
0x1e: {  	[sflag:s19] =	ssyncadd.s32 $0xFFFFF000  }
0x1f: {  	v3 =	vld [tilespmem:$0x0];
	_ =	sdelay $0x4  }
0x20: {  	v4 =	vshll.u32 v3, $0x1  }
0x21: {  	v3 =	vand.u32 $0x7, v3;
	v4 =	vand.u32 $0xFFFFFFF0, v4  }
0x22: {  	v3 =	vor.u32 v3, v4  }
0x23: {  	v4 =	vperm.xlane v3, v0;
	_ =	sdelay $0x1  }
0x24: {  	v3 =	vperm.xlane v3, v2;
	v4 =	vadd.s32 v1, v4;
	_ =	sdelay $0x1  }
0x25: {  	v3 =	vadd.s32 v1, v3;
	_ =	sdelay $0x2  }
0x26: {  	[tilespmem:s25], [sflag:$0x1] =	stream.indirect_vreg.gather [hbm4b:s2+s3], $0x80, v4, vm0, $0xb8;
	[tilespmem:$0x1D000] =	vst v63  }
0x27: {  	s20 =	simm.s32 $0x1800  }
0x28: {  	[tilespmem:s20], [sflag:$0x1] =	stream.indirect_vreg.gather [hbm4b:s2+s3], $0x80, v3, vm0, $0xb8;
	[tilespmem:$0x1D000] =	vst v63  }
0x29: {  	v3 =	vld [tilespmem:$0x10];
	_ =	sdelay $0x4  }
0x2a: {  	v9 =	vshll.u32 v3, $0x1  }
0x2b: {  	v3 =	vand.u32 $0x7, v3;
	v4 =	vand.u32 $0xFFFFFFF0, v9  }
0x2c: {  	v3 =	vor.u32 v3, v4  }
0x2d: {  	v4 =	vperm.xlane v3, v0;
	_ =	sdelay $0x1  }
0x2e: {  	v3 =	vperm.xlane v3, v2;
	v4 =	vadd.s32 v1, v4;
	_ =	sdelay $0x1  }
0x2f: {  	v3 =	vadd.s32 v1, v3;
	_ =	sdelay $0x1  }
0x30: {  	s21 =	simm.s32 $0x2000  }
0x31: {  	[tilespmem:s21], [sflag:$0x1] =	stream.indirect_vreg.gather [hbm4b:s2+s3], $0x80, v4, vm0, $0xb8;
	[tilespmem:$0x1D000] =	vst v63  }
0x32: {  	s22 =	simm.s32 $0x2800  }
0x33: {  	[tilespmem:s22], [sflag:$0x1] =	stream.indirect_vreg.gather [hbm4b:s2+s3], $0x80, v3, vm0, $0xb8;
	[tilespmem:$0x1D000] =	vst v63  }
0x34: {  	v3 =	vld [tilespmem:$0x20];
	_ =	sdelay $0x4  }
0x35: {  	v10 =	vshll.u32 v3, $0x1  }
0x36: {  	v3 =	vand.u32 $0x7, v3;
	v4 =	vand.u32 $0xFFFFFFF0, v10  }
0x37: {  	v3 =	vor.u32 v3, v4  }
0x38: {  	v4 =	vperm.xlane v3, v0;
	_ =	sdelay $0x1  }
0x39: {  	v3 =	vperm.xlane v3, v2;
	v4 =	vadd.s32 v1, v4;
	_ =	sdelay $0x1  }
0x3a: {  	v3 =	vadd.s32 v1, v3;
	_ =	sdelay $0x1  }
0x3b: {  	s23 =	simm.s32 $0x3000  }
0x3c: {  	[tilespmem:s23], [sflag:$0x1] =	stream.indirect_vreg.gather [hbm4b:s2+s3], $0x80, v4, vm0, $0xb8;
	[tilespmem:$0x1D000] =	vst v63  }
0x3d: {  	s24 =	simm.s32 $0x3800  }
0x3e: {  	[tilespmem:s24], [sflag:$0x1] =	stream.indirect_vreg.gather [hbm4b:s2+s3], $0x80, v3, vm0, $0xb8;
	[tilespmem:$0x1D000] =	vst v63  }
0x3f: {  	v3 =	vld [tilespmem:$0x30];
	_ =	sdelay $0x4  }
0x40: {  	v11 =	vshll.u32 v3, $0x1  }
0x41: {  	v3 =	vand.u32 $0x7, v3;
	v4 =	vand.u32 $0xFFFFFFF0, v11  }
0x42: {  	v3 =	vor.u32 v3, v4  }
0x43: {  	v4 =	vperm.xlane v3, v0;
	_ =	sdelay $0x1  }
0x44: {  	v3 =	vperm.xlane v3, v2;
	v4 =	vadd.s32 v1, v4;
	_ =	sdelay $0x1  }
0x45: {  	v3 =	vadd.s32 v1, v3;
	_ =	sdelay $0x1  }
0x46: {  	s26 =	simm.s32 $0x4000  }
0x47: {  	[tilespmem:s26], [sflag:$0x1] =	stream.indirect_vreg.gather [hbm4b:s2+s3], $0x80, v4, vm0, $0xb8;
	[tilespmem:$0x1D000] =	vst v63  }
0x48: {  	s28 =	simm.s32 $0x4800  }
0x49: {  	[tilespmem:s28], [sflag:$0x1] =	stream.indirect_vreg.gather [hbm4b:s2+s3], $0x80, v3, vm0, $0xb8;
	[tilespmem:$0x1D000] =	vst v63  }
0x4a: {  	v3 =	vld [tilespmem:$0x40];
	_ =	sdelay $0x4  }
0x4b: {  	v12 =	vshll.u32 v3, $0x1  }
0x4c: {  	v3 =	vand.u32 $0x7, v3;
	v4 =	vand.u32 $0xFFFFFFF0, v12  }
0x4d: {  	v3 =	vor.u32 v3, v4  }
0x4e: {  	v4 =	vperm.xlane v3, v0;
	_ =	sdelay $0x1  }
0x4f: {  	v3 =	vperm.xlane v3, v2;
	v4 =	vadd.s32 v1, v4;
	_ =	sdelay $0x1  }
0x50: {  	v3 =	vadd.s32 v1, v3;
	_ =	sdelay $0x1  }
0x51: {  	s29 =	simm.s32 $0x5000  }
0x52: {  	[tilespmem:s29], [sflag:$0x1] =	stream.indirect_vreg.gather [hbm4b:s2+s3], $0x80, v4, vm0, $0xb8;
	[tilespmem:$0x1D000] =	vst v63  }
0x53: {  	s30 =	simm.s32 $0x5800  }
0x54: {  	[tilespmem:s30], [sflag:$0x1] =	stream.indirect_vreg.gather [hbm4b:s2+s3], $0x80, v3, vm0, $0xb8;
	[tilespmem:$0x1D000] =	vst v63  }
0x55: {  	v3 =	vld [tilespmem:$0x50];
	_ =	sdelay $0x4  }
0x56: {  	v13 =	vshll.u32 v3, $0x1  }
0x57: {  	v3 =	vand.u32 $0x7, v3;
	v4 =	vand.u32 $0xFFFFFFF0, v13  }
0x58: {  	v3 =	vor.u32 v3, v4  }
0x59: {  	v4 =	vperm.xlane v3, v0;
	_ =	sdelay $0x1  }
0x5a: {  	v3 =	vperm.xlane v3, v2;
	v4 =	vadd.s32 v1, v4;
	_ =	sdelay $0x1  }
0x5b: {  	v3 =	vadd.s32 v1, v3;
	_ =	sdelay $0x1  }
0x5c: {  	s31 =	simm.s32 $0x6000  }
0x5d: {  	[tilespmem:s31], [sflag:$0x1] =	stream.indirect_vreg.gather [hbm4b:s2+s3], $0x80, v4, vm0, $0xb8;
	[tilespmem:$0x1D000] =	vst v63  }
0x5e: {  	s9 =	simm.s32 $0x6800  }
0x5f: {  	[tilespmem:s9], [sflag:$0x1] =	stream.indirect_vreg.gather [hbm4b:s2+s3], $0x80, v3, vm0, $0xb8;
	[tilespmem:$0x1D000] =	vst v63  }
0x60: {  	v3 =	vld [tilespmem:$0x60];
	_ =	sdelay $0x4  }
0x61: {  	v14 =	vshll.u32 v3, $0x1  }
0x62: {  	v3 =	vand.u32 $0x7, v3;
	v4 =	vand.u32 $0xFFFFFFF0, v14  }
0x63: {  	v3 =	vor.u32 v3, v4  }
0x64: {  	v4 =	vperm.xlane v3, v0;
	_ =	sdelay $0x1  }
0x65: {  	v3 =	vperm.xlane v3, v2;
	v4 =	vadd.s32 v1, v4;
	_ =	sdelay $0x1  }
0x66: {  	v3 =	vadd.s32 v1, v3;
	_ =	sdelay $0x1  }
0x67: {  	s14 =	simm.s32 $0x7000  }
0x68: {  	[tilespmem:s14], [sflag:$0x1] =	stream.indirect_vreg.gather [hbm4b:s2+s3], $0x80, v4, vm0, $0xb8;
	[tilespmem:$0x1D000] =	vst v63  }
0x69: {  	s15 =	simm.s32 $0x7800  }
0x6a: {  	[tilespmem:s15], [sflag:$0x1] =	stream.indirect_vreg.gather [hbm4b:s2+s3], $0x80, v3, vm0, $0xb8;
	[tilespmem:$0x1D000] =	vst v63  }
0x6b: {  	v3 =	vld [tilespmem:$0x80];
	_ =	sdelay $0x4  }
0x6c: {  	v15 =	vshll.u32 v3, $0x1  }
0x6d: {  	v3 =	vand.u32 $0x7, v3;
	v4 =	vand.u32 $0xFFFFFFF0, v15  }
0x6e: {  	v3 =	vor.u32 v3, v4  }
0x6f: {  	v4 =	vperm.xlane v3, v0;
	_ =	sdelay $0x1  }
0x70: {  	v3 =	vperm.xlane v3, v2;
	v4 =	vadd.s32 v1, v4;
	_ =	sdelay $0x1  }
0x71: {  	v3 =	vadd.s32 v1, v3;
	_ =	sdelay $0x1  }
0x72: {  	s16 =	simm.s32 $0x8000  }
0x73: {  	[tilespmem:s16], [sflag:$0x1] =	stream.indirect_vreg.gather [hbm4b:s2+s3], $0x80, v4, vm0, $0xb8;
	[tilespmem:$0x1D000] =	vst v63  }
0x74: {  	s17 =	simm.s32 $0x8800  }
0x75: {  	[tilespmem:s17], [sflag:$0x1] =	stream.indirect_vreg.gather [hbm4b:s2+s3], $0x80, v3, vm0, $0xb8;
	[tilespmem:$0x1D000] =	vst v63  }
0x76: {  	v3 =	vld [tilespmem:$0x90];
	_ =	sdelay $0x4  }
0x77: {  	v16 =	vshll.u32 v3, $0x1  }
0x78: {  	v3 =	vand.u32 $0x7, v3;
	v4 =	vand.u32 $0xFFFFFFF0, v16  }
0x79: {  	v3 =	vor.u32 v3, v4  }
0x7a: {  	v4 =	vperm.xlane v3, v0;
	_ =	sdelay $0x1  }
0x7b: {  	v3 =	vperm.xlane v3, v2;
	v4 =	vadd.s32 v1, v4;
	_ =	sdelay $0x1  }
0x7c: {  	v3 =	vadd.s32 v1, v3;
	_ =	sdelay $0x1  }
0x7d: {  	s18 =	simm.s32 $0x9000  }
0x7e: {  	[tilespmem:s18], [sflag:$0x1] =	stream.indirect_vreg.gather [hbm4b:s2+s3], $0x80, v4, vm0, $0xb8;
	[tilespmem:$0x1D000] =	vst v63  }
0x7f: {  	s19 =	simm.s32 $0x9800  }
0x80: {  	[tilespmem:s19], [sflag:$0x1] =	stream.indirect_vreg.gather [hbm4b:s2+s3], $0x80, v3, vm0, $0xb8;
	[tilespmem:$0x1D000] =	vst v63  }
0x81: {  	v3 =	vld [tilespmem:$0xA0];
	_ =	sdelay $0x4  }
0x82: {  	v17 =	vshll.u32 v3, $0x1  }
0x83: {  	v3 =	vand.u32 $0x7, v3;
	v4 =	vand.u32 $0xFFFFFFF0, v17  }
0x84: {  	v3 =	vor.u32 v3, v4  }
0x85: {  	v4 =	vperm.xlane v3, v0;
	_ =	sdelay $0x1  }
0x86: {  	v3 =	vperm.xlane v3, v2;
	v4 =	vadd.s32 v1, v4;
	_ =	sdelay $0x1  }
0x87: {  	v3 =	vadd.s32 v1, v3;
	_ =	sdelay $0x1  }
0x88: {  	s20 =	simm.s32 $0xA000  }
0x89: {  	[tilespmem:s20], [sflag:$0x1] =	stream.indirect_vreg.gather [hbm4b:s2+s3], $0x80, v4, vm0, $0xb8;
	[tilespmem:$0x1D000] =	vst v63  }
0x8a: {  	s21 =	simm.s32 $0xA800  }
0x8b: {  	[tilespmem:s21], [sflag:$0x1] =	stream.indirect_vreg.gather [hbm4b:s2+s3], $0x80, v3, vm0, $0xb8;
	[tilespmem:$0x1D000] =	vst v63  }
0x8c: {  	v3 =	vld [tilespmem:$0xB0];
	_ =	sdelay $0x4  }
0x8d: {  	v18 =	vshll.u32 v3, $0x1  }
0x8e: {  	v3 =	vand.u32 $0x7, v3;
	v4 =	vand.u32 $0xFFFFFFF0, v18  }
0x8f: {  	v3 =	vor.u32 v3, v4  }
0x90: {  	v4 =	vperm.xlane v3, v0;
	_ =	sdelay $0x1  }
0x91: {  	v3 =	vperm.xlane v3, v2;
	v4 =	vadd.s32 v1, v4;
	_ =	sdelay $0x1  }
0x92: {  	v3 =	vadd.s32 v1, v3;
	_ =	sdelay $0x1  }
0x93: {  	s22 =	simm.s32 $0xB000  }
0x94: {  	[tilespmem:s22], [sflag:$0x1] =	stream.indirect_vreg.gather [hbm4b:s2+s3], $0x80, v4, vm0, $0xb8;
	[tilespmem:$0x1D000] =	vst v63  }
0x95: {  	s23 =	simm.s32 $0xB800  }
0x96: {  	[tilespmem:s23], [sflag:$0x1] =	stream.indirect_vreg.gather [hbm4b:s2+s3], $0x80, v3, vm0, $0xb8;
	[tilespmem:$0x1D000] =	vst v63  }
0x97: {  	v3 =	vld [tilespmem:$0xC0];
	_ =	sdelay $0x4  }
0x98: {  	v19 =	vshll.u32 v3, $0x1  }
0x99: {  	v3 =	vand.u32 $0x7, v3;
	v4 =	vand.u32 $0xFFFFFFF0, v19  }
0x9a: {  	v3 =	vor.u32 v3, v4  }
0x9b: {  	v4 =	vperm.xlane v3, v0;
	_ =	sdelay $0x1  }
0x9c: {  	v3 =	vperm.xlane v3, v2;
	v4 =	vadd.s32 v1, v4;
	_ =	sdelay $0x1  }
0x9d: {  	v3 =	vadd.s32 v1, v3;
	_ =	sdelay $0x1  }
0x9e: {  	s24 =	simm.s32 $0xC000  }
0x9f: {  	[tilespmem:s24], [sflag:$0x1] =	stream.indirect_vreg.gather [hbm4b:s2+s3], $0x80, v4, vm0, $0xb8;
	[tilespmem:$0x1D000] =	vst v63  }
0xa0: {  	s26 =	simm.s32 $0xC800  }
0xa1: {  	[tilespmem:s26], [sflag:$0x1] =	stream.indirect_vreg.gather [hbm4b:s2+s3], $0x80, v3, vm0, $0xb8;
	[tilespmem:$0x1D000] =	vst v63  }
0xa2: {  	v3 =	vld [tilespmem:$0xD0];
	_ =	sdelay $0x4  }
0xa3: {  	v20 =	vshll.u32 v3, $0x1  }
0xa4: {  	v3 =	vand.u32 $0x7, v3;
	v4 =	vand.u32 $0xFFFFFFF0, v20  }
0xa5: {  	v3 =	vor.u32 v3, v4  }
0xa6: {  	v4 =	vperm.xlane v3, v0;
	_ =	sdelay $0x1  }
0xa7: {  	v3 =	vperm.xlane v3, v2;
	v4 =	vadd.s32 v1, v4;
	_ =	sdelay $0x1  }
0xa8: {  	v3 =	vadd.s32 v1, v3;
	_ =	sdelay $0x1  }
0xa9: {  	s28 =	simm.s32 $0xD000  }
0xaa: {  	[tilespmem:s28], [sflag:$0x1] =	stream.indirect_vreg.gather [hbm4b:s2+s3], $0x80, v4, vm0, $0xb8;
	[tilespmem:$0x1D000] =	vst v63  }
0xab: {  	s29 =	simm.s32 $0xD800  }
0xac: {  	[tilespmem:s29], [sflag:$0x1] =	stream.indirect_vreg.gather [hbm4b:s2+s3], $0x80, v3, vm0, $0xb8;
	[tilespmem:$0x1D000] =	vst v63  }
0xad: {  	v3 =	vld [tilespmem:$0xE0];
	_ =	sdelay $0x4  }
0xae: {  	v21 =	vshll.u32 v3, $0x1  }
0xaf: {  	v3 =	vand.u32 $0x7, v3;
	v4 =	vand.u32 $0xFFFFFFF0, v21  }
0xb0: {  	v3 =	vor.u32 v3, v4  }
0xb1: {  	v4 =	vperm.xlane v3, v0;
	_ =	sdelay $0x1  }
0xb2: {  	v3 =	vperm.xlane v3, v2;
	v4 =	vadd.s32 v1, v4;
	_ =	sdelay $0x1  }
0xb3: {  	v3 =	vadd.s32 v1, v3;
	_ =	sdelay $0x1  }
0xb4: {  	s30 =	simm.s32 $0xE000  }
0xb5: {  	[tilespmem:s30], [sflag:$0x1] =	stream.indirect_vreg.gather [hbm4b:s2+s3], $0x80, v4, vm0, $0xb8;
	[tilespmem:$0x1D000] =	vst v63  }
0xb6: {  	s31 =	simm.s32 $0xE800  }
0xb7: {  	[tilespmem:s31], [sflag:$0x1] =	stream.indirect_vreg.gather [hbm4b:s2+s3], $0x80, v3, vm0, $0xb8;
	[tilespmem:$0x1D000] =	vst v63  }
0xb8: {  	v3 =	vld [tilespmem:$0x100];
	_ =	sdelay $0x4  }
0xb9: {  	v22 =	vshll.u32 v3, $0x1  }
0xba: {  	v3 =	vand.u32 $0x7, v3;
	v4 =	vand.u32 $0xFFFFFFF0, v22  }
0xbb: {  	v3 =	vor.u32 v3, v4  }
0xbc: {  	v4 =	vperm.xlane v3, v0;
	_ =	sdelay $0x1  }
0xbd: {  	v3 =	vperm.xlane v3, v2;
	v4 =	vadd.s32 v1, v4;
	_ =	sdelay $0x1  }
0xbe: {  	v3 =	vadd.s32 v1, v3;
	_ =	sdelay $0x2  }
0xbf: {  	[tilespmem:s8], [sflag:$0x2] =	stream.indirect_vreg.gather [hbm4b:s2+s3], $0x80, v4, vm0, $0xb8;
	[tilespmem:$0x1D000] =	vst v63  }
0xc0: {  	s0 =	simm.s32 $0xF800  }
0xc1: {  	[tilespmem:s0], [sflag:$0x2] =	stream.indirect_vreg.gather [hbm4b:s2+s3], $0x80, v3, vm0, $0xb8;
	[tilespmem:$0x1D000] =	vst v63  }
0xc2: {  	v3 =	vld [tilespmem:$0x110];
	_ =	sdelay $0x4  }
0xc3: {  	v23 =	vshll.u32 v3, $0x1  }
0xc4: {  	v3 =	vand.u32 $0x7, v3;
	v4 =	vand.u32 $0xFFFFFFF0, v23  }
0xc5: {  	v3 =	vor.u32 v3, v4  }
0xc6: {  	v4 =	vperm.xlane v3, v0;
	_ =	sdelay $0x1  }
0xc7: {  	v3 =	vperm.xlane v3, v2;
	v4 =	vadd.s32 v1, v4;
	_ =	sdelay $0x1  }
0xc8: {  	v3 =	vadd.s32 v1, v3;
	_ =	sdelay $0x1  }
0xc9: {  	s18 =	simm.s32 $0x10000  }
0xca: {  	[tilespmem:s18], [sflag:$0x2] =	stream.indirect_vreg.gather [hbm4b:s2+s3], $0x80, v4, vm0, $0xb8;
	[tilespmem:$0x1D000] =	vst v63  }
0xcb: {  	s19 =	simm.s32 $0x10800  }
0xcc: {  	[tilespmem:s19], [sflag:$0x2] =	stream.indirect_vreg.gather [hbm4b:s2+s3], $0x80, v3, vm0, $0xb8;
	[tilespmem:$0x1D000] =	vst v63  }
0xcd: {  	v3 =	vld [tilespmem:$0x120];
	_ =	sdelay $0x4  }
0xce: {  	v24 =	vshll.u32 v3, $0x1  }
0xcf: {  	v3 =	vand.u32 $0x7, v3;
	v4 =	vand.u32 $0xFFFFFFF0, v24  }
0xd0: {  	v3 =	vor.u32 v3, v4  }
0xd1: {  	v4 =	vperm.xlane v3, v0;
	_ =	sdelay $0x1  }
0xd2: {  	v3 =	vperm.xlane v3, v2;
	v4 =	vadd.s32 v1, v4;
	_ =	sdelay $0x1  }
0xd3: {  	v3 =	vadd.s32 v1, v3;
	_ =	sdelay $0x1  }
0xd4: {  	s20 =	simm.s32 $0x11000  }
0xd5: {  	[tilespmem:s20], [sflag:$0x2] =	stream.indirect_vreg.gather [hbm4b:s2+s3], $0x80, v4, vm0, $0xb8;
	[tilespmem:$0x1D000] =	vst v63  }
0xd6: {  	s21 =	simm.s32 $0x11800  }
0xd7: {  	[tilespmem:s21], [sflag:$0x2] =	stream.indirect_vreg.gather [hbm4b:s2+s3], $0x80, v3, vm0, $0xb8;
	[tilespmem:$0x1D000] =	vst v63  }
0xd8: {  	v3 =	vld [tilespmem:$0x130];
	_ =	sdelay $0x4  }
0xd9: {  	v25 =	vshll.u32 v3, $0x1  }
0xda: {  	v3 =	vand.u32 $0x7, v3;
	v4 =	vand.u32 $0xFFFFFFF0, v25  }
0xdb: {  	v3 =	vor.u32 v3, v4  }
0xdc: {  	v4 =	vperm.xlane v3, v0;
	_ =	sdelay $0x1  }
0xdd: {  	v3 =	vperm.xlane v3, v2;
	v4 =	vadd.s32 v1, v4;
	_ =	sdelay $0x1  }
0xde: {  	v3 =	vadd.s32 v1, v3;
	_ =	sdelay $0x1  }
0xdf: {  	s22 =	simm.s32 $0x12000  }
0xe0: {  	[tilespmem:s22], [sflag:$0x2] =	stream.indirect_vreg.gather [hbm4b:s2+s3], $0x80, v4, vm0, $0xb8;
	[tilespmem:$0x1D000] =	vst v63  }
0xe1: {  	s23 =	simm.s32 $0x12800  }
0xe2: {  	[tilespmem:s23], [sflag:$0x2] =	stream.indirect_vreg.gather [hbm4b:s2+s3], $0x80, v3, vm0, $0xb8;
	[tilespmem:$0x1D000] =	vst v63  }
0xe3: {  	v3 =	vld [tilespmem:$0x140];
	_ =	sdelay $0x4  }
0xe4: {  	v26 =	vshll.u32 v3, $0x1  }
0xe5: {  	v3 =	vand.u32 $0x7, v3;
	v4 =	vand.u32 $0xFFFFFFF0, v26  }
0xe6: {  	v3 =	vor.u32 v3, v4  }
0xe7: {  	v4 =	vperm.xlane v3, v0;
	_ =	sdelay $0x1  }
0xe8: {  	v3 =	vperm.xlane v3, v2;
	v4 =	vadd.s32 v1, v4;
	_ =	sdelay $0x1  }
0xe9: {  	v3 =	vadd.s32 v1, v3;
	_ =	sdelay $0x1  }
0xea: {  	s24 =	simm.s32 $0x13000  }
0xeb: {  	[tilespmem:s24], [sflag:$0x2] =	stream.indirect_vreg.gather [hbm4b:s2+s3], $0x80, v4, vm0, $0xb8;
	[tilespmem:$0x1D000] =	vst v63  }
0xec: {  	s28 =	simm.s32 $0x13800  }
0xed: {  	[tilespmem:s28], [sflag:$0x2] =	stream.indirect_vreg.gather [hbm4b:s2+s3], $0x80, v3, vm0, $0xb8;
	[tilespmem:$0x1D000] =	vst v63  }
0xee: {  	v3 =	vld [tilespmem:$0x150];
	_ =	sdelay $0x4  }
0xef: {  	v27 =	vshll.u32 v3, $0x1  }
0xf0: {  	v3 =	vand.u32 $0x7, v3;
	v4 =	vand.u32 $0xFFFFFFF0, v27  }
0xf1: {  	v3 =	vor.u32 v3, v4  }
0xf2: {  	v4 =	vperm.xlane v3, v0;
	_ =	sdelay $0x1  }
0xf3: {  	v3 =	vperm.xlane v3, v2;
	v4 =	vadd.s32 v1, v4;
	_ =	sdelay $0x1  }
0xf4: {  	v3 =	vadd.s32 v1, v3;
	_ =	sdelay $0x1  }
0xf5: {  	s29 =	simm.s32 $0x14000  }
0xf6: {  	[tilespmem:s29], [sflag:$0x2] =	stream.indirect_vreg.gather [hbm4b:s2+s3], $0x80, v4, vm0, $0xb8;
	[tilespmem:$0x1D000] =	vst v63  }
0xf7: {  	s30 =	simm.s32 $0x14800  }
0xf8: {  	[tilespmem:s30], [sflag:$0x2] =	stream.indirect_vreg.gather [hbm4b:s2+s3], $0x80, v3, vm0, $0xb8;
	[tilespmem:$0x1D000] =	vst v63  }
0xf9: {  	v3 =	vld [tilespmem:$0x160];
	_ =	sdelay $0x4  }
0xfa: {  	v28 =	vshll.u32 v3, $0x1  }
0xfb: {  	v3 =	vand.u32 $0x7, v3;
	v4 =	vand.u32 $0xFFFFFFF0, v28  }
0xfc: {  	v3 =	vor.u32 v3, v4  }
0xfd: {  	v4 =	vperm.xlane v3, v0;
	_ =	sdelay $0x1  }
0xfe: {  	v3 =	vperm.xlane v3, v2;
	v4 =	vadd.s32 v1, v4;
	_ =	sdelay $0x1  }
0xff: {  	v3 =	vadd.s32 v1, v3;
	_ =	sdelay $0x1  }
0x100: {  	s31 =	simm.s32 $0x15000  }
0x101: {  	[tilespmem:s31], [sflag:$0x2] =	stream.indirect_vreg.gather [hbm4b:s2+s3], $0x80, v4, vm0, $0xb8;
	[tilespmem:$0x1D000] =	vst v63  }
0x102: {  	s0 =	simm.s32 $0x15800  }
0x103: {  	[tilespmem:s0], [sflag:$0x2] =	stream.indirect_vreg.gather [hbm4b:s2+s3], $0x80, v3, vm0, $0xb8;
	[tilespmem:$0x1D000] =	vst v63  }
0x104: {  	v3 =	vld [tilespmem:$0x180];
	_ =	sdelay $0x4  }
0x105: {  	v29 =	vshll.u32 v3, $0x1  }
0x106: {  	v3 =	vand.u32 $0x7, v3;
	v4 =	vand.u32 $0xFFFFFFF0, v29  }
0x107: {  	v3 =	vor.u32 v3, v4  }
0x108: {  	v4 =	vperm.xlane v3, v0;
	_ =	sdelay $0x1  }
0x109: {  	v3 =	vperm.xlane v3, v2;
	v4 =	vadd.s32 v1, v4;
	_ =	sdelay $0x1  }
0x10a: {  	v3 =	vadd.s32 v1, v3;
	_ =	sdelay $0x1  }
0x10b: {  	s18 =	simm.s32 $0x16000  }
0x10c: {  	[tilespmem:s18], [sflag:$0x2] =	stream.indirect_vreg.gather [hbm4b:s2+s3], $0x80, v4, vm0, $0xb8;
	[tilespmem:$0x1D000] =	vst v63  }
0x10d: {  	s19 =	simm.s32 $0x16800  }
0x10e: {  	[tilespmem:s19], [sflag:$0x2] =	stream.indirect_vreg.gather [hbm4b:s2+s3], $0x80, v3, vm0, $0xb8;
	[tilespmem:$0x1D000] =	vst v63  }
0x10f: {  	v3 =	vld [tilespmem:$0x190];
	_ =	sdelay $0x4  }
0x110: {  	v30 =	vshll.u32 v3, $0x1  }
0x111: {  	v3 =	vand.u32 $0x7, v3;
	v4 =	vand.u32 $0xFFFFFFF0, v30  }
0x112: {  	v3 =	vor.u32 v3, v4  }
0x113: {  	v4 =	vperm.xlane v3, v0;
	_ =	sdelay $0x1  }
0x114: {  	v3 =	vperm.xlane v3, v2;
	v4 =	vadd.s32 v1, v4;
	_ =	sdelay $0x1  }
0x115: {  	v3 =	vadd.s32 v1, v3;
	_ =	sdelay $0x1  }
0x116: {  	s20 =	simm.s32 $0x17000  }
0x117: {  	[tilespmem:s20], [sflag:$0x2] =	stream.indirect_vreg.gather [hbm4b:s2+s3], $0x80, v4, vm0, $0xb8;
	[tilespmem:$0x1D000] =	vst v63  }
0x118: {  	s21 =	simm.s32 $0x17800  }
0x119: {  	[tilespmem:s21], [sflag:$0x2] =	stream.indirect_vreg.gather [hbm4b:s2+s3], $0x80, v3, vm0, $0xb8;
	[tilespmem:$0x1D000] =	vst v63  }
0x11a: {  	v3 =	vld [tilespmem:$0x1A0];
	_ =	sdelay $0x4  }
0x11b: {  	v31 =	vshll.u32 v3, $0x1  }
0x11c: {  	v3 =	vand.u32 $0x7, v3;
	v4 =	vand.u32 $0xFFFFFFF0, v31  }
0x11d: {  	v3 =	vor.u32 v3, v4  }
0x11e: {  	v4 =	vperm.xlane v3, v0;
	_ =	sdelay $0x1  }
0x11f: {  	v3 =	vperm.xlane v3, v2;
	v4 =	vadd.s32 v1, v4;
	_ =	sdelay $0x1  }
0x120: {  	v3 =	vadd.s32 v1, v3;
	_ =	sdelay $0x1  }
0x121: {  	s22 =	simm.s32 $0x18000  }
0x122: {  	[tilespmem:s22], [sflag:$0x2] =	stream.indirect_vreg.gather [hbm4b:s2+s3], $0x80, v4, vm0, $0xb8;
	[tilespmem:$0x1D000] =	vst v63  }
0x123: {  	s23 =	simm.s32 $0x18800  }
0x124: {  	[tilespmem:s23], [sflag:$0x2] =	stream.indirect_vreg.gather [hbm4b:s2+s3], $0x80, v3, vm0, $0xb8;
	[tilespmem:$0x1D000] =	vst v63  }
0x125: {  	v3 =	vld [tilespmem:$0x1B0];
	_ =	sdelay $0x4  }
0x126: {  	v32 =	vshll.u32 v3, $0x1  }
0x127: {  	v3 =	vand.u32 $0x7, v3;
	v4 =	vand.u32 $0xFFFFFFF0, v32  }
0x128: {  	v3 =	vor.u32 v3, v4  }
0x129: {  	v4 =	vperm.xlane v3, v0;
	_ =	sdelay $0x1  }
0x12a: {  	v3 =	vperm.xlane v3, v2;
	v4 =	vadd.s32 v1, v4;
	_ =	sdelay $0x1  }
0x12b: {  	v3 =	vadd.s32 v1, v3;
	_ =	sdelay $0x1  }
0x12c: {  	s24 =	simm.s32 $0x19000  }
0x12d: {  	[tilespmem:s24], [sflag:$0x2] =	stream.indirect_vreg.gather [hbm4b:s2+s3], $0x80, v4, vm0, $0xb8;
	[tilespmem:$0x1D000] =	vst v63  }
0x12e: {  	s0 =	simm.s32 $0x19800  }
0x12f: {  	[tilespmem:s0], [sflag:$0x2] =	stream.indirect_vreg.gather [hbm4b:s2+s3], $0x80, v3, vm0, $0xb8;
	[tilespmem:$0x1D000] =	vst v63  }
0x130: {  	v3 =	vld [tilespmem:$0x1C0];
	_ =	sdelay $0x4  }
0x131: {  	v33 =	vshll.u32 v3, $0x1  }
0x132: {  	v3 =	vand.u32 $0x7, v3;
	v4 =	vand.u32 $0xFFFFFFF0, v33  }
0x133: {  	v3 =	vor.u32 v3, v4  }
0x134: {  	v4 =	vperm.xlane v3, v0;
	_ =	sdelay $0x1  }
0x135: {  	v3 =	vperm.xlane v3, v2;
	v4 =	vadd.s32 v1, v4;
	_ =	sdelay $0x1  }
0x136: {  	v3 =	vadd.s32 v1, v3;
	_ =	sdelay $0x1  }
0x137: {  	s18 =	simm.s32 $0x1A000  }
0x138: {  	[tilespmem:s18], [sflag:$0x2] =	stream.indirect_vreg.gather [hbm4b:s2+s3], $0x80, v4, vm0, $0xb8;
	[tilespmem:$0x1D000] =	vst v63  }
0x139: {  	s19 =	simm.s32 $0x1A800  }
0x13a: {  	[tilespmem:s19], [sflag:$0x2] =	stream.indirect_vreg.gather [hbm4b:s2+s3], $0x80, v3, vm0, $0xb8;
	[tilespmem:$0x1D000] =	vst v63  }
0x13b: {  	v3 =	vld [tilespmem:$0x1D0];
	_ =	sdelay $0x4  }
0x13c: {  	v34 =	vshll.u32 v3, $0x1  }
0x13d: {  	v3 =	vand.u32 $0x7, v3;
	v4 =	vand.u32 $0xFFFFFFF0, v34  }
0x13e: {  	v3 =	vor.u32 v3, v4  }
0x13f: {  	v4 =	vperm.xlane v3, v0;
	_ =	sdelay $0x1  }
0x140: {  	v3 =	vperm.xlane v3, v2;
	v4 =	vadd.s32 v1, v4;
	_ =	sdelay $0x1  }
0x141: {  	v3 =	vadd.s32 v1, v3;
	_ =	sdelay $0x1  }
0x142: {  	s20 =	simm.s32 $0x1B000  }
0x143: {  	[tilespmem:s20], [sflag:$0x2] =	stream.indirect_vreg.gather [hbm4b:s2+s3], $0x80, v4, vm0, $0xb8;
	[tilespmem:$0x1D000] =	vst v63  }
0x144: {  	s21 =	simm.s32 $0x1B800  }
0x145: {  	[tilespmem:s21], [sflag:$0x2] =	stream.indirect_vreg.gather [hbm4b:s2+s3], $0x80, v3, vm0, $0xb8;
	[tilespmem:$0x1D000] =	vst v63  }
0x146: {  	v3 =	vld [tilespmem:$0x1E0];
	_ =	sdelay $0x4  }
0x147: {  	v35 =	vshll.u32 v3, $0x1  }
0x148: {  	v3 =	vand.u32 $0x7, v3;
	v4 =	vand.u32 $0xFFFFFFF0, v35  }
0x149: {  	v3 =	vor.u32 v3, v4  }
0x14a: {  	v4 =	vperm.xlane v3, v0;
	_ =	sdelay $0x1  }
0x14b: {  	v3 =	vperm.xlane v3, v2;
	v4 =	vadd.s32 v1, v4;
	_ =	sdelay $0x1  }
0x14c: {  	v3 =	vadd.s32 v1, v3;
	_ =	sdelay $0x1  }
0x14d: {  	s22 =	simm.s32 $0x1C000  }
0x14e: {  	[tilespmem:s22], [sflag:$0x2] =	stream.indirect_vreg.gather [hbm4b:s2+s3], $0x80, v4, vm0, $0xb8;
	[tilespmem:$0x1D000] =	vst v63  }
0x14f: {  	s23 =	simm.s32 $0x1C800  }
0x150: {  	[tilespmem:s23], [sflag:$0x2] =	stream.indirect_vreg.gather [hbm4b:s2+s3], $0x80, v3, vm0, $0xb8;
	[tilespmem:$0x1D000] =	vst v63  }
0x151: {  	_ =	swait.ge [sflag:s10], $0x7000  }
0x152: {  	[sflag:s10] =	ssyncset.done $0x0  }
0x153: {  	[sflag:s10] =	ssyncadd.s32 $0xFFFF9000  }
0x154: {  	_ =	swait.ge [sflag:s10], $0x7000  }
0x155: {  	[sflag:s10] =	ssyncset.done $0x0  }
0x156: {  	s24 =	rddreg [dreg:$0x13];
	[sflag:s10] =	ssyncadd.s32 $0xFFFF9000  }
0x157: {  	[hbm4b:s24+s3] =	stream.linear.scatter [tilespmem:s25], [sflag:$0x3], $0xE000, $0x38;
	[tilespmem:$0x1D000] =	vst v63  }
0x158: {  	_ =	swait.ge [sflag:s11], $0xE000  }
0x159: {  	[sflag:s11] =	ssyncset.done $0x0  }
0x15a: {  	[sflag:s11] =	ssyncadd.s32 $0xFFFF2000  }
0x15b: {  	v3 =	vld [tilespmem:$0x200];
	_ =	sdelay $0x4  }
0x15c: {  	v36 =	vshll.u32 v3, $0x1  }
0x15d: {  	v3 =	vand.u32 $0x7, v3;
	v4 =	vand.u32 $0xFFFFFFF0, v36  }
0x15e: {  	v3 =	vor.u32 v3, v4  }
0x15f: {  	v4 =	vperm.xlane v3, v0;
	_ =	sdelay $0x1  }
0x160: {  	v3 =	vperm.xlane v3, v2;
	v4 =	vadd.s32 v1, v4;
	_ =	sdelay $0x1  }
0x161: {  	v3 =	vadd.s32 v1, v3;
	_ =	sdelay $0x2  }
0x162: {  	[tilespmem:s25], [sflag:$0x1] =	stream.indirect_vreg.gather [hbm4b:s2+s3], $0x80, v4, vm0, $0xb8;
	[tilespmem:$0x1D000] =	vst v63  }
0x163: {  	s1 =	simm.s32 $0x1800  }
0x164: {  	[tilespmem:s1], [sflag:$0x1] =	stream.indirect_vreg.gather [hbm4b:s2+s3], $0x80, v3, vm0, $0xb8;
	[tilespmem:$0x1D000] =	vst v63  }
0x165: {  	v3 =	vld [tilespmem:$0x210];
	_ =	sdelay $0x4  }
0x166: {  	v37 =	vshll.u32 v3, $0x1  }
0x167: {  	v3 =	vand.u32 $0x7, v3;
	v4 =	vand.u32 $0xFFFFFFF0, v37  }
0x168: {  	v3 =	vor.u32 v3, v4  }
0x169: {  	v4 =	vperm.xlane v3, v0;
	_ =	sdelay $0x1  }
0x16a: {  	v3 =	vperm.xlane v3, v2;
	v4 =	vadd.s32 v1, v4;
	_ =	sdelay $0x1  }
0x16b: {  	v3 =	vadd.s32 v1, v3;
	_ =	sdelay $0x1  }
0x16c: {  	s0 =	simm.s32 $0x2000  }
0x16d: {  	[tilespmem:s0], [sflag:$0x1] =	stream.indirect_vreg.gather [hbm4b:s2+s3], $0x80, v4, vm0, $0xb8;
	[tilespmem:$0x1D000] =	vst v63  }
0x16e: {  	s4 =	simm.s32 $0x2800  }
0x16f: {  	[tilespmem:s4], [sflag:$0x1] =	stream.indirect_vreg.gather [hbm4b:s2+s3], $0x80, v3, vm0, $0xb8;
	[tilespmem:$0x1D000] =	vst v63  }
0x170: {  	v3 =	vld [tilespmem:$0x220];
	_ =	sdelay $0x4  }
0x171: {  	v38 =	vshll.u32 v3, $0x1  }
0x172: {  	v3 =	vand.u32 $0x7, v3;
	v4 =	vand.u32 $0xFFFFFFF0, v38  }
0x173: {  	v3 =	vor.u32 v3, v4  }
0x174: {  	v4 =	vperm.xlane v3, v0;
	_ =	sdelay $0x1  }
0x175: {  	v3 =	vperm.xlane v3, v2;
	v4 =	vadd.s32 v1, v4;
	_ =	sdelay $0x1  }
0x176: {  	v3 =	vadd.s32 v1, v3;
	_ =	sdelay $0x1  }
0x177: {  	s1 =	simm.s32 $0x3000  }
0x178: {  	[tilespmem:s1], [sflag:$0x1] =	stream.indirect_vreg.gather [hbm4b:s2+s3], $0x80, v4, vm0, $0xb8;
	[tilespmem:$0x1D000] =	vst v63  }
0x179: {  	s5 =	simm.s32 $0x3800  }
0x17a: {  	[tilespmem:s5], [sflag:$0x1] =	stream.indirect_vreg.gather [hbm4b:s2+s3], $0x80, v3, vm0, $0xb8;
	[tilespmem:$0x1D000] =	vst v63  }
0x17b: {  	v3 =	vld [tilespmem:$0x230];
	_ =	sdelay $0x4  }
0x17c: {  	v39 =	vshll.u32 v3, $0x1  }
0x17d: {  	v3 =	vand.u32 $0x7, v3;
	v4 =	vand.u32 $0xFFFFFFF0, v39  }
0x17e: {  	v3 =	vor.u32 v3, v4  }
0x17f: {  	v4 =	vperm.xlane v3, v0;
	_ =	sdelay $0x1  }
0x180: {  	v3 =	vperm.xlane v3, v2;
	v4 =	vadd.s32 v1, v4;
	_ =	sdelay $0x1  }
0x181: {  	v3 =	vadd.s32 v1, v3;
	_ =	sdelay $0x1  }
0x182: {  	s4 =	simm.s32 $0x4000  }
0x183: {  	[tilespmem:s4], [sflag:$0x1] =	stream.indirect_vreg.gather [hbm4b:s2+s3], $0x80, v4, vm0, $0xb8;
	[tilespmem:$0x1D000] =	vst v63  }
0x184: {  	s6 =	simm.s32 $0x4800  }
0x185: {  	[tilespmem:s6], [sflag:$0x1] =	stream.indirect_vreg.gather [hbm4b:s2+s3], $0x80, v3, vm0, $0xb8;
	[tilespmem:$0x1D000] =	vst v63  }
0x186: {  	v3 =	vld [tilespmem:$0x240];
	_ =	sdelay $0x4  }
0x187: {  	v40 =	vshll.u32 v3, $0x1  }
0x188: {  	v3 =	vand.u32 $0x7, v3;
	v4 =	vand.u32 $0xFFFFFFF0, v40  }
0x189: {  	v3 =	vor.u32 v3, v4  }
0x18a: {  	v4 =	vperm.xlane v3, v0;
	_ =	sdelay $0x1  }
0x18b: {  	v3 =	vperm.xlane v3, v2;
	v4 =	vadd.s32 v1, v4;
	_ =	sdelay $0x1  }
0x18c: {  	v3 =	vadd.s32 v1, v3;
	_ =	sdelay $0x1  }
0x18d: {  	s5 =	simm.s32 $0x5000  }
0x18e: {  	[tilespmem:s5], [sflag:$0x1] =	stream.indirect_vreg.gather [hbm4b:s2+s3], $0x80, v4, vm0, $0xb8;
	[tilespmem:$0x1D000] =	vst v63  }
0x18f: {  	s7 =	simm.s32 $0x5800  }
0x190: {  	[tilespmem:s7], [sflag:$0x1] =	stream.indirect_vreg.gather [hbm4b:s2+s3], $0x80, v3, vm0, $0xb8;
	[tilespmem:$0x1D000] =	vst v63  }
0x191: {  	v3 =	vld [tilespmem:$0x250];
	_ =	sdelay $0x4  }
0x192: {  	v41 =	vshll.u32 v3, $0x1  }
0x193: {  	v3 =	vand.u32 $0x7, v3;
	v4 =	vand.u32 $0xFFFFFFF0, v41  }
0x194: {  	v3 =	vor.u32 v3, v4  }
0x195: {  	v4 =	vperm.xlane v3, v0;
	_ =	sdelay $0x1  }
0x196: {  	v3 =	vperm.xlane v3, v2;
	v4 =	vadd.s32 v1, v4;
	_ =	sdelay $0x1  }
0x197: {  	v3 =	vadd.s32 v1, v3;
	_ =	sdelay $0x1  }
0x198: {  	s6 =	simm.s32 $0x6000  }
0x199: {  	[tilespmem:s6], [sflag:$0x1] =	stream.indirect_vreg.gather [hbm4b:s2+s3], $0x80, v4, vm0, $0xb8;
	[tilespmem:$0x1D000] =	vst v63  }
0x19a: {  	s9 =	simm.s32 $0x6800  }
0x19b: {  	[tilespmem:s9], [sflag:$0x1] =	stream.indirect_vreg.gather [hbm4b:s2+s3], $0x80, v3, vm0, $0xb8;
	[tilespmem:$0x1D000] =	vst v63  }
0x19c: {  	v3 =	vld [tilespmem:$0x260];
	_ =	sdelay $0x4  }
0x19d: {  	v42 =	vshll.u32 v3, $0x1  }
0x19e: {  	v3 =	vand.u32 $0x7, v3;
	v4 =	vand.u32 $0xFFFFFFF0, v42  }
0x19f: {  	v3 =	vor.u32 v3, v4  }
0x1a0: {  	v4 =	vperm.xlane v3, v0;
	_ =	sdelay $0x1  }
0x1a1: {  	v3 =	vperm.xlane v3, v2;
	v4 =	vadd.s32 v1, v4;
	_ =	sdelay $0x1  }
0x1a2: {  	v3 =	vadd.s32 v1, v3;
	_ =	sdelay $0x1  }
0x1a3: {  	s7 =	simm.s32 $0x7000  }
0x1a4: {  	[tilespmem:s7], [sflag:$0x1] =	stream.indirect_vreg.gather [hbm4b:s2+s3], $0x80, v4, vm0, $0xb8;
	[tilespmem:$0x1D000] =	vst v63  }
0x1a5: {  	s15 =	simm.s32 $0x7800  }
0x1a6: {  	[tilespmem:s15], [sflag:$0x1] =	stream.indirect_vreg.gather [hbm4b:s2+s3], $0x80, v3, vm0, $0xb8;
	[tilespmem:$0x1D000] =	vst v63  }
0x1a7: {  	v3 =	vld [tilespmem:$0x280];
	_ =	sdelay $0x4  }
0x1a8: {  	v43 =	vshll.u32 v3, $0x1  }
0x1a9: {  	v3 =	vand.u32 $0x7, v3;
	v4 =	vand.u32 $0xFFFFFFF0, v43  }
0x1aa: {  	v3 =	vor.u32 v3, v4  }
0x1ab: {  	v4 =	vperm.xlane v3, v0;
	_ =	sdelay $0x1  }
0x1ac: {  	v3 =	vperm.xlane v3, v2;
	v4 =	vadd.s32 v1, v4;
	_ =	sdelay $0x1  }
0x1ad: {  	v3 =	vadd.s32 v1, v3;
	_ =	sdelay $0x1  }
0x1ae: {  	s19 =	simm.s32 $0x8000  }
0x1af: {  	[tilespmem:s19], [sflag:$0x1] =	stream.indirect_vreg.gather [hbm4b:s2+s3], $0x80, v4, vm0, $0xb8;
	[tilespmem:$0x1D000] =	vst v63  }
0x1b0: {  	s16 =	simm.s32 $0x8800  }
0x1b1: {  	[tilespmem:s16], [sflag:$0x1] =	stream.indirect_vreg.gather [hbm4b:s2+s3], $0x80, v3, vm0, $0xb8;
	[tilespmem:$0x1D000] =	vst v63  }
0x1b2: {  	v3 =	vld [tilespmem:$0x290];
	_ =	sdelay $0x4  }
0x1b3: {  	v44 =	vshll.u32 v3, $0x1  }
0x1b4: {  	v3 =	vand.u32 $0x7, v3;
	v4 =	vand.u32 $0xFFFFFFF0, v44  }
0x1b5: {  	v3 =	vor.u32 v3, v4  }
0x1b6: {  	v4 =	vperm.xlane v3, v0;
	_ =	sdelay $0x1  }
0x1b7: {  	v3 =	vperm.xlane v3, v2;
	v4 =	vadd.s32 v1, v4;
	_ =	sdelay $0x1  }
0x1b8: {  	v3 =	vadd.s32 v1, v3;
	_ =	sdelay $0x1  }
0x1b9: {  	s20 =	simm.s32 $0x9000  }
0x1ba: {  	[tilespmem:s20], [sflag:$0x1] =	stream.indirect_vreg.gather [hbm4b:s2+s3], $0x80, v4, vm0, $0xb8;
	[tilespmem:$0x1D000] =	vst v63  }
0x1bb: {  	s17 =	simm.s32 $0x9800  }
0x1bc: {  	[tilespmem:s17], [sflag:$0x1] =	stream.indirect_vreg.gather [hbm4b:s2+s3], $0x80, v3, vm0, $0xb8;
	[tilespmem:$0x1D000] =	vst v63  }
0x1bd: {  	v3 =	vld [tilespmem:$0x2A0];
	_ =	sdelay $0x4  }
0x1be: {  	v45 =	vshll.u32 v3, $0x1  }
0x1bf: {  	v3 =	vand.u32 $0x7, v3;
	v4 =	vand.u32 $0xFFFFFFF0, v45  }
0x1c0: {  	v3 =	vor.u32 v3, v4  }
0x1c1: {  	v4 =	vperm.xlane v3, v0;
	_ =	sdelay $0x1  }
0x1c2: {  	v3 =	vperm.xlane v3, v2;
	v4 =	vadd.s32 v1, v4;
	_ =	sdelay $0x1  }
0x1c3: {  	v3 =	vadd.s32 v1, v3;
	_ =	sdelay $0x1  }
0x1c4: {  	s21 =	simm.s32 $0xA000  }
0x1c5: {  	[tilespmem:s21], [sflag:$0x1] =	stream.indirect_vreg.gather [hbm4b:s2+s3], $0x80, v4, vm0, $0xb8;
	[tilespmem:$0x1D000] =	vst v63  }
0x1c6: {  	s18 =	simm.s32 $0xA800  }
0x1c7: {  	[tilespmem:s18], [sflag:$0x1] =	stream.indirect_vreg.gather [hbm4b:s2+s3], $0x80, v3, vm0, $0xb8;
	[tilespmem:$0x1D000] =	vst v63  }
0x1c8: {  	v3 =	vld [tilespmem:$0x2B0];
	_ =	sdelay $0x4  }
0x1c9: {  	v46 =	vshll.u32 v3, $0x1  }
0x1ca: {  	v3 =	vand.u32 $0x7, v3;
	v4 =	vand.u32 $0xFFFFFFF0, v46  }
0x1cb: {  	v3 =	vor.u32 v3, v4  }
0x1cc: {  	v4 =	vperm.xlane v3, v0;
	_ =	sdelay $0x1  }
0x1cd: {  	v3 =	vperm.xlane v3, v2;
	v4 =	vadd.s32 v1, v4;
	_ =	sdelay $0x1  }
0x1ce: {  	v3 =	vadd.s32 v1, v3;
	_ =	sdelay $0x1  }
0x1cf: {  	s9 =	simm.s32 $0xB000  }
0x1d0: {  	[tilespmem:s9], [sflag:$0x1] =	stream.indirect_vreg.gather [hbm4b:s2+s3], $0x80, v4, vm0, $0xb8;
	[tilespmem:$0x1D000] =	vst v63  }
0x1d1: {  	s22 =	simm.s32 $0xB800  }
0x1d2: {  	[tilespmem:s22], [sflag:$0x1] =	stream.indirect_vreg.gather [hbm4b:s2+s3], $0x80, v3, vm0, $0xb8;
	[tilespmem:$0x1D000] =	vst v63  }
0x1d3: {  	v3 =	vld [tilespmem:$0x2C0];
	_ =	sdelay $0x4  }
0x1d4: {  	v47 =	vshll.u32 v3, $0x1  }
0x1d5: {  	v3 =	vand.u32 $0x7, v3;
	v4 =	vand.u32 $0xFFFFFFF0, v47  }
0x1d6: {  	v3 =	vor.u32 v3, v4  }
0x1d7: {  	v4 =	vperm.xlane v3, v0;
	_ =	sdelay $0x1  }
0x1d8: {  	v3 =	vperm.xlane v3, v2;
	v4 =	vadd.s32 v1, v4;
	_ =	sdelay $0x1  }
0x1d9: {  	v3 =	vadd.s32 v1, v3;
	_ =	sdelay $0x1  }
0x1da: {  	s15 =	simm.s32 $0xC000  }
0x1db: {  	[tilespmem:s15], [sflag:$0x1] =	stream.indirect_vreg.gather [hbm4b:s2+s3], $0x80, v4, vm0, $0xb8;
	[tilespmem:$0x1D000] =	vst v63  }
0x1dc: {  	s23 =	simm.s32 $0xC800  }
0x1dd: {  	[tilespmem:s23], [sflag:$0x1] =	stream.indirect_vreg.gather [hbm4b:s2+s3], $0x80, v3, vm0, $0xb8;
	[tilespmem:$0x1D000] =	vst v63  }
0x1de: {  	v3 =	vld [tilespmem:$0x2D0];
	_ =	sdelay $0x4  }
0x1df: {  	v48 =	vshll.u32 v3, $0x1  }
0x1e0: {  	v3 =	vand.u32 $0x7, v3;
	v4 =	vand.u32 $0xFFFFFFF0, v48  }
0x1e1: {  	v3 =	vor.u32 v3, v4  }
0x1e2: {  	v4 =	vperm.xlane v3, v0;
	_ =	sdelay $0x1  }
0x1e3: {  	v3 =	vperm.xlane v3, v2;
	v4 =	vadd.s32 v1, v4;
	_ =	sdelay $0x1  }
0x1e4: {  	v3 =	vadd.s32 v1, v3;
	_ =	sdelay $0x1  }
0x1e5: {  	s16 =	simm.s32 $0xD000  }
0x1e6: {  	[tilespmem:s16], [sflag:$0x1] =	stream.indirect_vreg.gather [hbm4b:s2+s3], $0x80, v4, vm0, $0xb8;
	[tilespmem:$0x1D000] =	vst v63  }
0x1e7: {  	s24 =	simm.s32 $0xD800  }
0x1e8: {  	[tilespmem:s24], [sflag:$0x1] =	stream.indirect_vreg.gather [hbm4b:s2+s3], $0x80, v3, vm0, $0xb8;
	[tilespmem:$0x1D000] =	vst v63  }
0x1e9: {  	v3 =	vld [tilespmem:$0x2E0];
	_ =	sdelay $0x4  }
0x1ea: {  	v49 =	vshll.u32 v3, $0x1  }
0x1eb: {  	v3 =	vand.u32 $0x7, v3;
	v4 =	vand.u32 $0xFFFFFFF0, v49  }
0x1ec: {  	v3 =	vor.u32 v3, v4  }
0x1ed: {  	v4 =	vperm.xlane v3, v0;
	_ =	sdelay $0x1  }
0x1ee: {  	v3 =	vperm.xlane v3, v2;
	v4 =	vadd.s32 v1, v4;
	_ =	sdelay $0x1  }
0x1ef: {  	v3 =	vadd.s32 v1, v3;
	_ =	sdelay $0x1  }
0x1f0: {  	s17 =	simm.s32 $0xE000  }
0x1f1: {  	[tilespmem:s17], [sflag:$0x1] =	stream.indirect_vreg.gather [hbm4b:s2+s3], $0x80, v4, vm0, $0xb8;
	[tilespmem:$0x1D000] =	vst v63  }
0x1f2: {  	s26 =	simm.s32 $0xE800  }
0x1f3: {  	[tilespmem:s26], [sflag:$0x1] =	stream.indirect_vreg.gather [hbm4b:s2+s3], $0x80, v3, vm0, $0xb8;
	[tilespmem:$0x1D000] =	vst v63  }
0x1f4: {  	_ =	swait.ge [sflag:s12], $0x7000  }
0x1f5: {  	[sflag:s12] =	ssyncset.done $0x0  }
0x1f6: {  	[sflag:s12] =	ssyncadd.s32 $0xFFFF9000  }
0x1f7: {  	_ =	swait.ge [sflag:s12], $0x7000  }
0x1f8: {  	[sflag:s12] =	ssyncset.done $0x0  }
0x1f9: {  	s26 =	rddreg [dreg:$0x4];
	[sflag:s12] =	ssyncadd.s32 $0xFFFF9000  }
0x1fa: {  	[hbm4b:s26+s3] =	stream.linear.scatter [tilespmem:s8], [sflag:$0x4], $0xE000, $0x38;
	[tilespmem:$0x1D000] =	vst v63  }
0x1fb: {  	_ =	swait.ge [sflag:s13], $0xE000  }
0x1fc: {  	[sflag:s13] =	ssyncset.done $0x0  }
0x1fd: {  	[sflag:s13] =	ssyncadd.s32 $0xFFFF2000  }
0x1fe: {  	v3 =	vld [tilespmem:$0x300];
	_ =	sdelay $0x4  }
0x1ff: {  	v50 =	vshll.u32 v3, $0x1  }
0x200: {  	v3 =	vand.u32 $0x7, v3;
	v4 =	vand.u32 $0xFFFFFFF0, v50  }
0x201: {  	v3 =	vor.u32 v3, v4  }
0x202: {  	v4 =	vperm.xlane v3, v0;
	_ =	sdelay $0x1  }
0x203: {  	v3 =	vperm.xlane v3, v2;
	v4 =	vadd.s32 v1, v4;
	_ =	sdelay $0x1  }
0x204: {  	v3 =	vadd.s32 v1, v3;
	_ =	sdelay $0x2  }
0x205: {  	[tilespmem:s8], [sflag:$0x2] =	stream.indirect_vreg.gather [hbm4b:s2+s3], $0x80, v4, vm0, $0xb8;
	[tilespmem:$0x1D000] =	vst v63  }
0x206: {  	s26 =	simm.s32 $0xF800  }
0x207: {  	[tilespmem:s26], [sflag:$0x2] =	stream.indirect_vreg.gather [hbm4b:s2+s3], $0x80, v3, vm0, $0xb8;
	[tilespmem:$0x1D000] =	vst v63  }
0x208: {  	v3 =	vld [tilespmem:$0x310];
	_ =	sdelay $0x4  }
0x209: {  	v51 =	vshll.u32 v3, $0x1  }
0x20a: {  	v3 =	vand.u32 $0x7, v3;
	v4 =	vand.u32 $0xFFFFFFF0, v51  }
0x20b: {  	v3 =	vor.u32 v3, v4  }
0x20c: {  	v4 =	vperm.xlane v3, v0;
	_ =	sdelay $0x1  }
0x20d: {  	v3 =	vperm.xlane v3, v2;
	v4 =	vadd.s32 v1, v4;
	_ =	sdelay $0x1  }
0x20e: {  	v3 =	vadd.s32 v1, v3;
	_ =	sdelay $0x1  }
0x20f: {  	s26 =	simm.s32 $0x10000  }
0x210: {  	[tilespmem:s26], [sflag:$0x2] =	stream.indirect_vreg.gather [hbm4b:s2+s3], $0x80, v4, vm0, $0xb8;
	[tilespmem:$0x1D000] =	vst v63  }
0x211: {  	s14 =	simm.s32 $0x10800  }
0x212: {  	[tilespmem:s14], [sflag:$0x2] =	stream.indirect_vreg.gather [hbm4b:s2+s3], $0x80, v3, vm0, $0xb8;
	[tilespmem:$0x1D000] =	vst v63  }
0x213: {  	v3 =	vld [tilespmem:$0x320];
	_ =	sdelay $0x4  }
0x214: {  	v52 =	vshll.u32 v3, $0x1  }
0x215: {  	v3 =	vand.u32 $0x7, v3;
	v4 =	vand.u32 $0xFFFFFFF0, v52  }
0x216: {  	v3 =	vor.u32 v3, v4  }
0x217: {  	v4 =	vperm.xlane v3, v0;
	_ =	sdelay $0x1  }
0x218: {  	v3 =	vperm.xlane v3, v2;
	v4 =	vadd.s32 v1, v4;
	_ =	sdelay $0x1  }
0x219: {  	v3 =	vadd.s32 v1, v3;
	_ =	sdelay $0x1  }
0x21a: {  	s14 =	simm.s32 $0x11000  }
0x21b: {  	[tilespmem:s14], [sflag:$0x2] =	stream.indirect_vreg.gather [hbm4b:s2+s3], $0x80, v4, vm0, $0xb8;
	[tilespmem:$0x1D000] =	vst v63  }
0x21c: {  	s14 =	simm.s32 $0x11800  }
0x21d: {  	[tilespmem:s14], [sflag:$0x2] =	stream.indirect_vreg.gather [hbm4b:s2+s3], $0x80, v3, vm0, $0xb8;
	[tilespmem:$0x1D000] =	vst v63  }
0x21e: {  	v3 =	vld [tilespmem:$0x330];
	_ =	sdelay $0x4  }
0x21f: {  	v53 =	vshll.u32 v3, $0x1  }
0x220: {  	v3 =	vand.u32 $0x7, v3;
	v4 =	vand.u32 $0xFFFFFFF0, v53  }
0x221: {  	v3 =	vor.u32 v3, v4  }
0x222: {  	v4 =	vperm.xlane v3, v0;
	_ =	sdelay $0x1  }
0x223: {  	v3 =	vperm.xlane v3, v2;
	v4 =	vadd.s32 v1, v4;
	_ =	sdelay $0x1  }
0x224: {  	v3 =	vadd.s32 v1, v3;
	_ =	sdelay $0x1  }
0x225: {  	s14 =	simm.s32 $0x12000  }
0x226: {  	[tilespmem:s14], [sflag:$0x2] =	stream.indirect_vreg.gather [hbm4b:s2+s3], $0x80, v4, vm0, $0xb8;
	[tilespmem:$0x1D000] =	vst v63  }
0x227: {  	s14 =	simm.s32 $0x12800  }
0x228: {  	[tilespmem:s14], [sflag:$0x2] =	stream.indirect_vreg.gather [hbm4b:s2+s3], $0x80, v3, vm0, $0xb8;
	[tilespmem:$0x1D000] =	vst v63  }
0x229: {  	v3 =	vld [tilespmem:$0x340];
	_ =	sdelay $0x4  }
0x22a: {  	v54 =	vshll.u32 v3, $0x1  }
0x22b: {  	v3 =	vand.u32 $0x7, v3;
	v4 =	vand.u32 $0xFFFFFFF0, v54  }
0x22c: {  	v3 =	vor.u32 v3, v4  }
0x22d: {  	v4 =	vperm.xlane v3, v0;
	_ =	sdelay $0x1  }
0x22e: {  	v3 =	vperm.xlane v3, v2;
	v4 =	vadd.s32 v1, v4;
	_ =	sdelay $0x1  }
0x22f: {  	v3 =	vadd.s32 v1, v3;
	_ =	sdelay $0x1  }
0x230: {  	s14 =	simm.s32 $0x13000  }
0x231: {  	[tilespmem:s14], [sflag:$0x2] =	stream.indirect_vreg.gather [hbm4b:s2+s3], $0x80, v4, vm0, $0xb8;
	[tilespmem:$0x1D000] =	vst v63  }
0x232: {  	s14 =	simm.s32 $0x13800  }
0x233: {  	[tilespmem:s14], [sflag:$0x2] =	stream.indirect_vreg.gather [hbm4b:s2+s3], $0x80, v3, vm0, $0xb8;
	[tilespmem:$0x1D000] =	vst v63  }
0x234: {  	v3 =	vld [tilespmem:$0x350];
	_ =	sdelay $0x4  }
0x235: {  	v55 =	vshll.u32 v3, $0x1  }
0x236: {  	v3 =	vand.u32 $0x7, v3;
	v4 =	vand.u32 $0xFFFFFFF0, v55  }
0x237: {  	v3 =	vor.u32 v3, v4  }
0x238: {  	v4 =	vperm.xlane v3, v0;
	_ =	sdelay $0x1  }
0x239: {  	v3 =	vperm.xlane v3, v2;
	v4 =	vadd.s32 v1, v4;
	_ =	sdelay $0x1  }
0x23a: {  	v3 =	vadd.s32 v1, v3;
	_ =	sdelay $0x1  }
0x23b: {  	s14 =	simm.s32 $0x14000  }
0x23c: {  	[tilespmem:s14], [sflag:$0x2] =	stream.indirect_vreg.gather [hbm4b:s2+s3], $0x80, v4, vm0, $0xb8;
	[tilespmem:$0x1D000] =	vst v63  }
0x23d: {  	s28 =	simm.s32 $0x14800  }
0x23e: {  	[tilespmem:s28], [sflag:$0x2] =	stream.indirect_vreg.gather [hbm4b:s2+s3], $0x80, v3, vm0, $0xb8;
	[tilespmem:$0x1D000] =	vst v63  }
0x23f: {  	v3 =	vld [tilespmem:$0x360];
	_ =	sdelay $0x4  }
0x240: {  	v56 =	vshll.u32 v3, $0x1  }
0x241: {  	v3 =	vand.u32 $0x7, v3;
	v4 =	vand.u32 $0xFFFFFFF0, v56  }
0x242: {  	v3 =	vor.u32 v3, v4  }
0x243: {  	v4 =	vperm.xlane v3, v0;
	_ =	sdelay $0x1  }
0x244: {  	v3 =	vperm.xlane v3, v2;
	v4 =	vadd.s32 v1, v4;
	_ =	sdelay $0x1  }
0x245: {  	v3 =	vadd.s32 v1, v3;
	_ =	sdelay $0x1  }
0x246: {  	s28 =	simm.s32 $0x15000  }
0x247: {  	[tilespmem:s28], [sflag:$0x2] =	stream.indirect_vreg.gather [hbm4b:s2+s3], $0x80, v4, vm0, $0xb8;
	[tilespmem:$0x1D000] =	vst v63  }
0x248: {  	s29 =	simm.s32 $0x15800  }
0x249: {  	[tilespmem:s29], [sflag:$0x2] =	stream.indirect_vreg.gather [hbm4b:s2+s3], $0x80, v3, vm0, $0xb8;
	[tilespmem:$0x1D000] =	vst v63  }
0x24a: {  	v3 =	vld [tilespmem:$0x380];
	_ =	sdelay $0x4  }
0x24b: {  	v57 =	vshll.u32 v3, $0x1  }
0x24c: {  	v3 =	vand.u32 $0x7, v3;
	v4 =	vand.u32 $0xFFFFFFF0, v57  }
0x24d: {  	v3 =	vor.u32 v3, v4  }
0x24e: {  	v4 =	vperm.xlane v3, v0;
	_ =	sdelay $0x1  }
0x24f: {  	v3 =	vperm.xlane v3, v2;
	v4 =	vadd.s32 v1, v4;
	_ =	sdelay $0x1  }
0x250: {  	v3 =	vadd.s32 v1, v3;
	_ =	sdelay $0x1  }
0x251: {  	s29 =	simm.s32 $0x16000  }
0x252: {  	[tilespmem:s29], [sflag:$0x2] =	stream.indirect_vreg.gather [hbm4b:s2+s3], $0x80, v4, vm0, $0xb8;
	[tilespmem:$0x1D000] =	vst v63  }
0x253: {  	s30 =	simm.s32 $0x16800  }
0x254: {  	[tilespmem:s30], [sflag:$0x2] =	stream.indirect_vreg.gather [hbm4b:s2+s3], $0x80, v3, vm0, $0xb8;
	[tilespmem:$0x1D000] =	vst v63  }
0x255: {  	v3 =	vld [tilespmem:$0x390];
	_ =	sdelay $0x4  }
0x256: {  	v58 =	vshll.u32 v3, $0x1  }
0x257: {  	v3 =	vand.u32 $0x7, v3;
	v4 =	vand.u32 $0xFFFFFFF0, v58  }
0x258: {  	v3 =	vor.u32 v3, v4  }
0x259: {  	v4 =	vperm.xlane v3, v0;
	_ =	sdelay $0x1  }
0x25a: {  	v3 =	vperm.xlane v3, v2;
	v4 =	vadd.s32 v1, v4;
	_ =	sdelay $0x1  }
0x25b: {  	v3 =	vadd.s32 v1, v3;
	_ =	sdelay $0x1  }
0x25c: {  	s30 =	simm.s32 $0x17000  }
0x25d: {  	[tilespmem:s30], [sflag:$0x2] =	stream.indirect_vreg.gather [hbm4b:s2+s3], $0x80, v4, vm0, $0xb8;
	[tilespmem:$0x1D000] =	vst v63  }
0x25e: {  	s31 =	simm.s32 $0x17800  }
0x25f: {  	[tilespmem:s31], [sflag:$0x2] =	stream.indirect_vreg.gather [hbm4b:s2+s3], $0x80, v3, vm0, $0xb8;
	[tilespmem:$0x1D000] =	vst v63  }
0x260: {  	v3 =	vld [tilespmem:$0x3A0];
	_ =	sdelay $0x4  }
0x261: {  	v59 =	vshll.u32 v3, $0x1  }
0x262: {  	v3 =	vand.u32 $0x7, v3;
	v4 =	vand.u32 $0xFFFFFFF0, v59  }
0x263: {  	v3 =	vor.u32 v3, v4  }
0x264: {  	v4 =	vperm.xlane v3, v0;
	_ =	sdelay $0x1  }
0x265: {  	v3 =	vperm.xlane v3, v2;
	v4 =	vadd.s32 v1, v4;
	_ =	sdelay $0x1  }
0x266: {  	v3 =	vadd.s32 v1, v3;
	_ =	sdelay $0x1  }
0x267: {  	s31 =	simm.s32 $0x18000  }
0x268: {  	[tilespmem:s31], [sflag:$0x2] =	stream.indirect_vreg.gather [hbm4b:s2+s3], $0x80, v4, vm0, $0xb8;
	[tilespmem:$0x1D000] =	vst v63  }
0x269: {  	s14 =	simm.s32 $0x18800  }
0x26a: {  	[tilespmem:s14], [sflag:$0x2] =	stream.indirect_vreg.gather [hbm4b:s2+s3], $0x80, v3, vm0, $0xb8;
	[tilespmem:$0x1D000] =	vst v63  }
0x26b: {  	v3 =	vld [tilespmem:$0x3B0];
	_ =	sdelay $0x4  }
0x26c: {  	v60 =	vshll.u32 v3, $0x1  }
0x26d: {  	v3 =	vand.u32 $0x7, v3;
	v4 =	vand.u32 $0xFFFFFFF0, v60  }
0x26e: {  	v3 =	vor.u32 v3, v4  }
0x26f: {  	v4 =	vperm.xlane v3, v0;
	_ =	sdelay $0x1  }
0x270: {  	v3 =	vperm.xlane v3, v2;
	v4 =	vadd.s32 v1, v4;
	_ =	sdelay $0x1  }
0x271: {  	v3 =	vadd.s32 v1, v3;
	_ =	sdelay $0x1  }
0x272: {  	s14 =	simm.s32 $0x19000  }
0x273: {  	[tilespmem:s14], [sflag:$0x2] =	stream.indirect_vreg.gather [hbm4b:s2+s3], $0x80, v4, vm0, $0xb8;
	[tilespmem:$0x1D000] =	vst v63  }
0x274: {  	s14 =	simm.s32 $0x19800  }
0x275: {  	[tilespmem:s14], [sflag:$0x2] =	stream.indirect_vreg.gather [hbm4b:s2+s3], $0x80, v3, vm0, $0xb8;
	[tilespmem:$0x1D000] =	vst v63  }
0x276: {  	v3 =	vld [tilespmem:$0x3C0];
	_ =	sdelay $0x4  }
0x277: {  	v61 =	vshll.u32 v3, $0x1  }
0x278: {  	v3 =	vand.u32 $0x7, v3;
	v4 =	vand.u32 $0xFFFFFFF0, v61  }
0x279: {  	v3 =	vor.u32 v3, v4  }
0x27a: {  	v4 =	vperm.xlane v3, v0;
	_ =	sdelay $0x1  }
0x27b: {  	v3 =	vperm.xlane v3, v2;
	v4 =	vadd.s32 v1, v4;
	_ =	sdelay $0x1  }
0x27c: {  	v3 =	vadd.s32 v1, v3;
	_ =	sdelay $0x1  }
0x27d: {  	s14 =	simm.s32 $0x1A000  }
0x27e: {  	[tilespmem:s14], [sflag:$0x2] =	stream.indirect_vreg.gather [hbm4b:s2+s3], $0x80, v4, vm0, $0xb8;
	[tilespmem:$0x1D000] =	vst v63  }
0x27f: {  	s14 =	simm.s32 $0x1A800  }
0x280: {  	[tilespmem:s14], [sflag:$0x2] =	stream.indirect_vreg.gather [hbm4b:s2+s3], $0x80, v3, vm0, $0xb8;
	[tilespmem:$0x1D000] =	vst v63  }
0x281: {  	v3 =	vld [tilespmem:$0x3D0];
	_ =	sdelay $0x4  }
0x282: {  	v62 =	vshll.u32 v3, $0x1  }
0x283: {  	v3 =	vand.u32 $0x7, v3;
	v4 =	vand.u32 $0xFFFFFFF0, v62  }
0x284: {  	v3 =	vor.u32 v3, v4  }
0x285: {  	v4 =	vperm.xlane v3, v0;
	_ =	sdelay $0x1  }
0x286: {  	v3 =	vperm.xlane v3, v2;
	v4 =	vadd.s32 v1, v4;
	_ =	sdelay $0x1  }
0x287: {  	v3 =	vadd.s32 v1, v3;
	_ =	sdelay $0x1  }
0x288: {  	s14 =	simm.s32 $0x1B000  }
0x289: {  	[tilespmem:s14], [sflag:$0x2] =	stream.indirect_vreg.gather [hbm4b:s2+s3], $0x80, v4, vm0, $0xb8;
	[tilespmem:$0x1D000] =	vst v63  }
0x28a: {  	s14 =	simm.s32 $0x1B800  }
0x28b: {  	[tilespmem:s14], [sflag:$0x2] =	stream.indirect_vreg.gather [hbm4b:s2+s3], $0x80, v3, vm0, $0xb8;
	[tilespmem:$0x1D000] =	vst v63  }
0x28c: {  	v3 =	vld [tilespmem:$0x3E0];
	_ =	sdelay $0x4  }
0x28d: {  	v63 =	vshll.u32 v3, $0x1  }
0x28e: {  	v3 =	vand.u32 $0x7, v3;
	v4 =	vand.u32 $0xFFFFFFF0, v63  }
0x28f: {  	v3 =	vor.u32 v3, v4  }
0x290: {  	v4 =	vperm.xlane v3, v0;
	_ =	sdelay $0x1  }
0x291: {  	v3 =	vperm.xlane v3, v2;
	v4 =	vadd.s32 v1, v4;
	_ =	sdelay $0x1  }
0x292: {  	v3 =	vadd.s32 v1, v3;
	_ =	sdelay $0x1  }
0x293: {  	s14 =	simm.s32 $0x1C000  }
0x294: {  	[tilespmem:s14], [sflag:$0x2] =	stream.indirect_vreg.gather [hbm4b:s2+s3], $0x80, v4, vm0, $0xb8;
	[tilespmem:$0x1D000] =	vst v63  }
0x295: {  	s14 =	simm.s32 $0x1C800  }
0x296: {  	[tilespmem:s14], [sflag:$0x2] =	stream.indirect_vreg.gather [hbm4b:s2+s3], $0x80, v3, vm0, $0xb8;
	[tilespmem:$0x1D000] =	vst v63  }
0x297: {  	_ =	swait.ge [sflag:s10], $0x7000  }
0x298: {  	[sflag:s10] =	ssyncset.done $0x0  }
0x299: {  	[sflag:s10] =	ssyncadd.s32 $0xFFFF9000  }
0x29a: {  	_ =	swait.ge [sflag:s10], $0x7000  }
0x29b: {  	[sflag:s10] =	ssyncset.done $0x0  }
0x29c: {  	s14 =	rddreg [dreg:$0x5];
	[sflag:s10] =	ssyncadd.s32 $0xFFFF9000  }
0x29d: {  	[hbm4b:s14+s3] =	stream.linear.scatter [tilespmem:s25], [sflag:$0x3], $0xE000, $0x38;
	[tilespmem:$0x1D000] =	vst v63  }
0x29e: {  	_ =	swait.ge [sflag:s11], $0xE000  }
0x29f: {  	[sflag:s11] =	ssyncset.done $0x0  }
0x2a0: {  	[sflag:s11] =	ssyncadd.s32 $0xFFFF2000  }
0x2a1: {  	v3 =	vld [tilespmem:$0x400];
	_ =	sdelay $0x4  }
0x2a2: {  	v8 =	vshll.u32 v3, $0x1  }
0x2a3: {  	v3 =	vand.u32 $0x7, v3;
	v4 =	vand.u32 $0xFFFFFFF0, v8  }
0x2a4: {  	v3 =	vor.u32 v3, v4  }
0x2a5: {  	v4 =	vperm.xlane v3, v0;
	_ =	sdelay $0x1  }
0x2a6: {  	v3 =	vperm.xlane v3, v2;
	v4 =	vadd.s32 v1, v4;
	_ =	sdelay $0x1  }
0x2a7: {  	v3 =	vadd.s32 v1, v3;
	_ =	sdelay $0x2  }
0x2a8: {  	[tilespmem:s25], [sflag:$0x1] =	stream.indirect_vreg.gather [hbm4b:s2+s3], $0x80, v4, vm0, $0xb8;
	[tilespmem:$0x1D000] =	vst v63  }
0x2a9: {  	s14 =	simm.s32 $0x1800  }
0x2aa: {  	[tilespmem:s14], [sflag:$0x1] =	stream.indirect_vreg.gather [hbm4b:s2+s3], $0x80, v3, vm0, $0xb8;
	[tilespmem:$0x1D000] =	vst v63  }
0x2ab: {  	v3 =	vld [tilespmem:$0x410];
	_ =	sdelay $0x4  }
0x2ac: {  	v9 =	vshll.u32 v3, $0x1  }
0x2ad: {  	v3 =	vand.u32 $0x7, v3;
	v4 =	vand.u32 $0xFFFFFFF0, v9  }
0x2ae: {  	v3 =	vor.u32 v3, v4  }
0x2af: {  	v4 =	vperm.xlane v3, v0;
	_ =	sdelay $0x1  }
0x2b0: {  	v3 =	vperm.xlane v3, v2;
	v4 =	vadd.s32 v1, v4;
	_ =	sdelay $0x1  }
0x2b1: {  	v3 =	vadd.s32 v1, v3;
	_ =	sdelay $0x2  }
0x2b2: {  	[tilespmem:s0], [sflag:$0x1] =	stream.indirect_vreg.gather [hbm4b:s2+s3], $0x80, v4, vm0, $0xb8;
	[tilespmem:$0x1D000] =	vst v63  }
0x2b3: {  	s14 =	simm.s32 $0x2800  }
0x2b4: {  	[tilespmem:s14], [sflag:$0x1] =	stream.indirect_vreg.gather [hbm4b:s2+s3], $0x80, v3, vm0, $0xb8;
	[tilespmem:$0x1D000] =	vst v63  }
0x2b5: {  	v3 =	vld [tilespmem:$0x420];
	_ =	sdelay $0x4  }
0x2b6: {  	v10 =	vshll.u32 v3, $0x1  }
0x2b7: {  	v3 =	vand.u32 $0x7, v3;
	v4 =	vand.u32 $0xFFFFFFF0, v10  }
0x2b8: {  	v3 =	vor.u32 v3, v4  }
0x2b9: {  	v4 =	vperm.xlane v3, v0;
	_ =	sdelay $0x1  }
0x2ba: {  	v3 =	vperm.xlane v3, v2;
	v4 =	vadd.s32 v1, v4;
	_ =	sdelay $0x1  }
0x2bb: {  	v3 =	vadd.s32 v1, v3;
	_ =	sdelay $0x2  }
0x2bc: {  	[tilespmem:s1], [sflag:$0x1] =	stream.indirect_vreg.gather [hbm4b:s2+s3], $0x80, v4, vm0, $0xb8;
	[tilespmem:$0x1D000] =	vst v63  }
0x2bd: {  	s14 =	simm.s32 $0x3800  }
0x2be: {  	[tilespmem:s14], [sflag:$0x1] =	stream.indirect_vreg.gather [hbm4b:s2+s3], $0x80, v3, vm0, $0xb8;
	[tilespmem:$0x1D000] =	vst v63  }
0x2bf: {  	v3 =	vld [tilespmem:$0x430];
	_ =	sdelay $0x4  }
0x2c0: {  	v11 =	vshll.u32 v3, $0x1  }
0x2c1: {  	v3 =	vand.u32 $0x7, v3;
	v4 =	vand.u32 $0xFFFFFFF0, v11  }
0x2c2: {  	v3 =	vor.u32 v3, v4  }
0x2c3: {  	v4 =	vperm.xlane v3, v0;
	_ =	sdelay $0x1  }
0x2c4: {  	v3 =	vperm.xlane v3, v2;
	v4 =	vadd.s32 v1, v4;
	_ =	sdelay $0x1  }
0x2c5: {  	v3 =	vadd.s32 v1, v3;
	_ =	sdelay $0x2  }
0x2c6: {  	[tilespmem:s4], [sflag:$0x1] =	stream.indirect_vreg.gather [hbm4b:s2+s3], $0x80, v4, vm0, $0xb8;
	[tilespmem:$0x1D000] =	vst v63  }
0x2c7: {  	s14 =	simm.s32 $0x4800  }
0x2c8: {  	[tilespmem:s14], [sflag:$0x1] =	stream.indirect_vreg.gather [hbm4b:s2+s3], $0x80, v3, vm0, $0xb8;
	[tilespmem:$0x1D000] =	vst v63  }
0x2c9: {  	v3 =	vld [tilespmem:$0x440];
	_ =	sdelay $0x4  }
0x2ca: {  	v12 =	vshll.u32 v3, $0x1  }
0x2cb: {  	v3 =	vand.u32 $0x7, v3;
	v4 =	vand.u32 $0xFFFFFFF0, v12  }
0x2cc: {  	v3 =	vor.u32 v3, v4  }
0x2cd: {  	v4 =	vperm.xlane v3, v0;
	_ =	sdelay $0x1  }
0x2ce: {  	v3 =	vperm.xlane v3, v2;
	v4 =	vadd.s32 v1, v4;
	_ =	sdelay $0x1  }
0x2cf: {  	v3 =	vadd.s32 v1, v3;
	_ =	sdelay $0x2  }
0x2d0: {  	[tilespmem:s5], [sflag:$0x1] =	stream.indirect_vreg.gather [hbm4b:s2+s3], $0x80, v4, vm0, $0xb8;
	[tilespmem:$0x1D000] =	vst v63  }
0x2d1: {  	s14 =	simm.s32 $0x5800  }
0x2d2: {  	[tilespmem:s14], [sflag:$0x1] =	stream.indirect_vreg.gather [hbm4b:s2+s3], $0x80, v3, vm0, $0xb8;
	[tilespmem:$0x1D000] =	vst v63  }
0x2d3: {  	v3 =	vld [tilespmem:$0x450];
	_ =	sdelay $0x4  }
0x2d4: {  	v13 =	vshll.u32 v3, $0x1  }
0x2d5: {  	v3 =	vand.u32 $0x7, v3;
	v4 =	vand.u32 $0xFFFFFFF0, v13  }
0x2d6: {  	v3 =	vor.u32 v3, v4  }
0x2d7: {  	v4 =	vperm.xlane v3, v0;
	_ =	sdelay $0x1  }
0x2d8: {  	v3 =	vperm.xlane v3, v2;
	v4 =	vadd.s32 v1, v4;
	_ =	sdelay $0x1  }
0x2d9: {  	v3 =	vadd.s32 v1, v3;
	_ =	sdelay $0x2  }
0x2da: {  	[tilespmem:s6], [sflag:$0x1] =	stream.indirect_vreg.gather [hbm4b:s2+s3], $0x80, v4, vm0, $0xb8;
	[tilespmem:$0x1D000] =	vst v63  }
0x2db: {  	s14 =	simm.s32 $0x6800  }
0x2dc: {  	[tilespmem:s14], [sflag:$0x1] =	stream.indirect_vreg.gather [hbm4b:s2+s3], $0x80, v3, vm0, $0xb8;
	[tilespmem:$0x1D000] =	vst v63  }
0x2dd: {  	v3 =	vld [tilespmem:$0x460];
	_ =	sdelay $0x4  }
0x2de: {  	v14 =	vshll.u32 v3, $0x1  }
0x2df: {  	v3 =	vand.u32 $0x7, v3;
	v4 =	vand.u32 $0xFFFFFFF0, v14  }
0x2e0: {  	v3 =	vor.u32 v3, v4  }
0x2e1: {  	v4 =	vperm.xlane v3, v0;
	_ =	sdelay $0x1  }
0x2e2: {  	v3 =	vperm.xlane v3, v2;
	v4 =	vadd.s32 v1, v4;
	_ =	sdelay $0x1  }
0x2e3: {  	v3 =	vadd.s32 v1, v3;
	_ =	sdelay $0x2  }
0x2e4: {  	[tilespmem:s7], [sflag:$0x1] =	stream.indirect_vreg.gather [hbm4b:s2+s3], $0x80, v4, vm0, $0xb8;
	[tilespmem:$0x1D000] =	vst v63  }
0x2e5: {  	s14 =	simm.s32 $0x7800  }
0x2e6: {  	[tilespmem:s14], [sflag:$0x1] =	stream.indirect_vreg.gather [hbm4b:s2+s3], $0x80, v3, vm0, $0xb8;
	[tilespmem:$0x1D000] =	vst v63  }
0x2e7: {  	v3 =	vld [tilespmem:$0x480];
	_ =	sdelay $0x4  }
0x2e8: {  	v15 =	vshll.u32 v3, $0x1  }
0x2e9: {  	v3 =	vand.u32 $0x7, v3;
	v4 =	vand.u32 $0xFFFFFFF0, v15  }
0x2ea: {  	v3 =	vor.u32 v3, v4  }
0x2eb: {  	v4 =	vperm.xlane v3, v0;
	_ =	sdelay $0x1  }
0x2ec: {  	v3 =	vperm.xlane v3, v2;
	v4 =	vadd.s32 v1, v4;
	_ =	sdelay $0x1  }
0x2ed: {  	v3 =	vadd.s32 v1, v3;
	_ =	sdelay $0x2  }
0x2ee: {  	[tilespmem:s19], [sflag:$0x1] =	stream.indirect_vreg.gather [hbm4b:s2+s3], $0x80, v4, vm0, $0xb8;
	[tilespmem:$0x1D000] =	vst v63  }
0x2ef: {  	s19 =	simm.s32 $0x8800  }
0x2f0: {  	[tilespmem:s19], [sflag:$0x1] =	stream.indirect_vreg.gather [hbm4b:s2+s3], $0x80, v3, vm0, $0xb8;
	[tilespmem:$0x1D000] =	vst v63  }
0x2f1: {  	v3 =	vld [tilespmem:$0x490];
	_ =	sdelay $0x4  }
0x2f2: {  	v16 =	vshll.u32 v3, $0x1  }
0x2f3: {  	v3 =	vand.u32 $0x7, v3;
	v4 =	vand.u32 $0xFFFFFFF0, v16  }
0x2f4: {  	v3 =	vor.u32 v3, v4  }
0x2f5: {  	v4 =	vperm.xlane v3, v0;
	_ =	sdelay $0x1  }
0x2f6: {  	v3 =	vperm.xlane v3, v2;
	v4 =	vadd.s32 v1, v4;
	_ =	sdelay $0x1  }
0x2f7: {  	v3 =	vadd.s32 v1, v3;
	_ =	sdelay $0x2  }
0x2f8: {  	[tilespmem:s20], [sflag:$0x1] =	stream.indirect_vreg.gather [hbm4b:s2+s3], $0x80, v4, vm0, $0xb8;
	[tilespmem:$0x1D000] =	vst v63  }
0x2f9: {  	s20 =	simm.s32 $0x9800  }
0x2fa: {  	[tilespmem:s20], [sflag:$0x1] =	stream.indirect_vreg.gather [hbm4b:s2+s3], $0x80, v3, vm0, $0xb8;
	[tilespmem:$0x1D000] =	vst v63  }
0x2fb: {  	v3 =	vld [tilespmem:$0x4A0];
	_ =	sdelay $0x4  }
0x2fc: {  	v17 =	vshll.u32 v3, $0x1  }
0x2fd: {  	v3 =	vand.u32 $0x7, v3;
	v4 =	vand.u32 $0xFFFFFFF0, v17  }
0x2fe: {  	v3 =	vor.u32 v3, v4  }
0x2ff: {  	v4 =	vperm.xlane v3, v0;
	_ =	sdelay $0x1  }
0x300: {  	v3 =	vperm.xlane v3, v2;
	v4 =	vadd.s32 v1, v4;
	_ =	sdelay $0x1  }
0x301: {  	v3 =	vadd.s32 v1, v3;
	_ =	sdelay $0x2  }
0x302: {  	[tilespmem:s21], [sflag:$0x1] =	stream.indirect_vreg.gather [hbm4b:s2+s3], $0x80, v4, vm0, $0xb8;
	[tilespmem:$0x1D000] =	vst v63  }
0x303: {  	_ = 	snop  }
0x304: {  	[tilespmem:s18], [sflag:$0x1] =	stream.indirect_vreg.gather [hbm4b:s2+s3], $0x80, v3, vm0, $0xb8;
	[tilespmem:$0x1D000] =	vst v63  }
0x305: {  	v3 =	vld [tilespmem:$0x4B0];
	_ =	sdelay $0x4  }
0x306: {  	v18 =	vshll.u32 v3, $0x1  }
0x307: {  	v3 =	vand.u32 $0x7, v3;
	v4 =	vand.u32 $0xFFFFFFF0, v18  }
0x308: {  	v3 =	vor.u32 v3, v4  }
0x309: {  	v4 =	vperm.xlane v3, v0;
	_ =	sdelay $0x1  }
0x30a: {  	v3 =	vperm.xlane v3, v2;
	v4 =	vadd.s32 v1, v4;
	_ =	sdelay $0x1  }
0x30b: {  	v3 =	vadd.s32 v1, v3;
	_ =	sdelay $0x2  }
0x30c: {  	[tilespmem:s9], [sflag:$0x1] =	stream.indirect_vreg.gather [hbm4b:s2+s3], $0x80, v4, vm0, $0xb8;
	[tilespmem:$0x1D000] =	vst v63  }
0x30d: {  	_ = 	snop  }
0x30e: {  	[tilespmem:s22], [sflag:$0x1] =	stream.indirect_vreg.gather [hbm4b:s2+s3], $0x80, v3, vm0, $0xb8;
	[tilespmem:$0x1D000] =	vst v63  }
0x30f: {  	v3 =	vld [tilespmem:$0x4C0];
	_ =	sdelay $0x4  }
0x310: {  	v19 =	vshll.u32 v3, $0x1  }
0x311: {  	v3 =	vand.u32 $0x7, v3;
	v4 =	vand.u32 $0xFFFFFFF0, v19  }
0x312: {  	v3 =	vor.u32 v3, v4  }
0x313: {  	v4 =	vperm.xlane v3, v0;
	_ =	sdelay $0x1  }
0x314: {  	v3 =	vperm.xlane v3, v2;
	v4 =	vadd.s32 v1, v4;
	_ =	sdelay $0x1  }
0x315: {  	v3 =	vadd.s32 v1, v3;
	_ =	sdelay $0x2  }
0x316: {  	[tilespmem:s15], [sflag:$0x1] =	stream.indirect_vreg.gather [hbm4b:s2+s3], $0x80, v4, vm0, $0xb8;
	[tilespmem:$0x1D000] =	vst v63  }
0x317: {  	_ = 	snop  }
0x318: {  	[tilespmem:s23], [sflag:$0x1] =	stream.indirect_vreg.gather [hbm4b:s2+s3], $0x80, v3, vm0, $0xb8;
	[tilespmem:$0x1D000] =	vst v63  }
0x319: {  	v3 =	vld [tilespmem:$0x4D0];
	_ =	sdelay $0x4  }
0x31a: {  	v20 =	vshll.u32 v3, $0x1  }
0x31b: {  	v3 =	vand.u32 $0x7, v3;
	v4 =	vand.u32 $0xFFFFFFF0, v20  }
0x31c: {  	v3 =	vor.u32 v3, v4  }
0x31d: {  	v4 =	vperm.xlane v3, v0;
	_ =	sdelay $0x1  }
0x31e: {  	v3 =	vperm.xlane v3, v2;
	v4 =	vadd.s32 v1, v4;
	_ =	sdelay $0x1  }
0x31f: {  	v3 =	vadd.s32 v1, v3;
	_ =	sdelay $0x2  }
0x320: {  	[tilespmem:s16], [sflag:$0x1] =	stream.indirect_vreg.gather [hbm4b:s2+s3], $0x80, v4, vm0, $0xb8;
	[tilespmem:$0x1D000] =	vst v63  }
0x321: {  	_ = 	snop  }
0x322: {  	[tilespmem:s24], [sflag:$0x1] =	stream.indirect_vreg.gather [hbm4b:s2+s3], $0x80, v3, vm0, $0xb8;
	[tilespmem:$0x1D000] =	vst v63  }
0x323: {  	v3 =	vld [tilespmem:$0x4E0];
	_ =	sdelay $0x4  }
0x324: {  	v21 =	vshll.u32 v3, $0x1  }
0x325: {  	v3 =	vand.u32 $0x7, v3;
	v4 =	vand.u32 $0xFFFFFFF0, v21  }
0x326: {  	v3 =	vor.u32 v3, v4  }
0x327: {  	v4 =	vperm.xlane v3, v0;
	_ =	sdelay $0x1  }
0x328: {  	v3 =	vperm.xlane v3, v2;
	v4 =	vadd.s32 v1, v4;
	_ =	sdelay $0x1  }
0x329: {  	v3 =	vadd.s32 v1, v3;
	_ =	sdelay $0x2  }
0x32a: {  	[tilespmem:s17], [sflag:$0x1] =	stream.indirect_vreg.gather [hbm4b:s2+s3], $0x80, v4, vm0, $0xb8;
	[tilespmem:$0x1D000] =	vst v63  }
0x32b: {  	s24 =	simm.s32 $0xE800  }
0x32c: {  	[tilespmem:s24], [sflag:$0x1] =	stream.indirect_vreg.gather [hbm4b:s2+s3], $0x80, v3, vm0, $0xb8;
	[tilespmem:$0x1D000] =	vst v63  }
0x32d: {  	_ =	swait.ge [sflag:s12], $0x7000  }
0x32e: {  	[sflag:s12] =	ssyncset.done $0x0  }
0x32f: {  	[sflag:s12] =	ssyncadd.s32 $0xFFFF9000  }
0x330: {  	_ =	swait.ge [sflag:s12], $0x7000  }
0x331: {  	[sflag:s12] =	ssyncset.done $0x0  }
0x332: {  	s24 =	rddreg [dreg:$0x6];
	[sflag:s12] =	ssyncadd.s32 $0xFFFF9000  }
0x333: {  	[hbm4b:s24+s3] =	stream.linear.scatter [tilespmem:s8], [sflag:$0x4], $0xE000, $0x38;
	[tilespmem:$0x1D000] =	vst v63  }
0x334: {  	_ =	swait.ge [sflag:s13], $0xE000  }
0x335: {  	[sflag:s13] =	ssyncset.done $0x0  }
0x336: {  	[sflag:s13] =	ssyncadd.s32 $0xFFFF2000  }
0x337: {  	v3 =	vld [tilespmem:$0x500];
	_ =	sdelay $0x4  }
0x338: {  	v22 =	vshll.u32 v3, $0x1  }
0x339: {  	v3 =	vand.u32 $0x7, v3;
	v4 =	vand.u32 $0xFFFFFFF0, v22  }
0x33a: {  	v3 =	vor.u32 v3, v4  }
0x33b: {  	v4 =	vperm.xlane v3, v0;
	_ =	sdelay $0x1  }
0x33c: {  	v3 =	vperm.xlane v3, v2;
	v4 =	vadd.s32 v1, v4;
	_ =	sdelay $0x1  }
0x33d: {  	v3 =	vadd.s32 v1, v3;
	_ =	sdelay $0x2  }
0x33e: {  	[tilespmem:s8], [sflag:$0x2] =	stream.indirect_vreg.gather [hbm4b:s2+s3], $0x80, v4, vm0, $0xb8;
	[tilespmem:$0x1D000] =	vst v63  }
0x33f: {  	s24 =	simm.s32 $0xF800  }
0x340: {  	[tilespmem:s24], [sflag:$0x2] =	stream.indirect_vreg.gather [hbm4b:s2+s3], $0x80, v3, vm0, $0xb8;
	[tilespmem:$0x1D000] =	vst v63  }
0x341: {  	v3 =	vld [tilespmem:$0x510];
	_ =	sdelay $0x4  }
0x342: {  	v23 =	vshll.u32 v3, $0x1  }
0x343: {  	v3 =	vand.u32 $0x7, v3;
	v4 =	vand.u32 $0xFFFFFFF0, v23  }
0x344: {  	v3 =	vor.u32 v3, v4  }
0x345: {  	v4 =	vperm.xlane v3, v0;
	_ =	sdelay $0x1  }
0x346: {  	v3 =	vperm.xlane v3, v2;
	v4 =	vadd.s32 v1, v4;
	_ =	sdelay $0x1  }
0x347: {  	v3 =	vadd.s32 v1, v3;
	_ =	sdelay $0x1  }
0x348: {  	s26 =	simm.s32 $0x10000  }
0x349: {  	[tilespmem:s26], [sflag:$0x2] =	stream.indirect_vreg.gather [hbm4b:s2+s3], $0x80, v4, vm0, $0xb8;
	[tilespmem:$0x1D000] =	vst v63  }
0x34a: {  	s26 =	simm.s32 $0x10800  }
0x34b: {  	[tilespmem:s26], [sflag:$0x2] =	stream.indirect_vreg.gather [hbm4b:s2+s3], $0x80, v3, vm0, $0xb8;
	[tilespmem:$0x1D000] =	vst v63  }
0x34c: {  	v3 =	vld [tilespmem:$0x520];
	_ =	sdelay $0x4  }
0x34d: {  	v24 =	vshll.u32 v3, $0x1  }
0x34e: {  	v3 =	vand.u32 $0x7, v3;
	v4 =	vand.u32 $0xFFFFFFF0, v24  }
0x34f: {  	v3 =	vor.u32 v3, v4  }
0x350: {  	v4 =	vperm.xlane v3, v0;
	_ =	sdelay $0x1  }
0x351: {  	v3 =	vperm.xlane v3, v2;
	v4 =	vadd.s32 v1, v4;
	_ =	sdelay $0x1  }
0x352: {  	v3 =	vadd.s32 v1, v3;
	_ =	sdelay $0x1  }
0x353: {  	s26 =	simm.s32 $0x11000  }
0x354: {  	[tilespmem:s26], [sflag:$0x2] =	stream.indirect_vreg.gather [hbm4b:s2+s3], $0x80, v4, vm0, $0xb8;
	[tilespmem:$0x1D000] =	vst v63  }
0x355: {  	s14 =	simm.s32 $0x11800  }
0x356: {  	[tilespmem:s14], [sflag:$0x2] =	stream.indirect_vreg.gather [hbm4b:s2+s3], $0x80, v3, vm0, $0xb8;
	[tilespmem:$0x1D000] =	vst v63  }
0x357: {  	v3 =	vld [tilespmem:$0x530];
	_ =	sdelay $0x4  }
0x358: {  	v25 =	vshll.u32 v3, $0x1  }
0x359: {  	v3 =	vand.u32 $0x7, v3;
	v4 =	vand.u32 $0xFFFFFFF0, v25  }
0x35a: {  	v3 =	vor.u32 v3, v4  }
0x35b: {  	v4 =	vperm.xlane v3, v0;
	_ =	sdelay $0x1  }
0x35c: {  	v3 =	vperm.xlane v3, v2;
	v4 =	vadd.s32 v1, v4;
	_ =	sdelay $0x1  }
0x35d: {  	v3 =	vadd.s32 v1, v3;
	_ =	sdelay $0x1  }
0x35e: {  	s14 =	simm.s32 $0x12000  }
0x35f: {  	[tilespmem:s14], [sflag:$0x2] =	stream.indirect_vreg.gather [hbm4b:s2+s3], $0x80, v4, vm0, $0xb8;
	[tilespmem:$0x1D000] =	vst v63  }
0x360: {  	s14 =	simm.s32 $0x12800  }
0x361: {  	[tilespmem:s14], [sflag:$0x2] =	stream.indirect_vreg.gather [hbm4b:s2+s3], $0x80, v3, vm0, $0xb8;
	[tilespmem:$0x1D000] =	vst v63  }
0x362: {  	v3 =	vld [tilespmem:$0x540];
	_ =	sdelay $0x4  }
0x363: {  	v26 =	vshll.u32 v3, $0x1  }
0x364: {  	v3 =	vand.u32 $0x7, v3;
	v4 =	vand.u32 $0xFFFFFFF0, v26  }
0x365: {  	v3 =	vor.u32 v3, v4  }
0x366: {  	v4 =	vperm.xlane v3, v0;
	_ =	sdelay $0x1  }
0x367: {  	v3 =	vperm.xlane v3, v2;
	v4 =	vadd.s32 v1, v4;
	_ =	sdelay $0x1  }
0x368: {  	v3 =	vadd.s32 v1, v3;
	_ =	sdelay $0x1  }
0x369: {  	s14 =	simm.s32 $0x13000  }
0x36a: {  	[tilespmem:s14], [sflag:$0x2] =	stream.indirect_vreg.gather [hbm4b:s2+s3], $0x80, v4, vm0, $0xb8;
	[tilespmem:$0x1D000] =	vst v63  }
0x36b: {  	s14 =	simm.s32 $0x13800  }
0x36c: {  	[tilespmem:s14], [sflag:$0x2] =	stream.indirect_vreg.gather [hbm4b:s2+s3], $0x80, v3, vm0, $0xb8;
	[tilespmem:$0x1D000] =	vst v63  }
0x36d: {  	v3 =	vld [tilespmem:$0x550];
	_ =	sdelay $0x4  }
0x36e: {  	v27 =	vshll.u32 v3, $0x1  }
0x36f: {  	v3 =	vand.u32 $0x7, v3;
	v4 =	vand.u32 $0xFFFFFFF0, v27  }
0x370: {  	v3 =	vor.u32 v3, v4  }
0x371: {  	v4 =	vperm.xlane v3, v0;
	_ =	sdelay $0x1  }
0x372: {  	v3 =	vperm.xlane v3, v2;
	v4 =	vadd.s32 v1, v4;
	_ =	sdelay $0x1  }
0x373: {  	v3 =	vadd.s32 v1, v3;
	_ =	sdelay $0x1  }
0x374: {  	s14 =	simm.s32 $0x14000  }
0x375: {  	[tilespmem:s14], [sflag:$0x2] =	stream.indirect_vreg.gather [hbm4b:s2+s3], $0x80, v4, vm0, $0xb8;
	[tilespmem:$0x1D000] =	vst v63  }
0x376: {  	s14 =	simm.s32 $0x14800  }
0x377: {  	[tilespmem:s14], [sflag:$0x2] =	stream.indirect_vreg.gather [hbm4b:s2+s3], $0x80, v3, vm0, $0xb8;
	[tilespmem:$0x1D000] =	vst v63  }
0x378: {  	v3 =	vld [tilespmem:$0x560];
	_ =	sdelay $0x4  }
0x379: {  	v28 =	vshll.u32 v3, $0x1  }
0x37a: {  	v3 =	vand.u32 $0x7, v3;
	v4 =	vand.u32 $0xFFFFFFF0, v28  }
0x37b: {  	v3 =	vor.u32 v3, v4  }
0x37c: {  	v4 =	vperm.xlane v3, v0;
	_ =	sdelay $0x1  }
0x37d: {  	v3 =	vperm.xlane v3, v2;
	v4 =	vadd.s32 v1, v4;
	_ =	sdelay $0x1  }
0x37e: {  	v3 =	vadd.s32 v1, v3;
	_ =	sdelay $0x1  }
0x37f: {  	s28 =	simm.s32 $0x15000  }
0x380: {  	[tilespmem:s28], [sflag:$0x2] =	stream.indirect_vreg.gather [hbm4b:s2+s3], $0x80, v4, vm0, $0xb8;
	[tilespmem:$0x1D000] =	vst v63  }
0x381: {  	s14 =	simm.s32 $0x15800  }
0x382: {  	[tilespmem:s14], [sflag:$0x2] =	stream.indirect_vreg.gather [hbm4b:s2+s3], $0x80, v3, vm0, $0xb8;
	[tilespmem:$0x1D000] =	vst v63  }
0x383: {  	v3 =	vld [tilespmem:$0x580];
	_ =	sdelay $0x4  }
0x384: {  	v29 =	vshll.u32 v3, $0x1  }
0x385: {  	v3 =	vand.u32 $0x7, v3;
	v4 =	vand.u32 $0xFFFFFFF0, v29  }
0x386: {  	v3 =	vor.u32 v3, v4  }
0x387: {  	v4 =	vperm.xlane v3, v0;
	_ =	sdelay $0x1  }
0x388: {  	v3 =	vperm.xlane v3, v2;
	v4 =	vadd.s32 v1, v4;
	_ =	sdelay $0x1  }
0x389: {  	v3 =	vadd.s32 v1, v3;
	_ =	sdelay $0x1  }
0x38a: {  	s29 =	simm.s32 $0x16000  }
0x38b: {  	[tilespmem:s29], [sflag:$0x2] =	stream.indirect_vreg.gather [hbm4b:s2+s3], $0x80, v4, vm0, $0xb8;
	[tilespmem:$0x1D000] =	vst v63  }
0x38c: {  	s14 =	simm.s32 $0x16800  }
0x38d: {  	[tilespmem:s14], [sflag:$0x2] =	stream.indirect_vreg.gather [hbm4b:s2+s3], $0x80, v3, vm0, $0xb8;
	[tilespmem:$0x1D000] =	vst v63  }
0x38e: {  	v3 =	vld [tilespmem:$0x590];
	_ =	sdelay $0x4  }
0x38f: {  	v30 =	vshll.u32 v3, $0x1  }
0x390: {  	v3 =	vand.u32 $0x7, v3;
	v4 =	vand.u32 $0xFFFFFFF0, v30  }
0x391: {  	v3 =	vor.u32 v3, v4  }
0x392: {  	v4 =	vperm.xlane v3, v0;
	_ =	sdelay $0x1  }
0x393: {  	v3 =	vperm.xlane v3, v2;
	v4 =	vadd.s32 v1, v4;
	_ =	sdelay $0x1  }
0x394: {  	v3 =	vadd.s32 v1, v3;
	_ =	sdelay $0x1  }
0x395: {  	s30 =	simm.s32 $0x17000  }
0x396: {  	[tilespmem:s30], [sflag:$0x2] =	stream.indirect_vreg.gather [hbm4b:s2+s3], $0x80, v4, vm0, $0xb8;
	[tilespmem:$0x1D000] =	vst v63  }
0x397: {  	s14 =	simm.s32 $0x17800  }
0x398: {  	[tilespmem:s14], [sflag:$0x2] =	stream.indirect_vreg.gather [hbm4b:s2+s3], $0x80, v3, vm0, $0xb8;
	[tilespmem:$0x1D000] =	vst v63  }
0x399: {  	v3 =	vld [tilespmem:$0x5A0];
	_ =	sdelay $0x4  }
0x39a: {  	v31 =	vshll.u32 v3, $0x1  }
0x39b: {  	v3 =	vand.u32 $0x7, v3;
	v4 =	vand.u32 $0xFFFFFFF0, v31  }
0x39c: {  	v3 =	vor.u32 v3, v4  }
0x39d: {  	v4 =	vperm.xlane v3, v0;
	_ =	sdelay $0x1  }
0x39e: {  	v3 =	vperm.xlane v3, v2;
	v4 =	vadd.s32 v1, v4;
	_ =	sdelay $0x1  }
0x39f: {  	v3 =	vadd.s32 v1, v3;
	_ =	sdelay $0x1  }
0x3a0: {  	s31 =	simm.s32 $0x18000  }
0x3a1: {  	[tilespmem:s31], [sflag:$0x2] =	stream.indirect_vreg.gather [hbm4b:s2+s3], $0x80, v4, vm0, $0xb8;
	[tilespmem:$0x1D000] =	vst v63  }
0x3a2: {  	s14 =	simm.s32 $0x18800  }
0x3a3: {  	[tilespmem:s14], [sflag:$0x2] =	stream.indirect_vreg.gather [hbm4b:s2+s3], $0x80, v3, vm0, $0xb8;
	[tilespmem:$0x1D000] =	vst v63  }
0x3a4: {  	v3 =	vld [tilespmem:$0x5B0];
	_ =	sdelay $0x4  }
0x3a5: {  	v32 =	vshll.u32 v3, $0x1  }
0x3a6: {  	v3 =	vand.u32 $0x7, v3;
	v4 =	vand.u32 $0xFFFFFFF0, v32  }
0x3a7: {  	v3 =	vor.u32 v3, v4  }
0x3a8: {  	v4 =	vperm.xlane v3, v0;
	_ =	sdelay $0x1  }
0x3a9: {  	v3 =	vperm.xlane v3, v2;
	v4 =	vadd.s32 v1, v4;
	_ =	sdelay $0x1  }
0x3aa: {  	v3 =	vadd.s32 v1, v3;
	_ =	sdelay $0x1  }
0x3ab: {  	s14 =	simm.s32 $0x19000  }
0x3ac: {  	[tilespmem:s14], [sflag:$0x2] =	stream.indirect_vreg.gather [hbm4b:s2+s3], $0x80, v4, vm0, $0xb8;
	[tilespmem:$0x1D000] =	vst v63  }
0x3ad: {  	s14 =	simm.s32 $0x19800  }
0x3ae: {  	[tilespmem:s14], [sflag:$0x2] =	stream.indirect_vreg.gather [hbm4b:s2+s3], $0x80, v3, vm0, $0xb8;
	[tilespmem:$0x1D000] =	vst v63  }
0x3af: {  	v3 =	vld [tilespmem:$0x5C0];
	_ =	sdelay $0x4  }
0x3b0: {  	v33 =	vshll.u32 v3, $0x1  }
0x3b1: {  	v3 =	vand.u32 $0x7, v3;
	v4 =	vand.u32 $0xFFFFFFF0, v33  }
0x3b2: {  	v3 =	vor.u32 v3, v4  }
0x3b3: {  	v4 =	vperm.xlane v3, v0;
	_ =	sdelay $0x1  }
0x3b4: {  	v3 =	vperm.xlane v3, v2;
	v4 =	vadd.s32 v1, v4;
	_ =	sdelay $0x1  }
0x3b5: {  	v3 =	vadd.s32 v1, v3;
	_ =	sdelay $0x1  }
0x3b6: {  	s14 =	simm.s32 $0x1A000  }
0x3b7: {  	[tilespmem:s14], [sflag:$0x2] =	stream.indirect_vreg.gather [hbm4b:s2+s3], $0x80, v4, vm0, $0xb8;
	[tilespmem:$0x1D000] =	vst v63  }
0x3b8: {  	s14 =	simm.s32 $0x1A800  }
0x3b9: {  	[tilespmem:s14], [sflag:$0x2] =	stream.indirect_vreg.gather [hbm4b:s2+s3], $0x80, v3, vm0, $0xb8;
	[tilespmem:$0x1D000] =	vst v63  }
0x3ba: {  	v3 =	vld [tilespmem:$0x5D0];
	_ =	sdelay $0x4  }
0x3bb: {  	v34 =	vshll.u32 v3, $0x1  }
0x3bc: {  	v3 =	vand.u32 $0x7, v3;
	v4 =	vand.u32 $0xFFFFFFF0, v34  }
0x3bd: {  	v3 =	vor.u32 v3, v4  }
0x3be: {  	v4 =	vperm.xlane v3, v0;
	_ =	sdelay $0x1  }
0x3bf: {  	v3 =	vperm.xlane v3, v2;
	v4 =	vadd.s32 v1, v4;
	_ =	sdelay $0x1  }
0x3c0: {  	v3 =	vadd.s32 v1, v3;
	_ =	sdelay $0x1  }
0x3c1: {  	s14 =	simm.s32 $0x1B000  }
0x3c2: {  	[tilespmem:s14], [sflag:$0x2] =	stream.indirect_vreg.gather [hbm4b:s2+s3], $0x80, v4, vm0, $0xb8;
	[tilespmem:$0x1D000] =	vst v63  }
0x3c3: {  	s14 =	simm.s32 $0x1B800  }
0x3c4: {  	[tilespmem:s14], [sflag:$0x2] =	stream.indirect_vreg.gather [hbm4b:s2+s3], $0x80, v3, vm0, $0xb8;
	[tilespmem:$0x1D000] =	vst v63  }
0x3c5: {  	v3 =	vld [tilespmem:$0x5E0];
	_ =	sdelay $0x4  }
0x3c6: {  	v35 =	vshll.u32 v3, $0x1  }
0x3c7: {  	v3 =	vand.u32 $0x7, v3;
	v4 =	vand.u32 $0xFFFFFFF0, v35  }
0x3c8: {  	v3 =	vor.u32 v3, v4  }
0x3c9: {  	v4 =	vperm.xlane v3, v0;
	_ =	sdelay $0x1  }
0x3ca: {  	v3 =	vperm.xlane v3, v2;
	v4 =	vadd.s32 v1, v4;
	_ =	sdelay $0x1  }
0x3cb: {  	v3 =	vadd.s32 v1, v3;
	_ =	sdelay $0x1  }
0x3cc: {  	s14 =	simm.s32 $0x1C000  }
0x3cd: {  	[tilespmem:s14], [sflag:$0x2] =	stream.indirect_vreg.gather [hbm4b:s2+s3], $0x80, v4, vm0, $0xb8;
	[tilespmem:$0x1D000] =	vst v63  }
0x3ce: {  	s14 =	simm.s32 $0x1C800  }
0x3cf: {  	[tilespmem:s14], [sflag:$0x2] =	stream.indirect_vreg.gather [hbm4b:s2+s3], $0x80, v3, vm0, $0xb8;
	[tilespmem:$0x1D000] =	vst v63  }
0x3d0: {  	_ =	swait.ge [sflag:s10], $0x7000  }
0x3d1: {  	[sflag:s10] =	ssyncset.done $0x0  }
0x3d2: {  	[sflag:s10] =	ssyncadd.s32 $0xFFFF9000  }
0x3d3: {  	_ =	swait.ge [sflag:s10], $0x7000  }
0x3d4: {  	[sflag:s10] =	ssyncset.done $0x0  }
0x3d5: {  	s14 =	rddreg [dreg:$0x7];
	[sflag:s10] =	ssyncadd.s32 $0xFFFF9000  }
0x3d6: {  	[hbm4b:s14+s3] =	stream.linear.scatter [tilespmem:s25], [sflag:$0x3], $0xE000, $0x38;
	[tilespmem:$0x1D000] =	vst v63  }
0x3d7: {  	_ =	swait.ge [sflag:s11], $0xE000  }
0x3d8: {  	[sflag:s11] =	ssyncset.done $0x0  }
0x3d9: {  	[sflag:s11] =	ssyncadd.s32 $0xFFFF2000  }
0x3da: {  	v3 =	vld [tilespmem:$0x600];
	_ =	sdelay $0x4  }
0x3db: {  	v36 =	vshll.u32 v3, $0x1  }
0x3dc: {  	v3 =	vand.u32 $0x7, v3;
	v4 =	vand.u32 $0xFFFFFFF0, v36  }
0x3dd: {  	v3 =	vor.u32 v3, v4  }
0x3de: {  	v4 =	vperm.xlane v3, v0;
	_ =	sdelay $0x1  }
0x3df: {  	v3 =	vperm.xlane v3, v2;
	v4 =	vadd.s32 v1, v4;
	_ =	sdelay $0x1  }
0x3e0: {  	v3 =	vadd.s32 v1, v3;
	_ =	sdelay $0x2  }
0x3e1: {  	[tilespmem:s25], [sflag:$0x1] =	stream.indirect_vreg.gather [hbm4b:s2+s3], $0x80, v4, vm0, $0xb8;
	[tilespmem:$0x1D000] =	vst v63  }
0x3e2: {  	s14 =	simm.s32 $0x1800  }
0x3e3: {  	[tilespmem:s14], [sflag:$0x1] =	stream.indirect_vreg.gather [hbm4b:s2+s3], $0x80, v3, vm0, $0xb8;
	[tilespmem:$0x1D000] =	vst v63  }
0x3e4: {  	v3 =	vld [tilespmem:$0x610];
	_ =	sdelay $0x4  }
0x3e5: {  	v37 =	vshll.u32 v3, $0x1  }
0x3e6: {  	v3 =	vand.u32 $0x7, v3;
	v4 =	vand.u32 $0xFFFFFFF0, v37  }
0x3e7: {  	v3 =	vor.u32 v3, v4  }
0x3e8: {  	v4 =	vperm.xlane v3, v0;
	_ =	sdelay $0x1  }
0x3e9: {  	v3 =	vperm.xlane v3, v2;
	v4 =	vadd.s32 v1, v4;
	_ =	sdelay $0x1  }
0x3ea: {  	v3 =	vadd.s32 v1, v3;
	_ =	sdelay $0x1  }
0x3eb: {  	s14 =	simm.s32 $0x2000  }
0x3ec: {  	[tilespmem:s14], [sflag:$0x1] =	stream.indirect_vreg.gather [hbm4b:s2+s3], $0x80, v4, vm0, $0xb8;
	[tilespmem:$0x1D000] =	vst v63  }
0x3ed: {  	s14 =	simm.s32 $0x2800  }
0x3ee: {  	[tilespmem:s14], [sflag:$0x1] =	stream.indirect_vreg.gather [hbm4b:s2+s3], $0x80, v3, vm0, $0xb8;
	[tilespmem:$0x1D000] =	vst v63  }
0x3ef: {  	v3 =	vld [tilespmem:$0x620];
	_ =	sdelay $0x4  }
0x3f0: {  	v38 =	vshll.u32 v3, $0x1  }
0x3f1: {  	v3 =	vand.u32 $0x7, v3;
	v4 =	vand.u32 $0xFFFFFFF0, v38  }
0x3f2: {  	v3 =	vor.u32 v3, v4  }
0x3f3: {  	v4 =	vperm.xlane v3, v0;
	_ =	sdelay $0x1  }
0x3f4: {  	v3 =	vperm.xlane v3, v2;
	v4 =	vadd.s32 v1, v4;
	_ =	sdelay $0x1  }
0x3f5: {  	v3 =	vadd.s32 v1, v3;
	_ =	sdelay $0x1  }
0x3f6: {  	s0 =	simm.s32 $0x3000  }
0x3f7: {  	[tilespmem:s0], [sflag:$0x1] =	stream.indirect_vreg.gather [hbm4b:s2+s3], $0x80, v4, vm0, $0xb8;
	[tilespmem:$0x1D000] =	vst v63  }
0x3f8: {  	s14 =	simm.s32 $0x3800  }
0x3f9: {  	[tilespmem:s14], [sflag:$0x1] =	stream.indirect_vreg.gather [hbm4b:s2+s3], $0x80, v3, vm0, $0xb8;
	[tilespmem:$0x1D000] =	vst v63  }
0x3fa: {  	v3 =	vld [tilespmem:$0x630];
	_ =	sdelay $0x4  }
0x3fb: {  	v39 =	vshll.u32 v3, $0x1  }
0x3fc: {  	v3 =	vand.u32 $0x7, v3;
	v4 =	vand.u32 $0xFFFFFFF0, v39  }
0x3fd: {  	v3 =	vor.u32 v3, v4  }
0x3fe: {  	v4 =	vperm.xlane v3, v0;
	_ =	sdelay $0x1  }
0x3ff: {  	v3 =	vperm.xlane v3, v2;
	v4 =	vadd.s32 v1, v4;
	_ =	sdelay $0x1  }
0x400: {  	v3 =	vadd.s32 v1, v3;
	_ =	sdelay $0x1  }
0x401: {  	s4 =	simm.s32 $0x4000  }
0x402: {  	[tilespmem:s4], [sflag:$0x1] =	stream.indirect_vreg.gather [hbm4b:s2+s3], $0x80, v4, vm0, $0xb8;
	[tilespmem:$0x1D000] =	vst v63  }
0x403: {  	s14 =	simm.s32 $0x4800  }
0x404: {  	[tilespmem:s14], [sflag:$0x1] =	stream.indirect_vreg.gather [hbm4b:s2+s3], $0x80, v3, vm0, $0xb8;
	[tilespmem:$0x1D000] =	vst v63  }
0x405: {  	v3 =	vld [tilespmem:$0x640];
	_ =	sdelay $0x4  }
0x406: {  	v40 =	vshll.u32 v3, $0x1  }
0x407: {  	v3 =	vand.u32 $0x7, v3;
	v4 =	vand.u32 $0xFFFFFFF0, v40  }
0x408: {  	v3 =	vor.u32 v3, v4  }
0x409: {  	v4 =	vperm.xlane v3, v0;
	_ =	sdelay $0x1  }
0x40a: {  	v3 =	vperm.xlane v3, v2;
	v4 =	vadd.s32 v1, v4;
	_ =	sdelay $0x1  }
0x40b: {  	v3 =	vadd.s32 v1, v3;
	_ =	sdelay $0x1  }
0x40c: {  	s5 =	simm.s32 $0x5000  }
0x40d: {  	[tilespmem:s5], [sflag:$0x1] =	stream.indirect_vreg.gather [hbm4b:s2+s3], $0x80, v4, vm0, $0xb8;
	[tilespmem:$0x1D000] =	vst v63  }
0x40e: {  	s14 =	simm.s32 $0x5800  }
0x40f: {  	[tilespmem:s14], [sflag:$0x1] =	stream.indirect_vreg.gather [hbm4b:s2+s3], $0x80, v3, vm0, $0xb8;
	[tilespmem:$0x1D000] =	vst v63  }
0x410: {  	v3 =	vld [tilespmem:$0x650];
	_ =	sdelay $0x4  }
0x411: {  	v41 =	vshll.u32 v3, $0x1  }
0x412: {  	v3 =	vand.u32 $0x7, v3;
	v4 =	vand.u32 $0xFFFFFFF0, v41  }
0x413: {  	v3 =	vor.u32 v3, v4  }
0x414: {  	v4 =	vperm.xlane v3, v0;
	_ =	sdelay $0x1  }
0x415: {  	v3 =	vperm.xlane v3, v2;
	v4 =	vadd.s32 v1, v4;
	_ =	sdelay $0x1  }
0x416: {  	v3 =	vadd.s32 v1, v3;
	_ =	sdelay $0x1  }
0x417: {  	s6 =	simm.s32 $0x6000  }
0x418: {  	[tilespmem:s6], [sflag:$0x1] =	stream.indirect_vreg.gather [hbm4b:s2+s3], $0x80, v4, vm0, $0xb8;
	[tilespmem:$0x1D000] =	vst v63  }
0x419: {  	s14 =	simm.s32 $0x6800  }
0x41a: {  	[tilespmem:s14], [sflag:$0x1] =	stream.indirect_vreg.gather [hbm4b:s2+s3], $0x80, v3, vm0, $0xb8;
	[tilespmem:$0x1D000] =	vst v63  }
0x41b: {  	v3 =	vld [tilespmem:$0x660];
	_ =	sdelay $0x4  }
0x41c: {  	v42 =	vshll.u32 v3, $0x1  }
0x41d: {  	v3 =	vand.u32 $0x7, v3;
	v4 =	vand.u32 $0xFFFFFFF0, v42  }
0x41e: {  	v3 =	vor.u32 v3, v4  }
0x41f: {  	v4 =	vperm.xlane v3, v0;
	_ =	sdelay $0x1  }
0x420: {  	v3 =	vperm.xlane v3, v2;
	v4 =	vadd.s32 v1, v4;
	_ =	sdelay $0x1  }
0x421: {  	v3 =	vadd.s32 v1, v3;
	_ =	sdelay $0x1  }
0x422: {  	s7 =	simm.s32 $0x7000  }
0x423: {  	[tilespmem:s7], [sflag:$0x1] =	stream.indirect_vreg.gather [hbm4b:s2+s3], $0x80, v4, vm0, $0xb8;
	[tilespmem:$0x1D000] =	vst v63  }
0x424: {  	s14 =	simm.s32 $0x7800  }
0x425: {  	[tilespmem:s14], [sflag:$0x1] =	stream.indirect_vreg.gather [hbm4b:s2+s3], $0x80, v3, vm0, $0xb8;
	[tilespmem:$0x1D000] =	vst v63  }
0x426: {  	v3 =	vld [tilespmem:$0x680];
	_ =	sdelay $0x4  }
0x427: {  	v43 =	vshll.u32 v3, $0x1  }
0x428: {  	v3 =	vand.u32 $0x7, v3;
	v4 =	vand.u32 $0xFFFFFFF0, v43  }
0x429: {  	v3 =	vor.u32 v3, v4  }
0x42a: {  	v4 =	vperm.xlane v3, v0;
	_ =	sdelay $0x1  }
0x42b: {  	v3 =	vperm.xlane v3, v2;
	v4 =	vadd.s32 v1, v4;
	_ =	sdelay $0x1  }
0x42c: {  	v3 =	vadd.s32 v1, v3;
	_ =	sdelay $0x1  }
0x42d: {  	s1 =	simm.s32 $0x8000  }
0x42e: {  	[tilespmem:s1], [sflag:$0x1] =	stream.indirect_vreg.gather [hbm4b:s2+s3], $0x80, v4, vm0, $0xb8;
	[tilespmem:$0x1D000] =	vst v63  }
0x42f: {  	s14 =	simm.s32 $0x8800  }
0x430: {  	[tilespmem:s14], [sflag:$0x1] =	stream.indirect_vreg.gather [hbm4b:s2+s3], $0x80, v3, vm0, $0xb8;
	[tilespmem:$0x1D000] =	vst v63  }
0x431: {  	v3 =	vld [tilespmem:$0x690];
	_ =	sdelay $0x4  }
0x432: {  	v44 =	vshll.u32 v3, $0x1  }
0x433: {  	v3 =	vand.u32 $0x7, v3;
	v4 =	vand.u32 $0xFFFFFFF0, v44  }
0x434: {  	v3 =	vor.u32 v3, v4  }
0x435: {  	v4 =	vperm.xlane v3, v0;
	_ =	sdelay $0x1  }
0x436: {  	v3 =	vperm.xlane v3, v2;
	v4 =	vadd.s32 v1, v4;
	_ =	sdelay $0x1  }
0x437: {  	v3 =	vadd.s32 v1, v3;
	_ =	sdelay $0x1  }
0x438: {  	s19 =	simm.s32 $0x9000  }
0x439: {  	[tilespmem:s19], [sflag:$0x1] =	stream.indirect_vreg.gather [hbm4b:s2+s3], $0x80, v4, vm0, $0xb8;
	[tilespmem:$0x1D000] =	vst v63  }
0x43a: {  	s14 =	simm.s32 $0x9800  }
0x43b: {  	[tilespmem:s14], [sflag:$0x1] =	stream.indirect_vreg.gather [hbm4b:s2+s3], $0x80, v3, vm0, $0xb8;
	[tilespmem:$0x1D000] =	vst v63  }
0x43c: {  	v3 =	vld [tilespmem:$0x6A0];
	_ =	sdelay $0x4  }
0x43d: {  	v45 =	vshll.u32 v3, $0x1  }
0x43e: {  	v3 =	vand.u32 $0x7, v3;
	v4 =	vand.u32 $0xFFFFFFF0, v45  }
0x43f: {  	v3 =	vor.u32 v3, v4  }
0x440: {  	v4 =	vperm.xlane v3, v0;
	_ =	sdelay $0x1  }
0x441: {  	v3 =	vperm.xlane v3, v2;
	v4 =	vadd.s32 v1, v4;
	_ =	sdelay $0x1  }
0x442: {  	v3 =	vadd.s32 v1, v3;
	_ =	sdelay $0x1  }
0x443: {  	s20 =	simm.s32 $0xA000  }
0x444: {  	[tilespmem:s20], [sflag:$0x1] =	stream.indirect_vreg.gather [hbm4b:s2+s3], $0x80, v4, vm0, $0xb8;
	[tilespmem:$0x1D000] =	vst v63  }
0x445: {  	s18 =	simm.s32 $0xA800  }
0x446: {  	[tilespmem:s18], [sflag:$0x1] =	stream.indirect_vreg.gather [hbm4b:s2+s3], $0x80, v3, vm0, $0xb8;
	[tilespmem:$0x1D000] =	vst v63  }
0x447: {  	v3 =	vld [tilespmem:$0x6B0];
	_ =	sdelay $0x4  }
0x448: {  	v46 =	vshll.u32 v3, $0x1  }
0x449: {  	v3 =	vand.u32 $0x7, v3;
	v4 =	vand.u32 $0xFFFFFFF0, v46  }
0x44a: {  	v3 =	vor.u32 v3, v4  }
0x44b: {  	v4 =	vperm.xlane v3, v0;
	_ =	sdelay $0x1  }
0x44c: {  	v3 =	vperm.xlane v3, v2;
	v4 =	vadd.s32 v1, v4;
	_ =	sdelay $0x1  }
0x44d: {  	v3 =	vadd.s32 v1, v3;
	_ =	sdelay $0x1  }
0x44e: {  	s9 =	simm.s32 $0xB000  }
0x44f: {  	[tilespmem:s9], [sflag:$0x1] =	stream.indirect_vreg.gather [hbm4b:s2+s3], $0x80, v4, vm0, $0xb8;
	[tilespmem:$0x1D000] =	vst v63  }
0x450: {  	s21 =	simm.s32 $0xB800  }
0x451: {  	[tilespmem:s21], [sflag:$0x1] =	stream.indirect_vreg.gather [hbm4b:s2+s3], $0x80, v3, vm0, $0xb8;
	[tilespmem:$0x1D000] =	vst v63  }
0x452: {  	v3 =	vld [tilespmem:$0x6C0];
	_ =	sdelay $0x4  }
0x453: {  	v47 =	vshll.u32 v3, $0x1  }
0x454: {  	v3 =	vand.u32 $0x7, v3;
	v4 =	vand.u32 $0xFFFFFFF0, v47  }
0x455: {  	v3 =	vor.u32 v3, v4  }
0x456: {  	v4 =	vperm.xlane v3, v0;
	_ =	sdelay $0x1  }
0x457: {  	v3 =	vperm.xlane v3, v2;
	v4 =	vadd.s32 v1, v4;
	_ =	sdelay $0x1  }
0x458: {  	v3 =	vadd.s32 v1, v3;
	_ =	sdelay $0x1  }
0x459: {  	s15 =	simm.s32 $0xC000  }
0x45a: {  	[tilespmem:s15], [sflag:$0x1] =	stream.indirect_vreg.gather [hbm4b:s2+s3], $0x80, v4, vm0, $0xb8;
	[tilespmem:$0x1D000] =	vst v63  }
0x45b: {  	s22 =	simm.s32 $0xC800  }
0x45c: {  	[tilespmem:s22], [sflag:$0x1] =	stream.indirect_vreg.gather [hbm4b:s2+s3], $0x80, v3, vm0, $0xb8;
	[tilespmem:$0x1D000] =	vst v63  }
0x45d: {  	v3 =	vld [tilespmem:$0x6D0];
	_ =	sdelay $0x4  }
0x45e: {  	v48 =	vshll.u32 v3, $0x1  }
0x45f: {  	v3 =	vand.u32 $0x7, v3;
	v4 =	vand.u32 $0xFFFFFFF0, v48  }
0x460: {  	v3 =	vor.u32 v3, v4  }
0x461: {  	v4 =	vperm.xlane v3, v0;
	_ =	sdelay $0x1  }
0x462: {  	v3 =	vperm.xlane v3, v2;
	v4 =	vadd.s32 v1, v4;
	_ =	sdelay $0x1  }
0x463: {  	v3 =	vadd.s32 v1, v3;
	_ =	sdelay $0x1  }
0x464: {  	s16 =	simm.s32 $0xD000  }
0x465: {  	[tilespmem:s16], [sflag:$0x1] =	stream.indirect_vreg.gather [hbm4b:s2+s3], $0x80, v4, vm0, $0xb8;
	[tilespmem:$0x1D000] =	vst v63  }
0x466: {  	s23 =	simm.s32 $0xD800  }
0x467: {  	[tilespmem:s23], [sflag:$0x1] =	stream.indirect_vreg.gather [hbm4b:s2+s3], $0x80, v3, vm0, $0xb8;
	[tilespmem:$0x1D000] =	vst v63  }
0x468: {  	v3 =	vld [tilespmem:$0x6E0];
	_ =	sdelay $0x4  }
0x469: {  	v49 =	vshll.u32 v3, $0x1  }
0x46a: {  	v3 =	vand.u32 $0x7, v3;
	v4 =	vand.u32 $0xFFFFFFF0, v49  }
0x46b: {  	v3 =	vor.u32 v3, v4  }
0x46c: {  	v4 =	vperm.xlane v3, v0;
	_ =	sdelay $0x1  }
0x46d: {  	v3 =	vperm.xlane v3, v2;
	v4 =	vadd.s32 v1, v4;
	_ =	sdelay $0x1  }
0x46e: {  	v3 =	vadd.s32 v1, v3;
	_ =	sdelay $0x1  }
0x46f: {  	s17 =	simm.s32 $0xE000  }
0x470: {  	[tilespmem:s17], [sflag:$0x1] =	stream.indirect_vreg.gather [hbm4b:s2+s3], $0x80, v4, vm0, $0xb8;
	[tilespmem:$0x1D000] =	vst v63  }
0x471: {  	s14 =	simm.s32 $0xE800  }
0x472: {  	[tilespmem:s14], [sflag:$0x1] =	stream.indirect_vreg.gather [hbm4b:s2+s3], $0x80, v3, vm0, $0xb8;
	[tilespmem:$0x1D000] =	vst v63  }
0x473: {  	_ =	swait.ge [sflag:s12], $0x7000  }
0x474: {  	[sflag:s12] =	ssyncset.done $0x0  }
0x475: {  	[sflag:s12] =	ssyncadd.s32 $0xFFFF9000  }
0x476: {  	_ =	swait.ge [sflag:s12], $0x7000  }
0x477: {  	[sflag:s12] =	ssyncset.done $0x0  }
0x478: {  	s14 =	rddreg [dreg:$0x8];
	[sflag:s12] =	ssyncadd.s32 $0xFFFF9000  }
0x479: {  	[hbm4b:s14+s3] =	stream.linear.scatter [tilespmem:s8], [sflag:$0x4], $0xE000, $0x38;
	[tilespmem:$0x1D000] =	vst v63  }
0x47a: {  	_ =	swait.ge [sflag:s13], $0xE000  }
0x47b: {  	[sflag:s13] =	ssyncset.done $0x0  }
0x47c: {  	[sflag:s13] =	ssyncadd.s32 $0xFFFF2000  }
0x47d: {  	v3 =	vld [tilespmem:$0x700];
	_ =	sdelay $0x4  }
0x47e: {  	v50 =	vshll.u32 v3, $0x1  }
0x47f: {  	v3 =	vand.u32 $0x7, v3;
	v4 =	vand.u32 $0xFFFFFFF0, v50  }
0x480: {  	v3 =	vor.u32 v3, v4  }
0x481: {  	v4 =	vperm.xlane v3, v0;
	_ =	sdelay $0x1  }
0x482: {  	v3 =	vperm.xlane v3, v2;
	v4 =	vadd.s32 v1, v4;
	_ =	sdelay $0x1  }
0x483: {  	v3 =	vadd.s32 v1, v3;
	_ =	sdelay $0x2  }
0x484: {  	[tilespmem:s8], [sflag:$0x2] =	stream.indirect_vreg.gather [hbm4b:s2+s3], $0x80, v4, vm0, $0xb8;
	[tilespmem:$0x1D000] =	vst v63  }
0x485: {  	s14 =	simm.s32 $0xF800  }
0x486: {  	[tilespmem:s14], [sflag:$0x2] =	stream.indirect_vreg.gather [hbm4b:s2+s3], $0x80, v3, vm0, $0xb8;
	[tilespmem:$0x1D000] =	vst v63  }
0x487: {  	v3 =	vld [tilespmem:$0x710];
	_ =	sdelay $0x4  }
0x488: {  	v51 =	vshll.u32 v3, $0x1  }
0x489: {  	v3 =	vand.u32 $0x7, v3;
	v4 =	vand.u32 $0xFFFFFFF0, v51  }
0x48a: {  	v3 =	vor.u32 v3, v4  }
0x48b: {  	v4 =	vperm.xlane v3, v0;
	_ =	sdelay $0x1  }
0x48c: {  	v3 =	vperm.xlane v3, v2;
	v4 =	vadd.s32 v1, v4;
	_ =	sdelay $0x1  }
0x48d: {  	v3 =	vadd.s32 v1, v3;
	_ =	sdelay $0x1  }
0x48e: {  	s24 =	simm.s32 $0x10000  }
0x48f: {  	[tilespmem:s24], [sflag:$0x2] =	stream.indirect_vreg.gather [hbm4b:s2+s3], $0x80, v4, vm0, $0xb8;
	[tilespmem:$0x1D000] =	vst v63  }
0x490: {  	s14 =	simm.s32 $0x10800  }
0x491: {  	[tilespmem:s14], [sflag:$0x2] =	stream.indirect_vreg.gather [hbm4b:s2+s3], $0x80, v3, vm0, $0xb8;
	[tilespmem:$0x1D000] =	vst v63  }
0x492: {  	v3 =	vld [tilespmem:$0x720];
	_ =	sdelay $0x4  }
0x493: {  	v52 =	vshll.u32 v3, $0x1  }
0x494: {  	v3 =	vand.u32 $0x7, v3;
	v4 =	vand.u32 $0xFFFFFFF0, v52  }
0x495: {  	v3 =	vor.u32 v3, v4  }
0x496: {  	v4 =	vperm.xlane v3, v0;
	_ =	sdelay $0x1  }
0x497: {  	v3 =	vperm.xlane v3, v2;
	v4 =	vadd.s32 v1, v4;
	_ =	sdelay $0x1  }
0x498: {  	v3 =	vadd.s32 v1, v3;
	_ =	sdelay $0x1  }
0x499: {  	s26 =	simm.s32 $0x11000  }
0x49a: {  	[tilespmem:s26], [sflag:$0x2] =	stream.indirect_vreg.gather [hbm4b:s2+s3], $0x80, v4, vm0, $0xb8;
	[tilespmem:$0x1D000] =	vst v63  }
0x49b: {  	s14 =	simm.s32 $0x11800  }
0x49c: {  	[tilespmem:s14], [sflag:$0x2] =	stream.indirect_vreg.gather [hbm4b:s2+s3], $0x80, v3, vm0, $0xb8;
	[tilespmem:$0x1D000] =	vst v63  }
0x49d: {  	v3 =	vld [tilespmem:$0x730];
	_ =	sdelay $0x4  }
0x49e: {  	v53 =	vshll.u32 v3, $0x1  }
0x49f: {  	v3 =	vand.u32 $0x7, v3;
	v4 =	vand.u32 $0xFFFFFFF0, v53  }
0x4a0: {  	v3 =	vor.u32 v3, v4  }
0x4a1: {  	v4 =	vperm.xlane v3, v0;
	_ =	sdelay $0x1  }
0x4a2: {  	v3 =	vperm.xlane v3, v2;
	v4 =	vadd.s32 v1, v4;
	_ =	sdelay $0x1  }
0x4a3: {  	v3 =	vadd.s32 v1, v3;
	_ =	sdelay $0x1  }
0x4a4: {  	s14 =	simm.s32 $0x12000  }
0x4a5: {  	[tilespmem:s14], [sflag:$0x2] =	stream.indirect_vreg.gather [hbm4b:s2+s3], $0x80, v4, vm0, $0xb8;
	[tilespmem:$0x1D000] =	vst v63  }
0x4a6: {  	s14 =	simm.s32 $0x12800  }
0x4a7: {  	[tilespmem:s14], [sflag:$0x2] =	stream.indirect_vreg.gather [hbm4b:s2+s3], $0x80, v3, vm0, $0xb8;
	[tilespmem:$0x1D000] =	vst v63  }
0x4a8: {  	v3 =	vld [tilespmem:$0x740];
	_ =	sdelay $0x4  }
0x4a9: {  	v54 =	vshll.u32 v3, $0x1  }
0x4aa: {  	v3 =	vand.u32 $0x7, v3;
	v4 =	vand.u32 $0xFFFFFFF0, v54  }
0x4ab: {  	v3 =	vor.u32 v3, v4  }
0x4ac: {  	v4 =	vperm.xlane v3, v0;
	_ =	sdelay $0x1  }
0x4ad: {  	v3 =	vperm.xlane v3, v2;
	v4 =	vadd.s32 v1, v4;
	_ =	sdelay $0x1  }
0x4ae: {  	v3 =	vadd.s32 v1, v3;
	_ =	sdelay $0x1  }
0x4af: {  	s14 =	simm.s32 $0x13000  }
0x4b0: {  	[tilespmem:s14], [sflag:$0x2] =	stream.indirect_vreg.gather [hbm4b:s2+s3], $0x80, v4, vm0, $0xb8;
	[tilespmem:$0x1D000] =	vst v63  }
0x4b1: {  	s14 =	simm.s32 $0x13800  }
0x4b2: {  	[tilespmem:s14], [sflag:$0x2] =	stream.indirect_vreg.gather [hbm4b:s2+s3], $0x80, v3, vm0, $0xb8;
	[tilespmem:$0x1D000] =	vst v63  }
0x4b3: {  	v3 =	vld [tilespmem:$0x750];
	_ =	sdelay $0x4  }
0x4b4: {  	v55 =	vshll.u32 v3, $0x1  }
0x4b5: {  	v3 =	vand.u32 $0x7, v3;
	v4 =	vand.u32 $0xFFFFFFF0, v55  }
0x4b6: {  	v3 =	vor.u32 v3, v4  }
0x4b7: {  	v4 =	vperm.xlane v3, v0;
	_ =	sdelay $0x1  }
0x4b8: {  	v3 =	vperm.xlane v3, v2;
	v4 =	vadd.s32 v1, v4;
	_ =	sdelay $0x1  }
0x4b9: {  	v3 =	vadd.s32 v1, v3;
	_ =	sdelay $0x1  }
0x4ba: {  	s14 =	simm.s32 $0x14000  }
0x4bb: {  	[tilespmem:s14], [sflag:$0x2] =	stream.indirect_vreg.gather [hbm4b:s2+s3], $0x80, v4, vm0, $0xb8;
	[tilespmem:$0x1D000] =	vst v63  }
0x4bc: {  	s14 =	simm.s32 $0x14800  }
0x4bd: {  	[tilespmem:s14], [sflag:$0x2] =	stream.indirect_vreg.gather [hbm4b:s2+s3], $0x80, v3, vm0, $0xb8;
	[tilespmem:$0x1D000] =	vst v63  }
0x4be: {  	v3 =	vld [tilespmem:$0x760];
	_ =	sdelay $0x4  }
0x4bf: {  	v56 =	vshll.u32 v3, $0x1  }
0x4c0: {  	v3 =	vand.u32 $0x7, v3;
	v4 =	vand.u32 $0xFFFFFFF0, v56  }
0x4c1: {  	v3 =	vor.u32 v3, v4  }
0x4c2: {  	v4 =	vperm.xlane v3, v0;
	_ =	sdelay $0x1  }
0x4c3: {  	v3 =	vperm.xlane v3, v2;
	v4 =	vadd.s32 v1, v4;
	_ =	sdelay $0x1  }
0x4c4: {  	v3 =	vadd.s32 v1, v3;
	_ =	sdelay $0x1  }
0x4c5: {  	s28 =	simm.s32 $0x15000  }
0x4c6: {  	[tilespmem:s28], [sflag:$0x2] =	stream.indirect_vreg.gather [hbm4b:s2+s3], $0x80, v4, vm0, $0xb8;
	[tilespmem:$0x1D000] =	vst v63  }
0x4c7: {  	s14 =	simm.s32 $0x15800  }
0x4c8: {  	[tilespmem:s14], [sflag:$0x2] =	stream.indirect_vreg.gather [hbm4b:s2+s3], $0x80, v3, vm0, $0xb8;
	[tilespmem:$0x1D000] =	vst v63  }
0x4c9: {  	v3 =	vld [tilespmem:$0x780];
	_ =	sdelay $0x4  }
0x4ca: {  	v57 =	vshll.u32 v3, $0x1  }
0x4cb: {  	v3 =	vand.u32 $0x7, v3;
	v4 =	vand.u32 $0xFFFFFFF0, v57  }
0x4cc: {  	v3 =	vor.u32 v3, v4  }
0x4cd: {  	v4 =	vperm.xlane v3, v0;
	_ =	sdelay $0x1  }
0x4ce: {  	v3 =	vperm.xlane v3, v2;
	v4 =	vadd.s32 v1, v4;
	_ =	sdelay $0x1  }
0x4cf: {  	v3 =	vadd.s32 v1, v3;
	_ =	sdelay $0x1  }
0x4d0: {  	s29 =	simm.s32 $0x16000  }
0x4d1: {  	[tilespmem:s29], [sflag:$0x2] =	stream.indirect_vreg.gather [hbm4b:s2+s3], $0x80, v4, vm0, $0xb8;
	[tilespmem:$0x1D000] =	vst v63  }
0x4d2: {  	s14 =	simm.s32 $0x16800  }
0x4d3: {  	[tilespmem:s14], [sflag:$0x2] =	stream.indirect_vreg.gather [hbm4b:s2+s3], $0x80, v3, vm0, $0xb8;
	[tilespmem:$0x1D000] =	vst v63  }
0x4d4: {  	v3 =	vld [tilespmem:$0x790];
	_ =	sdelay $0x4  }
0x4d5: {  	v58 =	vshll.u32 v3, $0x1  }
0x4d6: {  	v3 =	vand.u32 $0x7, v3;
	v4 =	vand.u32 $0xFFFFFFF0, v58  }
0x4d7: {  	v3 =	vor.u32 v3, v4  }
0x4d8: {  	v4 =	vperm.xlane v3, v0;
	_ =	sdelay $0x1  }
0x4d9: {  	v3 =	vperm.xlane v3, v2;
	v4 =	vadd.s32 v1, v4;
	_ =	sdelay $0x1  }
0x4da: {  	v3 =	vadd.s32 v1, v3;
	_ =	sdelay $0x1  }
0x4db: {  	s30 =	simm.s32 $0x17000  }
0x4dc: {  	[tilespmem:s30], [sflag:$0x2] =	stream.indirect_vreg.gather [hbm4b:s2+s3], $0x80, v4, vm0, $0xb8;
	[tilespmem:$0x1D000] =	vst v63  }
0x4dd: {  	s14 =	simm.s32 $0x17800  }
0x4de: {  	[tilespmem:s14], [sflag:$0x2] =	stream.indirect_vreg.gather [hbm4b:s2+s3], $0x80, v3, vm0, $0xb8;
	[tilespmem:$0x1D000] =	vst v63  }
0x4df: {  	v3 =	vld [tilespmem:$0x7A0];
	_ =	sdelay $0x4  }
0x4e0: {  	v59 =	vshll.u32 v3, $0x1  }
0x4e1: {  	v3 =	vand.u32 $0x7, v3;
	v4 =	vand.u32 $0xFFFFFFF0, v59  }
0x4e2: {  	v3 =	vor.u32 v3, v4  }
0x4e3: {  	v4 =	vperm.xlane v3, v0;
	_ =	sdelay $0x1  }
0x4e4: {  	v3 =	vperm.xlane v3, v2;
	v4 =	vadd.s32 v1, v4;
	_ =	sdelay $0x1  }
0x4e5: {  	v3 =	vadd.s32 v1, v3;
	_ =	sdelay $0x1  }
0x4e6: {  	s31 =	simm.s32 $0x18000  }
0x4e7: {  	[tilespmem:s31], [sflag:$0x2] =	stream.indirect_vreg.gather [hbm4b:s2+s3], $0x80, v4, vm0, $0xb8;
	[tilespmem:$0x1D000] =	vst v63  }
0x4e8: {  	s14 =	simm.s32 $0x18800  }
0x4e9: {  	[tilespmem:s14], [sflag:$0x2] =	stream.indirect_vreg.gather [hbm4b:s2+s3], $0x80, v3, vm0, $0xb8;
	[tilespmem:$0x1D000] =	vst v63  }
0x4ea: {  	v3 =	vld [tilespmem:$0x7B0];
	_ =	sdelay $0x4  }
0x4eb: {  	v60 =	vshll.u32 v3, $0x1  }
0x4ec: {  	v3 =	vand.u32 $0x7, v3;
	v4 =	vand.u32 $0xFFFFFFF0, v60  }
0x4ed: {  	v3 =	vor.u32 v3, v4  }
0x4ee: {  	v4 =	vperm.xlane v3, v0;
	_ =	sdelay $0x1  }
0x4ef: {  	v3 =	vperm.xlane v3, v2;
	v4 =	vadd.s32 v1, v4;
	_ =	sdelay $0x1  }
0x4f0: {  	v3 =	vadd.s32 v1, v3;
	_ =	sdelay $0x1  }
0x4f1: {  	s14 =	simm.s32 $0x19000  }
0x4f2: {  	[tilespmem:s14], [sflag:$0x2] =	stream.indirect_vreg.gather [hbm4b:s2+s3], $0x80, v4, vm0, $0xb8;
	[tilespmem:$0x1D000] =	vst v63  }
0x4f3: {  	s14 =	simm.s32 $0x19800  }
0x4f4: {  	[tilespmem:s14], [sflag:$0x2] =	stream.indirect_vreg.gather [hbm4b:s2+s3], $0x80, v3, vm0, $0xb8;
	[tilespmem:$0x1D000] =	vst v63  }
0x4f5: {  	v3 =	vld [tilespmem:$0x7C0];
	_ =	sdelay $0x4  }
0x4f6: {  	v61 =	vshll.u32 v3, $0x1  }
0x4f7: {  	v3 =	vand.u32 $0x7, v3;
	v4 =	vand.u32 $0xFFFFFFF0, v61  }
0x4f8: {  	v3 =	vor.u32 v3, v4  }
0x4f9: {  	v4 =	vperm.xlane v3, v0;
	_ =	sdelay $0x1  }
0x4fa: {  	v3 =	vperm.xlane v3, v2;
	v4 =	vadd.s32 v1, v4;
	_ =	sdelay $0x1  }
0x4fb: {  	v3 =	vadd.s32 v1, v3;
	_ =	sdelay $0x1  }
0x4fc: {  	s14 =	simm.s32 $0x1A000  }
0x4fd: {  	[tilespmem:s14], [sflag:$0x2] =	stream.indirect_vreg.gather [hbm4b:s2+s3], $0x80, v4, vm0, $0xb8;
	[tilespmem:$0x1D000] =	vst v63  }
0x4fe: {  	s14 =	simm.s32 $0x1A800  }
0x4ff: {  	[tilespmem:s14], [sflag:$0x2] =	stream.indirect_vreg.gather [hbm4b:s2+s3], $0x80, v3, vm0, $0xb8;
	[tilespmem:$0x1D000] =	vst v63  }
0x500: {  	v3 =	vld [tilespmem:$0x7D0];
	_ =	sdelay $0x4  }
0x501: {  	v62 =	vshll.u32 v3, $0x1  }
0x502: {  	v3 =	vand.u32 $0x7, v3;
	v4 =	vand.u32 $0xFFFFFFF0, v62  }
0x503: {  	v3 =	vor.u32 v3, v4  }
0x504: {  	v4 =	vperm.xlane v3, v0;
	_ =	sdelay $0x1  }
0x505: {  	v3 =	vperm.xlane v3, v2;
	v4 =	vadd.s32 v1, v4;
	_ =	sdelay $0x1  }
0x506: {  	v3 =	vadd.s32 v1, v3;
	_ =	sdelay $0x1  }
0x507: {  	s14 =	simm.s32 $0x1B000  }
0x508: {  	[tilespmem:s14], [sflag:$0x2] =	stream.indirect_vreg.gather [hbm4b:s2+s3], $0x80, v4, vm0, $0xb8;
	[tilespmem:$0x1D000] =	vst v63  }
0x509: {  	s14 =	simm.s32 $0x1B800  }
0x50a: {  	[tilespmem:s14], [sflag:$0x2] =	stream.indirect_vreg.gather [hbm4b:s2+s3], $0x80, v3, vm0, $0xb8;
	[tilespmem:$0x1D000] =	vst v63  }
0x50b: {  	v3 =	vld [tilespmem:$0x7E0];
	_ =	sdelay $0x4  }
0x50c: {  	v63 =	vshll.u32 v3, $0x1  }
0x50d: {  	v3 =	vand.u32 $0x7, v3;
	v4 =	vand.u32 $0xFFFFFFF0, v63  }
0x50e: {  	v3 =	vor.u32 v3, v4  }
0x50f: {  	v4 =	vperm.xlane v3, v0;
	_ =	sdelay $0x1  }
0x510: {  	v3 =	vperm.xlane v3, v2;
	v4 =	vadd.s32 v1, v4;
	_ =	sdelay $0x1  }
0x511: {  	v3 =	vadd.s32 v1, v3;
	_ =	sdelay $0x1  }
0x512: {  	s14 =	simm.s32 $0x1C000  }
0x513: {  	[tilespmem:s14], [sflag:$0x2] =	stream.indirect_vreg.gather [hbm4b:s2+s3], $0x80, v4, vm0, $0xb8;
	[tilespmem:$0x1D000] =	vst v63  }
0x514: {  	s14 =	simm.s32 $0x1C800  }
0x515: {  	[tilespmem:s14], [sflag:$0x2] =	stream.indirect_vreg.gather [hbm4b:s2+s3], $0x80, v3, vm0, $0xb8;
	[tilespmem:$0x1D000] =	vst v63  }
0x516: {  	_ =	swait.ge [sflag:s10], $0x7000  }
0x517: {  	[sflag:s10] =	ssyncset.done $0x0  }
0x518: {  	[sflag:s10] =	ssyncadd.s32 $0xFFFF9000  }
0x519: {  	_ =	swait.ge [sflag:s10], $0x7000  }
0x51a: {  	[sflag:s10] =	ssyncset.done $0x0  }
0x51b: {  	s14 =	rddreg [dreg:$0x9];
	[sflag:s10] =	ssyncadd.s32 $0xFFFF9000  }
0x51c: {  	[hbm4b:s14+s3] =	stream.linear.scatter [tilespmem:s25], [sflag:$0x3], $0xE000, $0x38;
	[tilespmem:$0x1D000] =	vst v63  }
0x51d: {  	_ =	swait.ge [sflag:s11], $0xE000  }
0x51e: {  	[sflag:s11] =	ssyncset.done $0x0  }
0x51f: {  	[sflag:s11] =	ssyncadd.s32 $0xFFFF2000  }
0x520: {  	v3 =	vld [tilespmem:$0x800];
	_ =	sdelay $0x4  }
0x521: {  	v8 =	vshll.u32 v3, $0x1  }
0x522: {  	v3 =	vand.u32 $0x7, v3;
	v4 =	vand.u32 $0xFFFFFFF0, v8  }
0x523: {  	v3 =	vor.u32 v3, v4  }
0x524: {  	v4 =	vperm.xlane v3, v0;
	_ =	sdelay $0x1  }
0x525: {  	v3 =	vperm.xlane v3, v2;
	v4 =	vadd.s32 v1, v4;
	_ =	sdelay $0x1  }
0x526: {  	v3 =	vadd.s32 v1, v3;
	_ =	sdelay $0x2  }
0x527: {  	[tilespmem:s25], [sflag:$0x1] =	stream.indirect_vreg.gather [hbm4b:s2+s3], $0x80, v4, vm0, $0xb8;
	[tilespmem:$0x1D000] =	vst v63  }
0x528: {  	s14 =	simm.s32 $0x1800  }
0x529: {  	[tilespmem:s14], [sflag:$0x1] =	stream.indirect_vreg.gather [hbm4b:s2+s3], $0x80, v3, vm0, $0xb8;
	[tilespmem:$0x1D000] =	vst v63  }
0x52a: {  	v3 =	vld [tilespmem:$0x810];
	_ =	sdelay $0x4  }
0x52b: {  	v9 =	vshll.u32 v3, $0x1  }
0x52c: {  	v3 =	vand.u32 $0x7, v3;
	v4 =	vand.u32 $0xFFFFFFF0, v9  }
0x52d: {  	v3 =	vor.u32 v3, v4  }
0x52e: {  	v4 =	vperm.xlane v3, v0;
	_ =	sdelay $0x1  }
0x52f: {  	v3 =	vperm.xlane v3, v2;
	v4 =	vadd.s32 v1, v4;
	_ =	sdelay $0x1  }
0x530: {  	v3 =	vadd.s32 v1, v3;
	_ =	sdelay $0x1  }
0x531: {  	s14 =	simm.s32 $0x2000  }
0x532: {  	[tilespmem:s14], [sflag:$0x1] =	stream.indirect_vreg.gather [hbm4b:s2+s3], $0x80, v4, vm0, $0xb8;
	[tilespmem:$0x1D000] =	vst v63  }
0x533: {  	s14 =	simm.s32 $0x2800  }
0x534: {  	[tilespmem:s14], [sflag:$0x1] =	stream.indirect_vreg.gather [hbm4b:s2+s3], $0x80, v3, vm0, $0xb8;
	[tilespmem:$0x1D000] =	vst v63  }
0x535: {  	v3 =	vld [tilespmem:$0x820];
	_ =	sdelay $0x4  }
0x536: {  	v10 =	vshll.u32 v3, $0x1  }
0x537: {  	v3 =	vand.u32 $0x7, v3;
	v4 =	vand.u32 $0xFFFFFFF0, v10  }
0x538: {  	v3 =	vor.u32 v3, v4  }
0x539: {  	v4 =	vperm.xlane v3, v0;
	_ =	sdelay $0x1  }
0x53a: {  	v3 =	vperm.xlane v3, v2;
	v4 =	vadd.s32 v1, v4;
	_ =	sdelay $0x1  }
0x53b: {  	v3 =	vadd.s32 v1, v3;
	_ =	sdelay $0x1  }
0x53c: {  	s0 =	simm.s32 $0x3000  }
0x53d: {  	[tilespmem:s0], [sflag:$0x1] =	stream.indirect_vreg.gather [hbm4b:s2+s3], $0x80, v4, vm0, $0xb8;
	[tilespmem:$0x1D000] =	vst v63  }
0x53e: {  	s14 =	simm.s32 $0x3800  }
0x53f: {  	[tilespmem:s14], [sflag:$0x1] =	stream.indirect_vreg.gather [hbm4b:s2+s3], $0x80, v3, vm0, $0xb8;
	[tilespmem:$0x1D000] =	vst v63  }
0x540: {  	v3 =	vld [tilespmem:$0x830];
	_ =	sdelay $0x4  }
0x541: {  	v11 =	vshll.u32 v3, $0x1  }
0x542: {  	v3 =	vand.u32 $0x7, v3;
	v4 =	vand.u32 $0xFFFFFFF0, v11  }
0x543: {  	v3 =	vor.u32 v3, v4  }
0x544: {  	v4 =	vperm.xlane v3, v0;
	_ =	sdelay $0x1  }
0x545: {  	v3 =	vperm.xlane v3, v2;
	v4 =	vadd.s32 v1, v4;
	_ =	sdelay $0x1  }
0x546: {  	v3 =	vadd.s32 v1, v3;
	_ =	sdelay $0x1  }
0x547: {  	s4 =	simm.s32 $0x4000  }
0x548: {  	[tilespmem:s4], [sflag:$0x1] =	stream.indirect_vreg.gather [hbm4b:s2+s3], $0x80, v4, vm0, $0xb8;
	[tilespmem:$0x1D000] =	vst v63  }
0x549: {  	s14 =	simm.s32 $0x4800  }
0x54a: {  	[tilespmem:s14], [sflag:$0x1] =	stream.indirect_vreg.gather [hbm4b:s2+s3], $0x80, v3, vm0, $0xb8;
	[tilespmem:$0x1D000] =	vst v63  }
0x54b: {  	v3 =	vld [tilespmem:$0x840];
	_ =	sdelay $0x4  }
0x54c: {  	v12 =	vshll.u32 v3, $0x1  }
0x54d: {  	v3 =	vand.u32 $0x7, v3;
	v4 =	vand.u32 $0xFFFFFFF0, v12  }
0x54e: {  	v3 =	vor.u32 v3, v4  }
0x54f: {  	v4 =	vperm.xlane v3, v0;
	_ =	sdelay $0x1  }
0x550: {  	v3 =	vperm.xlane v3, v2;
	v4 =	vadd.s32 v1, v4;
	_ =	sdelay $0x1  }
0x551: {  	v3 =	vadd.s32 v1, v3;
	_ =	sdelay $0x1  }
0x552: {  	s5 =	simm.s32 $0x5000  }
0x553: {  	[tilespmem:s5], [sflag:$0x1] =	stream.indirect_vreg.gather [hbm4b:s2+s3], $0x80, v4, vm0, $0xb8;
	[tilespmem:$0x1D000] =	vst v63  }
0x554: {  	s14 =	simm.s32 $0x5800  }
0x555: {  	[tilespmem:s14], [sflag:$0x1] =	stream.indirect_vreg.gather [hbm4b:s2+s3], $0x80, v3, vm0, $0xb8;
	[tilespmem:$0x1D000] =	vst v63  }
0x556: {  	v3 =	vld [tilespmem:$0x850];
	_ =	sdelay $0x4  }
0x557: {  	v13 =	vshll.u32 v3, $0x1  }
0x558: {  	v3 =	vand.u32 $0x7, v3;
	v4 =	vand.u32 $0xFFFFFFF0, v13  }
0x559: {  	v3 =	vor.u32 v3, v4  }
0x55a: {  	v4 =	vperm.xlane v3, v0;
	_ =	sdelay $0x1  }
0x55b: {  	v3 =	vperm.xlane v3, v2;
	v4 =	vadd.s32 v1, v4;
	_ =	sdelay $0x1  }
0x55c: {  	v3 =	vadd.s32 v1, v3;
	_ =	sdelay $0x1  }
0x55d: {  	s6 =	simm.s32 $0x6000  }
0x55e: {  	[tilespmem:s6], [sflag:$0x1] =	stream.indirect_vreg.gather [hbm4b:s2+s3], $0x80, v4, vm0, $0xb8;
	[tilespmem:$0x1D000] =	vst v63  }
0x55f: {  	s14 =	simm.s32 $0x6800  }
0x560: {  	[tilespmem:s14], [sflag:$0x1] =	stream.indirect_vreg.gather [hbm4b:s2+s3], $0x80, v3, vm0, $0xb8;
	[tilespmem:$0x1D000] =	vst v63  }
0x561: {  	v3 =	vld [tilespmem:$0x860];
	_ =	sdelay $0x4  }
0x562: {  	v14 =	vshll.u32 v3, $0x1  }
0x563: {  	v3 =	vand.u32 $0x7, v3;
	v4 =	vand.u32 $0xFFFFFFF0, v14  }
0x564: {  	v3 =	vor.u32 v3, v4  }
0x565: {  	v4 =	vperm.xlane v3, v0;
	_ =	sdelay $0x1  }
0x566: {  	v3 =	vperm.xlane v3, v2;
	v4 =	vadd.s32 v1, v4;
	_ =	sdelay $0x1  }
0x567: {  	v3 =	vadd.s32 v1, v3;
	_ =	sdelay $0x1  }
0x568: {  	s7 =	simm.s32 $0x7000  }
0x569: {  	[tilespmem:s7], [sflag:$0x1] =	stream.indirect_vreg.gather [hbm4b:s2+s3], $0x80, v4, vm0, $0xb8;
	[tilespmem:$0x1D000] =	vst v63  }
0x56a: {  	s14 =	simm.s32 $0x7800  }
0x56b: {  	[tilespmem:s14], [sflag:$0x1] =	stream.indirect_vreg.gather [hbm4b:s2+s3], $0x80, v3, vm0, $0xb8;
	[tilespmem:$0x1D000] =	vst v63  }
0x56c: {  	v3 =	vld [tilespmem:$0x880];
	_ =	sdelay $0x4  }
0x56d: {  	v15 =	vshll.u32 v3, $0x1  }
0x56e: {  	v3 =	vand.u32 $0x7, v3;
	v4 =	vand.u32 $0xFFFFFFF0, v15  }
0x56f: {  	v3 =	vor.u32 v3, v4  }
0x570: {  	v4 =	vperm.xlane v3, v0;
	_ =	sdelay $0x1  }
0x571: {  	v3 =	vperm.xlane v3, v2;
	v4 =	vadd.s32 v1, v4;
	_ =	sdelay $0x1  }
0x572: {  	v3 =	vadd.s32 v1, v3;
	_ =	sdelay $0x1  }
0x573: {  	s1 =	simm.s32 $0x8000  }
0x574: {  	[tilespmem:s1], [sflag:$0x1] =	stream.indirect_vreg.gather [hbm4b:s2+s3], $0x80, v4, vm0, $0xb8;
	[tilespmem:$0x1D000] =	vst v63  }
0x575: {  	s14 =	simm.s32 $0x8800  }
0x576: {  	[tilespmem:s14], [sflag:$0x1] =	stream.indirect_vreg.gather [hbm4b:s2+s3], $0x80, v3, vm0, $0xb8;
	[tilespmem:$0x1D000] =	vst v63  }
0x577: {  	v3 =	vld [tilespmem:$0x890];
	_ =	sdelay $0x4  }
0x578: {  	v16 =	vshll.u32 v3, $0x1  }
0x579: {  	v3 =	vand.u32 $0x7, v3;
	v4 =	vand.u32 $0xFFFFFFF0, v16  }
0x57a: {  	v3 =	vor.u32 v3, v4  }
0x57b: {  	v4 =	vperm.xlane v3, v0;
	_ =	sdelay $0x1  }
0x57c: {  	v3 =	vperm.xlane v3, v2;
	v4 =	vadd.s32 v1, v4;
	_ =	sdelay $0x1  }
0x57d: {  	v3 =	vadd.s32 v1, v3;
	_ =	sdelay $0x1  }
0x57e: {  	s19 =	simm.s32 $0x9000  }
0x57f: {  	[tilespmem:s19], [sflag:$0x1] =	stream.indirect_vreg.gather [hbm4b:s2+s3], $0x80, v4, vm0, $0xb8;
	[tilespmem:$0x1D000] =	vst v63  }
0x580: {  	s14 =	simm.s32 $0x9800  }
0x581: {  	[tilespmem:s14], [sflag:$0x1] =	stream.indirect_vreg.gather [hbm4b:s2+s3], $0x80, v3, vm0, $0xb8;
	[tilespmem:$0x1D000] =	vst v63  }
0x582: {  	v3 =	vld [tilespmem:$0x8A0];
	_ =	sdelay $0x4  }
0x583: {  	v17 =	vshll.u32 v3, $0x1  }
0x584: {  	v3 =	vand.u32 $0x7, v3;
	v4 =	vand.u32 $0xFFFFFFF0, v17  }
0x585: {  	v3 =	vor.u32 v3, v4  }
0x586: {  	v4 =	vperm.xlane v3, v0;
	_ =	sdelay $0x1  }
0x587: {  	v3 =	vperm.xlane v3, v2;
	v4 =	vadd.s32 v1, v4;
	_ =	sdelay $0x1  }
0x588: {  	v3 =	vadd.s32 v1, v3;
	_ =	sdelay $0x1  }
0x589: {  	s20 =	simm.s32 $0xA000  }
0x58a: {  	[tilespmem:s20], [sflag:$0x1] =	stream.indirect_vreg.gather [hbm4b:s2+s3], $0x80, v4, vm0, $0xb8;
	[tilespmem:$0x1D000] =	vst v63  }
0x58b: {  	s18 =	simm.s32 $0xA800  }
0x58c: {  	[tilespmem:s18], [sflag:$0x1] =	stream.indirect_vreg.gather [hbm4b:s2+s3], $0x80, v3, vm0, $0xb8;
	[tilespmem:$0x1D000] =	vst v63  }
0x58d: {  	v3 =	vld [tilespmem:$0x8B0];
	_ =	sdelay $0x4  }
0x58e: {  	v18 =	vshll.u32 v3, $0x1  }
0x58f: {  	v3 =	vand.u32 $0x7, v3;
	v4 =	vand.u32 $0xFFFFFFF0, v18  }
0x590: {  	v3 =	vor.u32 v3, v4  }
0x591: {  	v4 =	vperm.xlane v3, v0;
	_ =	sdelay $0x1  }
0x592: {  	v3 =	vperm.xlane v3, v2;
	v4 =	vadd.s32 v1, v4;
	_ =	sdelay $0x1  }
0x593: {  	v3 =	vadd.s32 v1, v3;
	_ =	sdelay $0x1  }
0x594: {  	s9 =	simm.s32 $0xB000  }
0x595: {  	[tilespmem:s9], [sflag:$0x1] =	stream.indirect_vreg.gather [hbm4b:s2+s3], $0x80, v4, vm0, $0xb8;
	[tilespmem:$0x1D000] =	vst v63  }
0x596: {  	s21 =	simm.s32 $0xB800  }
0x597: {  	[tilespmem:s21], [sflag:$0x1] =	stream.indirect_vreg.gather [hbm4b:s2+s3], $0x80, v3, vm0, $0xb8;
	[tilespmem:$0x1D000] =	vst v63  }
0x598: {  	v3 =	vld [tilespmem:$0x8C0];
	_ =	sdelay $0x4  }
0x599: {  	v19 =	vshll.u32 v3, $0x1  }
0x59a: {  	v3 =	vand.u32 $0x7, v3;
	v4 =	vand.u32 $0xFFFFFFF0, v19  }
0x59b: {  	v3 =	vor.u32 v3, v4  }
0x59c: {  	v4 =	vperm.xlane v3, v0;
	_ =	sdelay $0x1  }
0x59d: {  	v3 =	vperm.xlane v3, v2;
	v4 =	vadd.s32 v1, v4;
	_ =	sdelay $0x1  }
0x59e: {  	v3 =	vadd.s32 v1, v3;
	_ =	sdelay $0x1  }
0x59f: {  	s15 =	simm.s32 $0xC000  }
0x5a0: {  	[tilespmem:s15], [sflag:$0x1] =	stream.indirect_vreg.gather [hbm4b:s2+s3], $0x80, v4, vm0, $0xb8;
	[tilespmem:$0x1D000] =	vst v63  }
0x5a1: {  	s22 =	simm.s32 $0xC800  }
0x5a2: {  	[tilespmem:s22], [sflag:$0x1] =	stream.indirect_vreg.gather [hbm4b:s2+s3], $0x80, v3, vm0, $0xb8;
	[tilespmem:$0x1D000] =	vst v63  }
0x5a3: {  	v3 =	vld [tilespmem:$0x8D0];
	_ =	sdelay $0x4  }
0x5a4: {  	v20 =	vshll.u32 v3, $0x1  }
0x5a5: {  	v3 =	vand.u32 $0x7, v3;
	v4 =	vand.u32 $0xFFFFFFF0, v20  }
0x5a6: {  	v3 =	vor.u32 v3, v4  }
0x5a7: {  	v4 =	vperm.xlane v3, v0;
	_ =	sdelay $0x1  }
0x5a8: {  	v3 =	vperm.xlane v3, v2;
	v4 =	vadd.s32 v1, v4;
	_ =	sdelay $0x1  }
0x5a9: {  	v3 =	vadd.s32 v1, v3;
	_ =	sdelay $0x1  }
0x5aa: {  	s16 =	simm.s32 $0xD000  }
0x5ab: {  	[tilespmem:s16], [sflag:$0x1] =	stream.indirect_vreg.gather [hbm4b:s2+s3], $0x80, v4, vm0, $0xb8;
	[tilespmem:$0x1D000] =	vst v63  }
0x5ac: {  	s23 =	simm.s32 $0xD800  }
0x5ad: {  	[tilespmem:s23], [sflag:$0x1] =	stream.indirect_vreg.gather [hbm4b:s2+s3], $0x80, v3, vm0, $0xb8;
	[tilespmem:$0x1D000] =	vst v63  }
0x5ae: {  	v3 =	vld [tilespmem:$0x8E0];
	_ =	sdelay $0x4  }
0x5af: {  	v21 =	vshll.u32 v3, $0x1  }
0x5b0: {  	v3 =	vand.u32 $0x7, v3;
	v4 =	vand.u32 $0xFFFFFFF0, v21  }
0x5b1: {  	v3 =	vor.u32 v3, v4  }
0x5b2: {  	v4 =	vperm.xlane v3, v0;
	_ =	sdelay $0x1  }
0x5b3: {  	v3 =	vperm.xlane v3, v2;
	v4 =	vadd.s32 v1, v4;
	_ =	sdelay $0x1  }
0x5b4: {  	v3 =	vadd.s32 v1, v3;
	_ =	sdelay $0x1  }
0x5b5: {  	s17 =	simm.s32 $0xE000  }
0x5b6: {  	[tilespmem:s17], [sflag:$0x1] =	stream.indirect_vreg.gather [hbm4b:s2+s3], $0x80, v4, vm0, $0xb8;
	[tilespmem:$0x1D000] =	vst v63  }
0x5b7: {  	s14 =	simm.s32 $0xE800  }
0x5b8: {  	[tilespmem:s14], [sflag:$0x1] =	stream.indirect_vreg.gather [hbm4b:s2+s3], $0x80, v3, vm0, $0xb8;
	[tilespmem:$0x1D000] =	vst v63  }
0x5b9: {  	_ =	swait.ge [sflag:s12], $0x7000  }
0x5ba: {  	[sflag:s12] =	ssyncset.done $0x0  }
0x5bb: {  	[sflag:s12] =	ssyncadd.s32 $0xFFFF9000  }
0x5bc: {  	_ =	swait.ge [sflag:s12], $0x7000  }
0x5bd: {  	[sflag:s12] =	ssyncset.done $0x0  }
0x5be: {  	s14 =	rddreg [dreg:$0xa];
	[sflag:s12] =	ssyncadd.s32 $0xFFFF9000  }
0x5bf: {  	[hbm4b:s14+s3] =	stream.linear.scatter [tilespmem:s8], [sflag:$0x4], $0xE000, $0x38;
	[tilespmem:$0x1D000] =	vst v63  }
0x5c0: {  	_ =	swait.ge [sflag:s13], $0xE000  }
0x5c1: {  	[sflag:s13] =	ssyncset.done $0x0  }
0x5c2: {  	[sflag:s13] =	ssyncadd.s32 $0xFFFF2000  }
0x5c3: {  	v3 =	vld [tilespmem:$0x900];
	_ =	sdelay $0x4  }
0x5c4: {  	v22 =	vshll.u32 v3, $0x1  }
0x5c5: {  	v3 =	vand.u32 $0x7, v3;
	v4 =	vand.u32 $0xFFFFFFF0, v22  }
0x5c6: {  	v3 =	vor.u32 v3, v4  }
0x5c7: {  	v4 =	vperm.xlane v3, v0;
	_ =	sdelay $0x1  }
0x5c8: {  	v3 =	vperm.xlane v3, v2;
	v4 =	vadd.s32 v1, v4;
	_ =	sdelay $0x1  }
0x5c9: {  	v3 =	vadd.s32 v1, v3;
	_ =	sdelay $0x2  }
0x5ca: {  	[tilespmem:s8], [sflag:$0x2] =	stream.indirect_vreg.gather [hbm4b:s2+s3], $0x80, v4, vm0, $0xb8;
	[tilespmem:$0x1D000] =	vst v63  }
0x5cb: {  	s14 =	simm.s32 $0xF800  }
0x5cc: {  	[tilespmem:s14], [sflag:$0x2] =	stream.indirect_vreg.gather [hbm4b:s2+s3], $0x80, v3, vm0, $0xb8;
	[tilespmem:$0x1D000] =	vst v63  }
0x5cd: {  	v3 =	vld [tilespmem:$0x910];
	_ =	sdelay $0x4  }
0x5ce: {  	v23 =	vshll.u32 v3, $0x1  }
0x5cf: {  	v3 =	vand.u32 $0x7, v3;
	v4 =	vand.u32 $0xFFFFFFF0, v23  }
0x5d0: {  	v3 =	vor.u32 v3, v4  }
0x5d1: {  	v4 =	vperm.xlane v3, v0;
	_ =	sdelay $0x1  }
0x5d2: {  	v3 =	vperm.xlane v3, v2;
	v4 =	vadd.s32 v1, v4;
	_ =	sdelay $0x1  }
0x5d3: {  	v3 =	vadd.s32 v1, v3;
	_ =	sdelay $0x1  }
0x5d4: {  	s24 =	simm.s32 $0x10000  }
0x5d5: {  	[tilespmem:s24], [sflag:$0x2] =	stream.indirect_vreg.gather [hbm4b:s2+s3], $0x80, v4, vm0, $0xb8;
	[tilespmem:$0x1D000] =	vst v63  }
0x5d6: {  	s14 =	simm.s32 $0x10800  }
0x5d7: {  	[tilespmem:s14], [sflag:$0x2] =	stream.indirect_vreg.gather [hbm4b:s2+s3], $0x80, v3, vm0, $0xb8;
	[tilespmem:$0x1D000] =	vst v63  }
0x5d8: {  	v3 =	vld [tilespmem:$0x920];
	_ =	sdelay $0x4  }
0x5d9: {  	v24 =	vshll.u32 v3, $0x1  }
0x5da: {  	v3 =	vand.u32 $0x7, v3;
	v4 =	vand.u32 $0xFFFFFFF0, v24  }
0x5db: {  	v3 =	vor.u32 v3, v4  }
0x5dc: {  	v4 =	vperm.xlane v3, v0;
	_ =	sdelay $0x1  }
0x5dd: {  	v3 =	vperm.xlane v3, v2;
	v4 =	vadd.s32 v1, v4;
	_ =	sdelay $0x1  }
0x5de: {  	v3 =	vadd.s32 v1, v3;
	_ =	sdelay $0x1  }
0x5df: {  	s26 =	simm.s32 $0x11000  }
0x5e0: {  	[tilespmem:s26], [sflag:$0x2] =	stream.indirect_vreg.gather [hbm4b:s2+s3], $0x80, v4, vm0, $0xb8;
	[tilespmem:$0x1D000] =	vst v63  }
0x5e1: {  	s14 =	simm.s32 $0x11800  }
0x5e2: {  	[tilespmem:s14], [sflag:$0x2] =	stream.indirect_vreg.gather [hbm4b:s2+s3], $0x80, v3, vm0, $0xb8;
	[tilespmem:$0x1D000] =	vst v63  }
0x5e3: {  	v3 =	vld [tilespmem:$0x930];
	_ =	sdelay $0x4  }
0x5e4: {  	v25 =	vshll.u32 v3, $0x1  }
0x5e5: {  	v3 =	vand.u32 $0x7, v3;
	v4 =	vand.u32 $0xFFFFFFF0, v25  }
0x5e6: {  	v3 =	vor.u32 v3, v4  }
0x5e7: {  	v4 =	vperm.xlane v3, v0;
	_ =	sdelay $0x1  }
0x5e8: {  	v3 =	vperm.xlane v3, v2;
	v4 =	vadd.s32 v1, v4;
	_ =	sdelay $0x1  }
0x5e9: {  	v3 =	vadd.s32 v1, v3;
	_ =	sdelay $0x1  }
0x5ea: {  	s14 =	simm.s32 $0x12000  }
0x5eb: {  	[tilespmem:s14], [sflag:$0x2] =	stream.indirect_vreg.gather [hbm4b:s2+s3], $0x80, v4, vm0, $0xb8;
	[tilespmem:$0x1D000] =	vst v63  }
0x5ec: {  	s14 =	simm.s32 $0x12800  }
0x5ed: {  	[tilespmem:s14], [sflag:$0x2] =	stream.indirect_vreg.gather [hbm4b:s2+s3], $0x80, v3, vm0, $0xb8;
	[tilespmem:$0x1D000] =	vst v63  }
0x5ee: {  	v3 =	vld [tilespmem:$0x940];
	_ =	sdelay $0x4  }
0x5ef: {  	v26 =	vshll.u32 v3, $0x1  }
0x5f0: {  	v3 =	vand.u32 $0x7, v3;
	v4 =	vand.u32 $0xFFFFFFF0, v26  }
0x5f1: {  	v3 =	vor.u32 v3, v4  }
0x5f2: {  	v4 =	vperm.xlane v3, v0;
	_ =	sdelay $0x1  }
0x5f3: {  	v3 =	vperm.xlane v3, v2;
	v4 =	vadd.s32 v1, v4;
	_ =	sdelay $0x1  }
0x5f4: {  	v3 =	vadd.s32 v1, v3;
	_ =	sdelay $0x1  }
0x5f5: {  	s14 =	simm.s32 $0x13000  }
0x5f6: {  	[tilespmem:s14], [sflag:$0x2] =	stream.indirect_vreg.gather [hbm4b:s2+s3], $0x80, v4, vm0, $0xb8;
	[tilespmem:$0x1D000] =	vst v63  }
0x5f7: {  	s14 =	simm.s32 $0x13800  }
0x5f8: {  	[tilespmem:s14], [sflag:$0x2] =	stream.indirect_vreg.gather [hbm4b:s2+s3], $0x80, v3, vm0, $0xb8;
	[tilespmem:$0x1D000] =	vst v63  }
0x5f9: {  	v3 =	vld [tilespmem:$0x950];
	_ =	sdelay $0x4  }
0x5fa: {  	v27 =	vshll.u32 v3, $0x1  }
0x5fb: {  	v3 =	vand.u32 $0x7, v3;
	v4 =	vand.u32 $0xFFFFFFF0, v27  }
0x5fc: {  	v3 =	vor.u32 v3, v4  }
0x5fd: {  	v4 =	vperm.xlane v3, v0;
	_ =	sdelay $0x1  }
0x5fe: {  	v3 =	vperm.xlane v3, v2;
	v4 =	vadd.s32 v1, v4;
	_ =	sdelay $0x1  }
0x5ff: {  	v3 =	vadd.s32 v1, v3;
	_ =	sdelay $0x1  }
0x600: {  	s14 =	simm.s32 $0x14000  }
0x601: {  	[tilespmem:s14], [sflag:$0x2] =	stream.indirect_vreg.gather [hbm4b:s2+s3], $0x80, v4, vm0, $0xb8;
	[tilespmem:$0x1D000] =	vst v63  }
0x602: {  	s14 =	simm.s32 $0x14800  }
0x603: {  	[tilespmem:s14], [sflag:$0x2] =	stream.indirect_vreg.gather [hbm4b:s2+s3], $0x80, v3, vm0, $0xb8;
	[tilespmem:$0x1D000] =	vst v63  }
0x604: {  	v3 =	vld [tilespmem:$0x960];
	_ =	sdelay $0x4  }
0x605: {  	v28 =	vshll.u32 v3, $0x1  }
0x606: {  	v3 =	vand.u32 $0x7, v3;
	v4 =	vand.u32 $0xFFFFFFF0, v28  }
0x607: {  	v3 =	vor.u32 v3, v4  }
0x608: {  	v4 =	vperm.xlane v3, v0;
	_ =	sdelay $0x1  }
0x609: {  	v3 =	vperm.xlane v3, v2;
	v4 =	vadd.s32 v1, v4;
	_ =	sdelay $0x1  }
0x60a: {  	v3 =	vadd.s32 v1, v3;
	_ =	sdelay $0x1  }
0x60b: {  	s28 =	simm.s32 $0x15000  }
0x60c: {  	[tilespmem:s28], [sflag:$0x2] =	stream.indirect_vreg.gather [hbm4b:s2+s3], $0x80, v4, vm0, $0xb8;
	[tilespmem:$0x1D000] =	vst v63  }
0x60d: {  	s14 =	simm.s32 $0x15800  }
0x60e: {  	[tilespmem:s14], [sflag:$0x2] =	stream.indirect_vreg.gather [hbm4b:s2+s3], $0x80, v3, vm0, $0xb8;
	[tilespmem:$0x1D000] =	vst v63  }
0x60f: {  	v3 =	vld [tilespmem:$0x980];
	_ =	sdelay $0x4  }
0x610: {  	v29 =	vshll.u32 v3, $0x1  }
0x611: {  	v3 =	vand.u32 $0x7, v3;
	v4 =	vand.u32 $0xFFFFFFF0, v29  }
0x612: {  	v3 =	vor.u32 v3, v4  }
0x613: {  	v4 =	vperm.xlane v3, v0;
	_ =	sdelay $0x1  }
0x614: {  	v3 =	vperm.xlane v3, v2;
	v4 =	vadd.s32 v1, v4;
	_ =	sdelay $0x1  }
0x615: {  	v3 =	vadd.s32 v1, v3;
	_ =	sdelay $0x1  }
0x616: {  	s29 =	simm.s32 $0x16000  }
0x617: {  	[tilespmem:s29], [sflag:$0x2] =	stream.indirect_vreg.gather [hbm4b:s2+s3], $0x80, v4, vm0, $0xb8;
	[tilespmem:$0x1D000] =	vst v63  }
0x618: {  	s14 =	simm.s32 $0x16800  }
0x619: {  	[tilespmem:s14], [sflag:$0x2] =	stream.indirect_vreg.gather [hbm4b:s2+s3], $0x80, v3, vm0, $0xb8;
	[tilespmem:$0x1D000] =	vst v63  }
0x61a: {  	v3 =	vld [tilespmem:$0x990];
	_ =	sdelay $0x4  }
0x61b: {  	v30 =	vshll.u32 v3, $0x1  }
0x61c: {  	v3 =	vand.u32 $0x7, v3;
	v4 =	vand.u32 $0xFFFFFFF0, v30  }
0x61d: {  	v3 =	vor.u32 v3, v4  }
0x61e: {  	v4 =	vperm.xlane v3, v0;
	_ =	sdelay $0x1  }
0x61f: {  	v3 =	vperm.xlane v3, v2;
	v4 =	vadd.s32 v1, v4;
	_ =	sdelay $0x1  }
0x620: {  	v3 =	vadd.s32 v1, v3;
	_ =	sdelay $0x1  }
0x621: {  	s30 =	simm.s32 $0x17000  }
0x622: {  	[tilespmem:s30], [sflag:$0x2] =	stream.indirect_vreg.gather [hbm4b:s2+s3], $0x80, v4, vm0, $0xb8;
	[tilespmem:$0x1D000] =	vst v63  }
0x623: {  	s14 =	simm.s32 $0x17800  }
0x624: {  	[tilespmem:s14], [sflag:$0x2] =	stream.indirect_vreg.gather [hbm4b:s2+s3], $0x80, v3, vm0, $0xb8;
	[tilespmem:$0x1D000] =	vst v63  }
0x625: {  	v3 =	vld [tilespmem:$0x9A0];
	_ =	sdelay $0x4  }
0x626: {  	v31 =	vshll.u32 v3, $0x1  }
0x627: {  	v3 =	vand.u32 $0x7, v3;
	v4 =	vand.u32 $0xFFFFFFF0, v31  }
0x628: {  	v3 =	vor.u32 v3, v4  }
0x629: {  	v4 =	vperm.xlane v3, v0;
	_ =	sdelay $0x1  }
0x62a: {  	v3 =	vperm.xlane v3, v2;
	v4 =	vadd.s32 v1, v4;
	_ =	sdelay $0x1  }
0x62b: {  	v3 =	vadd.s32 v1, v3;
	_ =	sdelay $0x1  }
0x62c: {  	s31 =	simm.s32 $0x18000  }
0x62d: {  	[tilespmem:s31], [sflag:$0x2] =	stream.indirect_vreg.gather [hbm4b:s2+s3], $0x80, v4, vm0, $0xb8;
	[tilespmem:$0x1D000] =	vst v63  }
0x62e: {  	s14 =	simm.s32 $0x18800  }
0x62f: {  	[tilespmem:s14], [sflag:$0x2] =	stream.indirect_vreg.gather [hbm4b:s2+s3], $0x80, v3, vm0, $0xb8;
	[tilespmem:$0x1D000] =	vst v63  }
0x630: {  	v3 =	vld [tilespmem:$0x9B0];
	_ =	sdelay $0x4  }
0x631: {  	v32 =	vshll.u32 v3, $0x1  }
0x632: {  	v3 =	vand.u32 $0x7, v3;
	v4 =	vand.u32 $0xFFFFFFF0, v32  }
0x633: {  	v3 =	vor.u32 v3, v4  }
0x634: {  	v4 =	vperm.xlane v3, v0;
	_ =	sdelay $0x1  }
0x635: {  	v3 =	vperm.xlane v3, v2;
	v4 =	vadd.s32 v1, v4;
	_ =	sdelay $0x1  }
0x636: {  	v3 =	vadd.s32 v1, v3;
	_ =	sdelay $0x1  }
0x637: {  	s14 =	simm.s32 $0x19000  }
0x638: {  	[tilespmem:s14], [sflag:$0x2] =	stream.indirect_vreg.gather [hbm4b:s2+s3], $0x80, v4, vm0, $0xb8;
	[tilespmem:$0x1D000] =	vst v63  }
0x639: {  	s14 =	simm.s32 $0x19800  }
0x63a: {  	[tilespmem:s14], [sflag:$0x2] =	stream.indirect_vreg.gather [hbm4b:s2+s3], $0x80, v3, vm0, $0xb8;
	[tilespmem:$0x1D000] =	vst v63  }
0x63b: {  	v3 =	vld [tilespmem:$0x9C0];
	_ =	sdelay $0x4  }
0x63c: {  	v33 =	vshll.u32 v3, $0x1  }
0x63d: {  	v3 =	vand.u32 $0x7, v3;
	v4 =	vand.u32 $0xFFFFFFF0, v33  }
0x63e: {  	v3 =	vor.u32 v3, v4  }
0x63f: {  	v4 =	vperm.xlane v3, v0;
	_ =	sdelay $0x1  }
0x640: {  	v3 =	vperm.xlane v3, v2;
	v4 =	vadd.s32 v1, v4;
	_ =	sdelay $0x1  }
0x641: {  	v3 =	vadd.s32 v1, v3;
	_ =	sdelay $0x1  }
0x642: {  	s14 =	simm.s32 $0x1A000  }
0x643: {  	[tilespmem:s14], [sflag:$0x2] =	stream.indirect_vreg.gather [hbm4b:s2+s3], $0x80, v4, vm0, $0xb8;
	[tilespmem:$0x1D000] =	vst v63  }
0x644: {  	s14 =	simm.s32 $0x1A800  }
0x645: {  	[tilespmem:s14], [sflag:$0x2] =	stream.indirect_vreg.gather [hbm4b:s2+s3], $0x80, v3, vm0, $0xb8;
	[tilespmem:$0x1D000] =	vst v63  }
0x646: {  	v3 =	vld [tilespmem:$0x9D0];
	_ =	sdelay $0x4  }
0x647: {  	v34 =	vshll.u32 v3, $0x1  }
0x648: {  	v3 =	vand.u32 $0x7, v3;
	v4 =	vand.u32 $0xFFFFFFF0, v34  }
0x649: {  	v3 =	vor.u32 v3, v4  }
0x64a: {  	v4 =	vperm.xlane v3, v0;
	_ =	sdelay $0x1  }
0x64b: {  	v3 =	vperm.xlane v3, v2;
	v4 =	vadd.s32 v1, v4;
	_ =	sdelay $0x1  }
0x64c: {  	v3 =	vadd.s32 v1, v3;
	_ =	sdelay $0x1  }
0x64d: {  	s14 =	simm.s32 $0x1B000  }
0x64e: {  	[tilespmem:s14], [sflag:$0x2] =	stream.indirect_vreg.gather [hbm4b:s2+s3], $0x80, v4, vm0, $0xb8;
	[tilespmem:$0x1D000] =	vst v63  }
0x64f: {  	s14 =	simm.s32 $0x1B800  }
0x650: {  	[tilespmem:s14], [sflag:$0x2] =	stream.indirect_vreg.gather [hbm4b:s2+s3], $0x80, v3, vm0, $0xb8;
	[tilespmem:$0x1D000] =	vst v63  }
0x651: {  	v3 =	vld [tilespmem:$0x9E0];
	_ =	sdelay $0x4  }
0x652: {  	v35 =	vshll.u32 v3, $0x1  }
0x653: {  	v3 =	vand.u32 $0x7, v3;
	v4 =	vand.u32 $0xFFFFFFF0, v35  }
0x654: {  	v3 =	vor.u32 v3, v4  }
0x655: {  	v4 =	vperm.xlane v3, v0;
	_ =	sdelay $0x1  }
0x656: {  	v3 =	vperm.xlane v3, v2;
	v4 =	vadd.s32 v1, v4;
	_ =	sdelay $0x1  }
0x657: {  	v3 =	vadd.s32 v1, v3;
	_ =	sdelay $0x1  }
0x658: {  	s14 =	simm.s32 $0x1C000  }
0x659: {  	[tilespmem:s14], [sflag:$0x2] =	stream.indirect_vreg.gather [hbm4b:s2+s3], $0x80, v4, vm0, $0xb8;
	[tilespmem:$0x1D000] =	vst v63  }
0x65a: {  	s14 =	simm.s32 $0x1C800  }
0x65b: {  	[tilespmem:s14], [sflag:$0x2] =	stream.indirect_vreg.gather [hbm4b:s2+s3], $0x80, v3, vm0, $0xb8;
	[tilespmem:$0x1D000] =	vst v63  }
0x65c: {  	_ =	swait.ge [sflag:s10], $0x7000  }
0x65d: {  	[sflag:s10] =	ssyncset.done $0x0  }
0x65e: {  	[sflag:s10] =	ssyncadd.s32 $0xFFFF9000  }
0x65f: {  	_ =	swait.ge [sflag:s10], $0x7000  }
0x660: {  	[sflag:s10] =	ssyncset.done $0x0  }
0x661: {  	s14 =	rddreg [dreg:$0xb];
	[sflag:s10] =	ssyncadd.s32 $0xFFFF9000  }
0x662: {  	[hbm4b:s14+s3] =	stream.linear.scatter [tilespmem:s25], [sflag:$0x3], $0xE000, $0x38;
	[tilespmem:$0x1D000] =	vst v63  }
0x663: {  	_ =	swait.ge [sflag:s11], $0xE000  }
0x664: {  	[sflag:s11] =	ssyncset.done $0x0  }
0x665: {  	[sflag:s11] =	ssyncadd.s32 $0xFFFF2000  }
0x666: {  	v3 =	vld [tilespmem:$0xA00];
	_ =	sdelay $0x4  }
0x667: {  	v36 =	vshll.u32 v3, $0x1  }
0x668: {  	v3 =	vand.u32 $0x7, v3;
	v4 =	vand.u32 $0xFFFFFFF0, v36  }
0x669: {  	v3 =	vor.u32 v3, v4  }
0x66a: {  	v4 =	vperm.xlane v3, v0;
	_ =	sdelay $0x1  }
0x66b: {  	v3 =	vperm.xlane v3, v2;
	v4 =	vadd.s32 v1, v4;
	_ =	sdelay $0x1  }
0x66c: {  	v3 =	vadd.s32 v1, v3;
	_ =	sdelay $0x2  }
0x66d: {  	[tilespmem:s25], [sflag:$0x1] =	stream.indirect_vreg.gather [hbm4b:s2+s3], $0x80, v4, vm0, $0xb8;
	[tilespmem:$0x1D000] =	vst v63  }
0x66e: {  	s14 =	simm.s32 $0x1800  }
0x66f: {  	[tilespmem:s14], [sflag:$0x1] =	stream.indirect_vreg.gather [hbm4b:s2+s3], $0x80, v3, vm0, $0xb8;
	[tilespmem:$0x1D000] =	vst v63  }
0x670: {  	v3 =	vld [tilespmem:$0xA10];
	_ =	sdelay $0x4  }
0x671: {  	v37 =	vshll.u32 v3, $0x1  }
0x672: {  	v3 =	vand.u32 $0x7, v3;
	v4 =	vand.u32 $0xFFFFFFF0, v37  }
0x673: {  	v3 =	vor.u32 v3, v4  }
0x674: {  	v4 =	vperm.xlane v3, v0;
	_ =	sdelay $0x1  }
0x675: {  	v3 =	vperm.xlane v3, v2;
	v4 =	vadd.s32 v1, v4;
	_ =	sdelay $0x1  }
0x676: {  	v3 =	vadd.s32 v1, v3;
	_ =	sdelay $0x1  }
0x677: {  	s14 =	simm.s32 $0x2000  }
0x678: {  	[tilespmem:s14], [sflag:$0x1] =	stream.indirect_vreg.gather [hbm4b:s2+s3], $0x80, v4, vm0, $0xb8;
	[tilespmem:$0x1D000] =	vst v63  }
0x679: {  	s14 =	simm.s32 $0x2800  }
0x67a: {  	[tilespmem:s14], [sflag:$0x1] =	stream.indirect_vreg.gather [hbm4b:s2+s3], $0x80, v3, vm0, $0xb8;
	[tilespmem:$0x1D000] =	vst v63  }
0x67b: {  	v3 =	vld [tilespmem:$0xA20];
	_ =	sdelay $0x4  }
0x67c: {  	v38 =	vshll.u32 v3, $0x1  }
0x67d: {  	v3 =	vand.u32 $0x7, v3;
	v4 =	vand.u32 $0xFFFFFFF0, v38  }
0x67e: {  	v3 =	vor.u32 v3, v4  }
0x67f: {  	v4 =	vperm.xlane v3, v0;
	_ =	sdelay $0x1  }
0x680: {  	v3 =	vperm.xlane v3, v2;
	v4 =	vadd.s32 v1, v4;
	_ =	sdelay $0x1  }
0x681: {  	v3 =	vadd.s32 v1, v3;
	_ =	sdelay $0x1  }
0x682: {  	s0 =	simm.s32 $0x3000  }
0x683: {  	[tilespmem:s0], [sflag:$0x1] =	stream.indirect_vreg.gather [hbm4b:s2+s3], $0x80, v4, vm0, $0xb8;
	[tilespmem:$0x1D000] =	vst v63  }
0x684: {  	s14 =	simm.s32 $0x3800  }
0x685: {  	[tilespmem:s14], [sflag:$0x1] =	stream.indirect_vreg.gather [hbm4b:s2+s3], $0x80, v3, vm0, $0xb8;
	[tilespmem:$0x1D000] =	vst v63  }
0x686: {  	v3 =	vld [tilespmem:$0xA30];
	_ =	sdelay $0x4  }
0x687: {  	v39 =	vshll.u32 v3, $0x1  }
0x688: {  	v3 =	vand.u32 $0x7, v3;
	v4 =	vand.u32 $0xFFFFFFF0, v39  }
0x689: {  	v3 =	vor.u32 v3, v4  }
0x68a: {  	v4 =	vperm.xlane v3, v0;
	_ =	sdelay $0x1  }
0x68b: {  	v3 =	vperm.xlane v3, v2;
	v4 =	vadd.s32 v1, v4;
	_ =	sdelay $0x1  }
0x68c: {  	v3 =	vadd.s32 v1, v3;
	_ =	sdelay $0x1  }
0x68d: {  	s4 =	simm.s32 $0x4000  }
0x68e: {  	[tilespmem:s4], [sflag:$0x1] =	stream.indirect_vreg.gather [hbm4b:s2+s3], $0x80, v4, vm0, $0xb8;
	[tilespmem:$0x1D000] =	vst v63  }
0x68f: {  	s14 =	simm.s32 $0x4800  }
0x690: {  	[tilespmem:s14], [sflag:$0x1] =	stream.indirect_vreg.gather [hbm4b:s2+s3], $0x80, v3, vm0, $0xb8;
	[tilespmem:$0x1D000] =	vst v63  }
0x691: {  	v3 =	vld [tilespmem:$0xA40];
	_ =	sdelay $0x4  }
0x692: {  	v40 =	vshll.u32 v3, $0x1  }
0x693: {  	v3 =	vand.u32 $0x7, v3;
	v4 =	vand.u32 $0xFFFFFFF0, v40  }
0x694: {  	v3 =	vor.u32 v3, v4  }
0x695: {  	v4 =	vperm.xlane v3, v0;
	_ =	sdelay $0x1  }
0x696: {  	v3 =	vperm.xlane v3, v2;
	v4 =	vadd.s32 v1, v4;
	_ =	sdelay $0x1  }
0x697: {  	v3 =	vadd.s32 v1, v3;
	_ =	sdelay $0x1  }
0x698: {  	s5 =	simm.s32 $0x5000  }
0x699: {  	[tilespmem:s5], [sflag:$0x1] =	stream.indirect_vreg.gather [hbm4b:s2+s3], $0x80, v4, vm0, $0xb8;
	[tilespmem:$0x1D000] =	vst v63  }
0x69a: {  	s14 =	simm.s32 $0x5800  }
0x69b: {  	[tilespmem:s14], [sflag:$0x1] =	stream.indirect_vreg.gather [hbm4b:s2+s3], $0x80, v3, vm0, $0xb8;
	[tilespmem:$0x1D000] =	vst v63  }
0x69c: {  	v3 =	vld [tilespmem:$0xA50];
	_ =	sdelay $0x4  }
0x69d: {  	v41 =	vshll.u32 v3, $0x1  }
0x69e: {  	v3 =	vand.u32 $0x7, v3;
	v4 =	vand.u32 $0xFFFFFFF0, v41  }
0x69f: {  	v3 =	vor.u32 v3, v4  }
0x6a0: {  	v4 =	vperm.xlane v3, v0;
	_ =	sdelay $0x1  }
0x6a1: {  	v3 =	vperm.xlane v3, v2;
	v4 =	vadd.s32 v1, v4;
	_ =	sdelay $0x1  }
0x6a2: {  	v3 =	vadd.s32 v1, v3;
	_ =	sdelay $0x1  }
0x6a3: {  	s6 =	simm.s32 $0x6000  }
0x6a4: {  	[tilespmem:s6], [sflag:$0x1] =	stream.indirect_vreg.gather [hbm4b:s2+s3], $0x80, v4, vm0, $0xb8;
	[tilespmem:$0x1D000] =	vst v63  }
0x6a5: {  	s14 =	simm.s32 $0x6800  }
0x6a6: {  	[tilespmem:s14], [sflag:$0x1] =	stream.indirect_vreg.gather [hbm4b:s2+s3], $0x80, v3, vm0, $0xb8;
	[tilespmem:$0x1D000] =	vst v63  }
0x6a7: {  	v3 =	vld [tilespmem:$0xA60];
	_ =	sdelay $0x4  }
0x6a8: {  	v42 =	vshll.u32 v3, $0x1  }
0x6a9: {  	v3 =	vand.u32 $0x7, v3;
	v4 =	vand.u32 $0xFFFFFFF0, v42  }
0x6aa: {  	v3 =	vor.u32 v3, v4  }
0x6ab: {  	v4 =	vperm.xlane v3, v0;
	_ =	sdelay $0x1  }
0x6ac: {  	v3 =	vperm.xlane v3, v2;
	v4 =	vadd.s32 v1, v4;
	_ =	sdelay $0x1  }
0x6ad: {  	v3 =	vadd.s32 v1, v3;
	_ =	sdelay $0x1  }
0x6ae: {  	s7 =	simm.s32 $0x7000  }
0x6af: {  	[tilespmem:s7], [sflag:$0x1] =	stream.indirect_vreg.gather [hbm4b:s2+s3], $0x80, v4, vm0, $0xb8;
	[tilespmem:$0x1D000] =	vst v63  }
0x6b0: {  	s14 =	simm.s32 $0x7800  }
0x6b1: {  	[tilespmem:s14], [sflag:$0x1] =	stream.indirect_vreg.gather [hbm4b:s2+s3], $0x80, v3, vm0, $0xb8;
	[tilespmem:$0x1D000] =	vst v63  }
0x6b2: {  	v3 =	vld [tilespmem:$0xA80];
	_ =	sdelay $0x4  }
0x6b3: {  	v43 =	vshll.u32 v3, $0x1  }
0x6b4: {  	v3 =	vand.u32 $0x7, v3;
	v4 =	vand.u32 $0xFFFFFFF0, v43  }
0x6b5: {  	v3 =	vor.u32 v3, v4  }
0x6b6: {  	v4 =	vperm.xlane v3, v0;
	_ =	sdelay $0x1  }
0x6b7: {  	v3 =	vperm.xlane v3, v2;
	v4 =	vadd.s32 v1, v4;
	_ =	sdelay $0x1  }
0x6b8: {  	v3 =	vadd.s32 v1, v3;
	_ =	sdelay $0x1  }
0x6b9: {  	s1 =	simm.s32 $0x8000  }
0x6ba: {  	[tilespmem:s1], [sflag:$0x1] =	stream.indirect_vreg.gather [hbm4b:s2+s3], $0x80, v4, vm0, $0xb8;
	[tilespmem:$0x1D000] =	vst v63  }
0x6bb: {  	s1 =	simm.s32 $0x8800  }
0x6bc: {  	[tilespmem:s1], [sflag:$0x1] =	stream.indirect_vreg.gather [hbm4b:s2+s3], $0x80, v3, vm0, $0xb8;
	[tilespmem:$0x1D000] =	vst v63  }
0x6bd: {  	v3 =	vld [tilespmem:$0xA90];
	_ =	sdelay $0x4  }
0x6be: {  	v44 =	vshll.u32 v3, $0x1  }
0x6bf: {  	v3 =	vand.u32 $0x7, v3;
	v4 =	vand.u32 $0xFFFFFFF0, v44  }
0x6c0: {  	v3 =	vor.u32 v3, v4  }
0x6c1: {  	v4 =	vperm.xlane v3, v0;
	_ =	sdelay $0x1  }
0x6c2: {  	v3 =	vperm.xlane v3, v2;
	v4 =	vadd.s32 v1, v4;
	_ =	sdelay $0x1  }
0x6c3: {  	v3 =	vadd.s32 v1, v3;
	_ =	sdelay $0x1  }
0x6c4: {  	s19 =	simm.s32 $0x9000  }
0x6c5: {  	[tilespmem:s19], [sflag:$0x1] =	stream.indirect_vreg.gather [hbm4b:s2+s3], $0x80, v4, vm0, $0xb8;
	[tilespmem:$0x1D000] =	vst v63  }
0x6c6: {  	s14 =	simm.s32 $0x9800  }
0x6c7: {  	[tilespmem:s14], [sflag:$0x1] =	stream.indirect_vreg.gather [hbm4b:s2+s3], $0x80, v3, vm0, $0xb8;
	[tilespmem:$0x1D000] =	vst v63  }
0x6c8: {  	v3 =	vld [tilespmem:$0xAA0];
	_ =	sdelay $0x4  }
0x6c9: {  	v45 =	vshll.u32 v3, $0x1  }
0x6ca: {  	v3 =	vand.u32 $0x7, v3;
	v4 =	vand.u32 $0xFFFFFFF0, v45  }
0x6cb: {  	v3 =	vor.u32 v3, v4  }
0x6cc: {  	v4 =	vperm.xlane v3, v0;
	_ =	sdelay $0x1  }
0x6cd: {  	v3 =	vperm.xlane v3, v2;
	v4 =	vadd.s32 v1, v4;
	_ =	sdelay $0x1  }
0x6ce: {  	v3 =	vadd.s32 v1, v3;
	_ =	sdelay $0x1  }
0x6cf: {  	s20 =	simm.s32 $0xA000  }
0x6d0: {  	[tilespmem:s20], [sflag:$0x1] =	stream.indirect_vreg.gather [hbm4b:s2+s3], $0x80, v4, vm0, $0xb8;
	[tilespmem:$0x1D000] =	vst v63  }
0x6d1: {  	s18 =	simm.s32 $0xA800  }
0x6d2: {  	[tilespmem:s18], [sflag:$0x1] =	stream.indirect_vreg.gather [hbm4b:s2+s3], $0x80, v3, vm0, $0xb8;
	[tilespmem:$0x1D000] =	vst v63  }
0x6d3: {  	v3 =	vld [tilespmem:$0xAB0];
	_ =	sdelay $0x4  }
0x6d4: {  	v46 =	vshll.u32 v3, $0x1  }
0x6d5: {  	v3 =	vand.u32 $0x7, v3;
	v4 =	vand.u32 $0xFFFFFFF0, v46  }
0x6d6: {  	v3 =	vor.u32 v3, v4  }
0x6d7: {  	v4 =	vperm.xlane v3, v0;
	_ =	sdelay $0x1  }
0x6d8: {  	v3 =	vperm.xlane v3, v2;
	v4 =	vadd.s32 v1, v4;
	_ =	sdelay $0x1  }
0x6d9: {  	v3 =	vadd.s32 v1, v3;
	_ =	sdelay $0x1  }
0x6da: {  	s9 =	simm.s32 $0xB000  }
0x6db: {  	[tilespmem:s9], [sflag:$0x1] =	stream.indirect_vreg.gather [hbm4b:s2+s3], $0x80, v4, vm0, $0xb8;
	[tilespmem:$0x1D000] =	vst v63  }
0x6dc: {  	s21 =	simm.s32 $0xB800  }
0x6dd: {  	[tilespmem:s21], [sflag:$0x1] =	stream.indirect_vreg.gather [hbm4b:s2+s3], $0x80, v3, vm0, $0xb8;
	[tilespmem:$0x1D000] =	vst v63  }
0x6de: {  	v3 =	vld [tilespmem:$0xAC0];
	_ =	sdelay $0x4  }
0x6df: {  	v47 =	vshll.u32 v3, $0x1  }
0x6e0: {  	v3 =	vand.u32 $0x7, v3;
	v4 =	vand.u32 $0xFFFFFFF0, v47  }
0x6e1: {  	v3 =	vor.u32 v3, v4  }
0x6e2: {  	v4 =	vperm.xlane v3, v0;
	_ =	sdelay $0x1  }
0x6e3: {  	v3 =	vperm.xlane v3, v2;
	v4 =	vadd.s32 v1, v4;
	_ =	sdelay $0x1  }
0x6e4: {  	v3 =	vadd.s32 v1, v3;
	_ =	sdelay $0x1  }
0x6e5: {  	s15 =	simm.s32 $0xC000  }
0x6e6: {  	[tilespmem:s15], [sflag:$0x1] =	stream.indirect_vreg.gather [hbm4b:s2+s3], $0x80, v4, vm0, $0xb8;
	[tilespmem:$0x1D000] =	vst v63  }
0x6e7: {  	s22 =	simm.s32 $0xC800  }
0x6e8: {  	[tilespmem:s22], [sflag:$0x1] =	stream.indirect_vreg.gather [hbm4b:s2+s3], $0x80, v3, vm0, $0xb8;
	[tilespmem:$0x1D000] =	vst v63  }
0x6e9: {  	v3 =	vld [tilespmem:$0xAD0];
	_ =	sdelay $0x4  }
0x6ea: {  	v48 =	vshll.u32 v3, $0x1  }
0x6eb: {  	v3 =	vand.u32 $0x7, v3;
	v4 =	vand.u32 $0xFFFFFFF0, v48  }
0x6ec: {  	v3 =	vor.u32 v3, v4  }
0x6ed: {  	v4 =	vperm.xlane v3, v0;
	_ =	sdelay $0x1  }
0x6ee: {  	v3 =	vperm.xlane v3, v2;
	v4 =	vadd.s32 v1, v4;
	_ =	sdelay $0x1  }
0x6ef: {  	v3 =	vadd.s32 v1, v3;
	_ =	sdelay $0x1  }
0x6f0: {  	s16 =	simm.s32 $0xD000  }
0x6f1: {  	[tilespmem:s16], [sflag:$0x1] =	stream.indirect_vreg.gather [hbm4b:s2+s3], $0x80, v4, vm0, $0xb8;
	[tilespmem:$0x1D000] =	vst v63  }
0x6f2: {  	s23 =	simm.s32 $0xD800  }
0x6f3: {  	[tilespmem:s23], [sflag:$0x1] =	stream.indirect_vreg.gather [hbm4b:s2+s3], $0x80, v3, vm0, $0xb8;
	[tilespmem:$0x1D000] =	vst v63  }
0x6f4: {  	v3 =	vld [tilespmem:$0xAE0];
	_ =	sdelay $0x4  }
0x6f5: {  	v49 =	vshll.u32 v3, $0x1  }
0x6f6: {  	v3 =	vand.u32 $0x7, v3;
	v4 =	vand.u32 $0xFFFFFFF0, v49  }
0x6f7: {  	v3 =	vor.u32 v3, v4  }
0x6f8: {  	v4 =	vperm.xlane v3, v0;
	_ =	sdelay $0x1  }
0x6f9: {  	v3 =	vperm.xlane v3, v2;
	v4 =	vadd.s32 v1, v4;
	_ =	sdelay $0x1  }
0x6fa: {  	v3 =	vadd.s32 v1, v3;
	_ =	sdelay $0x1  }
0x6fb: {  	s17 =	simm.s32 $0xE000  }
0x6fc: {  	[tilespmem:s17], [sflag:$0x1] =	stream.indirect_vreg.gather [hbm4b:s2+s3], $0x80, v4, vm0, $0xb8;
	[tilespmem:$0x1D000] =	vst v63  }
0x6fd: {  	s15 =	simm.s32 $0xE800  }
0x6fe: {  	[tilespmem:s15], [sflag:$0x1] =	stream.indirect_vreg.gather [hbm4b:s2+s3], $0x80, v3, vm0, $0xb8;
	[tilespmem:$0x1D000] =	vst v63  }
0x6ff: {  	_ =	swait.ge [sflag:s12], $0x7000  }
0x700: {  	[sflag:s12] =	ssyncset.done $0x0  }
0x701: {  	[sflag:s12] =	ssyncadd.s32 $0xFFFF9000  }
0x702: {  	_ =	swait.ge [sflag:s12], $0x7000  }
0x703: {  	[sflag:s12] =	ssyncset.done $0x0  }
0x704: {  	s22 =	rddreg [dreg:$0xc];
	[sflag:s12] =	ssyncadd.s32 $0xFFFF9000  }
0x705: {  	[hbm4b:s22+s3] =	stream.linear.scatter [tilespmem:s8], [sflag:$0x4], $0xE000, $0x38;
	[tilespmem:$0x1D000] =	vst v63  }
0x706: {  	_ =	swait.ge [sflag:s13], $0xE000  }
0x707: {  	[sflag:s13] =	ssyncset.done $0x0  }
0x708: {  	[sflag:s13] =	ssyncadd.s32 $0xFFFF2000  }
0x709: {  	v3 =	vld [tilespmem:$0xB00];
	_ =	sdelay $0x4  }
0x70a: {  	v50 =	vshll.u32 v3, $0x1  }
0x70b: {  	v3 =	vand.u32 $0x7, v3;
	v4 =	vand.u32 $0xFFFFFFF0, v50  }
0x70c: {  	v3 =	vor.u32 v3, v4  }
0x70d: {  	v4 =	vperm.xlane v3, v0;
	_ =	sdelay $0x1  }
0x70e: {  	v3 =	vperm.xlane v3, v2;
	v4 =	vadd.s32 v1, v4;
	_ =	sdelay $0x1  }
0x70f: {  	v3 =	vadd.s32 v1, v3;
	_ =	sdelay $0x2  }
0x710: {  	[tilespmem:s8], [sflag:$0x2] =	stream.indirect_vreg.gather [hbm4b:s2+s3], $0x80, v4, vm0, $0xb8;
	[tilespmem:$0x1D000] =	vst v63  }
0x711: {  	s23 =	simm.s32 $0xF800  }
0x712: {  	[tilespmem:s23], [sflag:$0x2] =	stream.indirect_vreg.gather [hbm4b:s2+s3], $0x80, v3, vm0, $0xb8;
	[tilespmem:$0x1D000] =	vst v63  }
0x713: {  	v3 =	vld [tilespmem:$0xB10];
	_ =	sdelay $0x4  }
0x714: {  	v51 =	vshll.u32 v3, $0x1  }
0x715: {  	v3 =	vand.u32 $0x7, v3;
	v4 =	vand.u32 $0xFFFFFFF0, v51  }
0x716: {  	v3 =	vor.u32 v3, v4  }
0x717: {  	v4 =	vperm.xlane v3, v0;
	_ =	sdelay $0x1  }
0x718: {  	v3 =	vperm.xlane v3, v2;
	v4 =	vadd.s32 v1, v4;
	_ =	sdelay $0x1  }
0x719: {  	v3 =	vadd.s32 v1, v3;
	_ =	sdelay $0x1  }
0x71a: {  	s24 =	simm.s32 $0x10000  }
0x71b: {  	[tilespmem:s24], [sflag:$0x2] =	stream.indirect_vreg.gather [hbm4b:s2+s3], $0x80, v4, vm0, $0xb8;
	[tilespmem:$0x1D000] =	vst v63  }
0x71c: {  	s24 =	simm.s32 $0x10800  }
0x71d: {  	[tilespmem:s24], [sflag:$0x2] =	stream.indirect_vreg.gather [hbm4b:s2+s3], $0x80, v3, vm0, $0xb8;
	[tilespmem:$0x1D000] =	vst v63  }
0x71e: {  	v3 =	vld [tilespmem:$0xB20];
	_ =	sdelay $0x4  }
0x71f: {  	v52 =	vshll.u32 v3, $0x1  }
0x720: {  	v3 =	vand.u32 $0x7, v3;
	v4 =	vand.u32 $0xFFFFFFF0, v52  }
0x721: {  	v3 =	vor.u32 v3, v4  }
0x722: {  	v4 =	vperm.xlane v3, v0;
	_ =	sdelay $0x1  }
0x723: {  	v3 =	vperm.xlane v3, v2;
	v4 =	vadd.s32 v1, v4;
	_ =	sdelay $0x1  }
0x724: {  	v3 =	vadd.s32 v1, v3;
	_ =	sdelay $0x1  }
0x725: {  	s26 =	simm.s32 $0x11000  }
0x726: {  	[tilespmem:s26], [sflag:$0x2] =	stream.indirect_vreg.gather [hbm4b:s2+s3], $0x80, v4, vm0, $0xb8;
	[tilespmem:$0x1D000] =	vst v63  }
0x727: {  	s26 =	simm.s32 $0x11800  }
0x728: {  	[tilespmem:s26], [sflag:$0x2] =	stream.indirect_vreg.gather [hbm4b:s2+s3], $0x80, v3, vm0, $0xb8;
	[tilespmem:$0x1D000] =	vst v63  }
0x729: {  	v3 =	vld [tilespmem:$0xB30];
	_ =	sdelay $0x4  }
0x72a: {  	v53 =	vshll.u32 v3, $0x1  }
0x72b: {  	v3 =	vand.u32 $0x7, v3;
	v4 =	vand.u32 $0xFFFFFFF0, v53  }
0x72c: {  	v3 =	vor.u32 v3, v4  }
0x72d: {  	v4 =	vperm.xlane v3, v0;
	_ =	sdelay $0x1  }
0x72e: {  	v3 =	vperm.xlane v3, v2;
	v4 =	vadd.s32 v1, v4;
	_ =	sdelay $0x1  }
0x72f: {  	v3 =	vadd.s32 v1, v3;
	_ =	sdelay $0x1  }
0x730: {  	s1 =	simm.s32 $0x12000  }
0x731: {  	[tilespmem:s1], [sflag:$0x2] =	stream.indirect_vreg.gather [hbm4b:s2+s3], $0x80, v4, vm0, $0xb8;
	[tilespmem:$0x1D000] =	vst v63  }
0x732: {  	s9 =	simm.s32 $0x12800  }
0x733: {  	[tilespmem:s9], [sflag:$0x2] =	stream.indirect_vreg.gather [hbm4b:s2+s3], $0x80, v3, vm0, $0xb8;
	[tilespmem:$0x1D000] =	vst v63  }
0x734: {  	v3 =	vld [tilespmem:$0xB40];
	_ =	sdelay $0x4  }
0x735: {  	v54 =	vshll.u32 v3, $0x1  }
0x736: {  	v3 =	vand.u32 $0x7, v3;
	v4 =	vand.u32 $0xFFFFFFF0, v54  }
0x737: {  	v3 =	vor.u32 v3, v4  }
0x738: {  	v4 =	vperm.xlane v3, v0;
	_ =	sdelay $0x1  }
0x739: {  	v3 =	vperm.xlane v3, v2;
	v4 =	vadd.s32 v1, v4;
	_ =	sdelay $0x1  }
0x73a: {  	v3 =	vadd.s32 v1, v3;
	_ =	sdelay $0x1  }
0x73b: {  	s14 =	simm.s32 $0x13000  }
0x73c: {  	[tilespmem:s14], [sflag:$0x2] =	stream.indirect_vreg.gather [hbm4b:s2+s3], $0x80, v4, vm0, $0xb8;
	[tilespmem:$0x1D000] =	vst v63  }
0x73d: {  	s15 =	simm.s32 $0x13800  }
0x73e: {  	[tilespmem:s15], [sflag:$0x2] =	stream.indirect_vreg.gather [hbm4b:s2+s3], $0x80, v3, vm0, $0xb8;
	[tilespmem:$0x1D000] =	vst v63  }
0x73f: {  	v3 =	vld [tilespmem:$0xB50];
	_ =	sdelay $0x4  }
0x740: {  	v55 =	vshll.u32 v3, $0x1  }
0x741: {  	v3 =	vand.u32 $0x7, v3;
	v4 =	vand.u32 $0xFFFFFFF0, v55  }
0x742: {  	v3 =	vor.u32 v3, v4  }
0x743: {  	v4 =	vperm.xlane v3, v0;
	_ =	sdelay $0x1  }
0x744: {  	v3 =	vperm.xlane v3, v2;
	v4 =	vadd.s32 v1, v4;
	_ =	sdelay $0x1  }
0x745: {  	v3 =	vadd.s32 v1, v3;
	_ =	sdelay $0x1  }
0x746: {  	s22 =	simm.s32 $0x14000  }
0x747: {  	[tilespmem:s22], [sflag:$0x2] =	stream.indirect_vreg.gather [hbm4b:s2+s3], $0x80, v4, vm0, $0xb8;
	[tilespmem:$0x1D000] =	vst v63  }
0x748: {  	s23 =	simm.s32 $0x14800  }
0x749: {  	[tilespmem:s23], [sflag:$0x2] =	stream.indirect_vreg.gather [hbm4b:s2+s3], $0x80, v3, vm0, $0xb8;
	[tilespmem:$0x1D000] =	vst v63  }
0x74a: {  	v3 =	vld [tilespmem:$0xB60];
	_ =	sdelay $0x4  }
0x74b: {  	v56 =	vshll.u32 v3, $0x1  }
0x74c: {  	v3 =	vand.u32 $0x7, v3;
	v4 =	vand.u32 $0xFFFFFFF0, v56  }
0x74d: {  	v3 =	vor.u32 v3, v4  }
0x74e: {  	v4 =	vperm.xlane v3, v0;
	_ =	sdelay $0x1  }
0x74f: {  	v3 =	vperm.xlane v3, v2;
	v4 =	vadd.s32 v1, v4;
	_ =	sdelay $0x1  }
0x750: {  	v3 =	vadd.s32 v1, v3;
	_ =	sdelay $0x1  }
0x751: {  	s28 =	simm.s32 $0x15000  }
0x752: {  	[tilespmem:s28], [sflag:$0x2] =	stream.indirect_vreg.gather [hbm4b:s2+s3], $0x80, v4, vm0, $0xb8;
	[tilespmem:$0x1D000] =	vst v63  }
0x753: {  	s24 =	simm.s32 $0x15800  }
0x754: {  	[tilespmem:s24], [sflag:$0x2] =	stream.indirect_vreg.gather [hbm4b:s2+s3], $0x80, v3, vm0, $0xb8;
	[tilespmem:$0x1D000] =	vst v63  }
0x755: {  	v3 =	vld [tilespmem:$0xB80];
	_ =	sdelay $0x4  }
0x756: {  	v57 =	vshll.u32 v3, $0x1  }
0x757: {  	v3 =	vand.u32 $0x7, v3;
	v4 =	vand.u32 $0xFFFFFFF0, v57  }
0x758: {  	v3 =	vor.u32 v3, v4  }
0x759: {  	v4 =	vperm.xlane v3, v0;
	_ =	sdelay $0x1  }
0x75a: {  	v3 =	vperm.xlane v3, v2;
	v4 =	vadd.s32 v1, v4;
	_ =	sdelay $0x1  }
0x75b: {  	v3 =	vadd.s32 v1, v3;
	_ =	sdelay $0x1  }
0x75c: {  	s29 =	simm.s32 $0x16000  }
0x75d: {  	[tilespmem:s29], [sflag:$0x2] =	stream.indirect_vreg.gather [hbm4b:s2+s3], $0x80, v4, vm0, $0xb8;
	[tilespmem:$0x1D000] =	vst v63  }
0x75e: {  	s26 =	simm.s32 $0x16800  }
0x75f: {  	[tilespmem:s26], [sflag:$0x2] =	stream.indirect_vreg.gather [hbm4b:s2+s3], $0x80, v3, vm0, $0xb8;
	[tilespmem:$0x1D000] =	vst v63  }
0x760: {  	v3 =	vld [tilespmem:$0xB90];
	_ =	sdelay $0x4  }
0x761: {  	v58 =	vshll.u32 v3, $0x1  }
0x762: {  	v3 =	vand.u32 $0x7, v3;
	v4 =	vand.u32 $0xFFFFFFF0, v58  }
0x763: {  	v3 =	vor.u32 v3, v4  }
0x764: {  	v4 =	vperm.xlane v3, v0;
	_ =	sdelay $0x1  }
0x765: {  	v3 =	vperm.xlane v3, v2;
	v4 =	vadd.s32 v1, v4;
	_ =	sdelay $0x1  }
0x766: {  	v3 =	vadd.s32 v1, v3;
	_ =	sdelay $0x1  }
0x767: {  	s30 =	simm.s32 $0x17000  }
0x768: {  	[tilespmem:s30], [sflag:$0x2] =	stream.indirect_vreg.gather [hbm4b:s2+s3], $0x80, v4, vm0, $0xb8;
	[tilespmem:$0x1D000] =	vst v63  }
0x769: {  	s28 =	simm.s32 $0x17800  }
0x76a: {  	[tilespmem:s28], [sflag:$0x2] =	stream.indirect_vreg.gather [hbm4b:s2+s3], $0x80, v3, vm0, $0xb8;
	[tilespmem:$0x1D000] =	vst v63  }
0x76b: {  	v3 =	vld [tilespmem:$0xBA0];
	_ =	sdelay $0x4  }
0x76c: {  	v59 =	vshll.u32 v3, $0x1  }
0x76d: {  	v3 =	vand.u32 $0x7, v3;
	v4 =	vand.u32 $0xFFFFFFF0, v59  }
0x76e: {  	v3 =	vor.u32 v3, v4  }
0x76f: {  	v4 =	vperm.xlane v3, v0;
	_ =	sdelay $0x1  }
0x770: {  	v3 =	vperm.xlane v3, v2;
	v4 =	vadd.s32 v1, v4;
	_ =	sdelay $0x1  }
0x771: {  	v3 =	vadd.s32 v1, v3;
	_ =	sdelay $0x1  }
0x772: {  	s31 =	simm.s32 $0x18000  }
0x773: {  	[tilespmem:s31], [sflag:$0x2] =	stream.indirect_vreg.gather [hbm4b:s2+s3], $0x80, v4, vm0, $0xb8;
	[tilespmem:$0x1D000] =	vst v63  }
0x774: {  	s29 =	simm.s32 $0x18800  }
0x775: {  	[tilespmem:s29], [sflag:$0x2] =	stream.indirect_vreg.gather [hbm4b:s2+s3], $0x80, v3, vm0, $0xb8;
	[tilespmem:$0x1D000] =	vst v63  }
0x776: {  	v3 =	vld [tilespmem:$0xBB0];
	_ =	sdelay $0x4  }
0x777: {  	v60 =	vshll.u32 v3, $0x1  }
0x778: {  	v3 =	vand.u32 $0x7, v3;
	v4 =	vand.u32 $0xFFFFFFF0, v60  }
0x779: {  	v3 =	vor.u32 v3, v4  }
0x77a: {  	v4 =	vperm.xlane v3, v0;
	_ =	sdelay $0x1  }
0x77b: {  	v3 =	vperm.xlane v3, v2;
	v4 =	vadd.s32 v1, v4;
	_ =	sdelay $0x1  }
0x77c: {  	v3 =	vadd.s32 v1, v3;
	_ =	sdelay $0x1  }
0x77d: {  	s30 =	simm.s32 $0x19000  }
0x77e: {  	[tilespmem:s30], [sflag:$0x2] =	stream.indirect_vreg.gather [hbm4b:s2+s3], $0x80, v4, vm0, $0xb8;
	[tilespmem:$0x1D000] =	vst v63  }
0x77f: {  	s31 =	simm.s32 $0x19800  }
0x780: {  	[tilespmem:s31], [sflag:$0x2] =	stream.indirect_vreg.gather [hbm4b:s2+s3], $0x80, v3, vm0, $0xb8;
	[tilespmem:$0x1D000] =	vst v63  }
0x781: {  	v3 =	vld [tilespmem:$0xBC0];
	_ =	sdelay $0x4  }
0x782: {  	v61 =	vshll.u32 v3, $0x1  }
0x783: {  	v3 =	vand.u32 $0x7, v3;
	v4 =	vand.u32 $0xFFFFFFF0, v61  }
0x784: {  	v3 =	vor.u32 v3, v4  }
0x785: {  	v4 =	vperm.xlane v3, v0;
	_ =	sdelay $0x1  }
0x786: {  	v3 =	vperm.xlane v3, v2;
	v4 =	vadd.s32 v1, v4;
	_ =	sdelay $0x1  }
0x787: {  	v3 =	vadd.s32 v1, v3;
	_ =	sdelay $0x1  }
0x788: {  	s1 =	simm.s32 $0x1A000  }
0x789: {  	[tilespmem:s1], [sflag:$0x2] =	stream.indirect_vreg.gather [hbm4b:s2+s3], $0x80, v4, vm0, $0xb8;
	[tilespmem:$0x1D000] =	vst v63  }
0x78a: {  	s9 =	simm.s32 $0x1A800  }
0x78b: {  	[tilespmem:s9], [sflag:$0x2] =	stream.indirect_vreg.gather [hbm4b:s2+s3], $0x80, v3, vm0, $0xb8;
	[tilespmem:$0x1D000] =	vst v63  }
0x78c: {  	v3 =	vld [tilespmem:$0xBD0];
	_ =	sdelay $0x4  }
0x78d: {  	v62 =	vshll.u32 v3, $0x1  }
0x78e: {  	v3 =	vand.u32 $0x7, v3;
	v4 =	vand.u32 $0xFFFFFFF0, v62  }
0x78f: {  	v3 =	vor.u32 v3, v4  }
0x790: {  	v4 =	vperm.xlane v3, v0;
	_ =	sdelay $0x1  }
0x791: {  	v3 =	vperm.xlane v3, v2;
	v4 =	vadd.s32 v1, v4;
	_ =	sdelay $0x1  }
0x792: {  	v3 =	vadd.s32 v1, v3;
	_ =	sdelay $0x1  }
0x793: {  	s14 =	simm.s32 $0x1B000  }
0x794: {  	[tilespmem:s14], [sflag:$0x2] =	stream.indirect_vreg.gather [hbm4b:s2+s3], $0x80, v4, vm0, $0xb8;
	[tilespmem:$0x1D000] =	vst v63  }
0x795: {  	s15 =	simm.s32 $0x1B800  }
0x796: {  	[tilespmem:s15], [sflag:$0x2] =	stream.indirect_vreg.gather [hbm4b:s2+s3], $0x80, v3, vm0, $0xb8;
	[tilespmem:$0x1D000] =	vst v63  }
0x797: {  	v3 =	vld [tilespmem:$0xBE0];
	_ =	sdelay $0x4  }
0x798: {  	v63 =	vshll.u32 v3, $0x1  }
0x799: {  	v3 =	vand.u32 $0x7, v3;
	v4 =	vand.u32 $0xFFFFFFF0, v63  }
0x79a: {  	v3 =	vor.u32 v3, v4  }
0x79b: {  	v4 =	vperm.xlane v3, v0;
	_ =	sdelay $0x1  }
0x79c: {  	v3 =	vperm.xlane v3, v2;
	v4 =	vadd.s32 v1, v4;
	_ =	sdelay $0x1  }
0x79d: {  	v3 =	vadd.s32 v1, v3;
	_ =	sdelay $0x1  }
0x79e: {  	s22 =	simm.s32 $0x1C000  }
0x79f: {  	[tilespmem:s22], [sflag:$0x2] =	stream.indirect_vreg.gather [hbm4b:s2+s3], $0x80, v4, vm0, $0xb8;
	[tilespmem:$0x1D000] =	vst v63  }
0x7a0: {  	s23 =	simm.s32 $0x1C800  }
0x7a1: {  	[tilespmem:s23], [sflag:$0x2] =	stream.indirect_vreg.gather [hbm4b:s2+s3], $0x80, v3, vm0, $0xb8;
	[tilespmem:$0x1D000] =	vst v63  }
0x7a2: {  	_ =	swait.ge [sflag:s10], $0x7000  }
0x7a3: {  	[sflag:s10] =	ssyncset.done $0x0  }
0x7a4: {  	[sflag:s10] =	ssyncadd.s32 $0xFFFF9000  }
0x7a5: {  	_ =	swait.ge [sflag:s10], $0x7000  }
0x7a6: {  	[sflag:s10] =	ssyncset.done $0x0  }
0x7a7: {  	s24 =	rddreg [dreg:$0xd];
	[sflag:s10] =	ssyncadd.s32 $0xFFFF9000  }
0x7a8: {  	[hbm4b:s24+s3] =	stream.linear.scatter [tilespmem:s25], [sflag:$0x3], $0xE000, $0x38;
	[tilespmem:$0x1D000] =	vst v63  }
0x7a9: {  	_ =	swait.ge [sflag:s11], $0xE000  }
0x7aa: {  	[sflag:s11] =	ssyncset.done $0x0  }
0x7ab: {  	[sflag:s11] =	ssyncadd.s32 $0xFFFF2000  }
0x7ac: {  	v3 =	vld [tilespmem:$0xC00];
	_ =	sdelay $0x4  }
0x7ad: {  	v8 =	vshll.u32 v3, $0x1  }
0x7ae: {  	v3 =	vand.u32 $0x7, v3;
	v4 =	vand.u32 $0xFFFFFFF0, v8  }
0x7af: {  	v3 =	vor.u32 v3, v4  }
0x7b0: {  	v4 =	vperm.xlane v3, v0;
	_ =	sdelay $0x1  }
0x7b1: {  	v3 =	vperm.xlane v3, v2;
	v4 =	vadd.s32 v1, v4;
	_ =	sdelay $0x1  }
0x7b2: {  	v3 =	vadd.s32 v1, v3;
	_ =	sdelay $0x2  }
0x7b3: {  	[tilespmem:s25], [sflag:$0x1] =	stream.indirect_vreg.gather [hbm4b:s2+s3], $0x80, v4, vm0, $0xb8;
	[tilespmem:$0x1D000] =	vst v63  }
0x7b4: {  	s26 =	simm.s32 $0x1800  }
0x7b5: {  	[tilespmem:s26], [sflag:$0x1] =	stream.indirect_vreg.gather [hbm4b:s2+s3], $0x80, v3, vm0, $0xb8;
	[tilespmem:$0x1D000] =	vst v63  }
0x7b6: {  	v3 =	vld [tilespmem:$0xC10];
	_ =	sdelay $0x4  }
0x7b7: {  	v9 =	vshll.u32 v3, $0x1  }
0x7b8: {  	v3 =	vand.u32 $0x7, v3;
	v4 =	vand.u32 $0xFFFFFFF0, v9  }
0x7b9: {  	v3 =	vor.u32 v3, v4  }
0x7ba: {  	v4 =	vperm.xlane v3, v0;
	_ =	sdelay $0x1  }
0x7bb: {  	v3 =	vperm.xlane v3, v2;
	v4 =	vadd.s32 v1, v4;
	_ =	sdelay $0x1  }
0x7bc: {  	v3 =	vadd.s32 v1, v3;
	_ =	sdelay $0x1  }
0x7bd: {  	s28 =	simm.s32 $0x2000  }
0x7be: {  	[tilespmem:s28], [sflag:$0x1] =	stream.indirect_vreg.gather [hbm4b:s2+s3], $0x80, v4, vm0, $0xb8;
	[tilespmem:$0x1D000] =	vst v63  }
0x7bf: {  	s29 =	simm.s32 $0x2800  }
0x7c0: {  	[tilespmem:s29], [sflag:$0x1] =	stream.indirect_vreg.gather [hbm4b:s2+s3], $0x80, v3, vm0, $0xb8;
	[tilespmem:$0x1D000] =	vst v63  }
0x7c1: {  	v3 =	vld [tilespmem:$0xC20];
	_ =	sdelay $0x4  }
0x7c2: {  	v10 =	vshll.u32 v3, $0x1  }
0x7c3: {  	v3 =	vand.u32 $0x7, v3;
	v4 =	vand.u32 $0xFFFFFFF0, v10  }
0x7c4: {  	v3 =	vor.u32 v3, v4  }
0x7c5: {  	v4 =	vperm.xlane v3, v0;
	_ =	sdelay $0x1  }
0x7c6: {  	v3 =	vperm.xlane v3, v2;
	v4 =	vadd.s32 v1, v4;
	_ =	sdelay $0x1  }
0x7c7: {  	v3 =	vadd.s32 v1, v3;
	_ =	sdelay $0x1  }
0x7c8: {  	s30 =	simm.s32 $0x3000  }
0x7c9: {  	[tilespmem:s30], [sflag:$0x1] =	stream.indirect_vreg.gather [hbm4b:s2+s3], $0x80, v4, vm0, $0xb8;
	[tilespmem:$0x1D000] =	vst v63  }
0x7ca: {  	s31 =	simm.s32 $0x3800  }
0x7cb: {  	[tilespmem:s31], [sflag:$0x1] =	stream.indirect_vreg.gather [hbm4b:s2+s3], $0x80, v3, vm0, $0xb8;
	[tilespmem:$0x1D000] =	vst v63  }
0x7cc: {  	v3 =	vld [tilespmem:$0xC30];
	_ =	sdelay $0x4  }
0x7cd: {  	v11 =	vshll.u32 v3, $0x1  }
0x7ce: {  	v3 =	vand.u32 $0x7, v3;
	v4 =	vand.u32 $0xFFFFFFF0, v11  }
0x7cf: {  	v3 =	vor.u32 v3, v4  }
0x7d0: {  	v4 =	vperm.xlane v3, v0;
	_ =	sdelay $0x1  }
0x7d1: {  	v3 =	vperm.xlane v3, v2;
	v4 =	vadd.s32 v1, v4;
	_ =	sdelay $0x1  }
0x7d2: {  	v3 =	vadd.s32 v1, v3;
	_ =	sdelay $0x1  }
0x7d3: {  	s4 =	simm.s32 $0x4000  }
0x7d4: {  	[tilespmem:s4], [sflag:$0x1] =	stream.indirect_vreg.gather [hbm4b:s2+s3], $0x80, v4, vm0, $0xb8;
	[tilespmem:$0x1D000] =	vst v63  }
0x7d5: {  	s14 =	simm.s32 $0x4800  }
0x7d6: {  	[tilespmem:s14], [sflag:$0x1] =	stream.indirect_vreg.gather [hbm4b:s2+s3], $0x80, v3, vm0, $0xb8;
	[tilespmem:$0x1D000] =	vst v63  }
0x7d7: {  	v3 =	vld [tilespmem:$0xC40];
	_ =	sdelay $0x4  }
0x7d8: {  	v12 =	vshll.u32 v3, $0x1  }
0x7d9: {  	v3 =	vand.u32 $0x7, v3;
	v4 =	vand.u32 $0xFFFFFFF0, v12  }
0x7da: {  	v3 =	vor.u32 v3, v4  }
0x7db: {  	v4 =	vperm.xlane v3, v0;
	_ =	sdelay $0x1  }
0x7dc: {  	v3 =	vperm.xlane v3, v2;
	v4 =	vadd.s32 v1, v4;
	_ =	sdelay $0x1  }
0x7dd: {  	v3 =	vadd.s32 v1, v3;
	_ =	sdelay $0x1  }
0x7de: {  	s5 =	simm.s32 $0x5000  }
0x7df: {  	[tilespmem:s5], [sflag:$0x1] =	stream.indirect_vreg.gather [hbm4b:s2+s3], $0x80, v4, vm0, $0xb8;
	[tilespmem:$0x1D000] =	vst v63  }
0x7e0: {  	s15 =	simm.s32 $0x5800  }
0x7e1: {  	[tilespmem:s15], [sflag:$0x1] =	stream.indirect_vreg.gather [hbm4b:s2+s3], $0x80, v3, vm0, $0xb8;
	[tilespmem:$0x1D000] =	vst v63  }
0x7e2: {  	v3 =	vld [tilespmem:$0xC50];
	_ =	sdelay $0x4  }
0x7e3: {  	v13 =	vshll.u32 v3, $0x1  }
0x7e4: {  	v3 =	vand.u32 $0x7, v3;
	v4 =	vand.u32 $0xFFFFFFF0, v13  }
0x7e5: {  	v3 =	vor.u32 v3, v4  }
0x7e6: {  	v4 =	vperm.xlane v3, v0;
	_ =	sdelay $0x1  }
0x7e7: {  	v3 =	vperm.xlane v3, v2;
	v4 =	vadd.s32 v1, v4;
	_ =	sdelay $0x1  }
0x7e8: {  	v3 =	vadd.s32 v1, v3;
	_ =	sdelay $0x1  }
0x7e9: {  	s6 =	simm.s32 $0x6000  }
0x7ea: {  	[tilespmem:s6], [sflag:$0x1] =	stream.indirect_vreg.gather [hbm4b:s2+s3], $0x80, v4, vm0, $0xb8;
	[tilespmem:$0x1D000] =	vst v63  }
0x7eb: {  	s22 =	simm.s32 $0x6800  }
0x7ec: {  	[tilespmem:s22], [sflag:$0x1] =	stream.indirect_vreg.gather [hbm4b:s2+s3], $0x80, v3, vm0, $0xb8;
	[tilespmem:$0x1D000] =	vst v63  }
0x7ed: {  	v3 =	vld [tilespmem:$0xC60];
	_ =	sdelay $0x4  }
0x7ee: {  	v14 =	vshll.u32 v3, $0x1  }
0x7ef: {  	v3 =	vand.u32 $0x7, v3;
	v4 =	vand.u32 $0xFFFFFFF0, v14  }
0x7f0: {  	v3 =	vor.u32 v3, v4  }
0x7f1: {  	v4 =	vperm.xlane v3, v0;
	_ =	sdelay $0x1  }
0x7f2: {  	v3 =	vperm.xlane v3, v2;
	v4 =	vadd.s32 v1, v4;
	_ =	sdelay $0x1  }
0x7f3: {  	v3 =	vadd.s32 v1, v3;
	_ =	sdelay $0x1  }
0x7f4: {  	s7 =	simm.s32 $0x7000  }
0x7f5: {  	[tilespmem:s7], [sflag:$0x1] =	stream.indirect_vreg.gather [hbm4b:s2+s3], $0x80, v4, vm0, $0xb8;
	[tilespmem:$0x1D000] =	vst v63  }
0x7f6: {  	s23 =	simm.s32 $0x7800  }
0x7f7: {  	[tilespmem:s23], [sflag:$0x1] =	stream.indirect_vreg.gather [hbm4b:s2+s3], $0x80, v3, vm0, $0xb8;
	[tilespmem:$0x1D000] =	vst v63  }
0x7f8: {  	v3 =	vld [tilespmem:$0xC80];
	_ =	sdelay $0x4  }
0x7f9: {  	v15 =	vshll.u32 v3, $0x1  }
0x7fa: {  	v3 =	vand.u32 $0x7, v3;
	v4 =	vand.u32 $0xFFFFFFF0, v15  }
0x7fb: {  	v3 =	vor.u32 v3, v4  }
0x7fc: {  	v4 =	vperm.xlane v3, v0;
	_ =	sdelay $0x1  }
0x7fd: {  	v3 =	vperm.xlane v3, v2;
	v4 =	vadd.s32 v1, v4;
	_ =	sdelay $0x1  }
0x7fe: {  	v3 =	vadd.s32 v1, v3;
	_ =	sdelay $0x1  }
0x7ff: {  	s24 =	simm.s32 $0x8000  }
0x800: {  	[tilespmem:s24], [sflag:$0x1] =	stream.indirect_vreg.gather [hbm4b:s2+s3], $0x80, v4, vm0, $0xb8;
	[tilespmem:$0x1D000] =	vst v63  }
0x801: {  	s26 =	simm.s32 $0x8800  }
0x802: {  	[tilespmem:s26], [sflag:$0x1] =	stream.indirect_vreg.gather [hbm4b:s2+s3], $0x80, v3, vm0, $0xb8;
	[tilespmem:$0x1D000] =	vst v63  }
0x803: {  	v3 =	vld [tilespmem:$0xC90];
	_ =	sdelay $0x4  }
0x804: {  	v16 =	vshll.u32 v3, $0x1  }
0x805: {  	v3 =	vand.u32 $0x7, v3;
	v4 =	vand.u32 $0xFFFFFFF0, v16  }
0x806: {  	v3 =	vor.u32 v3, v4  }
0x807: {  	v4 =	vperm.xlane v3, v0;
	_ =	sdelay $0x1  }
0x808: {  	v3 =	vperm.xlane v3, v2;
	v4 =	vadd.s32 v1, v4;
	_ =	sdelay $0x1  }
0x809: {  	v3 =	vadd.s32 v1, v3;
	_ =	sdelay $0x1  }
0x80a: {  	s19 =	simm.s32 $0x9000  }
0x80b: {  	[tilespmem:s19], [sflag:$0x1] =	stream.indirect_vreg.gather [hbm4b:s2+s3], $0x80, v4, vm0, $0xb8;
	[tilespmem:$0x1D000] =	vst v63  }
0x80c: {  	s28 =	simm.s32 $0x9800  }
0x80d: {  	[tilespmem:s28], [sflag:$0x1] =	stream.indirect_vreg.gather [hbm4b:s2+s3], $0x80, v3, vm0, $0xb8;
	[tilespmem:$0x1D000] =	vst v63  }
0x80e: {  	v3 =	vld [tilespmem:$0xCA0];
	_ =	sdelay $0x4  }
0x80f: {  	v17 =	vshll.u32 v3, $0x1  }
0x810: {  	v3 =	vand.u32 $0x7, v3;
	v4 =	vand.u32 $0xFFFFFFF0, v17  }
0x811: {  	v3 =	vor.u32 v3, v4  }
0x812: {  	v4 =	vperm.xlane v3, v0;
	_ =	sdelay $0x1  }
0x813: {  	v3 =	vperm.xlane v3, v2;
	v4 =	vadd.s32 v1, v4;
	_ =	sdelay $0x1  }
0x814: {  	v3 =	vadd.s32 v1, v3;
	_ =	sdelay $0x1  }
0x815: {  	s20 =	simm.s32 $0xA000  }
0x816: {  	[tilespmem:s20], [sflag:$0x1] =	stream.indirect_vreg.gather [hbm4b:s2+s3], $0x80, v4, vm0, $0xb8;
	[tilespmem:$0x1D000] =	vst v63  }
0x817: {  	s29 =	simm.s32 $0xA800  }
0x818: {  	[tilespmem:s29], [sflag:$0x1] =	stream.indirect_vreg.gather [hbm4b:s2+s3], $0x80, v3, vm0, $0xb8;
	[tilespmem:$0x1D000] =	vst v63  }
0x819: {  	v3 =	vld [tilespmem:$0xCB0];
	_ =	sdelay $0x4  }
0x81a: {  	v18 =	vshll.u32 v3, $0x1  }
0x81b: {  	v3 =	vand.u32 $0x7, v3;
	v4 =	vand.u32 $0xFFFFFFF0, v18  }
0x81c: {  	v3 =	vor.u32 v3, v4  }
0x81d: {  	v4 =	vperm.xlane v3, v0;
	_ =	sdelay $0x1  }
0x81e: {  	v3 =	vperm.xlane v3, v2;
	v4 =	vadd.s32 v1, v4;
	_ =	sdelay $0x1  }
0x81f: {  	v3 =	vadd.s32 v1, v3;
	_ =	sdelay $0x1  }
0x820: {  	s18 =	simm.s32 $0xB000  }
0x821: {  	[tilespmem:s18], [sflag:$0x1] =	stream.indirect_vreg.gather [hbm4b:s2+s3], $0x80, v4, vm0, $0xb8;
	[tilespmem:$0x1D000] =	vst v63  }
0x822: {  	s30 =	simm.s32 $0xB800  }
0x823: {  	[tilespmem:s30], [sflag:$0x1] =	stream.indirect_vreg.gather [hbm4b:s2+s3], $0x80, v3, vm0, $0xb8;
	[tilespmem:$0x1D000] =	vst v63  }
0x824: {  	v3 =	vld [tilespmem:$0xCC0];
	_ =	sdelay $0x4  }
0x825: {  	v19 =	vshll.u32 v3, $0x1  }
0x826: {  	v3 =	vand.u32 $0x7, v3;
	v4 =	vand.u32 $0xFFFFFFF0, v19  }
0x827: {  	v3 =	vor.u32 v3, v4  }
0x828: {  	v4 =	vperm.xlane v3, v0;
	_ =	sdelay $0x1  }
0x829: {  	v3 =	vperm.xlane v3, v2;
	v4 =	vadd.s32 v1, v4;
	_ =	sdelay $0x1  }
0x82a: {  	v3 =	vadd.s32 v1, v3;
	_ =	sdelay $0x1  }
0x82b: {  	s21 =	simm.s32 $0xC000  }
0x82c: {  	[tilespmem:s21], [sflag:$0x1] =	stream.indirect_vreg.gather [hbm4b:s2+s3], $0x80, v4, vm0, $0xb8;
	[tilespmem:$0x1D000] =	vst v63  }
0x82d: {  	s31 =	simm.s32 $0xC800  }
0x82e: {  	[tilespmem:s31], [sflag:$0x1] =	stream.indirect_vreg.gather [hbm4b:s2+s3], $0x80, v3, vm0, $0xb8;
	[tilespmem:$0x1D000] =	vst v63  }
0x82f: {  	v3 =	vld [tilespmem:$0xCD0];
	_ =	sdelay $0x4  }
0x830: {  	v20 =	vshll.u32 v3, $0x1  }
0x831: {  	v3 =	vand.u32 $0x7, v3;
	v4 =	vand.u32 $0xFFFFFFF0, v20  }
0x832: {  	v3 =	vor.u32 v3, v4  }
0x833: {  	v4 =	vperm.xlane v3, v0;
	_ =	sdelay $0x1  }
0x834: {  	v3 =	vperm.xlane v3, v2;
	v4 =	vadd.s32 v1, v4;
	_ =	sdelay $0x1  }
0x835: {  	v3 =	vadd.s32 v1, v3;
	_ =	sdelay $0x1  }
0x836: {  	s16 =	simm.s32 $0xD000  }
0x837: {  	[tilespmem:s16], [sflag:$0x1] =	stream.indirect_vreg.gather [hbm4b:s2+s3], $0x80, v4, vm0, $0xb8;
	[tilespmem:$0x1D000] =	vst v63  }
0x838: {  	s16 =	simm.s32 $0xD800  }
0x839: {  	[tilespmem:s16], [sflag:$0x1] =	stream.indirect_vreg.gather [hbm4b:s2+s3], $0x80, v3, vm0, $0xb8;
	[tilespmem:$0x1D000] =	vst v63  }
0x83a: {  	v3 =	vld [tilespmem:$0xCE0];
	_ =	sdelay $0x4  }
0x83b: {  	v21 =	vshll.u32 v3, $0x1  }
0x83c: {  	v3 =	vand.u32 $0x7, v3;
	v4 =	vand.u32 $0xFFFFFFF0, v21  }
0x83d: {  	v3 =	vor.u32 v3, v4  }
0x83e: {  	v4 =	vperm.xlane v3, v0;
	_ =	sdelay $0x1  }
0x83f: {  	v3 =	vperm.xlane v3, v2;
	v4 =	vadd.s32 v1, v4;
	_ =	sdelay $0x1  }
0x840: {  	v3 =	vadd.s32 v1, v3;
	_ =	sdelay $0x1  }
0x841: {  	s17 =	simm.s32 $0xE000  }
0x842: {  	[tilespmem:s17], [sflag:$0x1] =	stream.indirect_vreg.gather [hbm4b:s2+s3], $0x80, v4, vm0, $0xb8;
	[tilespmem:$0x1D000] =	vst v63  }
0x843: {  	s17 =	simm.s32 $0xE800  }
0x844: {  	[tilespmem:s17], [sflag:$0x1] =	stream.indirect_vreg.gather [hbm4b:s2+s3], $0x80, v3, vm0, $0xb8;
	[tilespmem:$0x1D000] =	vst v63  }
0x845: {  	_ =	swait.ge [sflag:s12], $0x7000  }
0x846: {  	[sflag:s12] =	ssyncset.done $0x0  }
0x847: {  	[sflag:s12] =	ssyncadd.s32 $0xFFFF9000  }
0x848: {  	_ =	swait.ge [sflag:s12], $0x7000  }
0x849: {  	[sflag:s12] =	ssyncset.done $0x0  }
0x84a: {  	s28 =	rddreg [dreg:$0xe];
	[sflag:s12] =	ssyncadd.s32 $0xFFFF9000  }
0x84b: {  	[hbm4b:s28+s3] =	stream.linear.scatter [tilespmem:s8], [sflag:$0x4], $0xE000, $0x38;
	[tilespmem:$0x1D000] =	vst v63  }
0x84c: {  	_ =	swait.ge [sflag:s13], $0xE000  }
0x84d: {  	[sflag:s13] =	ssyncset.done $0x0  }
0x84e: {  	[sflag:s13] =	ssyncadd.s32 $0xFFFF2000  }
0x84f: {  	v3 =	vld [tilespmem:$0xD00];
	_ =	sdelay $0x4  }
0x850: {  	v22 =	vshll.u32 v3, $0x1  }
0x851: {  	v3 =	vand.u32 $0x7, v3;
	v4 =	vand.u32 $0xFFFFFFF0, v22  }
0x852: {  	v3 =	vor.u32 v3, v4  }
0x853: {  	v4 =	vperm.xlane v3, v0;
	_ =	sdelay $0x1  }
0x854: {  	v3 =	vperm.xlane v3, v2;
	v4 =	vadd.s32 v1, v4;
	_ =	sdelay $0x1  }
0x855: {  	v3 =	vadd.s32 v1, v3;
	_ =	sdelay $0x2  }
0x856: {  	[tilespmem:s8], [sflag:$0x2] =	stream.indirect_vreg.gather [hbm4b:s2+s3], $0x80, v4, vm0, $0xb8;
	[tilespmem:$0x1D000] =	vst v63  }
0x857: {  	s29 =	simm.s32 $0xF800  }
0x858: {  	[tilespmem:s29], [sflag:$0x2] =	stream.indirect_vreg.gather [hbm4b:s2+s3], $0x80, v3, vm0, $0xb8;
	[tilespmem:$0x1D000] =	vst v63  }
0x859: {  	v3 =	vld [tilespmem:$0xD10];
	_ =	sdelay $0x4  }
0x85a: {  	v23 =	vshll.u32 v3, $0x1  }
0x85b: {  	v3 =	vand.u32 $0x7, v3;
	v4 =	vand.u32 $0xFFFFFFF0, v23  }
0x85c: {  	v3 =	vor.u32 v3, v4  }
0x85d: {  	v4 =	vperm.xlane v3, v0;
	_ =	sdelay $0x1  }
0x85e: {  	v3 =	vperm.xlane v3, v2;
	v4 =	vadd.s32 v1, v4;
	_ =	sdelay $0x1  }
0x85f: {  	v3 =	vadd.s32 v1, v3;
	_ =	sdelay $0x1  }
0x860: {  	s30 =	simm.s32 $0x10000  }
0x861: {  	[tilespmem:s30], [sflag:$0x2] =	stream.indirect_vreg.gather [hbm4b:s2+s3], $0x80, v4, vm0, $0xb8;
	[tilespmem:$0x1D000] =	vst v63  }
0x862: {  	s31 =	simm.s32 $0x10800  }
0x863: {  	[tilespmem:s31], [sflag:$0x2] =	stream.indirect_vreg.gather [hbm4b:s2+s3], $0x80, v3, vm0, $0xb8;
	[tilespmem:$0x1D000] =	vst v63  }
0x864: {  	v3 =	vld [tilespmem:$0xD20];
	_ =	sdelay $0x4  }
0x865: {  	v24 =	vshll.u32 v3, $0x1  }
0x866: {  	v3 =	vand.u32 $0x7, v3;
	v4 =	vand.u32 $0xFFFFFFF0, v24  }
0x867: {  	v3 =	vor.u32 v3, v4  }
0x868: {  	v4 =	vperm.xlane v3, v0;
	_ =	sdelay $0x1  }
0x869: {  	v3 =	vperm.xlane v3, v2;
	v4 =	vadd.s32 v1, v4;
	_ =	sdelay $0x1  }
0x86a: {  	v3 =	vadd.s32 v1, v3;
	_ =	sdelay $0x1  }
0x86b: {  	s28 =	simm.s32 $0x11000  }
0x86c: {  	[tilespmem:s28], [sflag:$0x2] =	stream.indirect_vreg.gather [hbm4b:s2+s3], $0x80, v4, vm0, $0xb8;
	[tilespmem:$0x1D000] =	vst v63  }
0x86d: {  	s29 =	simm.s32 $0x11800  }
0x86e: {  	[tilespmem:s29], [sflag:$0x2] =	stream.indirect_vreg.gather [hbm4b:s2+s3], $0x80, v3, vm0, $0xb8;
	[tilespmem:$0x1D000] =	vst v63  }
0x86f: {  	v3 =	vld [tilespmem:$0xD30];
	_ =	sdelay $0x4  }
0x870: {  	v25 =	vshll.u32 v3, $0x1  }
0x871: {  	v3 =	vand.u32 $0x7, v3;
	v4 =	vand.u32 $0xFFFFFFF0, v25  }
0x872: {  	v3 =	vor.u32 v3, v4  }
0x873: {  	v4 =	vperm.xlane v3, v0;
	_ =	sdelay $0x1  }
0x874: {  	v3 =	vperm.xlane v3, v2;
	v4 =	vadd.s32 v1, v4;
	_ =	sdelay $0x1  }
0x875: {  	v3 =	vadd.s32 v1, v3;
	_ =	sdelay $0x1  }
0x876: {  	s30 =	simm.s32 $0x12000  }
0x877: {  	[tilespmem:s30], [sflag:$0x2] =	stream.indirect_vreg.gather [hbm4b:s2+s3], $0x80, v4, vm0, $0xb8;
	[tilespmem:$0x1D000] =	vst v63  }
0x878: {  	s31 =	simm.s32 $0x12800  }
0x879: {  	[tilespmem:s31], [sflag:$0x2] =	stream.indirect_vreg.gather [hbm4b:s2+s3], $0x80, v3, vm0, $0xb8;
	[tilespmem:$0x1D000] =	vst v63  }
0x87a: {  	v3 =	vld [tilespmem:$0xD40];
	_ =	sdelay $0x4  }
0x87b: {  	v26 =	vshll.u32 v3, $0x1  }
0x87c: {  	v3 =	vand.u32 $0x7, v3;
	v4 =	vand.u32 $0xFFFFFFF0, v26  }
0x87d: {  	v3 =	vor.u32 v3, v4  }
0x87e: {  	v4 =	vperm.xlane v3, v0;
	_ =	sdelay $0x1  }
0x87f: {  	v3 =	vperm.xlane v3, v2;
	v4 =	vadd.s32 v1, v4;
	_ =	sdelay $0x1  }
0x880: {  	v3 =	vadd.s32 v1, v3;
	_ =	sdelay $0x1  }
0x881: {  	s30 =	simm.s32 $0x13000  }
0x882: {  	[tilespmem:s30], [sflag:$0x2] =	stream.indirect_vreg.gather [hbm4b:s2+s3], $0x80, v4, vm0, $0xb8;
	[tilespmem:$0x1D000] =	vst v63  }
0x883: {  	s31 =	simm.s32 $0x13800  }
0x884: {  	[tilespmem:s31], [sflag:$0x2] =	stream.indirect_vreg.gather [hbm4b:s2+s3], $0x80, v3, vm0, $0xb8;
	[tilespmem:$0x1D000] =	vst v63  }
0x885: {  	v3 =	vld [tilespmem:$0xD50];
	_ =	sdelay $0x4  }
0x886: {  	v27 =	vshll.u32 v3, $0x1  }
0x887: {  	v3 =	vand.u32 $0x7, v3;
	v4 =	vand.u32 $0xFFFFFFF0, v27  }
0x888: {  	v3 =	vor.u32 v3, v4  }
0x889: {  	v4 =	vperm.xlane v3, v0;
	_ =	sdelay $0x1  }
0x88a: {  	v3 =	vperm.xlane v3, v2;
	v4 =	vadd.s32 v1, v4;
	_ =	sdelay $0x1  }
0x88b: {  	v3 =	vadd.s32 v1, v3;
	_ =	sdelay $0x1  }
0x88c: {  	s31 =	simm.s32 $0x14000  }
0x88d: {  	[tilespmem:s31], [sflag:$0x2] =	stream.indirect_vreg.gather [hbm4b:s2+s3], $0x80, v4, vm0, $0xb8;
	[tilespmem:$0x1D000] =	vst v63  }
0x88e: {  	s14 =	simm.s32 $0x14800  }
0x88f: {  	[tilespmem:s14], [sflag:$0x2] =	stream.indirect_vreg.gather [hbm4b:s2+s3], $0x80, v3, vm0, $0xb8;
	[tilespmem:$0x1D000] =	vst v63  }
0x890: {  	v3 =	vld [tilespmem:$0xD60];
	_ =	sdelay $0x4  }
0x891: {  	v28 =	vshll.u32 v3, $0x1  }
0x892: {  	v3 =	vand.u32 $0x7, v3;
	v4 =	vand.u32 $0xFFFFFFF0, v28  }
0x893: {  	v3 =	vor.u32 v3, v4  }
0x894: {  	v4 =	vperm.xlane v3, v0;
	_ =	sdelay $0x1  }
0x895: {  	v3 =	vperm.xlane v3, v2;
	v4 =	vadd.s32 v1, v4;
	_ =	sdelay $0x1  }
0x896: {  	v3 =	vadd.s32 v1, v3;
	_ =	sdelay $0x1  }
0x897: {  	s14 =	simm.s32 $0x15000  }
0x898: {  	[tilespmem:s14], [sflag:$0x2] =	stream.indirect_vreg.gather [hbm4b:s2+s3], $0x80, v4, vm0, $0xb8;
	[tilespmem:$0x1D000] =	vst v63  }
0x899: {  	s14 =	simm.s32 $0x15800  }
0x89a: {  	[tilespmem:s14], [sflag:$0x2] =	stream.indirect_vreg.gather [hbm4b:s2+s3], $0x80, v3, vm0, $0xb8;
	[tilespmem:$0x1D000] =	vst v63  }
0x89b: {  	v3 =	vld [tilespmem:$0xD80];
	_ =	sdelay $0x4  }
0x89c: {  	v29 =	vshll.u32 v3, $0x1  }
0x89d: {  	v3 =	vand.u32 $0x7, v3;
	v4 =	vand.u32 $0xFFFFFFF0, v29  }
0x89e: {  	v3 =	vor.u32 v3, v4  }
0x89f: {  	v4 =	vperm.xlane v3, v0;
	_ =	sdelay $0x1  }
0x8a0: {  	v3 =	vperm.xlane v3, v2;
	v4 =	vadd.s32 v1, v4;
	_ =	sdelay $0x1  }
0x8a1: {  	v3 =	vadd.s32 v1, v3;
	_ =	sdelay $0x1  }
0x8a2: {  	s14 =	simm.s32 $0x16000  }
0x8a3: {  	[tilespmem:s14], [sflag:$0x2] =	stream.indirect_vreg.gather [hbm4b:s2+s3], $0x80, v4, vm0, $0xb8;
	[tilespmem:$0x1D000] =	vst v63  }
0x8a4: {  	s14 =	simm.s32 $0x16800  }
0x8a5: {  	[tilespmem:s14], [sflag:$0x2] =	stream.indirect_vreg.gather [hbm4b:s2+s3], $0x80, v3, vm0, $0xb8;
	[tilespmem:$0x1D000] =	vst v63  }
0x8a6: {  	v3 =	vld [tilespmem:$0xD90];
	_ =	sdelay $0x4  }
0x8a7: {  	v30 =	vshll.u32 v3, $0x1  }
0x8a8: {  	v3 =	vand.u32 $0x7, v3;
	v4 =	vand.u32 $0xFFFFFFF0, v30  }
0x8a9: {  	v3 =	vor.u32 v3, v4  }
0x8aa: {  	v4 =	vperm.xlane v3, v0;
	_ =	sdelay $0x1  }
0x8ab: {  	v3 =	vperm.xlane v3, v2;
	v4 =	vadd.s32 v1, v4;
	_ =	sdelay $0x1  }
0x8ac: {  	v3 =	vadd.s32 v1, v3;
	_ =	sdelay $0x1  }
0x8ad: {  	s14 =	simm.s32 $0x17000  }
0x8ae: {  	[tilespmem:s14], [sflag:$0x2] =	stream.indirect_vreg.gather [hbm4b:s2+s3], $0x80, v4, vm0, $0xb8;
	[tilespmem:$0x1D000] =	vst v63  }
0x8af: {  	s14 =	simm.s32 $0x17800  }
0x8b0: {  	[tilespmem:s14], [sflag:$0x2] =	stream.indirect_vreg.gather [hbm4b:s2+s3], $0x80, v3, vm0, $0xb8;
	[tilespmem:$0x1D000] =	vst v63  }
0x8b1: {  	v3 =	vld [tilespmem:$0xDA0];
	_ =	sdelay $0x4  }
0x8b2: {  	v31 =	vshll.u32 v3, $0x1  }
0x8b3: {  	v3 =	vand.u32 $0x7, v3;
	v4 =	vand.u32 $0xFFFFFFF0, v31  }
0x8b4: {  	v3 =	vor.u32 v3, v4  }
0x8b5: {  	v4 =	vperm.xlane v3, v0;
	_ =	sdelay $0x1  }
0x8b6: {  	v3 =	vperm.xlane v3, v2;
	v4 =	vadd.s32 v1, v4;
	_ =	sdelay $0x1  }
0x8b7: {  	v3 =	vadd.s32 v1, v3;
	_ =	sdelay $0x1  }
0x8b8: {  	s14 =	simm.s32 $0x18000  }
0x8b9: {  	[tilespmem:s14], [sflag:$0x2] =	stream.indirect_vreg.gather [hbm4b:s2+s3], $0x80, v4, vm0, $0xb8;
	[tilespmem:$0x1D000] =	vst v63  }
0x8ba: {  	s14 =	simm.s32 $0x18800  }
0x8bb: {  	[tilespmem:s14], [sflag:$0x2] =	stream.indirect_vreg.gather [hbm4b:s2+s3], $0x80, v3, vm0, $0xb8;
	[tilespmem:$0x1D000] =	vst v63  }
0x8bc: {  	v3 =	vld [tilespmem:$0xDB0];
	_ =	sdelay $0x4  }
0x8bd: {  	v32 =	vshll.u32 v3, $0x1  }
0x8be: {  	v3 =	vand.u32 $0x7, v3;
	v4 =	vand.u32 $0xFFFFFFF0, v32  }
0x8bf: {  	v3 =	vor.u32 v3, v4  }
0x8c0: {  	v4 =	vperm.xlane v3, v0;
	_ =	sdelay $0x1  }
0x8c1: {  	v3 =	vperm.xlane v3, v2;
	v4 =	vadd.s32 v1, v4;
	_ =	sdelay $0x1  }
0x8c2: {  	v3 =	vadd.s32 v1, v3;
	_ =	sdelay $0x1  }
0x8c3: {  	s14 =	simm.s32 $0x19000  }
0x8c4: {  	[tilespmem:s14], [sflag:$0x2] =	stream.indirect_vreg.gather [hbm4b:s2+s3], $0x80, v4, vm0, $0xb8;
	[tilespmem:$0x1D000] =	vst v63  }
0x8c5: {  	s14 =	simm.s32 $0x19800  }
0x8c6: {  	[tilespmem:s14], [sflag:$0x2] =	stream.indirect_vreg.gather [hbm4b:s2+s3], $0x80, v3, vm0, $0xb8;
	[tilespmem:$0x1D000] =	vst v63  }
0x8c7: {  	v3 =	vld [tilespmem:$0xDC0];
	_ =	sdelay $0x4  }
0x8c8: {  	v33 =	vshll.u32 v3, $0x1  }
0x8c9: {  	v3 =	vand.u32 $0x7, v3;
	v4 =	vand.u32 $0xFFFFFFF0, v33  }
0x8ca: {  	v3 =	vor.u32 v3, v4  }
0x8cb: {  	v4 =	vperm.xlane v3, v0;
	_ =	sdelay $0x1  }
0x8cc: {  	v3 =	vperm.xlane v3, v2;
	v4 =	vadd.s32 v1, v4;
	_ =	sdelay $0x1  }
0x8cd: {  	v3 =	vadd.s32 v1, v3;
	_ =	sdelay $0x1  }
0x8ce: {  	s14 =	simm.s32 $0x1A000  }
0x8cf: {  	[tilespmem:s14], [sflag:$0x2] =	stream.indirect_vreg.gather [hbm4b:s2+s3], $0x80, v4, vm0, $0xb8;
	[tilespmem:$0x1D000] =	vst v63  }
0x8d0: {  	s14 =	simm.s32 $0x1A800  }
0x8d1: {  	[tilespmem:s14], [sflag:$0x2] =	stream.indirect_vreg.gather [hbm4b:s2+s3], $0x80, v3, vm0, $0xb8;
	[tilespmem:$0x1D000] =	vst v63  }
0x8d2: {  	v3 =	vld [tilespmem:$0xDD0];
	_ =	sdelay $0x4  }
0x8d3: {  	v34 =	vshll.u32 v3, $0x1  }
0x8d4: {  	v3 =	vand.u32 $0x7, v3;
	v4 =	vand.u32 $0xFFFFFFF0, v34  }
0x8d5: {  	v3 =	vor.u32 v3, v4  }
0x8d6: {  	v4 =	vperm.xlane v3, v0;
	_ =	sdelay $0x1  }
0x8d7: {  	v3 =	vperm.xlane v3, v2;
	v4 =	vadd.s32 v1, v4;
	_ =	sdelay $0x1  }
0x8d8: {  	v3 =	vadd.s32 v1, v3;
	_ =	sdelay $0x1  }
0x8d9: {  	s14 =	simm.s32 $0x1B000  }
0x8da: {  	[tilespmem:s14], [sflag:$0x2] =	stream.indirect_vreg.gather [hbm4b:s2+s3], $0x80, v4, vm0, $0xb8;
	[tilespmem:$0x1D000] =	vst v63  }
0x8db: {  	s14 =	simm.s32 $0x1B800  }
0x8dc: {  	[tilespmem:s14], [sflag:$0x2] =	stream.indirect_vreg.gather [hbm4b:s2+s3], $0x80, v3, vm0, $0xb8;
	[tilespmem:$0x1D000] =	vst v63  }
0x8dd: {  	v3 =	vld [tilespmem:$0xDE0];
	_ =	sdelay $0x4  }
0x8de: {  	v35 =	vshll.u32 v3, $0x1  }
0x8df: {  	v3 =	vand.u32 $0x7, v3;
	v4 =	vand.u32 $0xFFFFFFF0, v35  }
0x8e0: {  	v3 =	vor.u32 v3, v4  }
0x8e1: {  	v4 =	vperm.xlane v3, v0;
	_ =	sdelay $0x1  }
0x8e2: {  	v3 =	vperm.xlane v3, v2;
	v4 =	vadd.s32 v1, v4;
	_ =	sdelay $0x1  }
0x8e3: {  	v3 =	vadd.s32 v1, v3;
	_ =	sdelay $0x1  }
0x8e4: {  	s14 =	simm.s32 $0x1C000  }
0x8e5: {  	[tilespmem:s14], [sflag:$0x2] =	stream.indirect_vreg.gather [hbm4b:s2+s3], $0x80, v4, vm0, $0xb8;
	[tilespmem:$0x1D000] =	vst v63  }
0x8e6: {  	s14 =	simm.s32 $0x1C800  }
0x8e7: {  	[tilespmem:s14], [sflag:$0x2] =	stream.indirect_vreg.gather [hbm4b:s2+s3], $0x80, v3, vm0, $0xb8;
	[tilespmem:$0x1D000] =	vst v63  }
0x8e8: {  	_ =	swait.ge [sflag:s10], $0x7000  }
0x8e9: {  	[sflag:s10] =	ssyncset.done $0x0  }
0x8ea: {  	[sflag:s10] =	ssyncadd.s32 $0xFFFF9000  }
0x8eb: {  	_ =	swait.ge [sflag:s10], $0x7000  }
0x8ec: {  	[sflag:s10] =	ssyncset.done $0x0  }
0x8ed: {  	s14 =	rddreg [dreg:$0xf];
	[sflag:s10] =	ssyncadd.s32 $0xFFFF9000  }
0x8ee: {  	[hbm4b:s14+s3] =	stream.linear.scatter [tilespmem:s25], [sflag:$0x3], $0xE000, $0x38;
	[tilespmem:$0x1D000] =	vst v63  }
0x8ef: {  	_ =	swait.ge [sflag:s11], $0xE000  }
0x8f0: {  	[sflag:s11] =	ssyncset.done $0x0  }
0x8f1: {  	[sflag:s11] =	ssyncadd.s32 $0xFFFF2000  }
0x8f2: {  	v3 =	vld [tilespmem:$0xE00];
	_ =	sdelay $0x4  }
0x8f3: {  	v36 =	vshll.u32 v3, $0x1  }
0x8f4: {  	v3 =	vand.u32 $0x7, v3;
	v4 =	vand.u32 $0xFFFFFFF0, v36  }
0x8f5: {  	v3 =	vor.u32 v3, v4  }
0x8f6: {  	v4 =	vperm.xlane v3, v0;
	_ =	sdelay $0x1  }
0x8f7: {  	v3 =	vperm.xlane v3, v2;
	v4 =	vadd.s32 v1, v4;
	_ =	sdelay $0x1  }
0x8f8: {  	v3 =	vadd.s32 v1, v3;
	_ =	sdelay $0x2  }
0x8f9: {  	[tilespmem:s25], [sflag:$0x1] =	stream.indirect_vreg.gather [hbm4b:s2+s3], $0x80, v4, vm0, $0xb8;
	[tilespmem:$0x1D000] =	vst v63  }
0x8fa: {  	s14 =	simm.s32 $0x1800  }
0x8fb: {  	[tilespmem:s14], [sflag:$0x1] =	stream.indirect_vreg.gather [hbm4b:s2+s3], $0x80, v3, vm0, $0xb8;
	[tilespmem:$0x1D000] =	vst v63  }
0x8fc: {  	v3 =	vld [tilespmem:$0xE10];
	_ =	sdelay $0x4  }
0x8fd: {  	v37 =	vshll.u32 v3, $0x1  }
0x8fe: {  	v3 =	vand.u32 $0x7, v3;
	v4 =	vand.u32 $0xFFFFFFF0, v37  }
0x8ff: {  	v3 =	vor.u32 v3, v4  }
0x900: {  	v4 =	vperm.xlane v3, v0;
	_ =	sdelay $0x1  }
0x901: {  	v3 =	vperm.xlane v3, v2;
	v4 =	vadd.s32 v1, v4;
	_ =	sdelay $0x1  }
0x902: {  	v3 =	vadd.s32 v1, v3;
	_ =	sdelay $0x1  }
0x903: {  	s0 =	simm.s32 $0x2000  }
0x904: {  	[tilespmem:s0], [sflag:$0x1] =	stream.indirect_vreg.gather [hbm4b:s2+s3], $0x80, v4, vm0, $0xb8;
	[tilespmem:$0x1D000] =	vst v63  }
0x905: {  	s14 =	simm.s32 $0x2800  }
0x906: {  	[tilespmem:s14], [sflag:$0x1] =	stream.indirect_vreg.gather [hbm4b:s2+s3], $0x80, v3, vm0, $0xb8;
	[tilespmem:$0x1D000] =	vst v63  }
0x907: {  	v3 =	vld [tilespmem:$0xE20];
	_ =	sdelay $0x4  }
0x908: {  	v38 =	vshll.u32 v3, $0x1  }
0x909: {  	v3 =	vand.u32 $0x7, v3;
	v4 =	vand.u32 $0xFFFFFFF0, v38  }
0x90a: {  	v3 =	vor.u32 v3, v4  }
0x90b: {  	v4 =	vperm.xlane v3, v0;
	_ =	sdelay $0x1  }
0x90c: {  	v3 =	vperm.xlane v3, v2;
	v4 =	vadd.s32 v1, v4;
	_ =	sdelay $0x1  }
0x90d: {  	v3 =	vadd.s32 v1, v3;
	_ =	sdelay $0x1  }
0x90e: {  	s1 =	simm.s32 $0x3000  }
0x90f: {  	[tilespmem:s1], [sflag:$0x1] =	stream.indirect_vreg.gather [hbm4b:s2+s3], $0x80, v4, vm0, $0xb8;
	[tilespmem:$0x1D000] =	vst v63  }
0x910: {  	s1 =	simm.s32 $0x3800  }
0x911: {  	[tilespmem:s1], [sflag:$0x1] =	stream.indirect_vreg.gather [hbm4b:s2+s3], $0x80, v3, vm0, $0xb8;
	[tilespmem:$0x1D000] =	vst v63  }
0x912: {  	v3 =	vld [tilespmem:$0xE30];
	_ =	sdelay $0x4  }
0x913: {  	v39 =	vshll.u32 v3, $0x1  }
0x914: {  	v3 =	vand.u32 $0x7, v3;
	v4 =	vand.u32 $0xFFFFFFF0, v39  }
0x915: {  	v3 =	vor.u32 v3, v4  }
0x916: {  	v4 =	vperm.xlane v3, v0;
	_ =	sdelay $0x1  }
0x917: {  	v3 =	vperm.xlane v3, v2;
	v4 =	vadd.s32 v1, v4;
	_ =	sdelay $0x1  }
0x918: {  	v3 =	vadd.s32 v1, v3;
	_ =	sdelay $0x1  }
0x919: {  	s4 =	simm.s32 $0x4000  }
0x91a: {  	[tilespmem:s4], [sflag:$0x1] =	stream.indirect_vreg.gather [hbm4b:s2+s3], $0x80, v4, vm0, $0xb8;
	[tilespmem:$0x1D000] =	vst v63  }
0x91b: {  	s4 =	simm.s32 $0x4800  }
0x91c: {  	[tilespmem:s4], [sflag:$0x1] =	stream.indirect_vreg.gather [hbm4b:s2+s3], $0x80, v3, vm0, $0xb8;
	[tilespmem:$0x1D000] =	vst v63  }
0x91d: {  	v3 =	vld [tilespmem:$0xE40];
	_ =	sdelay $0x4  }
0x91e: {  	v40 =	vshll.u32 v3, $0x1  }
0x91f: {  	v3 =	vand.u32 $0x7, v3;
	v4 =	vand.u32 $0xFFFFFFF0, v40  }
0x920: {  	v3 =	vor.u32 v3, v4  }
0x921: {  	v4 =	vperm.xlane v3, v0;
	_ =	sdelay $0x1  }
0x922: {  	v3 =	vperm.xlane v3, v2;
	v4 =	vadd.s32 v1, v4;
	_ =	sdelay $0x1  }
0x923: {  	v3 =	vadd.s32 v1, v3;
	_ =	sdelay $0x1  }
0x924: {  	s5 =	simm.s32 $0x5000  }
0x925: {  	[tilespmem:s5], [sflag:$0x1] =	stream.indirect_vreg.gather [hbm4b:s2+s3], $0x80, v4, vm0, $0xb8;
	[tilespmem:$0x1D000] =	vst v63  }
0x926: {  	s5 =	simm.s32 $0x5800  }
0x927: {  	[tilespmem:s5], [sflag:$0x1] =	stream.indirect_vreg.gather [hbm4b:s2+s3], $0x80, v3, vm0, $0xb8;
	[tilespmem:$0x1D000] =	vst v63  }
0x928: {  	v3 =	vld [tilespmem:$0xE50];
	_ =	sdelay $0x4  }
0x929: {  	v41 =	vshll.u32 v3, $0x1  }
0x92a: {  	v3 =	vand.u32 $0x7, v3;
	v4 =	vand.u32 $0xFFFFFFF0, v41  }
0x92b: {  	v3 =	vor.u32 v3, v4  }
0x92c: {  	v4 =	vperm.xlane v3, v0;
	_ =	sdelay $0x1  }
0x92d: {  	v3 =	vperm.xlane v3, v2;
	v4 =	vadd.s32 v1, v4;
	_ =	sdelay $0x1  }
0x92e: {  	v3 =	vadd.s32 v1, v3;
	_ =	sdelay $0x1  }
0x92f: {  	s6 =	simm.s32 $0x6000  }
0x930: {  	[tilespmem:s6], [sflag:$0x1] =	stream.indirect_vreg.gather [hbm4b:s2+s3], $0x80, v4, vm0, $0xb8;
	[tilespmem:$0x1D000] =	vst v63  }
0x931: {  	s6 =	simm.s32 $0x6800  }
0x932: {  	[tilespmem:s6], [sflag:$0x1] =	stream.indirect_vreg.gather [hbm4b:s2+s3], $0x80, v3, vm0, $0xb8;
	[tilespmem:$0x1D000] =	vst v63  }
0x933: {  	v3 =	vld [tilespmem:$0xE60];
	_ =	sdelay $0x4  }
0x934: {  	v42 =	vshll.u32 v3, $0x1  }
0x935: {  	v3 =	vand.u32 $0x7, v3;
	v4 =	vand.u32 $0xFFFFFFF0, v42  }
0x936: {  	v3 =	vor.u32 v3, v4  }
0x937: {  	v4 =	vperm.xlane v3, v0;
	_ =	sdelay $0x1  }
0x938: {  	v3 =	vperm.xlane v3, v2;
	v4 =	vadd.s32 v1, v4;
	_ =	sdelay $0x1  }
0x939: {  	v3 =	vadd.s32 v1, v3;
	_ =	sdelay $0x1  }
0x93a: {  	s7 =	simm.s32 $0x7000  }
0x93b: {  	[tilespmem:s7], [sflag:$0x1] =	stream.indirect_vreg.gather [hbm4b:s2+s3], $0x80, v4, vm0, $0xb8;
	[tilespmem:$0x1D000] =	vst v63  }
0x93c: {  	s7 =	simm.s32 $0x7800  }
0x93d: {  	[tilespmem:s7], [sflag:$0x1] =	stream.indirect_vreg.gather [hbm4b:s2+s3], $0x80, v3, vm0, $0xb8;
	[tilespmem:$0x1D000] =	vst v63  }
0x93e: {  	v3 =	vld [tilespmem:$0xE80];
	_ =	sdelay $0x4  }
0x93f: {  	v43 =	vshll.u32 v3, $0x1  }
0x940: {  	v3 =	vand.u32 $0x7, v3;
	v4 =	vand.u32 $0xFFFFFFF0, v43  }
0x941: {  	v3 =	vor.u32 v3, v4  }
0x942: {  	v4 =	vperm.xlane v3, v0;
	_ =	sdelay $0x1  }
0x943: {  	v3 =	vperm.xlane v3, v2;
	v4 =	vadd.s32 v1, v4;
	_ =	sdelay $0x1  }
0x944: {  	v3 =	vadd.s32 v1, v3;
	_ =	sdelay $0x1  }
0x945: {  	s9 =	simm.s32 $0x8000  }
0x946: {  	[tilespmem:s9], [sflag:$0x1] =	stream.indirect_vreg.gather [hbm4b:s2+s3], $0x80, v4, vm0, $0xb8;
	[tilespmem:$0x1D000] =	vst v63  }
0x947: {  	s14 =	simm.s32 $0x8800  }
0x948: {  	[tilespmem:s14], [sflag:$0x1] =	stream.indirect_vreg.gather [hbm4b:s2+s3], $0x80, v3, vm0, $0xb8;
	[tilespmem:$0x1D000] =	vst v63  }
0x949: {  	v3 =	vld [tilespmem:$0xE90];
	_ =	sdelay $0x4  }
0x94a: {  	v44 =	vshll.u32 v3, $0x1  }
0x94b: {  	v3 =	vand.u32 $0x7, v3;
	v4 =	vand.u32 $0xFFFFFFF0, v44  }
0x94c: {  	v3 =	vor.u32 v3, v4  }
0x94d: {  	v4 =	vperm.xlane v3, v0;
	_ =	sdelay $0x1  }
0x94e: {  	v3 =	vperm.xlane v3, v2;
	v4 =	vadd.s32 v1, v4;
	_ =	sdelay $0x1  }
0x94f: {  	v3 =	vadd.s32 v1, v3;
	_ =	sdelay $0x1  }
0x950: {  	s15 =	simm.s32 $0x9000  }
0x951: {  	[tilespmem:s15], [sflag:$0x1] =	stream.indirect_vreg.gather [hbm4b:s2+s3], $0x80, v4, vm0, $0xb8;
	[tilespmem:$0x1D000] =	vst v63  }
0x952: {  	s15 =	simm.s32 $0x9800  }
0x953: {  	[tilespmem:s15], [sflag:$0x1] =	stream.indirect_vreg.gather [hbm4b:s2+s3], $0x80, v3, vm0, $0xb8;
	[tilespmem:$0x1D000] =	vst v63  }
0x954: {  	v3 =	vld [tilespmem:$0xEA0];
	_ =	sdelay $0x4  }
0x955: {  	v45 =	vshll.u32 v3, $0x1  }
0x956: {  	v3 =	vand.u32 $0x7, v3;
	v4 =	vand.u32 $0xFFFFFFF0, v45  }
0x957: {  	v3 =	vor.u32 v3, v4  }
0x958: {  	v4 =	vperm.xlane v3, v0;
	_ =	sdelay $0x1  }
0x959: {  	v3 =	vperm.xlane v3, v2;
	v4 =	vadd.s32 v1, v4;
	_ =	sdelay $0x1  }
0x95a: {  	v3 =	vadd.s32 v1, v3;
	_ =	sdelay $0x1  }
0x95b: {  	s19 =	simm.s32 $0xA000  }
0x95c: {  	[tilespmem:s19], [sflag:$0x1] =	stream.indirect_vreg.gather [hbm4b:s2+s3], $0x80, v4, vm0, $0xb8;
	[tilespmem:$0x1D000] =	vst v63  }
0x95d: {  	s22 =	simm.s32 $0xA800  }
0x95e: {  	[tilespmem:s22], [sflag:$0x1] =	stream.indirect_vreg.gather [hbm4b:s2+s3], $0x80, v3, vm0, $0xb8;
	[tilespmem:$0x1D000] =	vst v63  }
0x95f: {  	v3 =	vld [tilespmem:$0xEB0];
	_ =	sdelay $0x4  }
0x960: {  	v46 =	vshll.u32 v3, $0x1  }
0x961: {  	v3 =	vand.u32 $0x7, v3;
	v4 =	vand.u32 $0xFFFFFFF0, v46  }
0x962: {  	v3 =	vor.u32 v3, v4  }
0x963: {  	v4 =	vperm.xlane v3, v0;
	_ =	sdelay $0x1  }
0x964: {  	v3 =	vperm.xlane v3, v2;
	v4 =	vadd.s32 v1, v4;
	_ =	sdelay $0x1  }
0x965: {  	v3 =	vadd.s32 v1, v3;
	_ =	sdelay $0x1  }
0x966: {  	s20 =	simm.s32 $0xB000  }
0x967: {  	[tilespmem:s20], [sflag:$0x1] =	stream.indirect_vreg.gather [hbm4b:s2+s3], $0x80, v4, vm0, $0xb8;
	[tilespmem:$0x1D000] =	vst v63  }
0x968: {  	s23 =	simm.s32 $0xB800  }
0x969: {  	[tilespmem:s23], [sflag:$0x1] =	stream.indirect_vreg.gather [hbm4b:s2+s3], $0x80, v3, vm0, $0xb8;
	[tilespmem:$0x1D000] =	vst v63  }
0x96a: {  	v3 =	vld [tilespmem:$0xEC0];
	_ =	sdelay $0x4  }
0x96b: {  	v47 =	vshll.u32 v3, $0x1  }
0x96c: {  	v3 =	vand.u32 $0x7, v3;
	v4 =	vand.u32 $0xFFFFFFF0, v47  }
0x96d: {  	v3 =	vor.u32 v3, v4  }
0x96e: {  	v4 =	vperm.xlane v3, v0;
	_ =	sdelay $0x1  }
0x96f: {  	v3 =	vperm.xlane v3, v2;
	v4 =	vadd.s32 v1, v4;
	_ =	sdelay $0x1  }
0x970: {  	v3 =	vadd.s32 v1, v3;
	_ =	sdelay $0x1  }
0x971: {  	s18 =	simm.s32 $0xC000  }
0x972: {  	[tilespmem:s18], [sflag:$0x1] =	stream.indirect_vreg.gather [hbm4b:s2+s3], $0x80, v4, vm0, $0xb8;
	[tilespmem:$0x1D000] =	vst v63  }
0x973: {  	s24 =	simm.s32 $0xC800  }
0x974: {  	[tilespmem:s24], [sflag:$0x1] =	stream.indirect_vreg.gather [hbm4b:s2+s3], $0x80, v3, vm0, $0xb8;
	[tilespmem:$0x1D000] =	vst v63  }
0x975: {  	v3 =	vld [tilespmem:$0xED0];
	_ =	sdelay $0x4  }
0x976: {  	v48 =	vshll.u32 v3, $0x1  }
0x977: {  	v3 =	vand.u32 $0x7, v3;
	v4 =	vand.u32 $0xFFFFFFF0, v48  }
0x978: {  	v3 =	vor.u32 v3, v4  }
0x979: {  	v4 =	vperm.xlane v3, v0;
	_ =	sdelay $0x1  }
0x97a: {  	v3 =	vperm.xlane v3, v2;
	v4 =	vadd.s32 v1, v4;
	_ =	sdelay $0x1  }
0x97b: {  	v3 =	vadd.s32 v1, v3;
	_ =	sdelay $0x1  }
0x97c: {  	s21 =	simm.s32 $0xD000  }
0x97d: {  	[tilespmem:s21], [sflag:$0x1] =	stream.indirect_vreg.gather [hbm4b:s2+s3], $0x80, v4, vm0, $0xb8;
	[tilespmem:$0x1D000] =	vst v63  }
0x97e: {  	s26 =	simm.s32 $0xD800  }
0x97f: {  	[tilespmem:s26], [sflag:$0x1] =	stream.indirect_vreg.gather [hbm4b:s2+s3], $0x80, v3, vm0, $0xb8;
	[tilespmem:$0x1D000] =	vst v63  }
0x980: {  	v3 =	vld [tilespmem:$0xEE0];
	_ =	sdelay $0x4  }
0x981: {  	v49 =	vshll.u32 v3, $0x1  }
0x982: {  	v3 =	vand.u32 $0x7, v3;
	v4 =	vand.u32 $0xFFFFFFF0, v49  }
0x983: {  	v3 =	vor.u32 v3, v4  }
0x984: {  	v4 =	vperm.xlane v3, v0;
	_ =	sdelay $0x1  }
0x985: {  	v3 =	vperm.xlane v3, v2;
	v4 =	vadd.s32 v1, v4;
	_ =	sdelay $0x1  }
0x986: {  	v3 =	vadd.s32 v1, v3;
	_ =	sdelay $0x1  }
0x987: {  	s16 =	simm.s32 $0xE000  }
0x988: {  	[tilespmem:s16], [sflag:$0x1] =	stream.indirect_vreg.gather [hbm4b:s2+s3], $0x80, v4, vm0, $0xb8;
	[tilespmem:$0x1D000] =	vst v63  }
0x989: {  	s22 =	simm.s32 $0xE800  }
0x98a: {  	[tilespmem:s22], [sflag:$0x1] =	stream.indirect_vreg.gather [hbm4b:s2+s3], $0x80, v3, vm0, $0xb8;
	[tilespmem:$0x1D000] =	vst v63  }
0x98b: {  	_ =	swait.ge [sflag:s12], $0x7000  }
0x98c: {  	[sflag:s12] =	ssyncset.done $0x0  }
0x98d: {  	[sflag:s12] =	ssyncadd.s32 $0xFFFF9000  }
0x98e: {  	_ =	swait.ge [sflag:s12], $0x7000  }
0x98f: {  	[sflag:s12] =	ssyncset.done $0x0  }
0x990: {  	s23 =	rddreg [dreg:$0x10];
	[sflag:s12] =	ssyncadd.s32 $0xFFFF9000  }
0x991: {  	[hbm4b:s23+s3] =	stream.linear.scatter [tilespmem:s8], [sflag:$0x4], $0xE000, $0x38;
	[tilespmem:$0x1D000] =	vst v63  }
0x992: {  	_ =	swait.ge [sflag:s13], $0xE000  }
0x993: {  	[sflag:s13] =	ssyncset.done $0x0  }
0x994: {  	[sflag:s13] =	ssyncadd.s32 $0xFFFF2000  }
0x995: {  	v3 =	vld [tilespmem:$0xF00];
	_ =	sdelay $0x4  }
0x996: {  	v50 =	vshll.u32 v3, $0x1  }
0x997: {  	v3 =	vand.u32 $0x7, v3;
	v4 =	vand.u32 $0xFFFFFFF0, v50  }
0x998: {  	v3 =	vor.u32 v3, v4  }
0x999: {  	v4 =	vperm.xlane v3, v0;
	_ =	sdelay $0x1  }
0x99a: {  	v3 =	vperm.xlane v3, v2;
	v4 =	vadd.s32 v1, v4;
	_ =	sdelay $0x1  }
0x99b: {  	v3 =	vadd.s32 v1, v3;
	_ =	sdelay $0x2  }
0x99c: {  	[tilespmem:s8], [sflag:$0x2] =	stream.indirect_vreg.gather [hbm4b:s2+s3], $0x80, v4, vm0, $0xb8;
	[tilespmem:$0x1D000] =	vst v63  }
0x99d: {  	s24 =	simm.s32 $0xF800  }
0x99e: {  	[tilespmem:s24], [sflag:$0x2] =	stream.indirect_vreg.gather [hbm4b:s2+s3], $0x80, v3, vm0, $0xb8;
	[tilespmem:$0x1D000] =	vst v63  }
0x99f: {  	v3 =	vld [tilespmem:$0xF10];
	_ =	sdelay $0x4  }
0x9a0: {  	v51 =	vshll.u32 v3, $0x1  }
0x9a1: {  	v3 =	vand.u32 $0x7, v3;
	v4 =	vand.u32 $0xFFFFFFF0, v51  }
0x9a2: {  	v3 =	vor.u32 v3, v4  }
0x9a3: {  	v4 =	vperm.xlane v3, v0;
	_ =	sdelay $0x1  }
0x9a4: {  	v3 =	vperm.xlane v3, v2;
	v4 =	vadd.s32 v1, v4;
	_ =	sdelay $0x1  }
0x9a5: {  	v3 =	vadd.s32 v1, v3;
	_ =	sdelay $0x1  }
0x9a6: {  	s17 =	simm.s32 $0x10000  }
0x9a7: {  	[tilespmem:s17], [sflag:$0x2] =	stream.indirect_vreg.gather [hbm4b:s2+s3], $0x80, v4, vm0, $0xb8;
	[tilespmem:$0x1D000] =	vst v63  }
0x9a8: {  	s26 =	simm.s32 $0x10800  }
0x9a9: {  	[tilespmem:s26], [sflag:$0x2] =	stream.indirect_vreg.gather [hbm4b:s2+s3], $0x80, v3, vm0, $0xb8;
	[tilespmem:$0x1D000] =	vst v63  }
0x9aa: {  	v3 =	vld [tilespmem:$0xF20];
	_ =	sdelay $0x4  }
0x9ab: {  	v52 =	vshll.u32 v3, $0x1  }
0x9ac: {  	v3 =	vand.u32 $0x7, v3;
	v4 =	vand.u32 $0xFFFFFFF0, v52  }
0x9ad: {  	v3 =	vor.u32 v3, v4  }
0x9ae: {  	v4 =	vperm.xlane v3, v0;
	_ =	sdelay $0x1  }
0x9af: {  	v3 =	vperm.xlane v3, v2;
	v4 =	vadd.s32 v1, v4;
	_ =	sdelay $0x1  }
0x9b0: {  	v3 =	vadd.s32 v1, v3;
	_ =	sdelay $0x1  }
0x9b1: {  	s28 =	simm.s32 $0x11000  }
0x9b2: {  	[tilespmem:s28], [sflag:$0x2] =	stream.indirect_vreg.gather [hbm4b:s2+s3], $0x80, v4, vm0, $0xb8;
	[tilespmem:$0x1D000] =	vst v63  }
0x9b3: {  	s28 =	simm.s32 $0x11800  }
0x9b4: {  	[tilespmem:s28], [sflag:$0x2] =	stream.indirect_vreg.gather [hbm4b:s2+s3], $0x80, v3, vm0, $0xb8;
	[tilespmem:$0x1D000] =	vst v63  }
0x9b5: {  	v3 =	vld [tilespmem:$0xF30];
	_ =	sdelay $0x4  }
0x9b6: {  	v53 =	vshll.u32 v3, $0x1  }
0x9b7: {  	v3 =	vand.u32 $0x7, v3;
	v4 =	vand.u32 $0xFFFFFFF0, v53  }
0x9b8: {  	v3 =	vor.u32 v3, v4  }
0x9b9: {  	v4 =	vperm.xlane v3, v0;
	_ =	sdelay $0x1  }
0x9ba: {  	v3 =	vperm.xlane v3, v2;
	v4 =	vadd.s32 v1, v4;
	_ =	sdelay $0x1  }
0x9bb: {  	v3 =	vadd.s32 v1, v3;
	_ =	sdelay $0x1  }
0x9bc: {  	s29 =	simm.s32 $0x12000  }
0x9bd: {  	[tilespmem:s29], [sflag:$0x2] =	stream.indirect_vreg.gather [hbm4b:s2+s3], $0x80, v4, vm0, $0xb8;
	[tilespmem:$0x1D000] =	vst v63  }
0x9be: {  	s4 =	simm.s32 $0x12800  }
0x9bf: {  	[tilespmem:s4], [sflag:$0x2] =	stream.indirect_vreg.gather [hbm4b:s2+s3], $0x80, v3, vm0, $0xb8;
	[tilespmem:$0x1D000] =	vst v63  }
0x9c0: {  	v3 =	vld [tilespmem:$0xF40];
	_ =	sdelay $0x4  }
0x9c1: {  	v54 =	vshll.u32 v3, $0x1  }
0x9c2: {  	v3 =	vand.u32 $0x7, v3;
	v4 =	vand.u32 $0xFFFFFFF0, v54  }
0x9c3: {  	v3 =	vor.u32 v3, v4  }
0x9c4: {  	v4 =	vperm.xlane v3, v0;
	_ =	sdelay $0x1  }
0x9c5: {  	v3 =	vperm.xlane v3, v2;
	v4 =	vadd.s32 v1, v4;
	_ =	sdelay $0x1  }
0x9c6: {  	v3 =	vadd.s32 v1, v3;
	_ =	sdelay $0x1  }
0x9c7: {  	s30 =	simm.s32 $0x13000  }
0x9c8: {  	[tilespmem:s30], [sflag:$0x2] =	stream.indirect_vreg.gather [hbm4b:s2+s3], $0x80, v4, vm0, $0xb8;
	[tilespmem:$0x1D000] =	vst v63  }
0x9c9: {  	s5 =	simm.s32 $0x13800  }
0x9ca: {  	[tilespmem:s5], [sflag:$0x2] =	stream.indirect_vreg.gather [hbm4b:s2+s3], $0x80, v3, vm0, $0xb8;
	[tilespmem:$0x1D000] =	vst v63  }
0x9cb: {  	v3 =	vld [tilespmem:$0xF50];
	_ =	sdelay $0x4  }
0x9cc: {  	v55 =	vshll.u32 v3, $0x1  }
0x9cd: {  	v3 =	vand.u32 $0x7, v3;
	v4 =	vand.u32 $0xFFFFFFF0, v55  }
0x9ce: {  	v3 =	vor.u32 v3, v4  }
0x9cf: {  	v4 =	vperm.xlane v3, v0;
	_ =	sdelay $0x1  }
0x9d0: {  	v3 =	vperm.xlane v3, v2;
	v4 =	vadd.s32 v1, v4;
	_ =	sdelay $0x1  }
0x9d1: {  	v3 =	vadd.s32 v1, v3;
	_ =	sdelay $0x1  }
0x9d2: {  	s31 =	simm.s32 $0x14000  }
0x9d3: {  	[tilespmem:s31], [sflag:$0x2] =	stream.indirect_vreg.gather [hbm4b:s2+s3], $0x80, v4, vm0, $0xb8;
	[tilespmem:$0x1D000] =	vst v63  }
0x9d4: {  	s6 =	simm.s32 $0x14800  }
0x9d5: {  	[tilespmem:s6], [sflag:$0x2] =	stream.indirect_vreg.gather [hbm4b:s2+s3], $0x80, v3, vm0, $0xb8;
	[tilespmem:$0x1D000] =	vst v63  }
0x9d6: {  	v3 =	vld [tilespmem:$0xF60];
	_ =	sdelay $0x4  }
0x9d7: {  	v56 =	vshll.u32 v3, $0x1  }
0x9d8: {  	v3 =	vand.u32 $0x7, v3;
	v4 =	vand.u32 $0xFFFFFFF0, v56  }
0x9d9: {  	v3 =	vor.u32 v3, v4  }
0x9da: {  	v4 =	vperm.xlane v3, v0;
	_ =	sdelay $0x1  }
0x9db: {  	v3 =	vperm.xlane v3, v2;
	v4 =	vadd.s32 v1, v4;
	_ =	sdelay $0x1  }
0x9dc: {  	v3 =	vadd.s32 v1, v3;
	_ =	sdelay $0x1  }
0x9dd: {  	s7 =	simm.s32 $0x15000  }
0x9de: {  	[tilespmem:s7], [sflag:$0x2] =	stream.indirect_vreg.gather [hbm4b:s2+s3], $0x80, v4, vm0, $0xb8;
	[tilespmem:$0x1D000] =	vst v63  }
0x9df: {  	s9 =	simm.s32 $0x15800  }
0x9e0: {  	[tilespmem:s9], [sflag:$0x2] =	stream.indirect_vreg.gather [hbm4b:s2+s3], $0x80, v3, vm0, $0xb8;
	[tilespmem:$0x1D000] =	vst v63  }
0x9e1: {  	v3 =	vld [tilespmem:$0xF80];
	_ =	sdelay $0x4  }
0x9e2: {  	v57 =	vshll.u32 v3, $0x1  }
0x9e3: {  	v3 =	vand.u32 $0x7, v3;
	v4 =	vand.u32 $0xFFFFFFF0, v57  }
0x9e4: {  	v3 =	vor.u32 v3, v4  }
0x9e5: {  	v4 =	vperm.xlane v3, v0;
	_ =	sdelay $0x1  }
0x9e6: {  	v3 =	vperm.xlane v3, v2;
	v4 =	vadd.s32 v1, v4;
	_ =	sdelay $0x1  }
0x9e7: {  	v3 =	vadd.s32 v1, v3;
	_ =	sdelay $0x1  }
0x9e8: {  	s14 =	simm.s32 $0x16000  }
0x9e9: {  	[tilespmem:s14], [sflag:$0x2] =	stream.indirect_vreg.gather [hbm4b:s2+s3], $0x80, v4, vm0, $0xb8;
	[tilespmem:$0x1D000] =	vst v63  }
0x9ea: {  	s15 =	simm.s32 $0x16800  }
0x9eb: {  	[tilespmem:s15], [sflag:$0x2] =	stream.indirect_vreg.gather [hbm4b:s2+s3], $0x80, v3, vm0, $0xb8;
	[tilespmem:$0x1D000] =	vst v63  }
0x9ec: {  	v3 =	vld [tilespmem:$0xF90];
	_ =	sdelay $0x4  }
0x9ed: {  	v58 =	vshll.u32 v3, $0x1  }
0x9ee: {  	v3 =	vand.u32 $0x7, v3;
	v4 =	vand.u32 $0xFFFFFFF0, v58  }
0x9ef: {  	v3 =	vor.u32 v3, v4  }
0x9f0: {  	v4 =	vperm.xlane v3, v0;
	_ =	sdelay $0x1  }
0x9f1: {  	v3 =	vperm.xlane v3, v2;
	v4 =	vadd.s32 v1, v4;
	_ =	sdelay $0x1  }
0x9f2: {  	v3 =	vadd.s32 v1, v3;
	_ =	sdelay $0x1  }
0x9f3: {  	s16 =	simm.s32 $0x17000  }
0x9f4: {  	[tilespmem:s16], [sflag:$0x2] =	stream.indirect_vreg.gather [hbm4b:s2+s3], $0x80, v4, vm0, $0xb8;
	[tilespmem:$0x1D000] =	vst v63  }
0x9f5: {  	s17 =	simm.s32 $0x17800  }
0x9f6: {  	[tilespmem:s17], [sflag:$0x2] =	stream.indirect_vreg.gather [hbm4b:s2+s3], $0x80, v3, vm0, $0xb8;
	[tilespmem:$0x1D000] =	vst v63  }
0x9f7: {  	v3 =	vld [tilespmem:$0xFA0];
	_ =	sdelay $0x4  }
0x9f8: {  	v59 =	vshll.u32 v3, $0x1  }
0x9f9: {  	v3 =	vand.u32 $0x7, v3;
	v4 =	vand.u32 $0xFFFFFFF0, v59  }
0x9fa: {  	v3 =	vor.u32 v3, v4  }
0x9fb: {  	v4 =	vperm.xlane v3, v0;
	_ =	sdelay $0x1  }
0x9fc: {  	v3 =	vperm.xlane v3, v2;
	v4 =	vadd.s32 v1, v4;
	_ =	sdelay $0x1  }
0x9fd: {  	v3 =	vadd.s32 v1, v3;
	_ =	sdelay $0x1  }
0x9fe: {  	s18 =	simm.s32 $0x18000  }
0x9ff: {  	[tilespmem:s18], [sflag:$0x2] =	stream.indirect_vreg.gather [hbm4b:s2+s3], $0x80, v4, vm0, $0xb8;
	[tilespmem:$0x1D000] =	vst v63  }
0xa00: {  	s19 =	simm.s32 $0x18800  }
0xa01: {  	[tilespmem:s19], [sflag:$0x2] =	stream.indirect_vreg.gather [hbm4b:s2+s3], $0x80, v3, vm0, $0xb8;
	[tilespmem:$0x1D000] =	vst v63  }
0xa02: {  	v3 =	vld [tilespmem:$0xFB0];
	_ =	sdelay $0x4  }
0xa03: {  	v60 =	vshll.u32 v3, $0x1  }
0xa04: {  	v3 =	vand.u32 $0x7, v3;
	v4 =	vand.u32 $0xFFFFFFF0, v60  }
0xa05: {  	v3 =	vor.u32 v3, v4  }
0xa06: {  	v4 =	vperm.xlane v3, v0;
	_ =	sdelay $0x1  }
0xa07: {  	v3 =	vperm.xlane v3, v2;
	v4 =	vadd.s32 v1, v4;
	_ =	sdelay $0x1  }
0xa08: {  	v3 =	vadd.s32 v1, v3;
	_ =	sdelay $0x1  }
0xa09: {  	s20 =	simm.s32 $0x19000  }
0xa0a: {  	[tilespmem:s20], [sflag:$0x2] =	stream.indirect_vreg.gather [hbm4b:s2+s3], $0x80, v4, vm0, $0xb8;
	[tilespmem:$0x1D000] =	vst v63  }
0xa0b: {  	s21 =	simm.s32 $0x19800  }
0xa0c: {  	[tilespmem:s21], [sflag:$0x2] =	stream.indirect_vreg.gather [hbm4b:s2+s3], $0x80, v3, vm0, $0xb8;
	[tilespmem:$0x1D000] =	vst v63  }
0xa0d: {  	v3 =	vld [tilespmem:$0xFC0];
	_ =	sdelay $0x4  }
0xa0e: {  	v61 =	vshll.u32 v3, $0x1  }
0xa0f: {  	v3 =	vand.u32 $0x7, v3;
	v4 =	vand.u32 $0xFFFFFFF0, v61  }
0xa10: {  	v3 =	vor.u32 v3, v4  }
0xa11: {  	v4 =	vperm.xlane v3, v0;
	_ =	sdelay $0x1  }
0xa12: {  	v3 =	vperm.xlane v3, v2;
	v4 =	vadd.s32 v1, v4;
	_ =	sdelay $0x1  }
0xa13: {  	v3 =	vadd.s32 v1, v3;
	_ =	sdelay $0x1  }
0xa14: {  	s22 =	simm.s32 $0x1A000  }
0xa15: {  	[tilespmem:s22], [sflag:$0x2] =	stream.indirect_vreg.gather [hbm4b:s2+s3], $0x80, v4, vm0, $0xb8;
	[tilespmem:$0x1D000] =	vst v63  }
0xa16: {  	s23 =	simm.s32 $0x1A800  }
0xa17: {  	[tilespmem:s23], [sflag:$0x2] =	stream.indirect_vreg.gather [hbm4b:s2+s3], $0x80, v3, vm0, $0xb8;
	[tilespmem:$0x1D000] =	vst v63  }
0xa18: {  	v3 =	vld [tilespmem:$0xFD0];
	_ =	sdelay $0x4  }
0xa19: {  	v62 =	vshll.u32 v3, $0x1  }
0xa1a: {  	v3 =	vand.u32 $0x7, v3;
	v4 =	vand.u32 $0xFFFFFFF0, v62  }
0xa1b: {  	v3 =	vor.u32 v3, v4  }
0xa1c: {  	v4 =	vperm.xlane v3, v0;
	_ =	sdelay $0x1  }
0xa1d: {  	v3 =	vperm.xlane v3, v2;
	v4 =	vadd.s32 v1, v4;
	_ =	sdelay $0x1  }
0xa1e: {  	v3 =	vadd.s32 v1, v3;
	_ =	sdelay $0x1  }
0xa1f: {  	s24 =	simm.s32 $0x1B000  }
0xa20: {  	[tilespmem:s24], [sflag:$0x2] =	stream.indirect_vreg.gather [hbm4b:s2+s3], $0x80, v4, vm0, $0xb8;
	[tilespmem:$0x1D000] =	vst v63  }
0xa21: {  	s26 =	simm.s32 $0x1B800  }
0xa22: {  	[tilespmem:s26], [sflag:$0x2] =	stream.indirect_vreg.gather [hbm4b:s2+s3], $0x80, v3, vm0, $0xb8;
	[tilespmem:$0x1D000] =	vst v63  }
0xa23: {  	v3 =	vld [tilespmem:$0xFE0];
	_ =	sdelay $0x4  }
0xa24: {  	v63 =	vshll.u32 v3, $0x1  }
0xa25: {  	v3 =	vand.u32 $0x7, v3;
	v4 =	vand.u32 $0xFFFFFFF0, v63  }
0xa26: {  	v3 =	vor.u32 v3, v4  }
0xa27: {  	v4 =	vperm.xlane v3, v0;
	_ =	sdelay $0x1  }
0xa28: {  	v3 =	vperm.xlane v3, v2;
	v4 =	vadd.s32 v1, v4;
	_ =	sdelay $0x1  }
0xa29: {  	v3 =	vadd.s32 v1, v3;
	_ =	sdelay $0x1  }
0xa2a: {  	s28 =	simm.s32 $0x1C000  }
0xa2b: {  	[tilespmem:s28], [sflag:$0x2] =	stream.indirect_vreg.gather [hbm4b:s2+s3], $0x80, v4, vm0, $0xb8;
	[tilespmem:$0x1D000] =	vst v63  }
0xa2c: {  	s29 =	simm.s32 $0x1C800  }
0xa2d: {  	[tilespmem:s29], [sflag:$0x2] =	stream.indirect_vreg.gather [hbm4b:s2+s3], $0x80, v3, vm0, $0xb8;
	[tilespmem:$0x1D000] =	vst v63  }
0xa2e: {  	s0 =	rddreg [dreg:$0x14];
	_ =	swait.ge [sflag:s10], $0x7000  }
0xa2f: {  	[sflag:s10] =	ssyncset.done $0x0  }
0xa30: {  	[sflag:s10] =	ssyncadd.s32 $0xFFFF9000  }
0xa31: {  	_ =	swait.ge [sflag:s10], $0x7000  }
0xa32: {  	[sflag:s10] =	ssyncset.done $0x0  }
0xa33: {  	s30 =	rddreg [dreg:$0x11];
	[sflag:s10] =	ssyncadd.s32 $0xFFFF9000  }
0xa34: {  	[hbm4b:s30+s3] =	stream.linear.scatter [tilespmem:s25], [sflag:$0x3], $0xE000, $0x38;
	[tilespmem:$0x1D000] =	vst v63  }
0xa35: {  	_ =	swait.ge [sflag:s12], $0x7000  }
0xa36: {  	[sflag:s12] =	ssyncset.done $0x0  }
0xa37: {  	[sflag:s12] =	ssyncadd.s32 $0xFFFF9000  }
0xa38: {  	_ =	swait.ge [sflag:s12], $0x7000  }
0xa39: {  	[sflag:s12] =	ssyncset.done $0x0  }
0xa3a: {  	s31 =	rddreg [dreg:$0x12];
	[sflag:s12] =	ssyncadd.s32 $0xFFFF9000  }
0xa3b: {  	[hbm4b:s31+s3] =	stream.linear.scatter [tilespmem:s8], [sflag:$0x4], $0xE000, $0x38;
	[tilespmem:$0x1D000] =	vst v63  }
0xa3c: {  	p0 =	sne.s32 s0, $0x1;
	_ =	swait.ge [sflag:s11], $0xE000  }
.Ltmp0:
0xa3d: {  	[sflag:s11] =	ssyncset.done $0x0;
	(pc) =	sbr.rel @p0 .LBB2_1-.Ltmp0, $4  }
0xa3e: {  	[sflag:s11] =	ssyncadd.s32 $0xFFFF2000  }
0xa3f: {  	_ =	swait.ge [sflag:s13], $0xE000  }
0xa40: {  	[sflag:s13] =	ssyncset.done $0x0  }
0xa41: {  	s0 =	sadd.s32 $0xFFFFFFFF, s0;
	[sflag:s13] =	ssyncadd.s32 $0xFFFF2000  }
0xa42: {  	_ =	sfence.sel $0x180000  }
0xa43: {  	[bflag:$0x0] =	sbarrier.arrive $0xFFFF  }
0xa44: {  	_ =	strace $0x90000047  }
0xa45: {  	s0 =	stileid.u32;
	[bflag:$0x2] =	sbarrier.arrive $0xFFFF  }
0xa46: {  	p0 =	sne.s32 s0, $0x0;
	s0 =	rddreg [dreg:$0x2]  }
0xa47: {  	s0 =	sadd.s32 @!p0 $0x100000, s0  }
0xa48: {  	[sflag:s0] =	ssyncadd.tile.s32 @!p0 $0x1;
	_ =	shalt  }
.Lfunc_end2:
_tile_overlayer_lowered:
.L_overlay_start_2:
0xa49: {  	(tag) =	ssettag $0x2  }
0xa4a: {  	s0 =	rddreg [dreg:$0x0];
	s2 =	stileid.u32  }
0xa4b: {  	s1 =	rddreg [dreg:$0x1];
	p0 =	sne.s32 s2, $0x0  }
0xa4c: {  	s3 =	rddreg [dreg:$0x2];
	[bflag:$0x3] =	sbarrier.arrive $0xFFFF;
	s2 =	simm.s32 @!p0 $0x1C05  }
0xa4d: {  	[timem:s3], [sflag:s2] =	dma.local @!p0 [hbm:s0], s1  }
0xa4e: {  	s0 =	simm.s32 @!p0 $0x5  }
0xa4f: {  	_ =	swait.ge @!p0 [sflag:s0], s1  }
0xa50: {  	s1 =	ssub.s32 @!p0 $0x0, s1;
	[sflag:s0] =	ssyncset.done @!p0 $0x0  }
0xa51: {  	[sflag:s0] =	ssyncadd.s32 @!p0 s1  }
0xa52: {  	[bflag:$0x3] =	sbarrier.arrive $0xFFFF  }
0xa53: {  	_ =	shalt  }

</sc_bundles>
